<compile_context>
chip_gen: v7x
topology: tpu7x:2x2x1
jax: 0.10.2.dev20260603
libtpu: 0.0.44.dev20260713+nightly
codegen_flags: <defaults>
</compile_context>

<pallas_src>
import functools
import jax
import jax.numpy as jnp
import numpy as np
from jax import lax
from jax.experimental import pallas as pl
from jax.experimental.pallas import tpu as pltpu
from jax.experimental.pallas import tpu_sc as plsc

N = 10000
E = 320000
D_H = 64
NC = 2
NS = 16
NW = NC * NS
K = 128
NCHUNK = 80
EPT = NCHUNK * K
EPAD = NW * EPT
NPAD = 10240
RPT = NPAD // NS
SCRAP = NPAD - 1

_PERM = np.empty((D_H,), np.int64)
for _base in (0, 32):
    for _i in range(16):
        _PERM[_base + 2 * _i] = _base + _i
        _PERM[_base + 2 * _i + 1] = _base + 16 + _i


def _dot_t(a, w):
    return lax.dot_general(a, w, (((1,), (1,)), ((), ())),
                           preferred_element_type=jnp.float32)


def _tc_pre(x, wl, wr, b):
    def body(x_ref, wl_ref, wr_ref, b_ref, xl_ref, xr_ref):
        xv = x_ref[...]
        xl_ref[...] = _dot_t(xv, wl_ref[...]).astype(jnp.bfloat16)
        xr_ref[...] = _dot_t(xv, wr_ref[...]) + b_ref[...]
    return pl.pallas_call(
        body,
        out_shape=[jax.ShapeDtypeStruct((N, D_H), jnp.bfloat16),
                   jax.ShapeDtypeStruct((N, D_H), jnp.float32)],
    )(x, wl, wr, b.reshape(1, D_H))


def _tc_mid(sums, c0, c1, xr1, w2l, w2r, b2):
    def body(sums_ref, c0_ref, c1_ref, xr_ref, wl_ref, wr_ref, b_ref,
             hl_ref, hr_ref):
        inv = 1.0 / jnp.maximum(c0_ref[...] + c1_ref[...], 1.0)
        ssum = sums_ref[0, :N, :] + sums_ref[1, :N, :]
        h = jnp.maximum(ssum * inv + xr_ref[...], 0.0)
        hl_ref[...] = _dot_t(h, wl_ref[...]).astype(jnp.bfloat16)
        hr_ref[...] = _dot_t(h, wr_ref[...]) + b_ref[...]
    return pl.pallas_call(
        body,
        out_shape=[jax.ShapeDtypeStruct((N, D_H), jnp.bfloat16),
                   jax.ShapeDtypeStruct((N, D_H), jnp.float32)],
    )(sums, c0, c1, xr1, w2l, w2r, b2.reshape(1, D_H))


def _tc_out(sums, c0, c1, hr2):
    def body(sums_ref, c0_ref, c1_ref, hr_ref, o_ref):
        inv = 1.0 / jnp.maximum(c0_ref[...] + c1_ref[...], 1.0)
        ssum = sums_ref[0, :N, :] + sums_ref[1, :N, :]
        o_ref[...] = ssum * inv + hr_ref[...]
    return pl.pallas_call(
        body,
        out_shape=jax.ShapeDtypeStruct((N, D_H), jnp.float32),
    )(sums, c0, c1, hr2)


def _sc_agg(table, src, dst, with_cnt):
    mesh = plsc.VectorSubcoreMesh(core_axis_name="c", subcore_axis_name="s")
    out_type = [jax.ShapeDtypeStruct((NC, NPAD, D_H), jnp.float32)]
    scratch = [
        pltpu.VMEM((K,), jnp.int32),
        pltpu.VMEM((K,), jnp.int32),
        pltpu.VMEM((K,), jnp.int32),
        pltpu.VMEM((K,), jnp.int32),
        pltpu.VMEM((K, D_H // 2), jnp.int32),
        pltpu.VMEM((K, D_H // 2), jnp.int32),
        pltpu.VMEM((K, D_H), jnp.float32),
        pltpu.VMEM((K, D_H), jnp.float32),
        pltpu.VMEM((K,), jnp.int32),
        pltpu.VMEM((K,), jnp.int32),
        pltpu.VMEM((RPT, D_H), jnp.float32),
        pltpu.VMEM_SHARED((NPAD, D_H), jnp.float32),
        pltpu.SemaphoreType.DMA,
        pltpu.SemaphoreType.DMA,
        pltpu.SemaphoreType.DMA,
        pltpu.SemaphoreType.DMA,
        pltpu.SemaphoreType.DMA,
        pltpu.SemaphoreType.DMA,
    ]
    if with_cnt:
        out_type.append(
            jax.ShapeDtypeStruct((NC, NPAD // 16, 16), jnp.float32))
        scratch += [
            pltpu.VMEM((NPAD // 16, 16), jnp.float32),
            pltpu.VMEM((K,), jnp.int32),
            pltpu.VMEM_SHARED((NPAD // 16, 16), jnp.float32),
        ]

    def body_common(table_h, src_h, dst_h, out_h, src0, src1, dst0, dst1,
                    rows0, rows1, rowsf0, rowsf1, dsts0, dsts1, zbuf,
                    acc_sh, gsem0, gsem1, isem0, isem1, ssem0, ssem1,
                    cnt_h=None, cnt_v=None, midx=None, cacc_sh=None):
        c = lax.axis_index("c")
        s = lax.axis_index("s")
        wid = s * NC + c
        srcb = (src0, src1)
        dstb = (dst0, dst1)
        rows = (rows0, rows1)
        rowsf = (rowsf0, rowsf1)
        dsts = (dsts0, dsts1)
        gsems = (gsem0, gsem1)
        isems = (isem0, isem1)
        ssems = (ssem0, ssem1)

        def zf(i, _):
            for q in range(D_H // 16):
                zbuf[i, pl.ds(q * 16, 16)] = jnp.zeros((16,), jnp.float32)
            return 0
        lax.fori_loop(0, RPT, zf, 0)
        pltpu.sync_copy(zbuf, acc_sh.at[pl.ds(s * RPT, RPT)])
        CROWS = NPAD // 16
        CRPT = CROWS // NS
        if with_cnt:
            def cf(i, _):
                cnt_v[i] = jnp.zeros((16,), jnp.float32)
                return 0
            lax.fori_loop(0, CROWS, cf, 0)
            pltpu.sync_copy(cnt_v.at[pl.ds(s * CRPT, CRPT)],
                            cacc_sh.at[pl.ds(s * CRPT, CRPT)])
        plsc.subcore_barrier()

        def start_idx(j, b):
            base = wid * EPT + j * K
            pltpu.make_async_copy(
                src_h.at[pl.ds(base, K)], srcb[b], isems[b]).start()
            pltpu.make_async_copy(
                dst_h.at[pl.ds(base, K)], dstb[b], isems[b]).start()

        def wait_idx(b):
            pltpu.make_async_copy(
                src_h.at[pl.ds(0, K)], srcb[b], isems[b]).wait()
            pltpu.make_async_copy(
                dst_h.at[pl.ds(0, K)], dstb[b], isems[b]).wait()

        def start_gather(b):
            pltpu.make_async_copy(
                table_h.at[srcb[b]], rows[b], gsems[b]).start()

        def wait_gather(b):
            pltpu.make_async_copy(
                table_h.at[srcb[b]], rows[b], gsems[b]).wait()

        def snap_idx(b):
            for q in range(K // 16):
                d = dstb[b][pl.ds(q * 16, 16)]
                dsts[b][pl.ds(q * 16, 16)] = d
                if with_cnt:
                    plsc.addupdate_scatter(
                        cnt_v, [d >> 4, d & 15],
                        jnp.ones((16,), jnp.float32))

        def widen(b):
            def cvrow(i, _):
                for u in range(4):
                    r = 4 * i + u
                    for q in range(D_H // 32):
                        v = rows[b][r, pl.ds(q * 16, 16)]
                        lo = plsc.bitcast(v << 16, jnp.float32)
                        hi = plsc.bitcast(v & jnp.int32(-65536), jnp.float32)
                        rowsf[b][r, pl.ds(q * 32, 16)] = lo
                        rowsf[b][r, pl.ds(q * 32 + 16, 16)] = hi
                return 0
            lax.fori_loop(0, K // 4, cvrow, 0)

        def start_scatter(b):
            pltpu.async_copy(rowsf[b], acc_sh.at[dsts[b]], ssems[b],
                             add=True)

        def wait_scatter(b):
            pltpu.make_async_copy(
                rowsf[b], acc_sh.at[dsts[b]], ssems[b]).wait()

        def chunk_body(j, b, first):
            ob = 1 - b
            wait_idx(ob)
            start_gather(ob)
            wait_gather(b)
            if not first:
                wait_scatter(b)
            snap_idx(b)
            start_idx(j + 2, b)
            widen(b)
            start_scatter(b)

        start_idx(0, 0)
        wait_idx(0)
        start_gather(0)
        start_idx(1, 1)
        chunk_body(0, 0, True)
        chunk_body(1, 1, True)

        def pair(i, _):
            chunk_body(2 * i, 0, False)
            chunk_body(2 * i + 1, 1, False)
            return 0
        lax.fori_loop(1, NCHUNK // 2 - 1, pair, 0)
        wait_idx(1)
        start_gather(1)
        wait_gather(0)
        wait_scatter(0)
        snap_idx(0)
        widen(0)
        start_scatter(0)
        wait_gather(1)
        wait_scatter(1)
        snap_idx(1)
        widen(1)
        start_scatter(1)
        wait_scatter(0)
        wait_scatter(1)
        if with_cnt:
            iota = lax.broadcasted_iota(jnp.int32, (16,), 0)
            for m in range(CROWS // K):
                for q in range(K // 16):
                    midx[pl.ds(q * 16, 16)] = iota + (m * K + q * 16)
                pltpu.sync_copy(cnt_v.at[pl.ds(m * K, K)],
                                cacc_sh.at[midx], add=True)
        plsc.subcore_barrier()

        pltpu.sync_copy(acc_sh.at[pl.ds(s * RPT, RPT)], zbuf)
        pltpu.sync_copy(zbuf, out_h.at[c, pl.ds(s * RPT, RPT)])
        if with_cnt:
            pltpu.sync_copy(cacc_sh.at[pl.ds(s * CRPT, CRPT)],
                            cnt_v.at[pl.ds(s * CRPT, CRPT)])
            pltpu.sync_copy(cnt_v.at[pl.ds(s * CRPT, CRPT)],
                            cnt_h.at[c, pl.ds(s * CRPT, CRPT)])

    cparams = pltpu.CompilerParams(use_tc_tiling_on_sc=False,
                                   needs_layout_passes=False)
    if with_cnt:
        @functools.partial(pl.kernel, mesh=mesh, out_type=out_type,
                           scratch_types=scratch, compiler_params=cparams)
        def k(table_h, src_h, dst_h, out_h, cnt_h, src0, src1, dst0, dst1,
              rows0, rows1, rowsf0, rowsf1, dsts0, dsts1, zbuf, acc_sh,
              gsem0, gsem1, isem0, isem1, ssem0, ssem1, cnt_v, midx,
              cacc_sh):
            body_common(table_h, src_h, dst_h, out_h, src0, src1, dst0,
                        dst1, rows0, rows1, rowsf0, rowsf1, dsts0, dsts1,
                        zbuf, acc_sh, gsem0, gsem1, isem0, isem1, ssem0,
                        ssem1, cnt_h=cnt_h, cnt_v=cnt_v, midx=midx,
                        cacc_sh=cacc_sh)
    else:
        @functools.partial(pl.kernel, mesh=mesh, out_type=out_type,
                           scratch_types=scratch, compiler_params=cparams)
        def k(table_h, src_h, dst_h, out_h, src0, src1, dst0, dst1,
              rows0, rows1, rowsf0, rowsf1, dsts0, dsts1, zbuf, acc_sh,
              gsem0, gsem1, isem0, isem1, ssem0, ssem1):
            body_common(table_h, src_h, dst_h, out_h, src0, src1, dst0,
                        dst1, rows0, rows1, rowsf0, rowsf1, dsts0, dsts1,
                        zbuf, acc_sh, gsem0, gsem1, isem0, isem1, ssem0,
                        ssem1)

    return k(table, src, dst)


def kernel(x, edge_index, W1_l, b1_l, W1_r, W2_l, b2_l, W2_r):
    src = edge_index[0].astype(jnp.int32)
    dst = edge_index[1].astype(jnp.int32)
    npad_e = EPAD - E
    src = jnp.concatenate([src, jnp.zeros((npad_e,), jnp.int32)])
    dst = jnp.concatenate([dst, jnp.full((npad_e,), SCRAP, jnp.int32)])

    perm = jnp.asarray(_PERM)
    xl1, xr1 = _tc_pre(x, W1_l[perm, :], W1_r, b1_l)
    tbl1 = lax.bitcast_convert_type(xl1.reshape(N, D_H // 2, 2), jnp.int32)
    sum1, cnt1 = _sc_agg(tbl1, src, dst, with_cnt=True)
    cnt1 = cnt1.reshape(NC, NPAD)
    c0 = cnt1[0, :N].reshape(N, 1)
    c1 = cnt1[1, :N].reshape(N, 1)
    hl2, hr2 = _tc_mid(sum1, c0, c1, xr1, W2_l[perm, :], W2_r, b2_l)
    tbl2 = lax.bitcast_convert_type(hl2.reshape(N, D_H // 2, 2), jnp.int32)
    (sum2,) = _sc_agg(tbl2, src, dst, with_cnt=False)
    out = _tc_out(sum2, c0, c1, hr2)
    return out

# --- scband reference (transcript-rebuilt; emitter-appended) ---
"""Pipeline reference for scband-graph-sage-net-66614942761183 (READ-ONLY COPY).

The authoritative reference and input builder live on the scoring server;
editing this copy changes nothing except your own understanding.
"""

import jax, jax.numpy as jnp
import numpy as np

N_NODES = 10000
N_EDGES = 320000

def setup_inputs(seed: int = 0) -> dict:
    key = jax.random.key(seed)
    k = jax.random.split(key, 9)
    x = jax.random.normal(k[0], (N_NODES, 128), dtype=jnp.float32)
    edge_index = jax.random.randint(k[1], (2, N_EDGES), 0, N_NODES, dtype=jnp.int64)
    s1 = 1.0 / np.sqrt(128)
    s2 = 1.0 / np.sqrt(64)
    W1_l = jax.random.uniform(k[2], (64, 128), jnp.float32, -s1, s1)
    b1_l = jax.random.uniform(k[3], (64,), jnp.float32, -s1, s1)
    W1_r = jax.random.uniform(k[4], (64, 128), jnp.float32, -s1, s1)
    W2_l = jax.random.uniform(k[5], (64, 64), jnp.float32, -s2, s2)
    b2_l = jax.random.uniform(k[6], (64,), jnp.float32, -s2, s2)
    W2_r = jax.random.uniform(k[7], (64, 64), jnp.float32, -s2, s2)
    return {"x": x, "edge_index": edge_index, "W1_l": W1_l, "b1_l": b1_l, "W1_r": W1_r, "W2_l": W2_l, "b2_l": b2_l, "W2_r": W2_r}


def _sage_conv(x, edge_index, W_l, b_l, W_r):
    # PyG SAGEConv (aggr='mean'): out = lin_l(mean_{j in N(i)} x_j) + lin_r(x_i)
    src = edge_index[0]
    dst = edge_index[1]
    msgs = jnp.take(x, src, axis=0)                          # gather [E, d]
    summed = jax.ops.segment_sum(msgs, dst, num_segments=N_NODES)   # scatter-add
    cnt = jax.ops.segment_sum(jnp.ones((msgs.shape[0],), dtype=x.dtype), dst, num_segments=N_NODES)
    mean = summed / jnp.clip(cnt, 1.0, None)[:, None]
    return mean @ W_l.T + b_l + x @ W_r.T


def reference(x, edge_index, W1_l, b1_l, W1_r, W2_l, b2_l, W2_r):
    h = _sage_conv(x, edge_index, W1_l, b1_l, W1_r)
    h = jax.nn.relu(h)
    # dropout(p=0.3) is identity in eval mode (self.training == False)
    out = _sage_conv(h, edge_index, W2_l, b2_l, W2_r)
    return out

if __name__ == "__main__":
    import jax
    _d = setup_inputs()
    print(jax.jit(kernel)(*tuple(_d.values())))

</pallas_src>

<mosaic_0001>
#map = affine_map<(d0, d1) -> (0, 0)>
#map1 = affine_map<(d0, d1) -> (0)>
#map2 = affine_map<(d0, d1) -> (0, 0, 0)>
module attributes {stable_mosaic.version = 14 : i64} {
  func.func @k(%arg0: i32, %arg1: i32, %arg2: memref<10000x32xi32, #tpu.memory_space<hbm>>, %arg3: memref<327680xi32, #tpu.memory_space<hbm>>, %arg4: memref<327680xi32, #tpu.memory_space<hbm>>, %arg5: memref<2x10240x64xf32, #tpu.memory_space<hbm>>, %arg6: memref<128xi32, #tpu.memory_space<vmem>>, %arg7: memref<128xi32, #tpu.memory_space<vmem>>, %arg8: memref<128xi32, #tpu.memory_space<vmem>>, %arg9: memref<128xi32, #tpu.memory_space<vmem>>, %arg10: memref<128x32xi32, #tpu.memory_space<vmem>>, %arg11: memref<128x32xi32, #tpu.memory_space<vmem>>, %arg12: memref<128x64xf32, #tpu.memory_space<vmem>>, %arg13: memref<128x64xf32, #tpu.memory_space<vmem>>, %arg14: memref<128xi32, #tpu.memory_space<vmem>>, %arg15: memref<128xi32, #tpu.memory_space<vmem>>, %arg16: memref<640x64xf32, #tpu.memory_space<vmem>>, %arg17: memref<10240x64xf32, #tpu.memory_space<vmem_shared>>, %arg18: memref<!tpu.dma_semaphore, #tpu.memory_space<semaphore_mem>>, %arg19: memref<!tpu.dma_semaphore, #tpu.memory_space<semaphore_mem>>, %arg20: memref<!tpu.dma_semaphore, #tpu.memory_space<semaphore_mem>>, %arg21: memref<!tpu.dma_semaphore, #tpu.memory_space<semaphore_mem>>, %arg22: memref<!tpu.dma_semaphore, #tpu.memory_space<semaphore_mem>>, %arg23: memref<!tpu.dma_semaphore, #tpu.memory_space<semaphore_mem>>) attributes {dimension_semantics = [#tpu.dimension_semantics<core_parallel>, #tpu.dimension_semantics<subcore_parallel>], iteration_bounds = array<i64: 2, 16>, scalar_prefetch = 0 : i64, scratch_operands = 18 : i64, tpu.core_type = #tpu.core_type<sc_vector_subcore>, window_params = [{transform_indices = #map}, {transform_indices = #map1}, {transform_indices = #map1}, {transform_indices = #map2}]} {
    %mul3A = arith.constant 2 : i32
    %mul3A_0 = arith.muli %arg1, %mul3A : i32
    %add3A = arith.addi %mul3A_0, %arg0 : i32
    %scan3A = arith.constant 0 : i32
    %scan3A_1 = arith.constant 0 : i32
    %scan3A_2 = arith.constant 640 : i32
    %scan3A_3 = arith.addi %scan3A_1, %scan3A_2 : i32
    %scan3A_4 = arith.constant 1 : i32
    %scan3A_5 = scf.for %scan3A_285 = %scan3A_1 to %scan3A_3 step %scan3A_4 iter_args(%scan3A_286 = %scan3A) -> (i32)  : i32 {
      %broadcast_in_dim3A = arith.constant 0.000000e+00 : f32
      %broadcast_in_dim3A_287 = vector.broadcast %broadcast_in_dim3A : f32 to vector<16xf32>
      %swap3A_288 = arith.index_cast %scan3A_285 : i32 to index
      %swap3A_289 = arith.constant 0 : index
      %swap3A_290 = tpu.vector_load %arg16[%swap3A_288, %swap3A_289] {strides = array<i32>} : memref<640x64xf32, #tpu.memory_space<vmem>>, vector<16xf32>,
      tpu.vector_store %arg16[%swap3A_288, %swap3A_289], %broadcast_in_dim3A_287 {strides = array<i32>} : memref<640x64xf32, #tpu.memory_space<vmem>>, vector<16xf32>,
      %broadcast_in_dim3A_291 = arith.constant 0.000000e+00 : f32
      %broadcast_in_dim3A_292 = vector.broadcast %broadcast_in_dim3A_291 : f32 to vector<16xf32>
      %swap3A_293 = arith.index_cast %scan3A_285 : i32 to index
      %swap3A_294 = arith.constant 16 : index
      %swap3A_295 = tpu.vector_load %arg16[%swap3A_293, %swap3A_294] {strides = array<i32>} : memref<640x64xf32, #tpu.memory_space<vmem>>, vector<16xf32>,
      tpu.vector_store %arg16[%swap3A_293, %swap3A_294], %broadcast_in_dim3A_292 {strides = array<i32>} : memref<640x64xf32, #tpu.memory_space<vmem>>, vector<16xf32>,
      %broadcast_in_dim3A_296 = arith.constant 0.000000e+00 : f32
      %broadcast_in_dim3A_297 = vector.broadcast %broadcast_in_dim3A_296 : f32 to vector<16xf32>
      %swap3A_298 = arith.index_cast %scan3A_285 : i32 to index
      %swap3A_299 = arith.constant 32 : index
      %swap3A_300 = tpu.vector_load %arg16[%swap3A_298, %swap3A_299] {strides = array<i32>} : memref<640x64xf32, #tpu.memory_space<vmem>>, vector<16xf32>,
      tpu.vector_store %arg16[%swap3A_298, %swap3A_299], %broadcast_in_dim3A_297 {strides = array<i32>} : memref<640x64xf32, #tpu.memory_space<vmem>>, vector<16xf32>,
      %broadcast_in_dim3A_301 = arith.constant 0.000000e+00 : f32
      %broadcast_in_dim3A_302 = vector.broadcast %broadcast_in_dim3A_301 : f32 to vector<16xf32>
      %swap3A_303 = arith.index_cast %scan3A_285 : i32 to index
      %swap3A_304 = arith.constant 48 : index
      %swap3A_305 = tpu.vector_load %arg16[%swap3A_303, %swap3A_304] {strides = array<i32>} : memref<640x64xf32, #tpu.memory_space<vmem>>, vector<16xf32>,
      tpu.vector_store %arg16[%swap3A_303, %swap3A_304], %broadcast_in_dim3A_302 {strides = array<i32>} : memref<640x64xf32, #tpu.memory_space<vmem>>, vector<16xf32>,
      %scan3A_306 = arith.constant 0 : i32
      scf.yield %scan3A_306 : i32
    }
    %scan3A_6 = arith.constant 640 : i32
    %mul3A_7 = arith.constant 640 : i32
    %mul3A_8 = arith.muli %arg1, %mul3A_7 : i32
    "tpu.region"() ({
      %run_scoped3A = tpu.sem_alloc : memref<!tpu.dma_semaphore, #tpu.memory_space<semaphore_mem>>
      %dma_start3A_285 = arith.constant 0 : i32
      %dma_start3A_286 = tpu.memref_slice %arg17[%mul3A_8, %dma_start3A_285] : memref<10240x64xf32, #tpu.memory_space<vmem_shared>> -> memref<640x64xf32, #tpu.memory_space<vmem_shared>>
      %dma_start3A_287 = arith.constant 0 : i32
      %dma_start3A_288 = tpu.memref_slice %arg17[%mul3A_8, %dma_start3A_287] : memref<10240x64xf32, #tpu.memory_space<vmem_shared>> -> memref<640x64xf32, #tpu.memory_space<vmem_shared>>
      tpu.enqueue_dma source(%arg16 : memref<640x64xf32, #tpu.memory_space<vmem>>) target(%dma_start3A_288 : memref<640x64xf32, #tpu.memory_space<vmem_shared>>) target_semaphore(%run_scoped3A : memref<!tpu.dma_semaphore, #tpu.memory_space<semaphore_mem>>)
      %dma_wait3A_289 = arith.constant 0 : i32
      %dma_wait3A_290 = tpu.memref_slice %arg17[%mul3A_8, %dma_wait3A_289] : memref<10240x64xf32, #tpu.memory_space<vmem_shared>> -> memref<640x64xf32, #tpu.memory_space<vmem_shared>>
      %dma_wait3A_291 = arith.constant 0 : i32
      %dma_wait3A_292 = tpu.memref_slice %arg17[%mul3A_8, %dma_wait3A_291] : memref<10240x64xf32, #tpu.memory_space<vmem_shared>> -> memref<640x64xf32, #tpu.memory_space<vmem_shared>>
      tpu.wait_dma2 semaphore(%run_scoped3A : memref<!tpu.dma_semaphore, #tpu.memory_space<semaphore_mem>>) src(%arg16 : memref<640x64xf32, #tpu.memory_space<vmem>>) dst(%dma_wait3A_292 : memref<640x64xf32, #tpu.memory_space<vmem_shared>>)
      tpu.yield
    }) : () -> ()
    %barrier3A = arith.constant 0 : index
    tpu.barrier barrier_id(%barrier3A)
    %mul3A_9 = arith.constant 10240 : i32
    %mul3A_10 = arith.muli %add3A, %mul3A_9 : i32
    %add3A_11 = arith.constant 0 : i32
    %add3A_12 = arith.addi %mul3A_10, %add3A_11 : i32
    %dma_start3A = tpu.memref_slice %arg3[%add3A_12] : memref<327680xi32, #tpu.memory_space<hbm>> -> memref<128xi32, #tpu.memory_space<hbm>>
    %dma_start3A_13 = tpu.memref_slice %arg3[%add3A_12] : memref<327680xi32, #tpu.memory_space<hbm>> -> memref<128xi32, #tpu.memory_space<hbm>>
    tpu.enqueue_dma source(%dma_start3A_13 : memref<128xi32, #tpu.memory_space<hbm>>) target(%arg6 : memref<128xi32, #tpu.memory_space<vmem>>) target_semaphore(%arg20 : memref<!tpu.dma_semaphore, #tpu.memory_space<semaphore_mem>>)
    %dma_start3A_14 = tpu.memref_slice %arg4[%add3A_12] : memref<327680xi32, #tpu.memory_space<hbm>> -> memref<128xi32, #tpu.memory_space<hbm>>
    %dma_start3A_15 = tpu.memref_slice %arg4[%add3A_12] : memref<327680xi32, #tpu.memory_space<hbm>> -> memref<128xi32, #tpu.memory_space<hbm>>
    tpu.enqueue_dma source(%dma_start3A_15 : memref<128xi32, #tpu.memory_space<hbm>>) target(%arg8 : memref<128xi32, #tpu.memory_space<vmem>>) target_semaphore(%arg20 : memref<!tpu.dma_semaphore, #tpu.memory_space<semaphore_mem>>)
    %dma_wait3A = arith.constant 0 : i32
    %dma_wait3A_16 = tpu.memref_slice %arg3[%dma_wait3A] : memref<327680xi32, #tpu.memory_space<hbm>> -> memref<128xi32, #tpu.memory_space<hbm>>
    %dma_wait3A_17 = arith.constant 0 : i32
    %dma_wait3A_18 = tpu.memref_slice %arg3[%dma_wait3A_17] : memref<327680xi32, #tpu.memory_space<hbm>> -> memref<128xi32, #tpu.memory_space<hbm>>
    tpu.wait_dma2 semaphore(%arg20 : memref<!tpu.dma_semaphore, #tpu.memory_space<semaphore_mem>>) src(%dma_wait3A_18 : memref<128xi32, #tpu.memory_space<hbm>>) dst(%arg6 : memref<128xi32, #tpu.memory_space<vmem>>)
    %dma_wait3A_19 = arith.constant 0 : i32
    %dma_wait3A_20 = tpu.memref_slice %arg4[%dma_wait3A_19] : memref<327680xi32, #tpu.memory_space<hbm>> -> memref<128xi32, #tpu.memory_space<hbm>>
    %dma_wait3A_21 = arith.constant 0 : i32
    %dma_wait3A_22 = tpu.memref_slice %arg4[%dma_wait3A_21] : memref<327680xi32, #tpu.memory_space<hbm>> -> memref<128xi32, #tpu.memory_space<hbm>>
    tpu.wait_dma2 semaphore(%arg20 : memref<!tpu.dma_semaphore, #tpu.memory_space<semaphore_mem>>) src(%dma_wait3A_22 : memref<128xi32, #tpu.memory_space<hbm>>) dst(%arg8 : memref<128xi32, #tpu.memory_space<vmem>>)
    %dma_start3A_23 = arith.constant 0 : i32
    %dma_start3A_24 = arith.constant 0 : i32
    %dma_start3A_25 = tpu.memref_slice %arg2[%dma_start3A_23, %dma_start3A_24] : memref<10000x32xi32, #tpu.memory_space<hbm>> -> memref<10000x32xi32, #tpu.memory_space<hbm>>
    tpu.enqueue_indirect_dma source(%dma_start3A_25 : memref<10000x32xi32, #tpu.memory_space<hbm>>) target(%arg10 : memref<128x32xi32, #tpu.memory_space<vmem>>) offsets(%arg6 : memref<128xi32, #tpu.memory_space<vmem>>) semaphore(%arg18 : memref<!tpu.dma_semaphore, #tpu.memory_space<semaphore_mem>>)
    %mul3A_26 = arith.constant 10240 : i32
    %mul3A_27 = arith.muli %add3A, %mul3A_26 : i32
    %add3A_28 = arith.constant 128 : i32
    %add3A_29 = arith.addi %mul3A_27, %add3A_28 : i32
    %dma_start3A_30 = tpu.memref_slice %arg3[%add3A_29] : memref<327680xi32, #tpu.memory_space<hbm>> -> memref<128xi32, #tpu.memory_space<hbm>>
    %dma_start3A_31 = tpu.memref_slice %arg3[%add3A_29] : memref<327680xi32, #tpu.memory_space<hbm>> -> memref<128xi32, #tpu.memory_space<hbm>>
    tpu.enqueue_dma source(%dma_start3A_31 : memref<128xi32, #tpu.memory_space<hbm>>) target(%arg7 : memref<128xi32, #tpu.memory_space<vmem>>) target_semaphore(%arg21 : memref<!tpu.dma_semaphore, #tpu.memory_space<semaphore_mem>>)
    %dma_start3A_32 = tpu.memref_slice %arg4[%add3A_29] : memref<327680xi32, #tpu.memory_space<hbm>> -> memref<128xi32, #tpu.memory_space<hbm>>
    %dma_start3A_33 = tpu.memref_slice %arg4[%add3A_29] : memref<327680xi32, #tpu.memory_space<hbm>> -> memref<128xi32, #tpu.memory_space<hbm>>
    tpu.enqueue_dma source(%dma_start3A_33 : memref<128xi32, #tpu.memory_space<hbm>>) target(%arg9 : memref<128xi32, #tpu.memory_space<vmem>>) target_semaphore(%arg21 : memref<!tpu.dma_semaphore, #tpu.memory_space<semaphore_mem>>)
    %dma_wait3A_34 = arith.constant 0 : i32
    %dma_wait3A_35 = tpu.memref_slice %arg3[%dma_wait3A_34] : memref<327680xi32, #tpu.memory_space<hbm>> -> memref<128xi32, #tpu.memory_space<hbm>>
    %dma_wait3A_36 = arith.constant 0 : i32
    %dma_wait3A_37 = tpu.memref_slice %arg3[%dma_wait3A_36] : memref<327680xi32, #tpu.memory_space<hbm>> -> memref<128xi32, #tpu.memory_space<hbm>>
    tpu.wait_dma2 semaphore(%arg21 : memref<!tpu.dma_semaphore, #tpu.memory_space<semaphore_mem>>) src(%dma_wait3A_37 : memref<128xi32, #tpu.memory_space<hbm>>) dst(%arg7 : memref<128xi32, #tpu.memory_space<vmem>>)
    %dma_wait3A_38 = arith.constant 0 : i32
    %dma_wait3A_39 = tpu.memref_slice %arg4[%dma_wait3A_38] : memref<327680xi32, #tpu.memory_space<hbm>> -> memref<128xi32, #tpu.memory_space<hbm>>
    %dma_wait3A_40 = arith.constant 0 : i32
    %dma_wait3A_41 = tpu.memref_slice %arg4[%dma_wait3A_40] : memref<327680xi32, #tpu.memory_space<hbm>> -> memref<128xi32, #tpu.memory_space<hbm>>
    tpu.wait_dma2 semaphore(%arg21 : memref<!tpu.dma_semaphore, #tpu.memory_space<semaphore_mem>>) src(%dma_wait3A_41 : memref<128xi32, #tpu.memory_space<hbm>>) dst(%arg9 : memref<128xi32, #tpu.memory_space<vmem>>)
    %dma_start3A_42 = arith.constant 0 : i32
    %dma_start3A_43 = arith.constant 0 : i32
    %dma_start3A_44 = tpu.memref_slice %arg2[%dma_start3A_42, %dma_start3A_43] : memref<10000x32xi32, #tpu.memory_space<hbm>> -> memref<10000x32xi32, #tpu.memory_space<hbm>>
    tpu.enqueue_indirect_dma source(%dma_start3A_44 : memref<10000x32xi32, #tpu.memory_space<hbm>>) target(%arg11 : memref<128x32xi32, #tpu.memory_space<vmem>>) offsets(%arg7 : memref<128xi32, #tpu.memory_space<vmem>>) semaphore(%arg19 : memref<!tpu.dma_semaphore, #tpu.memory_space<semaphore_mem>>)
    %dma_wait3A_45 = arith.constant 0 : i32
    %dma_wait3A_46 = arith.constant 0 : i32
    %dma_wait3A_47 = tpu.memref_slice %arg2[%dma_wait3A_45, %dma_wait3A_46] : memref<10000x32xi32, #tpu.memory_space<hbm>> -> memref<10000x32xi32, #tpu.memory_space<hbm>>
    tpu.wait_indirect_dma semaphore(%arg18 : memref<!tpu.dma_semaphore, #tpu.memory_space<semaphore_mem>>) src(%dma_wait3A_47 : memref<10000x32xi32, #tpu.memory_space<hbm>>) dst(%arg10 : memref<128x32xi32, #tpu.memory_space<vmem>>)
    %get3A = arith.constant 0 : index
    %get3A_48 = tpu.vector_load %arg8[%get3A] {strides = array<i32>} : memref<128xi32, #tpu.memory_space<vmem>>, vector<16xi32>,
    %swap3A = arith.constant 0 : index
    %swap3A_49 = tpu.vector_load %arg14[%swap3A] {strides = array<i32>} : memref<128xi32, #tpu.memory_space<vmem>>, vector<16xi32>,
    tpu.vector_store %arg14[%swap3A], %get3A_48 {strides = array<i32>} : memref<128xi32, #tpu.memory_space<vmem>>, vector<16xi32>,
    %get3A_50 = arith.constant 16 : index
    %get3A_51 = tpu.vector_load %arg8[%get3A_50] {strides = array<i32>} : memref<128xi32, #tpu.memory_space<vmem>>, vector<16xi32>,
    %swap3A_52 = arith.constant 16 : index
    %swap3A_53 = tpu.vector_load %arg14[%swap3A_52] {strides = array<i32>} : memref<128xi32, #tpu.memory_space<vmem>>, vector<16xi32>,
    tpu.vector_store %arg14[%swap3A_52], %get3A_51 {strides = array<i32>} : memref<128xi32, #tpu.memory_space<vmem>>, vector<16xi32>,
    %get3A_54 = arith.constant 32 : index
    %get3A_55 = tpu.vector_load %arg8[%get3A_54] {strides = array<i32>} : memref<128xi32, #tpu.memory_space<vmem>>, vector<16xi32>,
    %swap3A_56 = arith.constant 32 : index
    %swap3A_57 = tpu.vector_load %arg14[%swap3A_56] {strides = array<i32>} : memref<128xi32, #tpu.memory_space<vmem>>, vector<16xi32>,
    tpu.vector_store %arg14[%swap3A_56], %get3A_55 {strides = array<i32>} : memref<128xi32, #tpu.memory_space<vmem>>, vector<16xi32>,
    %get3A_58 = arith.constant 48 : index
    %get3A_59 = tpu.vector_load %arg8[%get3A_58] {strides = array<i32>} : memref<128xi32, #tpu.memory_space<vmem>>, vector<16xi32>,
    %swap3A_60 = arith.constant 48 : index
    %swap3A_61 = tpu.vector_load %arg14[%swap3A_60] {strides = array<i32>} : memref<128xi32, #tpu.memory_space<vmem>>, vector<16xi32>,
    tpu.vector_store %arg14[%swap3A_60], %get3A_59 {strides = array<i32>} : memref<128xi32, #tpu.memory_space<vmem>>, vector<16xi32>,
    %get3A_62 = arith.constant 64 : index
    %get3A_63 = tpu.vector_load %arg8[%get3A_62] {strides = array<i32>} : memref<128xi32, #tpu.memory_space<vmem>>, vector<16xi32>,
    %swap3A_64 = arith.constant 64 : index
    %swap3A_65 = tpu.vector_load %arg14[%swap3A_64] {strides = array<i32>} : memref<128xi32, #tpu.memory_space<vmem>>, vector<16xi32>,
    tpu.vector_store %arg14[%swap3A_64], %get3A_63 {strides = array<i32>} : memref<128xi32, #tpu.memory_space<vmem>>, vector<16xi32>,
    %get3A_66 = arith.constant 80 : index
    %get3A_67 = tpu.vector_load %arg8[%get3A_66] {strides = array<i32>} : memref<128xi32, #tpu.memory_space<vmem>>, vector<16xi32>,
    %swap3A_68 = arith.constant 80 : index
    %swap3A_69 = tpu.vector_load %arg14[%swap3A_68] {strides = array<i32>} : memref<128xi32, #tpu.memory_space<vmem>>, vector<16xi32>,
    tpu.vector_store %arg14[%swap3A_68], %get3A_67 {strides = array<i32>} : memref<128xi32, #tpu.memory_space<vmem>>, vector<16xi32>,
    %get3A_70 = arith.constant 96 : index
    %get3A_71 = tpu.vector_load %arg8[%get3A_70] {strides = array<i32>} : memref<128xi32, #tpu.memory_space<vmem>>, vector<16xi32>,
    %swap3A_72 = arith.constant 96 : index
    %swap3A_73 = tpu.vector_load %arg14[%swap3A_72] {strides = array<i32>} : memref<128xi32, #tpu.memory_space<vmem>>, vector<16xi32>,
    tpu.vector_store %arg14[%swap3A_72], %get3A_71 {strides = array<i32>} : memref<128xi32, #tpu.memory_space<vmem>>, vector<16xi32>,
    %get3A_74 = arith.constant 112 : index
    %get3A_75 = tpu.vector_load %arg8[%get3A_74] {strides = array<i32>} : memref<128xi32, #tpu.memory_space<vmem>>, vector<16xi32>,
    %swap3A_76 = arith.constant 112 : index
    %swap3A_77 = tpu.vector_load %arg14[%swap3A_76] {strides = array<i32>} : memref<128xi32, #tpu.memory_space<vmem>>, vector<16xi32>,
    tpu.vector_store %arg14[%swap3A_76], %get3A_75 {strides = array<i32>} : memref<128xi32, #tpu.memory_space<vmem>>, vector<16xi32>,
    %mul3A_78 = arith.constant 10240 : i32
    %mul3A_79 = arith.muli %add3A, %mul3A_78 : i32
    %add3A_80 = arith.constant 256 : i32
    %add3A_81 = arith.addi %mul3A_79, %add3A_80 : i32
    %dma_start3A_82 = tpu.memref_slice %arg3[%add3A_81] : memref<327680xi32, #tpu.memory_space<hbm>> -> memref<128xi32, #tpu.memory_space<hbm>>
    %dma_start3A_83 = tpu.memref_slice %arg3[%add3A_81] : memref<327680xi32, #tpu.memory_space<hbm>> -> memref<128xi32, #tpu.memory_space<hbm>>
    tpu.enqueue_dma source(%dma_start3A_83 : memref<128xi32, #tpu.memory_space<hbm>>) target(%arg6 : memref<128xi32, #tpu.memory_space<vmem>>) target_semaphore(%arg20 : memref<!tpu.dma_semaphore, #tpu.memory_space<semaphore_mem>>)
    %dma_start3A_84 = tpu.memref_slice %arg4[%add3A_81] : memref<327680xi32, #tpu.memory_space<hbm>> -> memref<128xi32, #tpu.memory_space<hbm>>
    %dma_start3A_85 = tpu.memref_slice %arg4[%add3A_81] : memref<327680xi32, #tpu.memory_space<hbm>> -> memref<128xi32, #tpu.memory_space<hbm>>
    tpu.enqueue_dma source(%dma_start3A_85 : memref<128xi32, #tpu.memory_space<hbm>>) target(%arg8 : memref<128xi32, #tpu.memory_space<vmem>>) target_semaphore(%arg20 : memref<!tpu.dma_semaphore, #tpu.memory_space<semaphore_mem>>)
    %scan3A_86 = arith.constant 0 : i32
    %scan3A_87 = arith.constant 0 : i32
    %scan3A_88 = arith.constant 32 : i32
    %scan3A_89 = arith.addi %scan3A_87, %scan3A_88 : i32
    %scan3A_90 = arith.constant 1 : i32
    %scan3A_91 = scf.for %scan3A_285 = %scan3A_87 to %scan3A_89 step %scan3A_90 iter_args(%scan3A_286 = %scan3A_86) -> (i32)  : i32 {
      %mul3A_287 = arith.constant 4 : i32
      %mul3A_288 = arith.muli %mul3A_287, %scan3A_285 : i32
      %add3A_289 = arith.constant 0 : i32
      %add3A_290 = arith.addi %mul3A_288, %add3A_289 : i32
      %get3A_291 = arith.index_cast %add3A_290 : i32 to index
      %get3A_292 = arith.constant 0 : index
      %get3A_293 = tpu.vector_load %arg10[%get3A_291, %get3A_292] {strides = array<i32>} : memref<128x32xi32, #tpu.memory_space<vmem>>, vector<16xi32>,
      %shift_left3A = arith.constant 16 : i32
      %shift_left3A_294 = vector.broadcast %shift_left3A : i32 to vector<16xi32>
      %shift_left3A_295 = arith.shli %get3A_293, %shift_left3A_294 : vector<16xi32>
      %bitcast3A = vector.bitcast %shift_left3A_295 : vector<16xi32> to vector<16xf32>
      %and3A = arith.constant -65536 : i32
      %and3A_296 = vector.broadcast %and3A : i32 to vector<16xi32>
      %and3A_297 = arith.andi %get3A_293, %and3A_296 : vector<16xi32>
      %bitcast3A_298 = vector.bitcast %and3A_297 : vector<16xi32> to vector<16xf32>
      %swap3A_299 = arith.index_cast %add3A_290 : i32 to index
      %swap3A_300 = arith.constant 0 : index
      %swap3A_301 = tpu.vector_load %arg12[%swap3A_299, %swap3A_300] {strides = array<i32>} : memref<128x64xf32, #tpu.memory_space<vmem>>, vector<16xf32>,
      tpu.vector_store %arg12[%swap3A_299, %swap3A_300], %bitcast3A {strides = array<i32>} : memref<128x64xf32, #tpu.memory_space<vmem>>, vector<16xf32>,
      %swap3A_302 = arith.index_cast %add3A_290 : i32 to index
      %swap3A_303 = arith.constant 16 : index
      %swap3A_304 = tpu.vector_load %arg12[%swap3A_302, %swap3A_303] {strides = array<i32>} : memref<128x64xf32, #tpu.memory_space<vmem>>, vector<16xf32>,
      tpu.vector_store %arg12[%swap3A_302, %swap3A_303], %bitcast3A_298 {strides = array<i32>} : memref<128x64xf32, #tpu.memory_space<vmem>>, vector<16xf32>,
      %get3A_305 = arith.index_cast %add3A_290 : i32 to index
      %get3A_306 = arith.constant 16 : index
      %get3A_307 = tpu.vector_load %arg10[%get3A_305, %get3A_306] {strides = array<i32>} : memref<128x32xi32, #tpu.memory_space<vmem>>, vector<16xi32>,
      %shift_left3A_308 = arith.constant 16 : i32
      %shift_left3A_309 = vector.broadcast %shift_left3A_308 : i32 to vector<16xi32>
      %shift_left3A_310 = arith.shli %get3A_307, %shift_left3A_309 : vector<16xi32>
      %bitcast3A_311 = vector.bitcast %shift_left3A_310 : vector<16xi32> to vector<16xf32>
      %and3A_312 = arith.constant -65536 : i32
      %and3A_313 = vector.broadcast %and3A_312 : i32 to vector<16xi32>
      %and3A_314 = arith.andi %get3A_307, %and3A_313 : vector<16xi32>
      %bitcast3A_315 = vector.bitcast %and3A_314 : vector<16xi32> to vector<16xf32>
      %swap3A_316 = arith.index_cast %add3A_290 : i32 to index
      %swap3A_317 = arith.constant 32 : index
      %swap3A_318 = tpu.vector_load %arg12[%swap3A_316, %swap3A_317] {strides = array<i32>} : memref<128x64xf32, #tpu.memory_space<vmem>>, vector<16xf32>,
      tpu.vector_store %arg12[%swap3A_316, %swap3A_317], %bitcast3A_311 {strides = array<i32>} : memref<128x64xf32, #tpu.memory_space<vmem>>, vector<16xf32>,
      %swap3A_319 = arith.index_cast %add3A_290 : i32 to index
      %swap3A_320 = arith.constant 48 : index
      %swap3A_321 = tpu.vector_load %arg12[%swap3A_319, %swap3A_320] {strides = array<i32>} : memref<128x64xf32, #tpu.memory_space<vmem>>, vector<16xf32>,
      tpu.vector_store %arg12[%swap3A_319, %swap3A_320], %bitcast3A_315 {strides = array<i32>} : memref<128x64xf32, #tpu.memory_space<vmem>>, vector<16xf32>,
      %mul3A_322 = arith.constant 4 : i32
      %mul3A_323 = arith.muli %mul3A_322, %scan3A_285 : i32
      %add3A_324 = arith.constant 1 : i32
      %add3A_325 = arith.addi %mul3A_323, %add3A_324 : i32
      %get3A_326 = arith.index_cast %add3A_325 : i32 to index
      %get3A_327 = arith.constant 0 : index
      %get3A_328 = tpu.vector_load %arg10[%get3A_326, %get3A_327] {strides = array<i32>} : memref<128x32xi32, #tpu.memory_space<vmem>>, vector<16xi32>,
      %shift_left3A_329 = arith.constant 16 : i32
      %shift_left3A_330 = vector.broadcast %shift_left3A_329 : i32 to vector<16xi32>
      %shift_left3A_331 = arith.shli %get3A_328, %shift_left3A_330 : vector<16xi32>
      %bitcast3A_332 = vector.bitcast %shift_left3A_331 : vector<16xi32> to vector<16xf32>
      %and3A_333 = arith.constant -65536 : i32
      %and3A_334 = vector.broadcast %and3A_333 : i32 to vector<16xi32>
      %and3A_335 = arith.andi %get3A_328, %and3A_334 : vector<16xi32>
      %bitcast3A_336 = vector.bitcast %and3A_335 : vector<16xi32> to vector<16xf32>
      %swap3A_337 = arith.index_cast %add3A_325 : i32 to index
      %swap3A_338 = arith.constant 0 : index
      %swap3A_339 = tpu.vector_load %arg12[%swap3A_337, %swap3A_338] {strides = array<i32>} : memref<128x64xf32, #tpu.memory_space<vmem>>, vector<16xf32>,
      tpu.vector_store %arg12[%swap3A_337, %swap3A_338], %bitcast3A_332 {strides = array<i32>} : memref<128x64xf32, #tpu.memory_space<vmem>>, vector<16xf32>,
      %swap3A_340 = arith.index_cast %add3A_325 : i32 to index
      %swap3A_341 = arith.constant 16 : index
      %swap3A_342 = tpu.vector_load %arg12[%swap3A_340, %swap3A_341] {strides = array<i32>} : memref<128x64xf32, #tpu.memory_space<vmem>>, vector<16xf32>,
      tpu.vector_store %arg12[%swap3A_340, %swap3A_341], %bitcast3A_336 {strides = array<i32>} : memref<128x64xf32, #tpu.memory_space<vmem>>, vector<16xf32>,
      %get3A_343 = arith.index_cast %add3A_325 : i32 to index
      %get3A_344 = arith.constant 16 : index
      %get3A_345 = tpu.vector_load %arg10[%get3A_343, %get3A_344] {strides = array<i32>} : memref<128x32xi32, #tpu.memory_space<vmem>>, vector<16xi32>,
      %shift_left3A_346 = arith.constant 16 : i32
      %shift_left3A_347 = vector.broadcast %shift_left3A_346 : i32 to vector<16xi32>
      %shift_left3A_348 = arith.shli %get3A_345, %shift_left3A_347 : vector<16xi32>
      %bitcast3A_349 = vector.bitcast %shift_left3A_348 : vector<16xi32> to vector<16xf32>
      %and3A_350 = arith.constant -65536 : i32
      %and3A_351 = vector.broadcast %and3A_350 : i32 to vector<16xi32>
      %and3A_352 = arith.andi %get3A_345, %and3A_351 : vector<16xi32>
      %bitcast3A_353 = vector.bitcast %and3A_352 : vector<16xi32> to vector<16xf32>
      %swap3A_354 = arith.index_cast %add3A_325 : i32 to index
      %swap3A_355 = arith.constant 32 : index
      %swap3A_356 = tpu.vector_load %arg12[%swap3A_354, %swap3A_355] {strides = array<i32>} : memref<128x64xf32, #tpu.memory_space<vmem>>, vector<16xf32>,
      tpu.vector_store %arg12[%swap3A_354, %swap3A_355], %bitcast3A_349 {strides = array<i32>} : memref<128x64xf32, #tpu.memory_space<vmem>>, vector<16xf32>,
      %swap3A_357 = arith.index_cast %add3A_325 : i32 to index
      %swap3A_358 = arith.constant 48 : index
      %swap3A_359 = tpu.vector_load %arg12[%swap3A_357, %swap3A_358] {strides = array<i32>} : memref<128x64xf32, #tpu.memory_space<vmem>>, vector<16xf32>,
      tpu.vector_store %arg12[%swap3A_357, %swap3A_358], %bitcast3A_353 {strides = array<i32>} : memref<128x64xf32, #tpu.memory_space<vmem>>, vector<16xf32>,
      %mul3A_360 = arith.constant 4 : i32
      %mul3A_361 = arith.muli %mul3A_360, %scan3A_285 : i32
      %add3A_362 = arith.constant 2 : i32
      %add3A_363 = arith.addi %mul3A_361, %add3A_362 : i32
      %get3A_364 = arith.index_cast %add3A_363 : i32 to index
      %get3A_365 = arith.constant 0 : index
      %get3A_366 = tpu.vector_load %arg10[%get3A_364, %get3A_365] {strides = array<i32>} : memref<128x32xi32, #tpu.memory_space<vmem>>, vector<16xi32>,
      %shift_left3A_367 = arith.constant 16 : i32
      %shift_left3A_368 = vector.broadcast %shift_left3A_367 : i32 to vector<16xi32>
      %shift_left3A_369 = arith.shli %get3A_366, %shift_left3A_368 : vector<16xi32>
      %bitcast3A_370 = vector.bitcast %shift_left3A_369 : vector<16xi32> to vector<16xf32>
      %and3A_371 = arith.constant -65536 : i32
      %and3A_372 = vector.broadcast %and3A_371 : i32 to vector<16xi32>
      %and3A_373 = arith.andi %get3A_366, %and3A_372 : vector<16xi32>
      %bitcast3A_374 = vector.bitcast %and3A_373 : vector<16xi32> to vector<16xf32>
      %swap3A_375 = arith.index_cast %add3A_363 : i32 to index
      %swap3A_376 = arith.constant 0 : index
      %swap3A_377 = tpu.vector_load %arg12[%swap3A_375, %swap3A_376] {strides = array<i32>} : memref<128x64xf32, #tpu.memory_space<vmem>>, vector<16xf32>,
      tpu.vector_store %arg12[%swap3A_375, %swap3A_376], %bitcast3A_370 {strides = array<i32>} : memref<128x64xf32, #tpu.memory_space<vmem>>, vector<16xf32>,
      %swap3A_378 = arith.index_cast %add3A_363 : i32 to index
      %swap3A_379 = arith.constant 16 : index
      %swap3A_380 = tpu.vector_load %arg12[%swap3A_378, %swap3A_379] {strides = array<i32>} : memref<128x64xf32, #tpu.memory_space<vmem>>, vector<16xf32>,
      tpu.vector_store %arg12[%swap3A_378, %swap3A_379], %bitcast3A_374 {strides = array<i32>} : memref<128x64xf32, #tpu.memory_space<vmem>>, vector<16xf32>,
      %get3A_381 = arith.index_cast %add3A_363 : i32 to index
      %get3A_382 = arith.constant 16 : index
      %get3A_383 = tpu.vector_load %arg10[%get3A_381, %get3A_382] {strides = array<i32>} : memref<128x32xi32, #tpu.memory_space<vmem>>, vector<16xi32>,
      %shift_left3A_384 = arith.constant 16 : i32
      %shift_left3A_385 = vector.broadcast %shift_left3A_384 : i32 to vector<16xi32>
      %shift_left3A_386 = arith.shli %get3A_383, %shift_left3A_385 : vector<16xi32>
      %bitcast3A_387 = vector.bitcast %shift_left3A_386 : vector<16xi32> to vector<16xf32>
      %and3A_388 = arith.constant -65536 : i32
      %and3A_389 = vector.broadcast %and3A_388 : i32 to vector<16xi32>
      %and3A_390 = arith.andi %get3A_383, %and3A_389 : vector<16xi32>
      %bitcast3A_391 = vector.bitcast %and3A_390 : vector<16xi32> to vector<16xf32>
      %swap3A_392 = arith.index_cast %add3A_363 : i32 to index
      %swap3A_393 = arith.constant 32 : index
      %swap3A_394 = tpu.vector_load %arg12[%swap3A_392, %swap3A_393] {strides = array<i32>} : memref<128x64xf32, #tpu.memory_space<vmem>>, vector<16xf32>,
      tpu.vector_store %arg12[%swap3A_392, %swap3A_393], %bitcast3A_387 {strides = array<i32>} : memref<128x64xf32, #tpu.memory_space<vmem>>, vector<16xf32>,
      %swap3A_395 = arith.index_cast %add3A_363 : i32 to index
      %swap3A_396 = arith.constant 48 : index
      %swap3A_397 = tpu.vector_load %arg12[%swap3A_395, %swap3A_396] {strides = array<i32>} : memref<128x64xf32, #tpu.memory_space<vmem>>, vector<16xf32>,
      tpu.vector_store %arg12[%swap3A_395, %swap3A_396], %bitcast3A_391 {strides = array<i32>} : memref<128x64xf32, #tpu.memory_space<vmem>>, vector<16xf32>,
      %mul3A_398 = arith.constant 4 : i32
      %mul3A_399 = arith.muli %mul3A_398, %scan3A_285 : i32
      %add3A_400 = arith.constant 3 : i32
      %add3A_401 = arith.addi %mul3A_399, %add3A_400 : i32
      %get3A_402 = arith.index_cast %add3A_401 : i32 to index
      %get3A_403 = arith.constant 0 : index
      %get3A_404 = tpu.vector_load %arg10[%get3A_402, %get3A_403] {strides = array<i32>} : memref<128x32xi32, #tpu.memory_space<vmem>>, vector<16xi32>,
      %shift_left3A_405 = arith.constant 16 : i32
      %shift_left3A_406 = vector.broadcast %shift_left3A_405 : i32 to vector<16xi32>
      %shift_left3A_407 = arith.shli %get3A_404, %shift_left3A_406 : vector<16xi32>
      %bitcast3A_408 = vector.bitcast %shift_left3A_407 : vector<16xi32> to vector<16xf32>
      %and3A_409 = arith.constant -65536 : i32
      %and3A_410 = vector.broadcast %and3A_409 : i32 to vector<16xi32>
      %and3A_411 = arith.andi %get3A_404, %and3A_410 : vector<16xi32>
      %bitcast3A_412 = vector.bitcast %and3A_411 : vector<16xi32> to vector<16xf32>
      %swap3A_413 = arith.index_cast %add3A_401 : i32 to index
      %swap3A_414 = arith.constant 0 : index
      %swap3A_415 = tpu.vector_load %arg12[%swap3A_413, %swap3A_414] {strides = array<i32>} : memref<128x64xf32, #tpu.memory_space<vmem>>, vector<16xf32>,
      tpu.vector_store %arg12[%swap3A_413, %swap3A_414], %bitcast3A_408 {strides = array<i32>} : memref<128x64xf32, #tpu.memory_space<vmem>>, vector<16xf32>,
      %swap3A_416 = arith.index_cast %add3A_401 : i32 to index
      %swap3A_417 = arith.constant 16 : index
      %swap3A_418 = tpu.vector_load %arg12[%swap3A_416, %swap3A_417] {strides = array<i32>} : memref<128x64xf32, #tpu.memory_space<vmem>>, vector<16xf32>,
      tpu.vector_store %arg12[%swap3A_416, %swap3A_417], %bitcast3A_412 {strides = array<i32>} : memref<128x64xf32, #tpu.memory_space<vmem>>, vector<16xf32>,
      %get3A_419 = arith.index_cast %add3A_401 : i32 to index
      %get3A_420 = arith.constant 16 : index
      %get3A_421 = tpu.vector_load %arg10[%get3A_419, %get3A_420] {strides = array<i32>} : memref<128x32xi32, #tpu.memory_space<vmem>>, vector<16xi32>,
      %shift_left3A_422 = arith.constant 16 : i32
      %shift_left3A_423 = vector.broadcast %shift_left3A_422 : i32 to vector<16xi32>
      %shift_left3A_424 = arith.shli %get3A_421, %shift_left3A_423 : vector<16xi32>
      %bitcast3A_425 = vector.bitcast %shift_left3A_424 : vector<16xi32> to vector<16xf32>
      %and3A_426 = arith.constant -65536 : i32
      %and3A_427 = vector.broadcast %and3A_426 : i32 to vector<16xi32>
      %and3A_428 = arith.andi %get3A_421, %and3A_427 : vector<16xi32>
      %bitcast3A_429 = vector.bitcast %and3A_428 : vector<16xi32> to vector<16xf32>
      %swap3A_430 = arith.index_cast %add3A_401 : i32 to index
      %swap3A_431 = arith.constant 32 : index
      %swap3A_432 = tpu.vector_load %arg12[%swap3A_430, %swap3A_431] {strides = array<i32>} : memref<128x64xf32, #tpu.memory_space<vmem>>, vector<16xf32>,
      tpu.vector_store %arg12[%swap3A_430, %swap3A_431], %bitcast3A_425 {strides = array<i32>} : memref<128x64xf32, #tpu.memory_space<vmem>>, vector<16xf32>,
      %swap3A_433 = arith.index_cast %add3A_401 : i32 to index
      %swap3A_434 = arith.constant 48 : index
      %swap3A_435 = tpu.vector_load %arg12[%swap3A_433, %swap3A_434] {strides = array<i32>} : memref<128x64xf32, #tpu.memory_space<vmem>>, vector<16xf32>,
      tpu.vector_store %arg12[%swap3A_433, %swap3A_434], %bitcast3A_429 {strides = array<i32>} : memref<128x64xf32, #tpu.memory_space<vmem>>, vector<16xf32>,
      %scan3A_436 = arith.constant 0 : i32
      scf.yield %scan3A_436 : i32
    }
    %scan3A_92 = arith.constant 32 : i32
    %dma_start3A_93 = arith.constant 0 : i32
    %dma_start3A_94 = arith.constant 0 : i32
    %dma_start3A_95 = tpu.memref_slice %arg17[%dma_start3A_93, %dma_start3A_94] : memref<10240x64xf32, #tpu.memory_space<vmem_shared>> -> memref<10240x64xf32, #tpu.memory_space<vmem_shared>>
    tpu.enqueue_indirect_dma source(%arg12 : memref<128x64xf32, #tpu.memory_space<vmem>>) target(%dma_start3A_95 : memref<10240x64xf32, #tpu.memory_space<vmem_shared>>) offsets(%arg14 : memref<128xi32, #tpu.memory_space<vmem>>) semaphore(%arg22 : memref<!tpu.dma_semaphore, #tpu.memory_space<semaphore_mem>>) {add = true}
    %dma_wait3A_96 = arith.constant 0 : i32
    %dma_wait3A_97 = tpu.memref_slice %arg3[%dma_wait3A_96] : memref<327680xi32, #tpu.memory_space<hbm>> -> memref<128xi32, #tpu.memory_space<hbm>>
    %dma_wait3A_98 = arith.constant 0 : i32
    %dma_wait3A_99 = tpu.memref_slice %arg3[%dma_wait3A_98] : memref<327680xi32, #tpu.memory_space<hbm>> -> memref<128xi32, #tpu.memory_space<hbm>>
    tpu.wait_dma2 semaphore(%arg20 : memref<!tpu.dma_semaphore, #tpu.memory_space<semaphore_mem>>) src(%dma_wait3A_99 : memref<128xi32, #tpu.memory_space<hbm>>) dst(%arg6 : memref<128xi32, #tpu.memory_space<vmem>>)
    %dma_wait3A_100 = arith.constant 0 : i32
    %dma_wait3A_101 = tpu.memref_slice %arg4[%dma_wait3A_100] : memref<327680xi32, #tpu.memory_space<hbm>> -> memref<128xi32, #tpu.memory_space<hbm>>
    %dma_wait3A_102 = arith.constant 0 : i32
    %dma_wait3A_103 = tpu.memref_slice %arg4[%dma_wait3A_102] : memref<327680xi32, #tpu.memory_space<hbm>> -> memref<128xi32, #tpu.memory_space<hbm>>
    tpu.wait_dma2 semaphore(%arg20 : memref<!tpu.dma_semaphore, #tpu.memory_space<semaphore_mem>>) src(%dma_wait3A_103 : memref<128xi32, #tpu.memory_space<hbm>>) dst(%arg8 : memref<128xi32, #tpu.memory_space<vmem>>)
    %dma_start3A_104 = arith.constant 0 : i32
    %dma_start3A_105 = arith.constant 0 : i32
    %dma_start3A_106 = tpu.memref_slice %arg2[%dma_start3A_104, %dma_start3A_105] : memref<10000x32xi32, #tpu.memory_space<hbm>> -> memref<10000x32xi32, #tpu.memory_space<hbm>>
    tpu.enqueue_indirect_dma source(%dma_start3A_106 : memref<10000x32xi32, #tpu.memory_space<hbm>>) target(%arg10 : memref<128x32xi32, #tpu.memory_space<vmem>>) offsets(%arg6 : memref<128xi32, #tpu.memory_space<vmem>>) semaphore(%arg18 : memref<!tpu.dma_semaphore, #tpu.memory_space<semaphore_mem>>)
    %dma_wait3A_107 = arith.constant 0 : i32
    %dma_wait3A_108 = arith.constant 0 : i32
    %dma_wait3A_109 = tpu.memref_slice %arg2[%dma_wait3A_107, %dma_wait3A_108] : memref<10000x32xi32, #tpu.memory_space<hbm>> -> memref<10000x32xi32, #tpu.memory_space<hbm>>
    tpu.wait_indirect_dma semaphore(%arg19 : memref<!tpu.dma_semaphore, #tpu.memory_space<semaphore_mem>>) src(%dma_wait3A_109 : memref<10000x32xi32, #tpu.memory_space<hbm>>) dst(%arg11 : memref<128x32xi32, #tpu.memory_space<vmem>>)
    %get3A_110 = arith.constant 0 : index
    %get3A_111 = tpu.vector_load %arg9[%get3A_110] {strides = array<i32>} : memref<128xi32, #tpu.memory_space<vmem>>, vector<16xi32>,
    %swap3A_112 = arith.constant 0 : index
    %swap3A_113 = tpu.vector_load %arg15[%swap3A_112] {strides = array<i32>} : memref<128xi32, #tpu.memory_space<vmem>>, vector<16xi32>,
    tpu.vector_store %arg15[%swap3A_112], %get3A_111 {strides = array<i32>} : memref<128xi32, #tpu.memory_space<vmem>>, vector<16xi32>,
    %get3A_114 = arith.constant 16 : index
    %get3A_115 = tpu.vector_load %arg9[%get3A_114] {strides = array<i32>} : memref<128xi32, #tpu.memory_space<vmem>>, vector<16xi32>,
    %swap3A_116 = arith.constant 16 : index
    %swap3A_117 = tpu.vector_load %arg15[%swap3A_116] {strides = array<i32>} : memref<128xi32, #tpu.memory_space<vmem>>, vector<16xi32>,
    tpu.vector_store %arg15[%swap3A_116], %get3A_115 {strides = array<i32>} : memref<128xi32, #tpu.memory_space<vmem>>, vector<16xi32>,
    %get3A_118 = arith.constant 32 : index
    %get3A_119 = tpu.vector_load %arg9[%get3A_118] {strides = array<i32>} : memref<128xi32, #tpu.memory_space<vmem>>, vector<16xi32>,
    %swap3A_120 = arith.constant 32 : index
    %swap3A_121 = tpu.vector_load %arg15[%swap3A_120] {strides = array<i32>} : memref<128xi32, #tpu.memory_space<vmem>>, vector<16xi32>,
    tpu.vector_store %arg15[%swap3A_120], %get3A_119 {strides = array<i32>} : memref<128xi32, #tpu.memory_space<vmem>>, vector<16xi32>,
    %get3A_122 = arith.constant 48 : index
    %get3A_123 = tpu.vector_load %arg9[%get3A_122] {strides = array<i32>} : memref<128xi32, #tpu.memory_space<vmem>>, vector<16xi32>,
    %swap3A_124 = arith.constant 48 : index
    %swap3A_125 = tpu.vector_load %arg15[%swap3A_124] {strides = array<i32>} : memref<128xi32, #tpu.memory_space<vmem>>, vector<16xi32>,
    tpu.vector_store %arg15[%swap3A_124], %get3A_123 {strides = array<i32>} : memref<128xi32, #tpu.memory_space<vmem>>, vector<16xi32>,
    %get3A_126 = arith.constant 64 : index
    %get3A_127 = tpu.vector_load %arg9[%get3A_126] {strides = array<i32>} : memref<128xi32, #tpu.memory_space<vmem>>, vector<16xi32>,
    %swap3A_128 = arith.constant 64 : index
    %swap3A_129 = tpu.vector_load %arg15[%swap3A_128] {strides = array<i32>} : memref<128xi32, #tpu.memory_space<vmem>>, vector<16xi32>,
    tpu.vector_store %arg15[%swap3A_128], %get3A_127 {strides = array<i32>} : memref<128xi32, #tpu.memory_space<vmem>>, vector<16xi32>,
    %get3A_130 = arith.constant 80 : index
    %get3A_131 = tpu.vector_load %arg9[%get3A_130] {strides = array<i32>} : memref<128xi32, #tpu.memory_space<vmem>>, vector<16xi32>,
    %swap3A_132 = arith.constant 80 : index
    %swap3A_133 = tpu.vector_load %arg15[%swap3A_132] {strides = array<i32>} : memref<128xi32, #tpu.memory_space<vmem>>, vector<16xi32>,
    tpu.vector_store %arg15[%swap3A_132], %get3A_131 {strides = array<i32>} : memref<128xi32, #tpu.memory_space<vmem>>, vector<16xi32>,
    %get3A_134 = arith.constant 96 : index
    %get3A_135 = tpu.vector_load %arg9[%get3A_134] {strides = array<i32>} : memref<128xi32, #tpu.memory_space<vmem>>, vector<16xi32>,
    %swap3A_136 = arith.constant 96 : index
    %swap3A_137 = tpu.vector_load %arg15[%swap3A_136] {strides = array<i32>} : memref<128xi32, #tpu.memory_space<vmem>>, vector<16xi32>,
    tpu.vector_store %arg15[%swap3A_136], %get3A_135 {strides = array<i32>} : memref<128xi32, #tpu.memory_space<vmem>>, vector<16xi32>,
    %get3A_138 = arith.constant 112 : index
    %get3A_139 = tpu.vector_load %arg9[%get3A_138] {strides = array<i32>} : memref<128xi32, #tpu.memory_space<vmem>>, vector<16xi32>,
    %swap3A_140 = arith.constant 112 : index
    %swap3A_141 = tpu.vector_load %arg15[%swap3A_140] {strides = array<i32>} : memref<128xi32, #tpu.memory_space<vmem>>, vector<16xi32>,
    tpu.vector_store %arg15[%swap3A_140], %get3A_139 {strides = array<i32>} : memref<128xi32, #tpu.memory_space<vmem>>, vector<16xi32>,
    %mul3A_142 = arith.constant 10240 : i32
    %mul3A_143 = arith.muli %add3A, %mul3A_142 : i32
    %add3A_144 = arith.constant 384 : i32
    %add3A_145 = arith.addi %mul3A_143, %add3A_144 : i32
    %dma_start3A_146 = tpu.memref_slice %arg3[%add3A_145] : memref<327680xi32, #tpu.memory_space<hbm>> -> memref<128xi32, #tpu.memory_space<hbm>>
    %dma_start3A_147 = tpu.memref_slice %arg3[%add3A_145] : memref<327680xi32, #tpu.memory_space<hbm>> -> memref<128xi32, #tpu.memory_space<hbm>>
    tpu.enqueue_dma source(%dma_start3A_147 : memref<128xi32, #tpu.memory_space<hbm>>) target(%arg7 : memref<128xi32, #tpu.memory_space<vmem>>) target_semaphore(%arg21 : memref<!tpu.dma_semaphore, #tpu.memory_space<semaphore_mem>>)
    %dma_start3A_148 = tpu.memref_slice %arg4[%add3A_145] : memref<327680xi32, #tpu.memory_space<hbm>> -> memref<128xi32, #tpu.memory_space<hbm>>
    %dma_start3A_149 = tpu.memref_slice %arg4[%add3A_145] : memref<327680xi32, #tpu.memory_space<hbm>> -> memref<128xi32, #tpu.memory_space<hbm>>
    tpu.enqueue_dma source(%dma_start3A_149 : memref<128xi32, #tpu.memory_space<hbm>>) target(%arg9 : memref<128xi32, #tpu.memory_space<vmem>>) target_semaphore(%arg21 : memref<!tpu.dma_semaphore, #tpu.memory_space<semaphore_mem>>)
    %scan3A_150 = arith.constant 0 : i32
    %scan3A_151 = arith.constant 0 : i32
    %scan3A_152 = arith.constant 32 : i32
    %scan3A_153 = arith.addi %scan3A_151, %scan3A_152 : i32
    %scan3A_154 = arith.constant 1 : i32
    %scan3A_155 = scf.for %scan3A_285 = %scan3A_151 to %scan3A_153 step %scan3A_154 iter_args(%scan3A_286 = %scan3A_150) -> (i32)  : i32 {
      %mul3A_287 = arith.constant 4 : i32
      %mul3A_288 = arith.muli %mul3A_287, %scan3A_285 : i32
      %add3A_289 = arith.constant 0 : i32
      %add3A_290 = arith.addi %mul3A_288, %add3A_289 : i32
      %get3A_291 = arith.index_cast %add3A_290 : i32 to index
      %get3A_292 = arith.constant 0 : index
      %get3A_293 = tpu.vector_load %arg11[%get3A_291, %get3A_292] {strides = array<i32>} : memref<128x32xi32, #tpu.memory_space<vmem>>, vector<16xi32>,
      %shift_left3A = arith.constant 16 : i32
      %shift_left3A_294 = vector.broadcast %shift_left3A : i32 to vector<16xi32>
      %shift_left3A_295 = arith.shli %get3A_293, %shift_left3A_294 : vector<16xi32>
      %bitcast3A = vector.bitcast %shift_left3A_295 : vector<16xi32> to vector<16xf32>
      %and3A = arith.constant -65536 : i32
      %and3A_296 = vector.broadcast %and3A : i32 to vector<16xi32>
      %and3A_297 = arith.andi %get3A_293, %and3A_296 : vector<16xi32>
      %bitcast3A_298 = vector.bitcast %and3A_297 : vector<16xi32> to vector<16xf32>
      %swap3A_299 = arith.index_cast %add3A_290 : i32 to index
      %swap3A_300 = arith.constant 0 : index
      %swap3A_301 = tpu.vector_load %arg13[%swap3A_299, %swap3A_300] {strides = array<i32>} : memref<128x64xf32, #tpu.memory_space<vmem>>, vector<16xf32>,
      tpu.vector_store %arg13[%swap3A_299, %swap3A_300], %bitcast3A {strides = array<i32>} : memref<128x64xf32, #tpu.memory_space<vmem>>, vector<16xf32>,
      %swap3A_302 = arith.index_cast %add3A_290 : i32 to index
      %swap3A_303 = arith.constant 16 : index
      %swap3A_304 = tpu.vector_load %arg13[%swap3A_302, %swap3A_303] {strides = array<i32>} : memref<128x64xf32, #tpu.memory_space<vmem>>, vector<16xf32>,
      tpu.vector_store %arg13[%swap3A_302, %swap3A_303], %bitcast3A_298 {strides = array<i32>} : memref<128x64xf32, #tpu.memory_space<vmem>>, vector<16xf32>,
      %get3A_305 = arith.index_cast %add3A_290 : i32 to index
      %get3A_306 = arith.constant 16 : index
      %get3A_307 = tpu.vector_load %arg11[%get3A_305, %get3A_306] {strides = array<i32>} : memref<128x32xi32, #tpu.memory_space<vmem>>, vector<16xi32>,
      %shift_left3A_308 = arith.constant 16 : i32
      %shift_left3A_309 = vector.broadcast %shift_left3A_308 : i32 to vector<16xi32>
      %shift_left3A_310 = arith.shli %get3A_307, %shift_left3A_309 : vector<16xi32>
      %bitcast3A_311 = vector.bitcast %shift_left3A_310 : vector<16xi32> to vector<16xf32>
      %and3A_312 = arith.constant -65536 : i32
      %and3A_313 = vector.broadcast %and3A_312 : i32 to vector<16xi32>
      %and3A_314 = arith.andi %get3A_307, %and3A_313 : vector<16xi32>
      %bitcast3A_315 = vector.bitcast %and3A_314 : vector<16xi32> to vector<16xf32>
      %swap3A_316 = arith.index_cast %add3A_290 : i32 to index
      %swap3A_317 = arith.constant 32 : index
      %swap3A_318 = tpu.vector_load %arg13[%swap3A_316, %swap3A_317] {strides = array<i32>} : memref<128x64xf32, #tpu.memory_space<vmem>>, vector<16xf32>,
      tpu.vector_store %arg13[%swap3A_316, %swap3A_317], %bitcast3A_311 {strides = array<i32>} : memref<128x64xf32, #tpu.memory_space<vmem>>, vector<16xf32>,
      %swap3A_319 = arith.index_cast %add3A_290 : i32 to index
      %swap3A_320 = arith.constant 48 : index
      %swap3A_321 = tpu.vector_load %arg13[%swap3A_319, %swap3A_320] {strides = array<i32>} : memref<128x64xf32, #tpu.memory_space<vmem>>, vector<16xf32>,
      tpu.vector_store %arg13[%swap3A_319, %swap3A_320], %bitcast3A_315 {strides = array<i32>} : memref<128x64xf32, #tpu.memory_space<vmem>>, vector<16xf32>,
      %mul3A_322 = arith.constant 4 : i32
      %mul3A_323 = arith.muli %mul3A_322, %scan3A_285 : i32
      %add3A_324 = arith.constant 1 : i32
      %add3A_325 = arith.addi %mul3A_323, %add3A_324 : i32
      %get3A_326 = arith.index_cast %add3A_325 : i32 to index
      %get3A_327 = arith.constant 0 : index
      %get3A_328 = tpu.vector_load %arg11[%get3A_326, %get3A_327] {strides = array<i32>} : memref<128x32xi32, #tpu.memory_space<vmem>>, vector<16xi32>,
      %shift_left3A_329 = arith.constant 16 : i32
      %shift_left3A_330 = vector.broadcast %shift_left3A_329 : i32 to vector<16xi32>
      %shift_left3A_331 = arith.shli %get3A_328, %shift_left3A_330 : vector<16xi32>
      %bitcast3A_332 = vector.bitcast %shift_left3A_331 : vector<16xi32> to vector<16xf32>
      %and3A_333 = arith.constant -65536 : i32
      %and3A_334 = vector.broadcast %and3A_333 : i32 to vector<16xi32>
      %and3A_335 = arith.andi %get3A_328, %and3A_334 : vector<16xi32>
      %bitcast3A_336 = vector.bitcast %and3A_335 : vector<16xi32> to vector<16xf32>
      %swap3A_337 = arith.index_cast %add3A_325 : i32 to index
      %swap3A_338 = arith.constant 0 : index
      %swap3A_339 = tpu.vector_load %arg13[%swap3A_337, %swap3A_338] {strides = array<i32>} : memref<128x64xf32, #tpu.memory_space<vmem>>, vector<16xf32>,
      tpu.vector_store %arg13[%swap3A_337, %swap3A_338], %bitcast3A_332 {strides = array<i32>} : memref<128x64xf32, #tpu.memory_space<vmem>>, vector<16xf32>,
      %swap3A_340 = arith.index_cast %add3A_325 : i32 to index
      %swap3A_341 = arith.constant 16 : index
      %swap3A_342 = tpu.vector_load %arg13[%swap3A_340, %swap3A_341] {strides = array<i32>} : memref<128x64xf32, #tpu.memory_space<vmem>>, vector<16xf32>,
      tpu.vector_store %arg13[%swap3A_340, %swap3A_341], %bitcast3A_336 {strides = array<i32>} : memref<128x64xf32, #tpu.memory_space<vmem>>, vector<16xf32>,
      %get3A_343 = arith.index_cast %add3A_325 : i32 to index
      %get3A_344 = arith.constant 16 : index
      %get3A_345 = tpu.vector_load %arg11[%get3A_343, %get3A_344] {strides = array<i32>} : memref<128x32xi32, #tpu.memory_space<vmem>>, vector<16xi32>,
      %shift_left3A_346 = arith.constant 16 : i32
      %shift_left3A_347 = vector.broadcast %shift_left3A_346 : i32 to vector<16xi32>
      %shift_left3A_348 = arith.shli %get3A_345, %shift_left3A_347 : vector<16xi32>
      %bitcast3A_349 = vector.bitcast %shift_left3A_348 : vector<16xi32> to vector<16xf32>
      %and3A_350 = arith.constant -65536 : i32
      %and3A_351 = vector.broadcast %and3A_350 : i32 to vector<16xi32>
      %and3A_352 = arith.andi %get3A_345, %and3A_351 : vector<16xi32>
      %bitcast3A_353 = vector.bitcast %and3A_352 : vector<16xi32> to vector<16xf32>
      %swap3A_354 = arith.index_cast %add3A_325 : i32 to index
      %swap3A_355 = arith.constant 32 : index
      %swap3A_356 = tpu.vector_load %arg13[%swap3A_354, %swap3A_355] {strides = array<i32>} : memref<128x64xf32, #tpu.memory_space<vmem>>, vector<16xf32>,
      tpu.vector_store %arg13[%swap3A_354, %swap3A_355], %bitcast3A_349 {strides = array<i32>} : memref<128x64xf32, #tpu.memory_space<vmem>>, vector<16xf32>,
      %swap3A_357 = arith.index_cast %add3A_325 : i32 to index
      %swap3A_358 = arith.constant 48 : index
      %swap3A_359 = tpu.vector_load %arg13[%swap3A_357, %swap3A_358] {strides = array<i32>} : memref<128x64xf32, #tpu.memory_space<vmem>>, vector<16xf32>,
      tpu.vector_store %arg13[%swap3A_357, %swap3A_358], %bitcast3A_353 {strides = array<i32>} : memref<128x64xf32, #tpu.memory_space<vmem>>, vector<16xf32>,
      %mul3A_360 = arith.constant 4 : i32
      %mul3A_361 = arith.muli %mul3A_360, %scan3A_285 : i32
      %add3A_362 = arith.constant 2 : i32
      %add3A_363 = arith.addi %mul3A_361, %add3A_362 : i32
      %get3A_364 = arith.index_cast %add3A_363 : i32 to index
      %get3A_365 = arith.constant 0 : index
      %get3A_366 = tpu.vector_load %arg11[%get3A_364, %get3A_365] {strides = array<i32>} : memref<128x32xi32, #tpu.memory_space<vmem>>, vector<16xi32>,
      %shift_left3A_367 = arith.constant 16 : i32
      %shift_left3A_368 = vector.broadcast %shift_left3A_367 : i32 to vector<16xi32>
      %shift_left3A_369 = arith.shli %get3A_366, %shift_left3A_368 : vector<16xi32>
      %bitcast3A_370 = vector.bitcast %shift_left3A_369 : vector<16xi32> to vector<16xf32>
      %and3A_371 = arith.constant -65536 : i32
      %and3A_372 = vector.broadcast %and3A_371 : i32 to vector<16xi32>
      %and3A_373 = arith.andi %get3A_366, %and3A_372 : vector<16xi32>
      %bitcast3A_374 = vector.bitcast %and3A_373 : vector<16xi32> to vector<16xf32>
      %swap3A_375 = arith.index_cast %add3A_363 : i32 to index
      %swap3A_376 = arith.constant 0 : index
      %swap3A_377 = tpu.vector_load %arg13[%swap3A_375, %swap3A_376] {strides = array<i32>} : memref<128x64xf32, #tpu.memory_space<vmem>>, vector<16xf32>,
      tpu.vector_store %arg13[%swap3A_375, %swap3A_376], %bitcast3A_370 {strides = array<i32>} : memref<128x64xf32, #tpu.memory_space<vmem>>, vector<16xf32>,
      %swap3A_378 = arith.index_cast %add3A_363 : i32 to index
      %swap3A_379 = arith.constant 16 : index
      %swap3A_380 = tpu.vector_load %arg13[%swap3A_378, %swap3A_379] {strides = array<i32>} : memref<128x64xf32, #tpu.memory_space<vmem>>, vector<16xf32>,
      tpu.vector_store %arg13[%swap3A_378, %swap3A_379], %bitcast3A_374 {strides = array<i32>} : memref<128x64xf32, #tpu.memory_space<vmem>>, vector<16xf32>,
      %get3A_381 = arith.index_cast %add3A_363 : i32 to index
      %get3A_382 = arith.constant 16 : index
      %get3A_383 = tpu.vector_load %arg11[%get3A_381, %get3A_382] {strides = array<i32>} : memref<128x32xi32, #tpu.memory_space<vmem>>, vector<16xi32>,
      %shift_left3A_384 = arith.constant 16 : i32
      %shift_left3A_385 = vector.broadcast %shift_left3A_384 : i32 to vector<16xi32>
      %shift_left3A_386 = arith.shli %get3A_383, %shift_left3A_385 : vector<16xi32>
      %bitcast3A_387 = vector.bitcast %shift_left3A_386 : vector<16xi32> to vector<16xf32>
      %and3A_388 = arith.constant -65536 : i32
      %and3A_389 = vector.broadcast %and3A_388 : i32 to vector<16xi32>
      %and3A_390 = arith.andi %get3A_383, %and3A_389 : vector<16xi32>
      %bitcast3A_391 = vector.bitcast %and3A_390 : vector<16xi32> to vector<16xf32>
      %swap3A_392 = arith.index_cast %add3A_363 : i32 to index
      %swap3A_393 = arith.constant 32 : index
      %swap3A_394 = tpu.vector_load %arg13[%swap3A_392, %swap3A_393] {strides = array<i32>} : memref<128x64xf32, #tpu.memory_space<vmem>>, vector<16xf32>,
      tpu.vector_store %arg13[%swap3A_392, %swap3A_393], %bitcast3A_387 {strides = array<i32>} : memref<128x64xf32, #tpu.memory_space<vmem>>, vector<16xf32>,
      %swap3A_395 = arith.index_cast %add3A_363 : i32 to index
      %swap3A_396 = arith.constant 48 : index
      %swap3A_397 = tpu.vector_load %arg13[%swap3A_395, %swap3A_396] {strides = array<i32>} : memref<128x64xf32, #tpu.memory_space<vmem>>, vector<16xf32>,
      tpu.vector_store %arg13[%swap3A_395, %swap3A_396], %bitcast3A_391 {strides = array<i32>} : memref<128x64xf32, #tpu.memory_space<vmem>>, vector<16xf32>,
      %mul3A_398 = arith.constant 4 : i32
      %mul3A_399 = arith.muli %mul3A_398, %scan3A_285 : i32
      %add3A_400 = arith.constant 3 : i32
      %add3A_401 = arith.addi %mul3A_399, %add3A_400 : i32
      %get3A_402 = arith.index_cast %add3A_401 : i32 to index
      %get3A_403 = arith.constant 0 : index
      %get3A_404 = tpu.vector_load %arg11[%get3A_402, %get3A_403] {strides = array<i32>} : memref<128x32xi32, #tpu.memory_space<vmem>>, vector<16xi32>,
      %shift_left3A_405 = arith.constant 16 : i32
      %shift_left3A_406 = vector.broadcast %shift_left3A_405 : i32 to vector<16xi32>
      %shift_left3A_407 = arith.shli %get3A_404, %shift_left3A_406 : vector<16xi32>
      %bitcast3A_408 = vector.bitcast %shift_left3A_407 : vector<16xi32> to vector<16xf32>
      %and3A_409 = arith.constant -65536 : i32
      %and3A_410 = vector.broadcast %and3A_409 : i32 to vector<16xi32>
      %and3A_411 = arith.andi %get3A_404, %and3A_410 : vector<16xi32>
      %bitcast3A_412 = vector.bitcast %and3A_411 : vector<16xi32> to vector<16xf32>
      %swap3A_413 = arith.index_cast %add3A_401 : i32 to index
      %swap3A_414 = arith.constant 0 : index
      %swap3A_415 = tpu.vector_load %arg13[%swap3A_413, %swap3A_414] {strides = array<i32>} : memref<128x64xf32, #tpu.memory_space<vmem>>, vector<16xf32>,
      tpu.vector_store %arg13[%swap3A_413, %swap3A_414], %bitcast3A_408 {strides = array<i32>} : memref<128x64xf32, #tpu.memory_space<vmem>>, vector<16xf32>,
      %swap3A_416 = arith.index_cast %add3A_401 : i32 to index
      %swap3A_417 = arith.constant 16 : index
      %swap3A_418 = tpu.vector_load %arg13[%swap3A_416, %swap3A_417] {strides = array<i32>} : memref<128x64xf32, #tpu.memory_space<vmem>>, vector<16xf32>,
      tpu.vector_store %arg13[%swap3A_416, %swap3A_417], %bitcast3A_412 {strides = array<i32>} : memref<128x64xf32, #tpu.memory_space<vmem>>, vector<16xf32>,
      %get3A_419 = arith.index_cast %add3A_401 : i32 to index
      %get3A_420 = arith.constant 16 : index
      %get3A_421 = tpu.vector_load %arg11[%get3A_419, %get3A_420] {strides = array<i32>} : memref<128x32xi32, #tpu.memory_space<vmem>>, vector<16xi32>,
      %shift_left3A_422 = arith.constant 16 : i32
      %shift_left3A_423 = vector.broadcast %shift_left3A_422 : i32 to vector<16xi32>
      %shift_left3A_424 = arith.shli %get3A_421, %shift_left3A_423 : vector<16xi32>
      %bitcast3A_425 = vector.bitcast %shift_left3A_424 : vector<16xi32> to vector<16xf32>
      %and3A_426 = arith.constant -65536 : i32
      %and3A_427 = vector.broadcast %and3A_426 : i32 to vector<16xi32>
      %and3A_428 = arith.andi %get3A_421, %and3A_427 : vector<16xi32>
      %bitcast3A_429 = vector.bitcast %and3A_428 : vector<16xi32> to vector<16xf32>
      %swap3A_430 = arith.index_cast %add3A_401 : i32 to index
      %swap3A_431 = arith.constant 32 : index
      %swap3A_432 = tpu.vector_load %arg13[%swap3A_430, %swap3A_431] {strides = array<i32>} : memref<128x64xf32, #tpu.memory_space<vmem>>, vector<16xf32>,
      tpu.vector_store %arg13[%swap3A_430, %swap3A_431], %bitcast3A_425 {strides = array<i32>} : memref<128x64xf32, #tpu.memory_space<vmem>>, vector<16xf32>,
      %swap3A_433 = arith.index_cast %add3A_401 : i32 to index
      %swap3A_434 = arith.constant 48 : index
      %swap3A_435 = tpu.vector_load %arg13[%swap3A_433, %swap3A_434] {strides = array<i32>} : memref<128x64xf32, #tpu.memory_space<vmem>>, vector<16xf32>,
      tpu.vector_store %arg13[%swap3A_433, %swap3A_434], %bitcast3A_429 {strides = array<i32>} : memref<128x64xf32, #tpu.memory_space<vmem>>, vector<16xf32>,
      %scan3A_436 = arith.constant 0 : i32
      scf.yield %scan3A_436 : i32
    }
    %scan3A_156 = arith.constant 32 : i32
    %dma_start3A_157 = arith.constant 0 : i32
    %dma_start3A_158 = arith.constant 0 : i32
    %dma_start3A_159 = tpu.memref_slice %arg17[%dma_start3A_157, %dma_start3A_158] : memref<10240x64xf32, #tpu.memory_space<vmem_shared>> -> memref<10240x64xf32, #tpu.memory_space<vmem_shared>>
    tpu.enqueue_indirect_dma source(%arg13 : memref<128x64xf32, #tpu.memory_space<vmem>>) target(%dma_start3A_159 : memref<10240x64xf32, #tpu.memory_space<vmem_shared>>) offsets(%arg15 : memref<128xi32, #tpu.memory_space<vmem>>) semaphore(%arg23 : memref<!tpu.dma_semaphore, #tpu.memory_space<semaphore_mem>>) {add = true}
    %scan3A_160 = arith.constant 0 : i32
    %scan3A_161 = arith.constant 1 : i32
    %scan3A_162 = arith.constant 38 : i32
    %scan3A_163 = arith.addi %scan3A_161, %scan3A_162 : i32
    %scan3A_164 = arith.constant 1 : i32
    %scan3A_165 = scf.for %scan3A_285 = %scan3A_161 to %scan3A_163 step %scan3A_164 iter_args(%scan3A_286 = %scan3A_160) -> (i32)  : i32 {
      %mul3A_287 = arith.constant 2 : i32
      %mul3A_288 = arith.muli %mul3A_287, %scan3A_285 : i32
      %dma_wait3A_289 = arith.constant 0 : i32
      %dma_wait3A_290 = tpu.memref_slice %arg3[%dma_wait3A_289] : memref<327680xi32, #tpu.memory_space<hbm>> -> memref<128xi32, #tpu.memory_space<hbm>>
      %dma_wait3A_291 = arith.constant 0 : i32
      %dma_wait3A_292 = tpu.memref_slice %arg3[%dma_wait3A_291] : memref<327680xi32, #tpu.memory_space<hbm>> -> memref<128xi32, #tpu.memory_space<hbm>>
      tpu.wait_dma2 semaphore(%arg21 : memref<!tpu.dma_semaphore, #tpu.memory_space<semaphore_mem>>) src(%dma_wait3A_292 : memref<128xi32, #tpu.memory_space<hbm>>) dst(%arg7 : memref<128xi32, #tpu.memory_space<vmem>>)
      %dma_wait3A_293 = arith.constant 0 : i32
      %dma_wait3A_294 = tpu.memref_slice %arg4[%dma_wait3A_293] : memref<327680xi32, #tpu.memory_space<hbm>> -> memref<128xi32, #tpu.memory_space<hbm>>
      %dma_wait3A_295 = arith.constant 0 : i32
      %dma_wait3A_296 = tpu.memref_slice %arg4[%dma_wait3A_295] : memref<327680xi32, #tpu.memory_space<hbm>> -> memref<128xi32, #tpu.memory_space<hbm>>
      tpu.wait_dma2 semaphore(%arg21 : memref<!tpu.dma_semaphore, #tpu.memory_space<semaphore_mem>>) src(%dma_wait3A_296 : memref<128xi32, #tpu.memory_space<hbm>>) dst(%arg9 : memref<128xi32, #tpu.memory_space<vmem>>)
      %dma_start3A_297 = arith.constant 0 : i32
      %dma_start3A_298 = arith.constant 0 : i32
      %dma_start3A_299 = tpu.memref_slice %arg2[%dma_start3A_297, %dma_start3A_298] : memref<10000x32xi32, #tpu.memory_space<hbm>> -> memref<10000x32xi32, #tpu.memory_space<hbm>>
      tpu.enqueue_indirect_dma source(%dma_start3A_299 : memref<10000x32xi32, #tpu.memory_space<hbm>>) target(%arg11 : memref<128x32xi32, #tpu.memory_space<vmem>>) offsets(%arg7 : memref<128xi32, #tpu.memory_space<vmem>>) semaphore(%arg19 : memref<!tpu.dma_semaphore, #tpu.memory_space<semaphore_mem>>)
      %dma_wait3A_300 = arith.constant 0 : i32
      %dma_wait3A_301 = arith.constant 0 : i32
      %dma_wait3A_302 = tpu.memref_slice %arg2[%dma_wait3A_300, %dma_wait3A_301] : memref<10000x32xi32, #tpu.memory_space<hbm>> -> memref<10000x32xi32, #tpu.memory_space<hbm>>
      tpu.wait_indirect_dma semaphore(%arg18 : memref<!tpu.dma_semaphore, #tpu.memory_space<semaphore_mem>>) src(%dma_wait3A_302 : memref<10000x32xi32, #tpu.memory_space<hbm>>) dst(%arg10 : memref<128x32xi32, #tpu.memory_space<vmem>>)
      %dma_wait3A_303 = arith.constant 0 : i32
      %dma_wait3A_304 = arith.constant 0 : i32
      %dma_wait3A_305 = tpu.memref_slice %arg17[%dma_wait3A_303, %dma_wait3A_304] : memref<10240x64xf32, #tpu.memory_space<vmem_shared>> -> memref<10240x64xf32, #tpu.memory_space<vmem_shared>>
      tpu.wait_indirect_dma semaphore(%arg22 : memref<!tpu.dma_semaphore, #tpu.memory_space<semaphore_mem>>) src(%arg12 : memref<128x64xf32, #tpu.memory_space<vmem>>) dst(%dma_wait3A_305 : memref<10240x64xf32, #tpu.memory_space<vmem_shared>>)
      %get3A_306 = arith.constant 0 : index
      %get3A_307 = tpu.vector_load %arg8[%get3A_306] {strides = array<i32>} : memref<128xi32, #tpu.memory_space<vmem>>, vector<16xi32>,
      %swap3A_308 = arith.constant 0 : index
      %swap3A_309 = tpu.vector_load %arg14[%swap3A_308] {strides = array<i32>} : memref<128xi32, #tpu.memory_space<vmem>>, vector<16xi32>,
      tpu.vector_store %arg14[%swap3A_308], %get3A_307 {strides = array<i32>} : memref<128xi32, #tpu.memory_space<vmem>>, vector<16xi32>,
      %get3A_310 = arith.constant 16 : index
      %get3A_311 = tpu.vector_load %arg8[%get3A_310] {strides = array<i32>} : memref<128xi32, #tpu.memory_space<vmem>>, vector<16xi32>,
      %swap3A_312 = arith.constant 16 : index
      %swap3A_313 = tpu.vector_load %arg14[%swap3A_312] {strides = array<i32>} : memref<128xi32, #tpu.memory_space<vmem>>, vector<16xi32>,
      tpu.vector_store %arg14[%swap3A_312], %get3A_311 {strides = array<i32>} : memref<128xi32, #tpu.memory_space<vmem>>, vector<16xi32>,
      %get3A_314 = arith.constant 32 : index
      %get3A_315 = tpu.vector_load %arg8[%get3A_314] {strides = array<i32>} : memref<128xi32, #tpu.memory_space<vmem>>, vector<16xi32>,
      %swap3A_316 = arith.constant 32 : index
      %swap3A_317 = tpu.vector_load %arg14[%swap3A_316] {strides = array<i32>} : memref<128xi32, #tpu.memory_space<vmem>>, vector<16xi32>,
      tpu.vector_store %arg14[%swap3A_316], %get3A_315 {strides = array<i32>} : memref<128xi32, #tpu.memory_space<vmem>>, vector<16xi32>,
      %get3A_318 = arith.constant 48 : index
      %get3A_319 = tpu.vector_load %arg8[%get3A_318] {strides = array<i32>} : memref<128xi32, #tpu.memory_space<vmem>>, vector<16xi32>,
      %swap3A_320 = arith.constant 48 : index
      %swap3A_321 = tpu.vector_load %arg14[%swap3A_320] {strides = array<i32>} : memref<128xi32, #tpu.memory_space<vmem>>, vector<16xi32>,
      tpu.vector_store %arg14[%swap3A_320], %get3A_319 {strides = array<i32>} : memref<128xi32, #tpu.memory_space<vmem>>, vector<16xi32>,
      %get3A_322 = arith.constant 64 : index
      %get3A_323 = tpu.vector_load %arg8[%get3A_322] {strides = array<i32>} : memref<128xi32, #tpu.memory_space<vmem>>, vector<16xi32>,
      %swap3A_324 = arith.constant 64 : index
      %swap3A_325 = tpu.vector_load %arg14[%swap3A_324] {strides = array<i32>} : memref<128xi32, #tpu.memory_space<vmem>>, vector<16xi32>,
      tpu.vector_store %arg14[%swap3A_324], %get3A_323 {strides = array<i32>} : memref<128xi32, #tpu.memory_space<vmem>>, vector<16xi32>,
      %get3A_326 = arith.constant 80 : index
      %get3A_327 = tpu.vector_load %arg8[%get3A_326] {strides = array<i32>} : memref<128xi32, #tpu.memory_space<vmem>>, vector<16xi32>,
      %swap3A_328 = arith.constant 80 : index
      %swap3A_329 = tpu.vector_load %arg14[%swap3A_328] {strides = array<i32>} : memref<128xi32, #tpu.memory_space<vmem>>, vector<16xi32>,
      tpu.vector_store %arg14[%swap3A_328], %get3A_327 {strides = array<i32>} : memref<128xi32, #tpu.memory_space<vmem>>, vector<16xi32>,
      %get3A_330 = arith.constant 96 : index
      %get3A_331 = tpu.vector_load %arg8[%get3A_330] {strides = array<i32>} : memref<128xi32, #tpu.memory_space<vmem>>, vector<16xi32>,
      %swap3A_332 = arith.constant 96 : index
      %swap3A_333 = tpu.vector_load %arg14[%swap3A_332] {strides = array<i32>} : memref<128xi32, #tpu.memory_space<vmem>>, vector<16xi32>,
      tpu.vector_store %arg14[%swap3A_332], %get3A_331 {strides = array<i32>} : memref<128xi32, #tpu.memory_space<vmem>>, vector<16xi32>,
      %get3A_334 = arith.constant 112 : index
      %get3A_335 = tpu.vector_load %arg8[%get3A_334] {strides = array<i32>} : memref<128xi32, #tpu.memory_space<vmem>>, vector<16xi32>,
      %swap3A_336 = arith.constant 112 : index
      %swap3A_337 = tpu.vector_load %arg14[%swap3A_336] {strides = array<i32>} : memref<128xi32, #tpu.memory_space<vmem>>, vector<16xi32>,
      tpu.vector_store %arg14[%swap3A_336], %get3A_335 {strides = array<i32>} : memref<128xi32, #tpu.memory_space<vmem>>, vector<16xi32>,
      %add3A_338 = arith.constant 2 : i32
      %add3A_339 = arith.addi %mul3A_288, %add3A_338 : i32
      %mul3A_340 = arith.constant 10240 : i32
      %mul3A_341 = arith.muli %add3A, %mul3A_340 : i32
      %mul3A_342 = arith.constant 128 : i32
      %mul3A_343 = arith.muli %add3A_339, %mul3A_342 : i32
      %add3A_344 = arith.addi %mul3A_341, %mul3A_343 : i32
      %dma_start3A_345 = tpu.memref_slice %arg3[%add3A_344] : memref<327680xi32, #tpu.memory_space<hbm>> -> memref<128xi32, #tpu.memory_space<hbm>>
      %dma_start3A_346 = tpu.memref_slice %arg3[%add3A_344] : memref<327680xi32, #tpu.memory_space<hbm>> -> memref<128xi32, #tpu.memory_space<hbm>>
      tpu.enqueue_dma source(%dma_start3A_346 : memref<128xi32, #tpu.memory_space<hbm>>) target(%arg6 : memref<128xi32, #tpu.memory_space<vmem>>) target_semaphore(%arg20 : memref<!tpu.dma_semaphore, #tpu.memory_space<semaphore_mem>>)
      %dma_start3A_347 = tpu.memref_slice %arg4[%add3A_344] : memref<327680xi32, #tpu.memory_space<hbm>> -> memref<128xi32, #tpu.memory_space<hbm>>
      %dma_start3A_348 = tpu.memref_slice %arg4[%add3A_344] : memref<327680xi32, #tpu.memory_space<hbm>> -> memref<128xi32, #tpu.memory_space<hbm>>
      tpu.enqueue_dma source(%dma_start3A_348 : memref<128xi32, #tpu.memory_space<hbm>>) target(%arg8 : memref<128xi32, #tpu.memory_space<vmem>>) target_semaphore(%arg20 : memref<!tpu.dma_semaphore, #tpu.memory_space<semaphore_mem>>)
      %scan3A_349 = arith.constant 0 : i32
      %scan3A_350 = arith.constant 0 : i32
      %scan3A_351 = arith.constant 32 : i32
      %scan3A_352 = arith.addi %scan3A_350, %scan3A_351 : i32
      %scan3A_353 = arith.constant 1 : i32
      %scan3A_354 = scf.for %scan3A_434 = %scan3A_350 to %scan3A_352 step %scan3A_353 iter_args(%scan3A_435 = %scan3A_349) -> (i32)  : i32 {
        %mul3A_436 = arith.constant 4 : i32
        %mul3A_437 = arith.muli %mul3A_436, %scan3A_434 : i32
        %add3A_438 = arith.constant 0 : i32
        %add3A_439 = arith.addi %mul3A_437, %add3A_438 : i32
        %get3A_440 = arith.index_cast %add3A_439 : i32 to index
        %get3A_441 = arith.constant 0 : index
        %get3A_442 = tpu.vector_load %arg10[%get3A_440, %get3A_441] {strides = array<i32>} : memref<128x32xi32, #tpu.memory_space<vmem>>, vector<16xi32>,
        %shift_left3A = arith.constant 16 : i32
        %shift_left3A_443 = vector.broadcast %shift_left3A : i32 to vector<16xi32>
        %shift_left3A_444 = arith.shli %get3A_442, %shift_left3A_443 : vector<16xi32>
        %bitcast3A = vector.bitcast %shift_left3A_444 : vector<16xi32> to vector<16xf32>
        %and3A = arith.constant -65536 : i32
        %and3A_445 = vector.broadcast %and3A : i32 to vector<16xi32>
        %and3A_446 = arith.andi %get3A_442, %and3A_445 : vector<16xi32>
        %bitcast3A_447 = vector.bitcast %and3A_446 : vector<16xi32> to vector<16xf32>
        %swap3A_448 = arith.index_cast %add3A_439 : i32 to index
        %swap3A_449 = arith.constant 0 : index
        %swap3A_450 = tpu.vector_load %arg12[%swap3A_448, %swap3A_449] {strides = array<i32>} : memref<128x64xf32, #tpu.memory_space<vmem>>, vector<16xf32>,
        tpu.vector_store %arg12[%swap3A_448, %swap3A_449], %bitcast3A {strides = array<i32>} : memref<128x64xf32, #tpu.memory_space<vmem>>, vector<16xf32>,
        %swap3A_451 = arith.index_cast %add3A_439 : i32 to index
        %swap3A_452 = arith.constant 16 : index
        %swap3A_453 = tpu.vector_load %arg12[%swap3A_451, %swap3A_452] {strides = array<i32>} : memref<128x64xf32, #tpu.memory_space<vmem>>, vector<16xf32>,
        tpu.vector_store %arg12[%swap3A_451, %swap3A_452], %bitcast3A_447 {strides = array<i32>} : memref<128x64xf32, #tpu.memory_space<vmem>>, vector<16xf32>,
        %get3A_454 = arith.index_cast %add3A_439 : i32 to index
        %get3A_455 = arith.constant 16 : index
        %get3A_456 = tpu.vector_load %arg10[%get3A_454, %get3A_455] {strides = array<i32>} : memref<128x32xi32, #tpu.memory_space<vmem>>, vector<16xi32>,
        %shift_left3A_457 = arith.constant 16 : i32
        %shift_left3A_458 = vector.broadcast %shift_left3A_457 : i32 to vector<16xi32>
        %shift_left3A_459 = arith.shli %get3A_456, %shift_left3A_458 : vector<16xi32>
        %bitcast3A_460 = vector.bitcast %shift_left3A_459 : vector<16xi32> to vector<16xf32>
        %and3A_461 = arith.constant -65536 : i32
        %and3A_462 = vector.broadcast %and3A_461 : i32 to vector<16xi32>
        %and3A_463 = arith.andi %get3A_456, %and3A_462 : vector<16xi32>
        %bitcast3A_464 = vector.bitcast %and3A_463 : vector<16xi32> to vector<16xf32>
        %swap3A_465 = arith.index_cast %add3A_439 : i32 to index
        %swap3A_466 = arith.constant 32 : index
        %swap3A_467 = tpu.vector_load %arg12[%swap3A_465, %swap3A_466] {strides = array<i32>} : memref<128x64xf32, #tpu.memory_space<vmem>>, vector<16xf32>,
        tpu.vector_store %arg12[%swap3A_465, %swap3A_466], %bitcast3A_460 {strides = array<i32>} : memref<128x64xf32, #tpu.memory_space<vmem>>, vector<16xf32>,
        %swap3A_468 = arith.index_cast %add3A_439 : i32 to index
        %swap3A_469 = arith.constant 48 : index
        %swap3A_470 = tpu.vector_load %arg12[%swap3A_468, %swap3A_469] {strides = array<i32>} : memref<128x64xf32, #tpu.memory_space<vmem>>, vector<16xf32>,
        tpu.vector_store %arg12[%swap3A_468, %swap3A_469], %bitcast3A_464 {strides = array<i32>} : memref<128x64xf32, #tpu.memory_space<vmem>>, vector<16xf32>,
        %mul3A_471 = arith.constant 4 : i32
        %mul3A_472 = arith.muli %mul3A_471, %scan3A_434 : i32
        %add3A_473 = arith.constant 1 : i32
        %add3A_474 = arith.addi %mul3A_472, %add3A_473 : i32
        %get3A_475 = arith.index_cast %add3A_474 : i32 to index
        %get3A_476 = arith.constant 0 : index
        %get3A_477 = tpu.vector_load %arg10[%get3A_475, %get3A_476] {strides = array<i32>} : memref<128x32xi32, #tpu.memory_space<vmem>>, vector<16xi32>,
        %shift_left3A_478 = arith.constant 16 : i32
        %shift_left3A_479 = vector.broadcast %shift_left3A_478 : i32 to vector<16xi32>
        %shift_left3A_480 = arith.shli %get3A_477, %shift_left3A_479 : vector<16xi32>
        %bitcast3A_481 = vector.bitcast %shift_left3A_480 : vector<16xi32> to vector<16xf32>
        %and3A_482 = arith.constant -65536 : i32
        %and3A_483 = vector.broadcast %and3A_482 : i32 to vector<16xi32>
        %and3A_484 = arith.andi %get3A_477, %and3A_483 : vector<16xi32>
        %bitcast3A_485 = vector.bitcast %and3A_484 : vector<16xi32> to vector<16xf32>
        %swap3A_486 = arith.index_cast %add3A_474 : i32 to index
        %swap3A_487 = arith.constant 0 : index
        %swap3A_488 = tpu.vector_load %arg12[%swap3A_486, %swap3A_487] {strides = array<i32>} : memref<128x64xf32, #tpu.memory_space<vmem>>, vector<16xf32>,
        tpu.vector_store %arg12[%swap3A_486, %swap3A_487], %bitcast3A_481 {strides = array<i32>} : memref<128x64xf32, #tpu.memory_space<vmem>>, vector<16xf32>,
        %swap3A_489 = arith.index_cast %add3A_474 : i32 to index
        %swap3A_490 = arith.constant 16 : index
        %swap3A_491 = tpu.vector_load %arg12[%swap3A_489, %swap3A_490] {strides = array<i32>} : memref<128x64xf32, #tpu.memory_space<vmem>>, vector<16xf32>,
        tpu.vector_store %arg12[%swap3A_489, %swap3A_490], %bitcast3A_485 {strides = array<i32>} : memref<128x64xf32, #tpu.memory_space<vmem>>, vector<16xf32>,
        %get3A_492 = arith.index_cast %add3A_474 : i32 to index
        %get3A_493 = arith.constant 16 : index
        %get3A_494 = tpu.vector_load %arg10[%get3A_492, %get3A_493] {strides = array<i32>} : memref<128x32xi32, #tpu.memory_space<vmem>>, vector<16xi32>,
        %shift_left3A_495 = arith.constant 16 : i32
        %shift_left3A_496 = vector.broadcast %shift_left3A_495 : i32 to vector<16xi32>
        %shift_left3A_497 = arith.shli %get3A_494, %shift_left3A_496 : vector<16xi32>
        %bitcast3A_498 = vector.bitcast %shift_left3A_497 : vector<16xi32> to vector<16xf32>
        %and3A_499 = arith.constant -65536 : i32
        %and3A_500 = vector.broadcast %and3A_499 : i32 to vector<16xi32>
        %and3A_501 = arith.andi %get3A_494, %and3A_500 : vector<16xi32>
        %bitcast3A_502 = vector.bitcast %and3A_501 : vector<16xi32> to vector<16xf32>
        %swap3A_503 = arith.index_cast %add3A_474 : i32 to index
        %swap3A_504 = arith.constant 32 : index
        %swap3A_505 = tpu.vector_load %arg12[%swap3A_503, %swap3A_504] {strides = array<i32>} : memref<128x64xf32, #tpu.memory_space<vmem>>, vector<16xf32>,
        tpu.vector_store %arg12[%swap3A_503, %swap3A_504], %bitcast3A_498 {strides = array<i32>} : memref<128x64xf32, #tpu.memory_space<vmem>>, vector<16xf32>,
        %swap3A_506 = arith.index_cast %add3A_474 : i32 to index
        %swap3A_507 = arith.constant 48 : index
        %swap3A_508 = tpu.vector_load %arg12[%swap3A_506, %swap3A_507] {strides = array<i32>} : memref<128x64xf32, #tpu.memory_space<vmem>>, vector<16xf32>,
        tpu.vector_store %arg12[%swap3A_506, %swap3A_507], %bitcast3A_502 {strides = array<i32>} : memref<128x64xf32, #tpu.memory_space<vmem>>, vector<16xf32>,
        %mul3A_509 = arith.constant 4 : i32
        %mul3A_510 = arith.muli %mul3A_509, %scan3A_434 : i32
        %add3A_511 = arith.constant 2 : i32
        %add3A_512 = arith.addi %mul3A_510, %add3A_511 : i32
        %get3A_513 = arith.index_cast %add3A_512 : i32 to index
        %get3A_514 = arith.constant 0 : index
        %get3A_515 = tpu.vector_load %arg10[%get3A_513, %get3A_514] {strides = array<i32>} : memref<128x32xi32, #tpu.memory_space<vmem>>, vector<16xi32>,
        %shift_left3A_516 = arith.constant 16 : i32
        %shift_left3A_517 = vector.broadcast %shift_left3A_516 : i32 to vector<16xi32>
        %shift_left3A_518 = arith.shli %get3A_515, %shift_left3A_517 : vector<16xi32>
        %bitcast3A_519 = vector.bitcast %shift_left3A_518 : vector<16xi32> to vector<16xf32>
        %and3A_520 = arith.constant -65536 : i32
        %and3A_521 = vector.broadcast %and3A_520 : i32 to vector<16xi32>
        %and3A_522 = arith.andi %get3A_515, %and3A_521 : vector<16xi32>
        %bitcast3A_523 = vector.bitcast %and3A_522 : vector<16xi32> to vector<16xf32>
        %swap3A_524 = arith.index_cast %add3A_512 : i32 to index
        %swap3A_525 = arith.constant 0 : index
        %swap3A_526 = tpu.vector_load %arg12[%swap3A_524, %swap3A_525] {strides = array<i32>} : memref<128x64xf32, #tpu.memory_space<vmem>>, vector<16xf32>,
        tpu.vector_store %arg12[%swap3A_524, %swap3A_525], %bitcast3A_519 {strides = array<i32>} : memref<128x64xf32, #tpu.memory_space<vmem>>, vector<16xf32>,
        %swap3A_527 = arith.index_cast %add3A_512 : i32 to index
        %swap3A_528 = arith.constant 16 : index
        %swap3A_529 = tpu.vector_load %arg12[%swap3A_527, %swap3A_528] {strides = array<i32>} : memref<128x64xf32, #tpu.memory_space<vmem>>, vector<16xf32>,
        tpu.vector_store %arg12[%swap3A_527, %swap3A_528], %bitcast3A_523 {strides = array<i32>} : memref<128x64xf32, #tpu.memory_space<vmem>>, vector<16xf32>,
        %get3A_530 = arith.index_cast %add3A_512 : i32 to index
        %get3A_531 = arith.constant 16 : index
        %get3A_532 = tpu.vector_load %arg10[%get3A_530, %get3A_531] {strides = array<i32>} : memref<128x32xi32, #tpu.memory_space<vmem>>, vector<16xi32>,
        %shift_left3A_533 = arith.constant 16 : i32
        %shift_left3A_534 = vector.broadcast %shift_left3A_533 : i32 to vector<16xi32>
        %shift_left3A_535 = arith.shli %get3A_532, %shift_left3A_534 : vector<16xi32>
        %bitcast3A_536 = vector.bitcast %shift_left3A_535 : vector<16xi32> to vector<16xf32>
        %and3A_537 = arith.constant -65536 : i32
        %and3A_538 = vector.broadcast %and3A_537 : i32 to vector<16xi32>
        %and3A_539 = arith.andi %get3A_532, %and3A_538 : vector<16xi32>
        %bitcast3A_540 = vector.bitcast %and3A_539 : vector<16xi32> to vector<16xf32>
        %swap3A_541 = arith.index_cast %add3A_512 : i32 to index
        %swap3A_542 = arith.constant 32 : index
        %swap3A_543 = tpu.vector_load %arg12[%swap3A_541, %swap3A_542] {strides = array<i32>} : memref<128x64xf32, #tpu.memory_space<vmem>>, vector<16xf32>,
        tpu.vector_store %arg12[%swap3A_541, %swap3A_542], %bitcast3A_536 {strides = array<i32>} : memref<128x64xf32, #tpu.memory_space<vmem>>, vector<16xf32>,
        %swap3A_544 = arith.index_cast %add3A_512 : i32 to index
        %swap3A_545 = arith.constant 48 : index
        %swap3A_546 = tpu.vector_load %arg12[%swap3A_544, %swap3A_545] {strides = array<i32>} : memref<128x64xf32, #tpu.memory_space<vmem>>, vector<16xf32>,
        tpu.vector_store %arg12[%swap3A_544, %swap3A_545], %bitcast3A_540 {strides = array<i32>} : memref<128x64xf32, #tpu.memory_space<vmem>>, vector<16xf32>,
        %mul3A_547 = arith.constant 4 : i32
        %mul3A_548 = arith.muli %mul3A_547, %scan3A_434 : i32
        %add3A_549 = arith.constant 3 : i32
        %add3A_550 = arith.addi %mul3A_548, %add3A_549 : i32
        %get3A_551 = arith.index_cast %add3A_550 : i32 to index
        %get3A_552 = arith.constant 0 : index
        %get3A_553 = tpu.vector_load %arg10[%get3A_551, %get3A_552] {strides = array<i32>} : memref<128x32xi32, #tpu.memory_space<vmem>>, vector<16xi32>,
        %shift_left3A_554 = arith.constant 16 : i32
        %shift_left3A_555 = vector.broadcast %shift_left3A_554 : i32 to vector<16xi32>
        %shift_left3A_556 = arith.shli %get3A_553, %shift_left3A_555 : vector<16xi32>
        %bitcast3A_557 = vector.bitcast %shift_left3A_556 : vector<16xi32> to vector<16xf32>
        %and3A_558 = arith.constant -65536 : i32
        %and3A_559 = vector.broadcast %and3A_558 : i32 to vector<16xi32>
        %and3A_560 = arith.andi %get3A_553, %and3A_559 : vector<16xi32>
        %bitcast3A_561 = vector.bitcast %and3A_560 : vector<16xi32> to vector<16xf32>
        %swap3A_562 = arith.index_cast %add3A_550 : i32 to index
        %swap3A_563 = arith.constant 0 : index
        %swap3A_564 = tpu.vector_load %arg12[%swap3A_562, %swap3A_563] {strides = array<i32>} : memref<128x64xf32, #tpu.memory_space<vmem>>, vector<16xf32>,
        tpu.vector_store %arg12[%swap3A_562, %swap3A_563], %bitcast3A_557 {strides = array<i32>} : memref<128x64xf32, #tpu.memory_space<vmem>>, vector<16xf32>,
        %swap3A_565 = arith.index_cast %add3A_550 : i32 to index
        %swap3A_566 = arith.constant 16 : index
        %swap3A_567 = tpu.vector_load %arg12[%swap3A_565, %swap3A_566] {strides = array<i32>} : memref<128x64xf32, #tpu.memory_space<vmem>>, vector<16xf32>,
        tpu.vector_store %arg12[%swap3A_565, %swap3A_566], %bitcast3A_561 {strides = array<i32>} : memref<128x64xf32, #tpu.memory_space<vmem>>, vector<16xf32>,
        %get3A_568 = arith.index_cast %add3A_550 : i32 to index
        %get3A_569 = arith.constant 16 : index
        %get3A_570 = tpu.vector_load %arg10[%get3A_568, %get3A_569] {strides = array<i32>} : memref<128x32xi32, #tpu.memory_space<vmem>>, vector<16xi32>,
        %shift_left3A_571 = arith.constant 16 : i32
        %shift_left3A_572 = vector.broadcast %shift_left3A_571 : i32 to vector<16xi32>
        %shift_left3A_573 = arith.shli %get3A_570, %shift_left3A_572 : vector<16xi32>
        %bitcast3A_574 = vector.bitcast %shift_left3A_573 : vector<16xi32> to vector<16xf32>
        %and3A_575 = arith.constant -65536 : i32
        %and3A_576 = vector.broadcast %and3A_575 : i32 to vector<16xi32>
        %and3A_577 = arith.andi %get3A_570, %and3A_576 : vector<16xi32>
        %bitcast3A_578 = vector.bitcast %and3A_577 : vector<16xi32> to vector<16xf32>
        %swap3A_579 = arith.index_cast %add3A_550 : i32 to index
        %swap3A_580 = arith.constant 32 : index
        %swap3A_581 = tpu.vector_load %arg12[%swap3A_579, %swap3A_580] {strides = array<i32>} : memref<128x64xf32, #tpu.memory_space<vmem>>, vector<16xf32>,
        tpu.vector_store %arg12[%swap3A_579, %swap3A_580], %bitcast3A_574 {strides = array<i32>} : memref<128x64xf32, #tpu.memory_space<vmem>>, vector<16xf32>,
        %swap3A_582 = arith.index_cast %add3A_550 : i32 to index
        %swap3A_583 = arith.constant 48 : index
        %swap3A_584 = tpu.vector_load %arg12[%swap3A_582, %swap3A_583] {strides = array<i32>} : memref<128x64xf32, #tpu.memory_space<vmem>>, vector<16xf32>,
        tpu.vector_store %arg12[%swap3A_582, %swap3A_583], %bitcast3A_578 {strides = array<i32>} : memref<128x64xf32, #tpu.memory_space<vmem>>, vector<16xf32>,
        %scan3A_585 = arith.constant 0 : i32
        scf.yield %scan3A_585 : i32
      }
      %scan3A_355 = arith.constant 32 : i32
      %dma_start3A_356 = arith.constant 0 : i32
      %dma_start3A_357 = arith.constant 0 : i32
      %dma_start3A_358 = tpu.memref_slice %arg17[%dma_start3A_356, %dma_start3A_357] : memref<10240x64xf32, #tpu.memory_space<vmem_shared>> -> memref<10240x64xf32, #tpu.memory_space<vmem_shared>>
      tpu.enqueue_indirect_dma source(%arg12 : memref<128x64xf32, #tpu.memory_space<vmem>>) target(%dma_start3A_358 : memref<10240x64xf32, #tpu.memory_space<vmem_shared>>) offsets(%arg14 : memref<128xi32, #tpu.memory_space<vmem>>) semaphore(%arg22 : memref<!tpu.dma_semaphore, #tpu.memory_space<semaphore_mem>>) {add = true}
      %mul3A_359 = arith.constant 2 : i32
      %mul3A_360 = arith.muli %mul3A_359, %scan3A_285 : i32
      %add3A_361 = arith.constant 1 : i32
      %add3A_362 = arith.addi %mul3A_360, %add3A_361 : i32
      %dma_wait3A_363 = arith.constant 0 : i32
      %dma_wait3A_364 = tpu.memref_slice %arg3[%dma_wait3A_363] : memref<327680xi32, #tpu.memory_space<hbm>> -> memref<128xi32, #tpu.memory_space<hbm>>
      %dma_wait3A_365 = arith.constant 0 : i32
      %dma_wait3A_366 = tpu.memref_slice %arg3[%dma_wait3A_365] : memref<327680xi32, #tpu.memory_space<hbm>> -> memref<128xi32, #tpu.memory_space<hbm>>
      tpu.wait_dma2 semaphore(%arg20 : memref<!tpu.dma_semaphore, #tpu.memory_space<semaphore_mem>>) src(%dma_wait3A_366 : memref<128xi32, #tpu.memory_space<hbm>>) dst(%arg6 : memref<128xi32, #tpu.memory_space<vmem>>)
      %dma_wait3A_367 = arith.constant 0 : i32
      %dma_wait3A_368 = tpu.memref_slice %arg4[%dma_wait3A_367] : memref<327680xi32, #tpu.memory_space<hbm>> -> memref<128xi32, #tpu.memory_space<hbm>>
      %dma_wait3A_369 = arith.constant 0 : i32
      %dma_wait3A_370 = tpu.memref_slice %arg4[%dma_wait3A_369] : memref<327680xi32, #tpu.memory_space<hbm>> -> memref<128xi32, #tpu.memory_space<hbm>>
      tpu.wait_dma2 semaphore(%arg20 : memref<!tpu.dma_semaphore, #tpu.memory_space<semaphore_mem>>) src(%dma_wait3A_370 : memref<128xi32, #tpu.memory_space<hbm>>) dst(%arg8 : memref<128xi32, #tpu.memory_space<vmem>>)
      %dma_start3A_371 = arith.constant 0 : i32
      %dma_start3A_372 = arith.constant 0 : i32
      %dma_start3A_373 = tpu.memref_slice %arg2[%dma_start3A_371, %dma_start3A_372] : memref<10000x32xi32, #tpu.memory_space<hbm>> -> memref<10000x32xi32, #tpu.memory_space<hbm>>
      tpu.enqueue_indirect_dma source(%dma_start3A_373 : memref<10000x32xi32, #tpu.memory_space<hbm>>) target(%arg10 : memref<128x32xi32, #tpu.memory_space<vmem>>) offsets(%arg6 : memref<128xi32, #tpu.memory_space<vmem>>) semaphore(%arg18 : memref<!tpu.dma_semaphore, #tpu.memory_space<semaphore_mem>>)
      %dma_wait3A_374 = arith.constant 0 : i32
      %dma_wait3A_375 = arith.constant 0 : i32
      %dma_wait3A_376 = tpu.memref_slice %arg2[%dma_wait3A_374, %dma_wait3A_375] : memref<10000x32xi32, #tpu.memory_space<hbm>> -> memref<10000x32xi32, #tpu.memory_space<hbm>>
      tpu.wait_indirect_dma semaphore(%arg19 : memref<!tpu.dma_semaphore, #tpu.memory_space<semaphore_mem>>) src(%dma_wait3A_376 : memref<10000x32xi32, #tpu.memory_space<hbm>>) dst(%arg11 : memref<128x32xi32, #tpu.memory_space<vmem>>)
      %dma_wait3A_377 = arith.constant 0 : i32
      %dma_wait3A_378 = arith.constant 0 : i32
      %dma_wait3A_379 = tpu.memref_slice %arg17[%dma_wait3A_377, %dma_wait3A_378] : memref<10240x64xf32, #tpu.memory_space<vmem_shared>> -> memref<10240x64xf32, #tpu.memory_space<vmem_shared>>
      tpu.wait_indirect_dma semaphore(%arg23 : memref<!tpu.dma_semaphore, #tpu.memory_space<semaphore_mem>>) src(%arg13 : memref<128x64xf32, #tpu.memory_space<vmem>>) dst(%dma_wait3A_379 : memref<10240x64xf32, #tpu.memory_space<vmem_shared>>)
      %get3A_380 = arith.constant 0 : index
      %get3A_381 = tpu.vector_load %arg9[%get3A_380] {strides = array<i32>} : memref<128xi32, #tpu.memory_space<vmem>>, vector<16xi32>,
      %swap3A_382 = arith.constant 0 : index
      %swap3A_383 = tpu.vector_load %arg15[%swap3A_382] {strides = array<i32>} : memref<128xi32, #tpu.memory_space<vmem>>, vector<16xi32>,
      tpu.vector_store %arg15[%swap3A_382], %get3A_381 {strides = array<i32>} : memref<128xi32, #tpu.memory_space<vmem>>, vector<16xi32>,
      %get3A_384 = arith.constant 16 : index
      %get3A_385 = tpu.vector_load %arg9[%get3A_384] {strides = array<i32>} : memref<128xi32, #tpu.memory_space<vmem>>, vector<16xi32>,
      %swap3A_386 = arith.constant 16 : index
      %swap3A_387 = tpu.vector_load %arg15[%swap3A_386] {strides = array<i32>} : memref<128xi32, #tpu.memory_space<vmem>>, vector<16xi32>,
      tpu.vector_store %arg15[%swap3A_386], %get3A_385 {strides = array<i32>} : memref<128xi32, #tpu.memory_space<vmem>>, vector<16xi32>,
      %get3A_388 = arith.constant 32 : index
      %get3A_389 = tpu.vector_load %arg9[%get3A_388] {strides = array<i32>} : memref<128xi32, #tpu.memory_space<vmem>>, vector<16xi32>,
      %swap3A_390 = arith.constant 32 : index
      %swap3A_391 = tpu.vector_load %arg15[%swap3A_390] {strides = array<i32>} : memref<128xi32, #tpu.memory_space<vmem>>, vector<16xi32>,
      tpu.vector_store %arg15[%swap3A_390], %get3A_389 {strides = array<i32>} : memref<128xi32, #tpu.memory_space<vmem>>, vector<16xi32>,
      %get3A_392 = arith.constant 48 : index
      %get3A_393 = tpu.vector_load %arg9[%get3A_392] {strides = array<i32>} : memref<128xi32, #tpu.memory_space<vmem>>, vector<16xi32>,
      %swap3A_394 = arith.constant 48 : index
      %swap3A_395 = tpu.vector_load %arg15[%swap3A_394] {strides = array<i32>} : memref<128xi32, #tpu.memory_space<vmem>>, vector<16xi32>,
      tpu.vector_store %arg15[%swap3A_394], %get3A_393 {strides = array<i32>} : memref<128xi32, #tpu.memory_space<vmem>>, vector<16xi32>,
      %get3A_396 = arith.constant 64 : index
      %get3A_397 = tpu.vector_load %arg9[%get3A_396] {strides = array<i32>} : memref<128xi32, #tpu.memory_space<vmem>>, vector<16xi32>,
      %swap3A_398 = arith.constant 64 : index
      %swap3A_399 = tpu.vector_load %arg15[%swap3A_398] {strides = array<i32>} : memref<128xi32, #tpu.memory_space<vmem>>, vector<16xi32>,
      tpu.vector_store %arg15[%swap3A_398], %get3A_397 {strides = array<i32>} : memref<128xi32, #tpu.memory_space<vmem>>, vector<16xi32>,
      %get3A_400 = arith.constant 80 : index
      %get3A_401 = tpu.vector_load %arg9[%get3A_400] {strides = array<i32>} : memref<128xi32, #tpu.memory_space<vmem>>, vector<16xi32>,
      %swap3A_402 = arith.constant 80 : index
      %swap3A_403 = tpu.vector_load %arg15[%swap3A_402] {strides = array<i32>} : memref<128xi32, #tpu.memory_space<vmem>>, vector<16xi32>,
      tpu.vector_store %arg15[%swap3A_402], %get3A_401 {strides = array<i32>} : memref<128xi32, #tpu.memory_space<vmem>>, vector<16xi32>,
      %get3A_404 = arith.constant 96 : index
      %get3A_405 = tpu.vector_load %arg9[%get3A_404] {strides = array<i32>} : memref<128xi32, #tpu.memory_space<vmem>>, vector<16xi32>,
      %swap3A_406 = arith.constant 96 : index
      %swap3A_407 = tpu.vector_load %arg15[%swap3A_406] {strides = array<i32>} : memref<128xi32, #tpu.memory_space<vmem>>, vector<16xi32>,
      tpu.vector_store %arg15[%swap3A_406], %get3A_405 {strides = array<i32>} : memref<128xi32, #tpu.memory_space<vmem>>, vector<16xi32>,
      %get3A_408 = arith.constant 112 : index
      %get3A_409 = tpu.vector_load %arg9[%get3A_408] {strides = array<i32>} : memref<128xi32, #tpu.memory_space<vmem>>, vector<16xi32>,
      %swap3A_410 = arith.constant 112 : index
      %swap3A_411 = tpu.vector_load %arg15[%swap3A_410] {strides = array<i32>} : memref<128xi32, #tpu.memory_space<vmem>>, vector<16xi32>,
      tpu.vector_store %arg15[%swap3A_410], %get3A_409 {strides = array<i32>} : memref<128xi32, #tpu.memory_space<vmem>>, vector<16xi32>,
      %add3A_412 = arith.constant 2 : i32
      %add3A_413 = arith.addi %add3A_362, %add3A_412 : i32
      %mul3A_414 = arith.constant 10240 : i32
      %mul3A_415 = arith.muli %add3A, %mul3A_414 : i32
      %mul3A_416 = arith.constant 128 : i32
      %mul3A_417 = arith.muli %add3A_413, %mul3A_416 : i32
      %add3A_418 = arith.addi %mul3A_415, %mul3A_417 : i32
      %dma_start3A_419 = tpu.memref_slice %arg3[%add3A_418] : memref<327680xi32, #tpu.memory_space<hbm>> -> memref<128xi32, #tpu.memory_space<hbm>>
      %dma_start3A_420 = tpu.memref_slice %arg3[%add3A_418] : memref<327680xi32, #tpu.memory_space<hbm>> -> memref<128xi32, #tpu.memory_space<hbm>>
      tpu.enqueue_dma source(%dma_start3A_420 : memref<128xi32, #tpu.memory_space<hbm>>) target(%arg7 : memref<128xi32, #tpu.memory_space<vmem>>) target_semaphore(%arg21 : memref<!tpu.dma_semaphore, #tpu.memory_space<semaphore_mem>>)
      %dma_start3A_421 = tpu.memref_slice %arg4[%add3A_418] : memref<327680xi32, #tpu.memory_space<hbm>> -> memref<128xi32, #tpu.memory_space<hbm>>
      %dma_start3A_422 = tpu.memref_slice %arg4[%add3A_418] : memref<327680xi32, #tpu.memory_space<hbm>> -> memref<128xi32, #tpu.memory_space<hbm>>
      tpu.enqueue_dma source(%dma_start3A_422 : memref<128xi32, #tpu.memory_space<hbm>>) target(%arg9 : memref<128xi32, #tpu.memory_space<vmem>>) target_semaphore(%arg21 : memref<!tpu.dma_semaphore, #tpu.memory_space<semaphore_mem>>)
      %scan3A_423 = arith.constant 0 : i32
      %scan3A_424 = arith.constant 0 : i32
      %scan3A_425 = arith.constant 32 : i32
      %scan3A_426 = arith.addi %scan3A_424, %scan3A_425 : i32
      %scan3A_427 = arith.constant 1 : i32
      %scan3A_428 = scf.for %scan3A_434 = %scan3A_424 to %scan3A_426 step %scan3A_427 iter_args(%scan3A_435 = %scan3A_423) -> (i32)  : i32 {
        %mul3A_436 = arith.constant 4 : i32
        %mul3A_437 = arith.muli %mul3A_436, %scan3A_434 : i32
        %add3A_438 = arith.constant 0 : i32
        %add3A_439 = arith.addi %mul3A_437, %add3A_438 : i32
        %get3A_440 = arith.index_cast %add3A_439 : i32 to index
        %get3A_441 = arith.constant 0 : index
        %get3A_442 = tpu.vector_load %arg11[%get3A_440, %get3A_441] {strides = array<i32>} : memref<128x32xi32, #tpu.memory_space<vmem>>, vector<16xi32>,
        %shift_left3A = arith.constant 16 : i32
        %shift_left3A_443 = vector.broadcast %shift_left3A : i32 to vector<16xi32>
        %shift_left3A_444 = arith.shli %get3A_442, %shift_left3A_443 : vector<16xi32>
        %bitcast3A = vector.bitcast %shift_left3A_444 : vector<16xi32> to vector<16xf32>
        %and3A = arith.constant -65536 : i32
        %and3A_445 = vector.broadcast %and3A : i32 to vector<16xi32>
        %and3A_446 = arith.andi %get3A_442, %and3A_445 : vector<16xi32>
        %bitcast3A_447 = vector.bitcast %and3A_446 : vector<16xi32> to vector<16xf32>
        %swap3A_448 = arith.index_cast %add3A_439 : i32 to index
        %swap3A_449 = arith.constant 0 : index
        %swap3A_450 = tpu.vector_load %arg13[%swap3A_448, %swap3A_449] {strides = array<i32>} : memref<128x64xf32, #tpu.memory_space<vmem>>, vector<16xf32>,
        tpu.vector_store %arg13[%swap3A_448, %swap3A_449], %bitcast3A {strides = array<i32>} : memref<128x64xf32, #tpu.memory_space<vmem>>, vector<16xf32>,
        %swap3A_451 = arith.index_cast %add3A_439 : i32 to index
        %swap3A_452 = arith.constant 16 : index
        %swap3A_453 = tpu.vector_load %arg13[%swap3A_451, %swap3A_452] {strides = array<i32>} : memref<128x64xf32, #tpu.memory_space<vmem>>, vector<16xf32>,
        tpu.vector_store %arg13[%swap3A_451, %swap3A_452], %bitcast3A_447 {strides = array<i32>} : memref<128x64xf32, #tpu.memory_space<vmem>>, vector<16xf32>,
        %get3A_454 = arith.index_cast %add3A_439 : i32 to index
        %get3A_455 = arith.constant 16 : index
        %get3A_456 = tpu.vector_load %arg11[%get3A_454, %get3A_455] {strides = array<i32>} : memref<128x32xi32, #tpu.memory_space<vmem>>, vector<16xi32>,
        %shift_left3A_457 = arith.constant 16 : i32
        %shift_left3A_458 = vector.broadcast %shift_left3A_457 : i32 to vector<16xi32>
        %shift_left3A_459 = arith.shli %get3A_456, %shift_left3A_458 : vector<16xi32>
        %bitcast3A_460 = vector.bitcast %shift_left3A_459 : vector<16xi32> to vector<16xf32>
        %and3A_461 = arith.constant -65536 : i32
        %and3A_462 = vector.broadcast %and3A_461 : i32 to vector<16xi32>
        %and3A_463 = arith.andi %get3A_456, %and3A_462 : vector<16xi32>
        %bitcast3A_464 = vector.bitcast %and3A_463 : vector<16xi32> to vector<16xf32>
        %swap3A_465 = arith.index_cast %add3A_439 : i32 to index
        %swap3A_466 = arith.constant 32 : index
        %swap3A_467 = tpu.vector_load %arg13[%swap3A_465, %swap3A_466] {strides = array<i32>} : memref<128x64xf32, #tpu.memory_space<vmem>>, vector<16xf32>,
        tpu.vector_store %arg13[%swap3A_465, %swap3A_466], %bitcast3A_460 {strides = array<i32>} : memref<128x64xf32, #tpu.memory_space<vmem>>, vector<16xf32>,
        %swap3A_468 = arith.index_cast %add3A_439 : i32 to index
        %swap3A_469 = arith.constant 48 : index
        %swap3A_470 = tpu.vector_load %arg13[%swap3A_468, %swap3A_469] {strides = array<i32>} : memref<128x64xf32, #tpu.memory_space<vmem>>, vector<16xf32>,
        tpu.vector_store %arg13[%swap3A_468, %swap3A_469], %bitcast3A_464 {strides = array<i32>} : memref<128x64xf32, #tpu.memory_space<vmem>>, vector<16xf32>,
        %mul3A_471 = arith.constant 4 : i32
        %mul3A_472 = arith.muli %mul3A_471, %scan3A_434 : i32
        %add3A_473 = arith.constant 1 : i32
        %add3A_474 = arith.addi %mul3A_472, %add3A_473 : i32
        %get3A_475 = arith.index_cast %add3A_474 : i32 to index
        %get3A_476 = arith.constant 0 : index
        %get3A_477 = tpu.vector_load %arg11[%get3A_475, %get3A_476] {strides = array<i32>} : memref<128x32xi32, #tpu.memory_space<vmem>>, vector<16xi32>,
        %shift_left3A_478 = arith.constant 16 : i32
        %shift_left3A_479 = vector.broadcast %shift_left3A_478 : i32 to vector<16xi32>
        %shift_left3A_480 = arith.shli %get3A_477, %shift_left3A_479 : vector<16xi32>
        %bitcast3A_481 = vector.bitcast %shift_left3A_480 : vector<16xi32> to vector<16xf32>
        %and3A_482 = arith.constant -65536 : i32
        %and3A_483 = vector.broadcast %and3A_482 : i32 to vector<16xi32>
        %and3A_484 = arith.andi %get3A_477, %and3A_483 : vector<16xi32>
        %bitcast3A_485 = vector.bitcast %and3A_484 : vector<16xi32> to vector<16xf32>
        %swap3A_486 = arith.index_cast %add3A_474 : i32 to index
        %swap3A_487 = arith.constant 0 : index
        %swap3A_488 = tpu.vector_load %arg13[%swap3A_486, %swap3A_487] {strides = array<i32>} : memref<128x64xf32, #tpu.memory_space<vmem>>, vector<16xf32>,
        tpu.vector_store %arg13[%swap3A_486, %swap3A_487], %bitcast3A_481 {strides = array<i32>} : memref<128x64xf32, #tpu.memory_space<vmem>>, vector<16xf32>,
        %swap3A_489 = arith.index_cast %add3A_474 : i32 to index
        %swap3A_490 = arith.constant 16 : index
        %swap3A_491 = tpu.vector_load %arg13[%swap3A_489, %swap3A_490] {strides = array<i32>} : memref<128x64xf32, #tpu.memory_space<vmem>>, vector<16xf32>,
        tpu.vector_store %arg13[%swap3A_489, %swap3A_490], %bitcast3A_485 {strides = array<i32>} : memref<128x64xf32, #tpu.memory_space<vmem>>, vector<16xf32>,
        %get3A_492 = arith.index_cast %add3A_474 : i32 to index
        %get3A_493 = arith.constant 16 : index
        %get3A_494 = tpu.vector_load %arg11[%get3A_492, %get3A_493] {strides = array<i32>} : memref<128x32xi32, #tpu.memory_space<vmem>>, vector<16xi32>,
        %shift_left3A_495 = arith.constant 16 : i32
        %shift_left3A_496 = vector.broadcast %shift_left3A_495 : i32 to vector<16xi32>
        %shift_left3A_497 = arith.shli %get3A_494, %shift_left3A_496 : vector<16xi32>
        %bitcast3A_498 = vector.bitcast %shift_left3A_497 : vector<16xi32> to vector<16xf32>
        %and3A_499 = arith.constant -65536 : i32
        %and3A_500 = vector.broadcast %and3A_499 : i32 to vector<16xi32>
        %and3A_501 = arith.andi %get3A_494, %and3A_500 : vector<16xi32>
        %bitcast3A_502 = vector.bitcast %and3A_501 : vector<16xi32> to vector<16xf32>
        %swap3A_503 = arith.index_cast %add3A_474 : i32 to index
        %swap3A_504 = arith.constant 32 : index
        %swap3A_505 = tpu.vector_load %arg13[%swap3A_503, %swap3A_504] {strides = array<i32>} : memref<128x64xf32, #tpu.memory_space<vmem>>, vector<16xf32>,
        tpu.vector_store %arg13[%swap3A_503, %swap3A_504], %bitcast3A_498 {strides = array<i32>} : memref<128x64xf32, #tpu.memory_space<vmem>>, vector<16xf32>,
        %swap3A_506 = arith.index_cast %add3A_474 : i32 to index
        %swap3A_507 = arith.constant 48 : index
        %swap3A_508 = tpu.vector_load %arg13[%swap3A_506, %swap3A_507] {strides = array<i32>} : memref<128x64xf32, #tpu.memory_space<vmem>>, vector<16xf32>,
        tpu.vector_store %arg13[%swap3A_506, %swap3A_507], %bitcast3A_502 {strides = array<i32>} : memref<128x64xf32, #tpu.memory_space<vmem>>, vector<16xf32>,
        %mul3A_509 = arith.constant 4 : i32
        %mul3A_510 = arith.muli %mul3A_509, %scan3A_434 : i32
        %add3A_511 = arith.constant 2 : i32
        %add3A_512 = arith.addi %mul3A_510, %add3A_511 : i32
        %get3A_513 = arith.index_cast %add3A_512 : i32 to index
        %get3A_514 = arith.constant 0 : index
        %get3A_515 = tpu.vector_load %arg11[%get3A_513, %get3A_514] {strides = array<i32>} : memref<128x32xi32, #tpu.memory_space<vmem>>, vector<16xi32>,
        %shift_left3A_516 = arith.constant 16 : i32
        %shift_left3A_517 = vector.broadcast %shift_left3A_516 : i32 to vector<16xi32>
        %shift_left3A_518 = arith.shli %get3A_515, %shift_left3A_517 : vector<16xi32>
        %bitcast3A_519 = vector.bitcast %shift_left3A_518 : vector<16xi32> to vector<16xf32>
        %and3A_520 = arith.constant -65536 : i32
        %and3A_521 = vector.broadcast %and3A_520 : i32 to vector<16xi32>
        %and3A_522 = arith.andi %get3A_515, %and3A_521 : vector<16xi32>
        %bitcast3A_523 = vector.bitcast %and3A_522 : vector<16xi32> to vector<16xf32>
        %swap3A_524 = arith.index_cast %add3A_512 : i32 to index
        %swap3A_525 = arith.constant 0 : index
        %swap3A_526 = tpu.vector_load %arg13[%swap3A_524, %swap3A_525] {strides = array<i32>} : memref<128x64xf32, #tpu.memory_space<vmem>>, vector<16xf32>,
        tpu.vector_store %arg13[%swap3A_524, %swap3A_525], %bitcast3A_519 {strides = array<i32>} : memref<128x64xf32, #tpu.memory_space<vmem>>, vector<16xf32>,
        %swap3A_527 = arith.index_cast %add3A_512 : i32 to index
        %swap3A_528 = arith.constant 16 : index
        %swap3A_529 = tpu.vector_load %arg13[%swap3A_527, %swap3A_528] {strides = array<i32>} : memref<128x64xf32, #tpu.memory_space<vmem>>, vector<16xf32>,
        tpu.vector_store %arg13[%swap3A_527, %swap3A_528], %bitcast3A_523 {strides = array<i32>} : memref<128x64xf32, #tpu.memory_space<vmem>>, vector<16xf32>,
        %get3A_530 = arith.index_cast %add3A_512 : i32 to index
        %get3A_531 = arith.constant 16 : index
        %get3A_532 = tpu.vector_load %arg11[%get3A_530, %get3A_531] {strides = array<i32>} : memref<128x32xi32, #tpu.memory_space<vmem>>, vector<16xi32>,
        %shift_left3A_533 = arith.constant 16 : i32
        %shift_left3A_534 = vector.broadcast %shift_left3A_533 : i32 to vector<16xi32>
        %shift_left3A_535 = arith.shli %get3A_532, %shift_left3A_534 : vector<16xi32>
        %bitcast3A_536 = vector.bitcast %shift_left3A_535 : vector<16xi32> to vector<16xf32>
        %and3A_537 = arith.constant -65536 : i32
        %and3A_538 = vector.broadcast %and3A_537 : i32 to vector<16xi32>
        %and3A_539 = arith.andi %get3A_532, %and3A_538 : vector<16xi32>
        %bitcast3A_540 = vector.bitcast %and3A_539 : vector<16xi32> to vector<16xf32>
        %swap3A_541 = arith.index_cast %add3A_512 : i32 to index
        %swap3A_542 = arith.constant 32 : index
        %swap3A_543 = tpu.vector_load %arg13[%swap3A_541, %swap3A_542] {strides = array<i32>} : memref<128x64xf32, #tpu.memory_space<vmem>>, vector<16xf32>,
        tpu.vector_store %arg13[%swap3A_541, %swap3A_542], %bitcast3A_536 {strides = array<i32>} : memref<128x64xf32, #tpu.memory_space<vmem>>, vector<16xf32>,
        %swap3A_544 = arith.index_cast %add3A_512 : i32 to index
        %swap3A_545 = arith.constant 48 : index
        %swap3A_546 = tpu.vector_load %arg13[%swap3A_544, %swap3A_545] {strides = array<i32>} : memref<128x64xf32, #tpu.memory_space<vmem>>, vector<16xf32>,
        tpu.vector_store %arg13[%swap3A_544, %swap3A_545], %bitcast3A_540 {strides = array<i32>} : memref<128x64xf32, #tpu.memory_space<vmem>>, vector<16xf32>,
        %mul3A_547 = arith.constant 4 : i32
        %mul3A_548 = arith.muli %mul3A_547, %scan3A_434 : i32
        %add3A_549 = arith.constant 3 : i32
        %add3A_550 = arith.addi %mul3A_548, %add3A_549 : i32
        %get3A_551 = arith.index_cast %add3A_550 : i32 to index
        %get3A_552 = arith.constant 0 : index
        %get3A_553 = tpu.vector_load %arg11[%get3A_551, %get3A_552] {strides = array<i32>} : memref<128x32xi32, #tpu.memory_space<vmem>>, vector<16xi32>,
        %shift_left3A_554 = arith.constant 16 : i32
        %shift_left3A_555 = vector.broadcast %shift_left3A_554 : i32 to vector<16xi32>
        %shift_left3A_556 = arith.shli %get3A_553, %shift_left3A_555 : vector<16xi32>
        %bitcast3A_557 = vector.bitcast %shift_left3A_556 : vector<16xi32> to vector<16xf32>
        %and3A_558 = arith.constant -65536 : i32
        %and3A_559 = vector.broadcast %and3A_558 : i32 to vector<16xi32>
        %and3A_560 = arith.andi %get3A_553, %and3A_559 : vector<16xi32>
        %bitcast3A_561 = vector.bitcast %and3A_560 : vector<16xi32> to vector<16xf32>
        %swap3A_562 = arith.index_cast %add3A_550 : i32 to index
        %swap3A_563 = arith.constant 0 : index
        %swap3A_564 = tpu.vector_load %arg13[%swap3A_562, %swap3A_563] {strides = array<i32>} : memref<128x64xf32, #tpu.memory_space<vmem>>, vector<16xf32>,
        tpu.vector_store %arg13[%swap3A_562, %swap3A_563], %bitcast3A_557 {strides = array<i32>} : memref<128x64xf32, #tpu.memory_space<vmem>>, vector<16xf32>,
        %swap3A_565 = arith.index_cast %add3A_550 : i32 to index
        %swap3A_566 = arith.constant 16 : index
        %swap3A_567 = tpu.vector_load %arg13[%swap3A_565, %swap3A_566] {strides = array<i32>} : memref<128x64xf32, #tpu.memory_space<vmem>>, vector<16xf32>,
        tpu.vector_store %arg13[%swap3A_565, %swap3A_566], %bitcast3A_561 {strides = array<i32>} : memref<128x64xf32, #tpu.memory_space<vmem>>, vector<16xf32>,
        %get3A_568 = arith.index_cast %add3A_550 : i32 to index
        %get3A_569 = arith.constant 16 : index
        %get3A_570 = tpu.vector_load %arg11[%get3A_568, %get3A_569] {strides = array<i32>} : memref<128x32xi32, #tpu.memory_space<vmem>>, vector<16xi32>,
        %shift_left3A_571 = arith.constant 16 : i32
        %shift_left3A_572 = vector.broadcast %shift_left3A_571 : i32 to vector<16xi32>
        %shift_left3A_573 = arith.shli %get3A_570, %shift_left3A_572 : vector<16xi32>
        %bitcast3A_574 = vector.bitcast %shift_left3A_573 : vector<16xi32> to vector<16xf32>
        %and3A_575 = arith.constant -65536 : i32
        %and3A_576 = vector.broadcast %and3A_575 : i32 to vector<16xi32>
        %and3A_577 = arith.andi %get3A_570, %and3A_576 : vector<16xi32>
        %bitcast3A_578 = vector.bitcast %and3A_577 : vector<16xi32> to vector<16xf32>
        %swap3A_579 = arith.index_cast %add3A_550 : i32 to index
        %swap3A_580 = arith.constant 32 : index
        %swap3A_581 = tpu.vector_load %arg13[%swap3A_579, %swap3A_580] {strides = array<i32>} : memref<128x64xf32, #tpu.memory_space<vmem>>, vector<16xf32>,
        tpu.vector_store %arg13[%swap3A_579, %swap3A_580], %bitcast3A_574 {strides = array<i32>} : memref<128x64xf32, #tpu.memory_space<vmem>>, vector<16xf32>,
        %swap3A_582 = arith.index_cast %add3A_550 : i32 to index
        %swap3A_583 = arith.constant 48 : index
        %swap3A_584 = tpu.vector_load %arg13[%swap3A_582, %swap3A_583] {strides = array<i32>} : memref<128x64xf32, #tpu.memory_space<vmem>>, vector<16xf32>,
        tpu.vector_store %arg13[%swap3A_582, %swap3A_583], %bitcast3A_578 {strides = array<i32>} : memref<128x64xf32, #tpu.memory_space<vmem>>, vector<16xf32>,
        %scan3A_585 = arith.constant 0 : i32
        scf.yield %scan3A_585 : i32
      }
      %scan3A_429 = arith.constant 32 : i32
      %dma_start3A_430 = arith.constant 0 : i32
      %dma_start3A_431 = arith.constant 0 : i32
      %dma_start3A_432 = tpu.memref_slice %arg17[%dma_start3A_430, %dma_start3A_431] : memref<10240x64xf32, #tpu.memory_space<vmem_shared>> -> memref<10240x64xf32, #tpu.memory_space<vmem_shared>>
      tpu.enqueue_indirect_dma source(%arg13 : memref<128x64xf32, #tpu.memory_space<vmem>>) target(%dma_start3A_432 : memref<10240x64xf32, #tpu.memory_space<vmem_shared>>) offsets(%arg15 : memref<128xi32, #tpu.memory_space<vmem>>) semaphore(%arg23 : memref<!tpu.dma_semaphore, #tpu.memory_space<semaphore_mem>>) {add = true}
      %scan3A_433 = arith.constant 0 : i32
      scf.yield %scan3A_433 : i32
    }
    %scan3A_166 = arith.constant 38 : i32
    %dma_wait3A_167 = arith.constant 0 : i32
    %dma_wait3A_168 = tpu.memref_slice %arg3[%dma_wait3A_167] : memref<327680xi32, #tpu.memory_space<hbm>> -> memref<128xi32, #tpu.memory_space<hbm>>
    %dma_wait3A_169 = arith.constant 0 : i32
    %dma_wait3A_170 = tpu.memref_slice %arg3[%dma_wait3A_169] : memref<327680xi32, #tpu.memory_space<hbm>> -> memref<128xi32, #tpu.memory_space<hbm>>
    tpu.wait_dma2 semaphore(%arg21 : memref<!tpu.dma_semaphore, #tpu.memory_space<semaphore_mem>>) src(%dma_wait3A_170 : memref<128xi32, #tpu.memory_space<hbm>>) dst(%arg7 : memref<128xi32, #tpu.memory_space<vmem>>)
    %dma_wait3A_171 = arith.constant 0 : i32
    %dma_wait3A_172 = tpu.memref_slice %arg4[%dma_wait3A_171] : memref<327680xi32, #tpu.memory_space<hbm>> -> memref<128xi32, #tpu.memory_space<hbm>>
    %dma_wait3A_173 = arith.constant 0 : i32
    %dma_wait3A_174 = tpu.memref_slice %arg4[%dma_wait3A_173] : memref<327680xi32, #tpu.memory_space<hbm>> -> memref<128xi32, #tpu.memory_space<hbm>>
    tpu.wait_dma2 semaphore(%arg21 : memref<!tpu.dma_semaphore, #tpu.memory_space<semaphore_mem>>) src(%dma_wait3A_174 : memref<128xi32, #tpu.memory_space<hbm>>) dst(%arg9 : memref<128xi32, #tpu.memory_space<vmem>>)
    %dma_start3A_175 = arith.constant 0 : i32
    %dma_start3A_176 = arith.constant 0 : i32
    %dma_start3A_177 = tpu.memref_slice %arg2[%dma_start3A_175, %dma_start3A_176] : memref<10000x32xi32, #tpu.memory_space<hbm>> -> memref<10000x32xi32, #tpu.memory_space<hbm>>
    tpu.enqueue_indirect_dma source(%dma_start3A_177 : memref<10000x32xi32, #tpu.memory_space<hbm>>) target(%arg11 : memref<128x32xi32, #tpu.memory_space<vmem>>) offsets(%arg7 : memref<128xi32, #tpu.memory_space<vmem>>) semaphore(%arg19 : memref<!tpu.dma_semaphore, #tpu.memory_space<semaphore_mem>>)
    %dma_wait3A_178 = arith.constant 0 : i32
    %dma_wait3A_179 = arith.constant 0 : i32
    %dma_wait3A_180 = tpu.memref_slice %arg2[%dma_wait3A_178, %dma_wait3A_179] : memref<10000x32xi32, #tpu.memory_space<hbm>> -> memref<10000x32xi32, #tpu.memory_space<hbm>>
    tpu.wait_indirect_dma semaphore(%arg18 : memref<!tpu.dma_semaphore, #tpu.memory_space<semaphore_mem>>) src(%dma_wait3A_180 : memref<10000x32xi32, #tpu.memory_space<hbm>>) dst(%arg10 : memref<128x32xi32, #tpu.memory_space<vmem>>)
    %dma_wait3A_181 = arith.constant 0 : i32
    %dma_wait3A_182 = arith.constant 0 : i32
    %dma_wait3A_183 = tpu.memref_slice %arg17[%dma_wait3A_181, %dma_wait3A_182] : memref<10240x64xf32, #tpu.memory_space<vmem_shared>> -> memref<10240x64xf32, #tpu.memory_space<vmem_shared>>
    tpu.wait_indirect_dma semaphore(%arg22 : memref<!tpu.dma_semaphore, #tpu.memory_space<semaphore_mem>>) src(%arg12 : memref<128x64xf32, #tpu.memory_space<vmem>>) dst(%dma_wait3A_183 : memref<10240x64xf32, #tpu.memory_space<vmem_shared>>)
    %get3A_184 = arith.constant 0 : index
    %get3A_185 = tpu.vector_load %arg8[%get3A_184] {strides = array<i32>} : memref<128xi32, #tpu.memory_space<vmem>>, vector<16xi32>,
    %swap3A_186 = arith.constant 0 : index
    %swap3A_187 = tpu.vector_load %arg14[%swap3A_186] {strides = array<i32>} : memref<128xi32, #tpu.memory_space<vmem>>, vector<16xi32>,
    tpu.vector_store %arg14[%swap3A_186], %get3A_185 {strides = array<i32>} : memref<128xi32, #tpu.memory_space<vmem>>, vector<16xi32>,
    %get3A_188 = arith.constant 16 : index
    %get3A_189 = tpu.vector_load %arg8[%get3A_188] {strides = array<i32>} : memref<128xi32, #tpu.memory_space<vmem>>, vector<16xi32>,
    %swap3A_190 = arith.constant 16 : index
    %swap3A_191 = tpu.vector_load %arg14[%swap3A_190] {strides = array<i32>} : memref<128xi32, #tpu.memory_space<vmem>>, vector<16xi32>,
    tpu.vector_store %arg14[%swap3A_190], %get3A_189 {strides = array<i32>} : memref<128xi32, #tpu.memory_space<vmem>>, vector<16xi32>,
    %get3A_192 = arith.constant 32 : index
    %get3A_193 = tpu.vector_load %arg8[%get3A_192] {strides = array<i32>} : memref<128xi32, #tpu.memory_space<vmem>>, vector<16xi32>,
    %swap3A_194 = arith.constant 32 : index
    %swap3A_195 = tpu.vector_load %arg14[%swap3A_194] {strides = array<i32>} : memref<128xi32, #tpu.memory_space<vmem>>, vector<16xi32>,
    tpu.vector_store %arg14[%swap3A_194], %get3A_193 {strides = array<i32>} : memref<128xi32, #tpu.memory_space<vmem>>, vector<16xi32>,
    %get3A_196 = arith.constant 48 : index
    %get3A_197 = tpu.vector_load %arg8[%get3A_196] {strides = array<i32>} : memref<128xi32, #tpu.memory_space<vmem>>, vector<16xi32>,
    %swap3A_198 = arith.constant 48 : index
    %swap3A_199 = tpu.vector_load %arg14[%swap3A_198] {strides = array<i32>} : memref<128xi32, #tpu.memory_space<vmem>>, vector<16xi32>,
    tpu.vector_store %arg14[%swap3A_198], %get3A_197 {strides = array<i32>} : memref<128xi32, #tpu.memory_space<vmem>>, vector<16xi32>,
    %get3A_200 = arith.constant 64 : index
    %get3A_201 = tpu.vector_load %arg8[%get3A_200] {strides = array<i32>} : memref<128xi32, #tpu.memory_space<vmem>>, vector<16xi32>,
    %swap3A_202 = arith.constant 64 : index
    %swap3A_203 = tpu.vector_load %arg14[%swap3A_202] {strides = array<i32>} : memref<128xi32, #tpu.memory_space<vmem>>, vector<16xi32>,
    tpu.vector_store %arg14[%swap3A_202], %get3A_201 {strides = array<i32>} : memref<128xi32, #tpu.memory_space<vmem>>, vector<16xi32>,
    %get3A_204 = arith.constant 80 : index
    %get3A_205 = tpu.vector_load %arg8[%get3A_204] {strides = array<i32>} : memref<128xi32, #tpu.memory_space<vmem>>, vector<16xi32>,
    %swap3A_206 = arith.constant 80 : index
    %swap3A_207 = tpu.vector_load %arg14[%swap3A_206] {strides = array<i32>} : memref<128xi32, #tpu.memory_space<vmem>>, vector<16xi32>,
    tpu.vector_store %arg14[%swap3A_206], %get3A_205 {strides = array<i32>} : memref<128xi32, #tpu.memory_space<vmem>>, vector<16xi32>,
    %get3A_208 = arith.constant 96 : index
    %get3A_209 = tpu.vector_load %arg8[%get3A_208] {strides = array<i32>} : memref<128xi32, #tpu.memory_space<vmem>>, vector<16xi32>,
    %swap3A_210 = arith.constant 96 : index
    %swap3A_211 = tpu.vector_load %arg14[%swap3A_210] {strides = array<i32>} : memref<128xi32, #tpu.memory_space<vmem>>, vector<16xi32>,
    tpu.vector_store %arg14[%swap3A_210], %get3A_209 {strides = array<i32>} : memref<128xi32, #tpu.memory_space<vmem>>, vector<16xi32>,
    %get3A_212 = arith.constant 112 : index
    %get3A_213 = tpu.vector_load %arg8[%get3A_212] {strides = array<i32>} : memref<128xi32, #tpu.memory_space<vmem>>, vector<16xi32>,
    %swap3A_214 = arith.constant 112 : index
    %swap3A_215 = tpu.vector_load %arg14[%swap3A_214] {strides = array<i32>} : memref<128xi32, #tpu.memory_space<vmem>>, vector<16xi32>,
    tpu.vector_store %arg14[%swap3A_214], %get3A_213 {strides = array<i32>} : memref<128xi32, #tpu.memory_space<vmem>>, vector<16xi32>,
    %scan3A_216 = arith.constant 0 : i32
    %scan3A_217 = arith.constant 0 : i32
    %scan3A_218 = arith.constant 32 : i32
    %scan3A_219 = arith.addi %scan3A_217, %scan3A_218 : i32
    %scan3A_220 = arith.constant 1 : i32
    %scan3A_221 = scf.for %scan3A_285 = %scan3A_217 to %scan3A_219 step %scan3A_220 iter_args(%scan3A_286 = %scan3A_216) -> (i32)  : i32 {
      %mul3A_287 = arith.constant 4 : i32
      %mul3A_288 = arith.muli %mul3A_287, %scan3A_285 : i32
      %add3A_289 = arith.constant 0 : i32
      %add3A_290 = arith.addi %mul3A_288, %add3A_289 : i32
      %get3A_291 = arith.index_cast %add3A_290 : i32 to index
      %get3A_292 = arith.constant 0 : index
      %get3A_293 = tpu.vector_load %arg10[%get3A_291, %get3A_292] {strides = array<i32>} : memref<128x32xi32, #tpu.memory_space<vmem>>, vector<16xi32>,
      %shift_left3A = arith.constant 16 : i32
      %shift_left3A_294 = vector.broadcast %shift_left3A : i32 to vector<16xi32>
      %shift_left3A_295 = arith.shli %get3A_293, %shift_left3A_294 : vector<16xi32>
      %bitcast3A = vector.bitcast %shift_left3A_295 : vector<16xi32> to vector<16xf32>
      %and3A = arith.constant -65536 : i32
      %and3A_296 = vector.broadcast %and3A : i32 to vector<16xi32>
      %and3A_297 = arith.andi %get3A_293, %and3A_296 : vector<16xi32>
      %bitcast3A_298 = vector.bitcast %and3A_297 : vector<16xi32> to vector<16xf32>
      %swap3A_299 = arith.index_cast %add3A_290 : i32 to index
      %swap3A_300 = arith.constant 0 : index
      %swap3A_301 = tpu.vector_load %arg12[%swap3A_299, %swap3A_300] {strides = array<i32>} : memref<128x64xf32, #tpu.memory_space<vmem>>, vector<16xf32>,
      tpu.vector_store %arg12[%swap3A_299, %swap3A_300], %bitcast3A {strides = array<i32>} : memref<128x64xf32, #tpu.memory_space<vmem>>, vector<16xf32>,
      %swap3A_302 = arith.index_cast %add3A_290 : i32 to index
      %swap3A_303 = arith.constant 16 : index
      %swap3A_304 = tpu.vector_load %arg12[%swap3A_302, %swap3A_303] {strides = array<i32>} : memref<128x64xf32, #tpu.memory_space<vmem>>, vector<16xf32>,
      tpu.vector_store %arg12[%swap3A_302, %swap3A_303], %bitcast3A_298 {strides = array<i32>} : memref<128x64xf32, #tpu.memory_space<vmem>>, vector<16xf32>,
      %get3A_305 = arith.index_cast %add3A_290 : i32 to index
      %get3A_306 = arith.constant 16 : index
      %get3A_307 = tpu.vector_load %arg10[%get3A_305, %get3A_306] {strides = array<i32>} : memref<128x32xi32, #tpu.memory_space<vmem>>, vector<16xi32>,
      %shift_left3A_308 = arith.constant 16 : i32
      %shift_left3A_309 = vector.broadcast %shift_left3A_308 : i32 to vector<16xi32>
      %shift_left3A_310 = arith.shli %get3A_307, %shift_left3A_309 : vector<16xi32>
      %bitcast3A_311 = vector.bitcast %shift_left3A_310 : vector<16xi32> to vector<16xf32>
      %and3A_312 = arith.constant -65536 : i32
      %and3A_313 = vector.broadcast %and3A_312 : i32 to vector<16xi32>
      %and3A_314 = arith.andi %get3A_307, %and3A_313 : vector<16xi32>
      %bitcast3A_315 = vector.bitcast %and3A_314 : vector<16xi32> to vector<16xf32>
      %swap3A_316 = arith.index_cast %add3A_290 : i32 to index
      %swap3A_317 = arith.constant 32 : index
      %swap3A_318 = tpu.vector_load %arg12[%swap3A_316, %swap3A_317] {strides = array<i32>} : memref<128x64xf32, #tpu.memory_space<vmem>>, vector<16xf32>,
      tpu.vector_store %arg12[%swap3A_316, %swap3A_317], %bitcast3A_311 {strides = array<i32>} : memref<128x64xf32, #tpu.memory_space<vmem>>, vector<16xf32>,
      %swap3A_319 = arith.index_cast %add3A_290 : i32 to index
      %swap3A_320 = arith.constant 48 : index
      %swap3A_321 = tpu.vector_load %arg12[%swap3A_319, %swap3A_320] {strides = array<i32>} : memref<128x64xf32, #tpu.memory_space<vmem>>, vector<16xf32>,
      tpu.vector_store %arg12[%swap3A_319, %swap3A_320], %bitcast3A_315 {strides = array<i32>} : memref<128x64xf32, #tpu.memory_space<vmem>>, vector<16xf32>,
      %mul3A_322 = arith.constant 4 : i32
      %mul3A_323 = arith.muli %mul3A_322, %scan3A_285 : i32
      %add3A_324 = arith.constant 1 : i32
      %add3A_325 = arith.addi %mul3A_323, %add3A_324 : i32
      %get3A_326 = arith.index_cast %add3A_325 : i32 to index
      %get3A_327 = arith.constant 0 : index
      %get3A_328 = tpu.vector_load %arg10[%get3A_326, %get3A_327] {strides = array<i32>} : memref<128x32xi32, #tpu.memory_space<vmem>>, vector<16xi32>,
      %shift_left3A_329 = arith.constant 16 : i32
      %shift_left3A_330 = vector.broadcast %shift_left3A_329 : i32 to vector<16xi32>
      %shift_left3A_331 = arith.shli %get3A_328, %shift_left3A_330 : vector<16xi32>
      %bitcast3A_332 = vector.bitcast %shift_left3A_331 : vector<16xi32> to vector<16xf32>
      %and3A_333 = arith.constant -65536 : i32
      %and3A_334 = vector.broadcast %and3A_333 : i32 to vector<16xi32>
      %and3A_335 = arith.andi %get3A_328, %and3A_334 : vector<16xi32>
      %bitcast3A_336 = vector.bitcast %and3A_335 : vector<16xi32> to vector<16xf32>
      %swap3A_337 = arith.index_cast %add3A_325 : i32 to index
      %swap3A_338 = arith.constant 0 : index
      %swap3A_339 = tpu.vector_load %arg12[%swap3A_337, %swap3A_338] {strides = array<i32>} : memref<128x64xf32, #tpu.memory_space<vmem>>, vector<16xf32>,
      tpu.vector_store %arg12[%swap3A_337, %swap3A_338], %bitcast3A_332 {strides = array<i32>} : memref<128x64xf32, #tpu.memory_space<vmem>>, vector<16xf32>,
      %swap3A_340 = arith.index_cast %add3A_325 : i32 to index
      %swap3A_341 = arith.constant 16 : index
      %swap3A_342 = tpu.vector_load %arg12[%swap3A_340, %swap3A_341] {strides = array<i32>} : memref<128x64xf32, #tpu.memory_space<vmem>>, vector<16xf32>,
      tpu.vector_store %arg12[%swap3A_340, %swap3A_341], %bitcast3A_336 {strides = array<i32>} : memref<128x64xf32, #tpu.memory_space<vmem>>, vector<16xf32>,
      %get3A_343 = arith.index_cast %add3A_325 : i32 to index
      %get3A_344 = arith.constant 16 : index
      %get3A_345 = tpu.vector_load %arg10[%get3A_343, %get3A_344] {strides = array<i32>} : memref<128x32xi32, #tpu.memory_space<vmem>>, vector<16xi32>,
      %shift_left3A_346 = arith.constant 16 : i32
      %shift_left3A_347 = vector.broadcast %shift_left3A_346 : i32 to vector<16xi32>
      %shift_left3A_348 = arith.shli %get3A_345, %shift_left3A_347 : vector<16xi32>
      %bitcast3A_349 = vector.bitcast %shift_left3A_348 : vector<16xi32> to vector<16xf32>
      %and3A_350 = arith.constant -65536 : i32
      %and3A_351 = vector.broadcast %and3A_350 : i32 to vector<16xi32>
      %and3A_352 = arith.andi %get3A_345, %and3A_351 : vector<16xi32>
      %bitcast3A_353 = vector.bitcast %and3A_352 : vector<16xi32> to vector<16xf32>
      %swap3A_354 = arith.index_cast %add3A_325 : i32 to index
      %swap3A_355 = arith.constant 32 : index
      %swap3A_356 = tpu.vector_load %arg12[%swap3A_354, %swap3A_355] {strides = array<i32>} : memref<128x64xf32, #tpu.memory_space<vmem>>, vector<16xf32>,
      tpu.vector_store %arg12[%swap3A_354, %swap3A_355], %bitcast3A_349 {strides = array<i32>} : memref<128x64xf32, #tpu.memory_space<vmem>>, vector<16xf32>,
      %swap3A_357 = arith.index_cast %add3A_325 : i32 to index
      %swap3A_358 = arith.constant 48 : index
      %swap3A_359 = tpu.vector_load %arg12[%swap3A_357, %swap3A_358] {strides = array<i32>} : memref<128x64xf32, #tpu.memory_space<vmem>>, vector<16xf32>,
      tpu.vector_store %arg12[%swap3A_357, %swap3A_358], %bitcast3A_353 {strides = array<i32>} : memref<128x64xf32, #tpu.memory_space<vmem>>, vector<16xf32>,
      %mul3A_360 = arith.constant 4 : i32
      %mul3A_361 = arith.muli %mul3A_360, %scan3A_285 : i32
      %add3A_362 = arith.constant 2 : i32
      %add3A_363 = arith.addi %mul3A_361, %add3A_362 : i32
      %get3A_364 = arith.index_cast %add3A_363 : i32 to index
      %get3A_365 = arith.constant 0 : index
      %get3A_366 = tpu.vector_load %arg10[%get3A_364, %get3A_365] {strides = array<i32>} : memref<128x32xi32, #tpu.memory_space<vmem>>, vector<16xi32>,
      %shift_left3A_367 = arith.constant 16 : i32
      %shift_left3A_368 = vector.broadcast %shift_left3A_367 : i32 to vector<16xi32>
      %shift_left3A_369 = arith.shli %get3A_366, %shift_left3A_368 : vector<16xi32>
      %bitcast3A_370 = vector.bitcast %shift_left3A_369 : vector<16xi32> to vector<16xf32>
      %and3A_371 = arith.constant -65536 : i32
      %and3A_372 = vector.broadcast %and3A_371 : i32 to vector<16xi32>
      %and3A_373 = arith.andi %get3A_366, %and3A_372 : vector<16xi32>
      %bitcast3A_374 = vector.bitcast %and3A_373 : vector<16xi32> to vector<16xf32>
      %swap3A_375 = arith.index_cast %add3A_363 : i32 to index
      %swap3A_376 = arith.constant 0 : index
      %swap3A_377 = tpu.vector_load %arg12[%swap3A_375, %swap3A_376] {strides = array<i32>} : memref<128x64xf32, #tpu.memory_space<vmem>>, vector<16xf32>,
      tpu.vector_store %arg12[%swap3A_375, %swap3A_376], %bitcast3A_370 {strides = array<i32>} : memref<128x64xf32, #tpu.memory_space<vmem>>, vector<16xf32>,
      %swap3A_378 = arith.index_cast %add3A_363 : i32 to index
      %swap3A_379 = arith.constant 16 : index
      %swap3A_380 = tpu.vector_load %arg12[%swap3A_378, %swap3A_379] {strides = array<i32>} : memref<128x64xf32, #tpu.memory_space<vmem>>, vector<16xf32>,
      tpu.vector_store %arg12[%swap3A_378, %swap3A_379], %bitcast3A_374 {strides = array<i32>} : memref<128x64xf32, #tpu.memory_space<vmem>>, vector<16xf32>,
      %get3A_381 = arith.index_cast %add3A_363 : i32 to index
      %get3A_382 = arith.constant 16 : index
      %get3A_383 = tpu.vector_load %arg10[%get3A_381, %get3A_382] {strides = array<i32>} : memref<128x32xi32, #tpu.memory_space<vmem>>, vector<16xi32>,
      %shift_left3A_384 = arith.constant 16 : i32
      %shift_left3A_385 = vector.broadcast %shift_left3A_384 : i32 to vector<16xi32>
      %shift_left3A_386 = arith.shli %get3A_383, %shift_left3A_385 : vector<16xi32>
      %bitcast3A_387 = vector.bitcast %shift_left3A_386 : vector<16xi32> to vector<16xf32>
      %and3A_388 = arith.constant -65536 : i32
      %and3A_389 = vector.broadcast %and3A_388 : i32 to vector<16xi32>
      %and3A_390 = arith.andi %get3A_383, %and3A_389 : vector<16xi32>
      %bitcast3A_391 = vector.bitcast %and3A_390 : vector<16xi32> to vector<16xf32>
      %swap3A_392 = arith.index_cast %add3A_363 : i32 to index
      %swap3A_393 = arith.constant 32 : index
      %swap3A_394 = tpu.vector_load %arg12[%swap3A_392, %swap3A_393] {strides = array<i32>} : memref<128x64xf32, #tpu.memory_space<vmem>>, vector<16xf32>,
      tpu.vector_store %arg12[%swap3A_392, %swap3A_393], %bitcast3A_387 {strides = array<i32>} : memref<128x64xf32, #tpu.memory_space<vmem>>, vector<16xf32>,
      %swap3A_395 = arith.index_cast %add3A_363 : i32 to index
      %swap3A_396 = arith.constant 48 : index
      %swap3A_397 = tpu.vector_load %arg12[%swap3A_395, %swap3A_396] {strides = array<i32>} : memref<128x64xf32, #tpu.memory_space<vmem>>, vector<16xf32>,
      tpu.vector_store %arg12[%swap3A_395, %swap3A_396], %bitcast3A_391 {strides = array<i32>} : memref<128x64xf32, #tpu.memory_space<vmem>>, vector<16xf32>,
      %mul3A_398 = arith.constant 4 : i32
      %mul3A_399 = arith.muli %mul3A_398, %scan3A_285 : i32
      %add3A_400 = arith.constant 3 : i32
      %add3A_401 = arith.addi %mul3A_399, %add3A_400 : i32
      %get3A_402 = arith.index_cast %add3A_401 : i32 to index
      %get3A_403 = arith.constant 0 : index
      %get3A_404 = tpu.vector_load %arg10[%get3A_402, %get3A_403] {strides = array<i32>} : memref<128x32xi32, #tpu.memory_space<vmem>>, vector<16xi32>,
      %shift_left3A_405 = arith.constant 16 : i32
      %shift_left3A_406 = vector.broadcast %shift_left3A_405 : i32 to vector<16xi32>
      %shift_left3A_407 = arith.shli %get3A_404, %shift_left3A_406 : vector<16xi32>
      %bitcast3A_408 = vector.bitcast %shift_left3A_407 : vector<16xi32> to vector<16xf32>
      %and3A_409 = arith.constant -65536 : i32
      %and3A_410 = vector.broadcast %and3A_409 : i32 to vector<16xi32>
      %and3A_411 = arith.andi %get3A_404, %and3A_410 : vector<16xi32>
      %bitcast3A_412 = vector.bitcast %and3A_411 : vector<16xi32> to vector<16xf32>
      %swap3A_413 = arith.index_cast %add3A_401 : i32 to index
      %swap3A_414 = arith.constant 0 : index
      %swap3A_415 = tpu.vector_load %arg12[%swap3A_413, %swap3A_414] {strides = array<i32>} : memref<128x64xf32, #tpu.memory_space<vmem>>, vector<16xf32>,
      tpu.vector_store %arg12[%swap3A_413, %swap3A_414], %bitcast3A_408 {strides = array<i32>} : memref<128x64xf32, #tpu.memory_space<vmem>>, vector<16xf32>,
      %swap3A_416 = arith.index_cast %add3A_401 : i32 to index
      %swap3A_417 = arith.constant 16 : index
      %swap3A_418 = tpu.vector_load %arg12[%swap3A_416, %swap3A_417] {strides = array<i32>} : memref<128x64xf32, #tpu.memory_space<vmem>>, vector<16xf32>,
      tpu.vector_store %arg12[%swap3A_416, %swap3A_417], %bitcast3A_412 {strides = array<i32>} : memref<128x64xf32, #tpu.memory_space<vmem>>, vector<16xf32>,
      %get3A_419 = arith.index_cast %add3A_401 : i32 to index
      %get3A_420 = arith.constant 16 : index
      %get3A_421 = tpu.vector_load %arg10[%get3A_419, %get3A_420] {strides = array<i32>} : memref<128x32xi32, #tpu.memory_space<vmem>>, vector<16xi32>,
      %shift_left3A_422 = arith.constant 16 : i32
      %shift_left3A_423 = vector.broadcast %shift_left3A_422 : i32 to vector<16xi32>
      %shift_left3A_424 = arith.shli %get3A_421, %shift_left3A_423 : vector<16xi32>
      %bitcast3A_425 = vector.bitcast %shift_left3A_424 : vector<16xi32> to vector<16xf32>
      %and3A_426 = arith.constant -65536 : i32
      %and3A_427 = vector.broadcast %and3A_426 : i32 to vector<16xi32>
      %and3A_428 = arith.andi %get3A_421, %and3A_427 : vector<16xi32>
      %bitcast3A_429 = vector.bitcast %and3A_428 : vector<16xi32> to vector<16xf32>
      %swap3A_430 = arith.index_cast %add3A_401 : i32 to index
      %swap3A_431 = arith.constant 32 : index
      %swap3A_432 = tpu.vector_load %arg12[%swap3A_430, %swap3A_431] {strides = array<i32>} : memref<128x64xf32, #tpu.memory_space<vmem>>, vector<16xf32>,
      tpu.vector_store %arg12[%swap3A_430, %swap3A_431], %bitcast3A_425 {strides = array<i32>} : memref<128x64xf32, #tpu.memory_space<vmem>>, vector<16xf32>,
      %swap3A_433 = arith.index_cast %add3A_401 : i32 to index
      %swap3A_434 = arith.constant 48 : index
      %swap3A_435 = tpu.vector_load %arg12[%swap3A_433, %swap3A_434] {strides = array<i32>} : memref<128x64xf32, #tpu.memory_space<vmem>>, vector<16xf32>,
      tpu.vector_store %arg12[%swap3A_433, %swap3A_434], %bitcast3A_429 {strides = array<i32>} : memref<128x64xf32, #tpu.memory_space<vmem>>, vector<16xf32>,
      %scan3A_436 = arith.constant 0 : i32
      scf.yield %scan3A_436 : i32
    }
    %scan3A_222 = arith.constant 32 : i32
    %dma_start3A_223 = arith.constant 0 : i32
    %dma_start3A_224 = arith.constant 0 : i32
    %dma_start3A_225 = tpu.memref_slice %arg17[%dma_start3A_223, %dma_start3A_224] : memref<10240x64xf32, #tpu.memory_space<vmem_shared>> -> memref<10240x64xf32, #tpu.memory_space<vmem_shared>>
    tpu.enqueue_indirect_dma source(%arg12 : memref<128x64xf32, #tpu.memory_space<vmem>>) target(%dma_start3A_225 : memref<10240x64xf32, #tpu.memory_space<vmem_shared>>) offsets(%arg14 : memref<128xi32, #tpu.memory_space<vmem>>) semaphore(%arg22 : memref<!tpu.dma_semaphore, #tpu.memory_space<semaphore_mem>>) {add = true}
    %dma_wait3A_226 = arith.constant 0 : i32
    %dma_wait3A_227 = arith.constant 0 : i32
    %dma_wait3A_228 = tpu.memref_slice %arg2[%dma_wait3A_226, %dma_wait3A_227] : memref<10000x32xi32, #tpu.memory_space<hbm>> -> memref<10000x32xi32, #tpu.memory_space<hbm>>
    tpu.wait_indirect_dma semaphore(%arg19 : memref<!tpu.dma_semaphore, #tpu.memory_space<semaphore_mem>>) src(%dma_wait3A_228 : memref<10000x32xi32, #tpu.memory_space<hbm>>) dst(%arg11 : memref<128x32xi32, #tpu.memory_space<vmem>>)
    %dma_wait3A_229 = arith.constant 0 : i32
    %dma_wait3A_230 = arith.constant 0 : i32
    %dma_wait3A_231 = tpu.memref_slice %arg17[%dma_wait3A_229, %dma_wait3A_230] : memref<10240x64xf32, #tpu.memory_space<vmem_shared>> -> memref<10240x64xf32, #tpu.memory_space<vmem_shared>>
    tpu.wait_indirect_dma semaphore(%arg23 : memref<!tpu.dma_semaphore, #tpu.memory_space<semaphore_mem>>) src(%arg13 : memref<128x64xf32, #tpu.memory_space<vmem>>) dst(%dma_wait3A_231 : memref<10240x64xf32, #tpu.memory_space<vmem_shared>>)
    %get3A_232 = arith.constant 0 : index
    %get3A_233 = tpu.vector_load %arg9[%get3A_232] {strides = array<i32>} : memref<128xi32, #tpu.memory_space<vmem>>, vector<16xi32>,
    %swap3A_234 = arith.constant 0 : index
    %swap3A_235 = tpu.vector_load %arg15[%swap3A_234] {strides = array<i32>} : memref<128xi32, #tpu.memory_space<vmem>>, vector<16xi32>,
    tpu.vector_store %arg15[%swap3A_234], %get3A_233 {strides = array<i32>} : memref<128xi32, #tpu.memory_space<vmem>>, vector<16xi32>,
    %get3A_236 = arith.constant 16 : index
    %get3A_237 = tpu.vector_load %arg9[%get3A_236] {strides = array<i32>} : memref<128xi32, #tpu.memory_space<vmem>>, vector<16xi32>,
    %swap3A_238 = arith.constant 16 : index
    %swap3A_239 = tpu.vector_load %arg15[%swap3A_238] {strides = array<i32>} : memref<128xi32, #tpu.memory_space<vmem>>, vector<16xi32>,
    tpu.vector_store %arg15[%swap3A_238], %get3A_237 {strides = array<i32>} : memref<128xi32, #tpu.memory_space<vmem>>, vector<16xi32>,
    %get3A_240 = arith.constant 32 : index
    %get3A_241 = tpu.vector_load %arg9[%get3A_240] {strides = array<i32>} : memref<128xi32, #tpu.memory_space<vmem>>, vector<16xi32>,
    %swap3A_242 = arith.constant 32 : index
    %swap3A_243 = tpu.vector_load %arg15[%swap3A_242] {strides = array<i32>} : memref<128xi32, #tpu.memory_space<vmem>>, vector<16xi32>,
    tpu.vector_store %arg15[%swap3A_242], %get3A_241 {strides = array<i32>} : memref<128xi32, #tpu.memory_space<vmem>>, vector<16xi32>,
    %get3A_244 = arith.constant 48 : index
    %get3A_245 = tpu.vector_load %arg9[%get3A_244] {strides = array<i32>} : memref<128xi32, #tpu.memory_space<vmem>>, vector<16xi32>,
    %swap3A_246 = arith.constant 48 : index
    %swap3A_247 = tpu.vector_load %arg15[%swap3A_246] {strides = array<i32>} : memref<128xi32, #tpu.memory_space<vmem>>, vector<16xi32>,
    tpu.vector_store %arg15[%swap3A_246], %get3A_245 {strides = array<i32>} : memref<128xi32, #tpu.memory_space<vmem>>, vector<16xi32>,
    %get3A_248 = arith.constant 64 : index
    %get3A_249 = tpu.vector_load %arg9[%get3A_248] {strides = array<i32>} : memref<128xi32, #tpu.memory_space<vmem>>, vector<16xi32>,
    %swap3A_250 = arith.constant 64 : index
    %swap3A_251 = tpu.vector_load %arg15[%swap3A_250] {strides = array<i32>} : memref<128xi32, #tpu.memory_space<vmem>>, vector<16xi32>,
    tpu.vector_store %arg15[%swap3A_250], %get3A_249 {strides = array<i32>} : memref<128xi32, #tpu.memory_space<vmem>>, vector<16xi32>,
    %get3A_252 = arith.constant 80 : index
    %get3A_253 = tpu.vector_load %arg9[%get3A_252] {strides = array<i32>} : memref<128xi32, #tpu.memory_space<vmem>>, vector<16xi32>,
    %swap3A_254 = arith.constant 80 : index
    %swap3A_255 = tpu.vector_load %arg15[%swap3A_254] {strides = array<i32>} : memref<128xi32, #tpu.memory_space<vmem>>, vector<16xi32>,
    tpu.vector_store %arg15[%swap3A_254], %get3A_253 {strides = array<i32>} : memref<128xi32, #tpu.memory_space<vmem>>, vector<16xi32>,
    %get3A_256 = arith.constant 96 : index
    %get3A_257 = tpu.vector_load %arg9[%get3A_256] {strides = array<i32>} : memref<128xi32, #tpu.memory_space<vmem>>, vector<16xi32>,
    %swap3A_258 = arith.constant 96 : index
    %swap3A_259 = tpu.vector_load %arg15[%swap3A_258] {strides = array<i32>} : memref<128xi32, #tpu.memory_space<vmem>>, vector<16xi32>,
    tpu.vector_store %arg15[%swap3A_258], %get3A_257 {strides = array<i32>} : memref<128xi32, #tpu.memory_space<vmem>>, vector<16xi32>,
    %get3A_260 = arith.constant 112 : index
    %get3A_261 = tpu.vector_load %arg9[%get3A_260] {strides = array<i32>} : memref<128xi32, #tpu.memory_space<vmem>>, vector<16xi32>,
    %swap3A_262 = arith.constant 112 : index
    %swap3A_263 = tpu.vector_load %arg15[%swap3A_262] {strides = array<i32>} : memref<128xi32, #tpu.memory_space<vmem>>, vector<16xi32>,
    tpu.vector_store %arg15[%swap3A_262], %get3A_261 {strides = array<i32>} : memref<128xi32, #tpu.memory_space<vmem>>, vector<16xi32>,
    %scan3A_264 = arith.constant 0 : i32
    %scan3A_265 = arith.constant 0 : i32
    %scan3A_266 = arith.constant 32 : i32
    %scan3A_267 = arith.addi %scan3A_265, %scan3A_266 : i32
    %scan3A_268 = arith.constant 1 : i32
    %scan3A_269 = scf.for %scan3A_285 = %scan3A_265 to %scan3A_267 step %scan3A_268 iter_args(%scan3A_286 = %scan3A_264) -> (i32)  : i32 {
      %mul3A_287 = arith.constant 4 : i32
      %mul3A_288 = arith.muli %mul3A_287, %scan3A_285 : i32
      %add3A_289 = arith.constant 0 : i32
      %add3A_290 = arith.addi %mul3A_288, %add3A_289 : i32
      %get3A_291 = arith.index_cast %add3A_290 : i32 to index
      %get3A_292 = arith.constant 0 : index
      %get3A_293 = tpu.vector_load %arg11[%get3A_291, %get3A_292] {strides = array<i32>} : memref<128x32xi32, #tpu.memory_space<vmem>>, vector<16xi32>,
      %shift_left3A = arith.constant 16 : i32
      %shift_left3A_294 = vector.broadcast %shift_left3A : i32 to vector<16xi32>
      %shift_left3A_295 = arith.shli %get3A_293, %shift_left3A_294 : vector<16xi32>
      %bitcast3A = vector.bitcast %shift_left3A_295 : vector<16xi32> to vector<16xf32>
      %and3A = arith.constant -65536 : i32
      %and3A_296 = vector.broadcast %and3A : i32 to vector<16xi32>
      %and3A_297 = arith.andi %get3A_293, %and3A_296 : vector<16xi32>
      %bitcast3A_298 = vector.bitcast %and3A_297 : vector<16xi32> to vector<16xf32>
      %swap3A_299 = arith.index_cast %add3A_290 : i32 to index
      %swap3A_300 = arith.constant 0 : index
      %swap3A_301 = tpu.vector_load %arg13[%swap3A_299, %swap3A_300] {strides = array<i32>} : memref<128x64xf32, #tpu.memory_space<vmem>>, vector<16xf32>,
      tpu.vector_store %arg13[%swap3A_299, %swap3A_300], %bitcast3A {strides = array<i32>} : memref<128x64xf32, #tpu.memory_space<vmem>>, vector<16xf32>,
      %swap3A_302 = arith.index_cast %add3A_290 : i32 to index
      %swap3A_303 = arith.constant 16 : index
      %swap3A_304 = tpu.vector_load %arg13[%swap3A_302, %swap3A_303] {strides = array<i32>} : memref<128x64xf32, #tpu.memory_space<vmem>>, vector<16xf32>,
      tpu.vector_store %arg13[%swap3A_302, %swap3A_303], %bitcast3A_298 {strides = array<i32>} : memref<128x64xf32, #tpu.memory_space<vmem>>, vector<16xf32>,
      %get3A_305 = arith.index_cast %add3A_290 : i32 to index
      %get3A_306 = arith.constant 16 : index
      %get3A_307 = tpu.vector_load %arg11[%get3A_305, %get3A_306] {strides = array<i32>} : memref<128x32xi32, #tpu.memory_space<vmem>>, vector<16xi32>,
      %shift_left3A_308 = arith.constant 16 : i32
      %shift_left3A_309 = vector.broadcast %shift_left3A_308 : i32 to vector<16xi32>
      %shift_left3A_310 = arith.shli %get3A_307, %shift_left3A_309 : vector<16xi32>
      %bitcast3A_311 = vector.bitcast %shift_left3A_310 : vector<16xi32> to vector<16xf32>
      %and3A_312 = arith.constant -65536 : i32
      %and3A_313 = vector.broadcast %and3A_312 : i32 to vector<16xi32>
      %and3A_314 = arith.andi %get3A_307, %and3A_313 : vector<16xi32>
      %bitcast3A_315 = vector.bitcast %and3A_314 : vector<16xi32> to vector<16xf32>
      %swap3A_316 = arith.index_cast %add3A_290 : i32 to index
      %swap3A_317 = arith.constant 32 : index
      %swap3A_318 = tpu.vector_load %arg13[%swap3A_316, %swap3A_317] {strides = array<i32>} : memref<128x64xf32, #tpu.memory_space<vmem>>, vector<16xf32>,
      tpu.vector_store %arg13[%swap3A_316, %swap3A_317], %bitcast3A_311 {strides = array<i32>} : memref<128x64xf32, #tpu.memory_space<vmem>>, vector<16xf32>,
      %swap3A_319 = arith.index_cast %add3A_290 : i32 to index
      %swap3A_320 = arith.constant 48 : index
      %swap3A_321 = tpu.vector_load %arg13[%swap3A_319, %swap3A_320] {strides = array<i32>} : memref<128x64xf32, #tpu.memory_space<vmem>>, vector<16xf32>,
      tpu.vector_store %arg13[%swap3A_319, %swap3A_320], %bitcast3A_315 {strides = array<i32>} : memref<128x64xf32, #tpu.memory_space<vmem>>, vector<16xf32>,
      %mul3A_322 = arith.constant 4 : i32
      %mul3A_323 = arith.muli %mul3A_322, %scan3A_285 : i32
      %add3A_324 = arith.constant 1 : i32
      %add3A_325 = arith.addi %mul3A_323, %add3A_324 : i32
      %get3A_326 = arith.index_cast %add3A_325 : i32 to index
      %get3A_327 = arith.constant 0 : index
      %get3A_328 = tpu.vector_load %arg11[%get3A_326, %get3A_327] {strides = array<i32>} : memref<128x32xi32, #tpu.memory_space<vmem>>, vector<16xi32>,
      %shift_left3A_329 = arith.constant 16 : i32
      %shift_left3A_330 = vector.broadcast %shift_left3A_329 : i32 to vector<16xi32>
      %shift_left3A_331 = arith.shli %get3A_328, %shift_left3A_330 : vector<16xi32>
      %bitcast3A_332 = vector.bitcast %shift_left3A_331 : vector<16xi32> to vector<16xf32>
      %and3A_333 = arith.constant -65536 : i32
      %and3A_334 = vector.broadcast %and3A_333 : i32 to vector<16xi32>
      %and3A_335 = arith.andi %get3A_328, %and3A_334 : vector<16xi32>
      %bitcast3A_336 = vector.bitcast %and3A_335 : vector<16xi32> to vector<16xf32>
      %swap3A_337 = arith.index_cast %add3A_325 : i32 to index
      %swap3A_338 = arith.constant 0 : index
      %swap3A_339 = tpu.vector_load %arg13[%swap3A_337, %swap3A_338] {strides = array<i32>} : memref<128x64xf32, #tpu.memory_space<vmem>>, vector<16xf32>,
      tpu.vector_store %arg13[%swap3A_337, %swap3A_338], %bitcast3A_332 {strides = array<i32>} : memref<128x64xf32, #tpu.memory_space<vmem>>, vector<16xf32>,
      %swap3A_340 = arith.index_cast %add3A_325 : i32 to index
      %swap3A_341 = arith.constant 16 : index
      %swap3A_342 = tpu.vector_load %arg13[%swap3A_340, %swap3A_341] {strides = array<i32>} : memref<128x64xf32, #tpu.memory_space<vmem>>, vector<16xf32>,
      tpu.vector_store %arg13[%swap3A_340, %swap3A_341], %bitcast3A_336 {strides = array<i32>} : memref<128x64xf32, #tpu.memory_space<vmem>>, vector<16xf32>,
      %get3A_343 = arith.index_cast %add3A_325 : i32 to index
      %get3A_344 = arith.constant 16 : index
      %get3A_345 = tpu.vector_load %arg11[%get3A_343, %get3A_344] {strides = array<i32>} : memref<128x32xi32, #tpu.memory_space<vmem>>, vector<16xi32>,
      %shift_left3A_346 = arith.constant 16 : i32
      %shift_left3A_347 = vector.broadcast %shift_left3A_346 : i32 to vector<16xi32>
      %shift_left3A_348 = arith.shli %get3A_345, %shift_left3A_347 : vector<16xi32>
      %bitcast3A_349 = vector.bitcast %shift_left3A_348 : vector<16xi32> to vector<16xf32>
      %and3A_350 = arith.constant -65536 : i32
      %and3A_351 = vector.broadcast %and3A_350 : i32 to vector<16xi32>
      %and3A_352 = arith.andi %get3A_345, %and3A_351 : vector<16xi32>
      %bitcast3A_353 = vector.bitcast %and3A_352 : vector<16xi32> to vector<16xf32>
      %swap3A_354 = arith.index_cast %add3A_325 : i32 to index
      %swap3A_355 = arith.constant 32 : index
      %swap3A_356 = tpu.vector_load %arg13[%swap3A_354, %swap3A_355] {strides = array<i32>} : memref<128x64xf32, #tpu.memory_space<vmem>>, vector<16xf32>,
      tpu.vector_store %arg13[%swap3A_354, %swap3A_355], %bitcast3A_349 {strides = array<i32>} : memref<128x64xf32, #tpu.memory_space<vmem>>, vector<16xf32>,
      %swap3A_357 = arith.index_cast %add3A_325 : i32 to index
      %swap3A_358 = arith.constant 48 : index
      %swap3A_359 = tpu.vector_load %arg13[%swap3A_357, %swap3A_358] {strides = array<i32>} : memref<128x64xf32, #tpu.memory_space<vmem>>, vector<16xf32>,
      tpu.vector_store %arg13[%swap3A_357, %swap3A_358], %bitcast3A_353 {strides = array<i32>} : memref<128x64xf32, #tpu.memory_space<vmem>>, vector<16xf32>,
      %mul3A_360 = arith.constant 4 : i32
      %mul3A_361 = arith.muli %mul3A_360, %scan3A_285 : i32
      %add3A_362 = arith.constant 2 : i32
      %add3A_363 = arith.addi %mul3A_361, %add3A_362 : i32
      %get3A_364 = arith.index_cast %add3A_363 : i32 to index
      %get3A_365 = arith.constant 0 : index
      %get3A_366 = tpu.vector_load %arg11[%get3A_364, %get3A_365] {strides = array<i32>} : memref<128x32xi32, #tpu.memory_space<vmem>>, vector<16xi32>,
      %shift_left3A_367 = arith.constant 16 : i32
      %shift_left3A_368 = vector.broadcast %shift_left3A_367 : i32 to vector<16xi32>
      %shift_left3A_369 = arith.shli %get3A_366, %shift_left3A_368 : vector<16xi32>
      %bitcast3A_370 = vector.bitcast %shift_left3A_369 : vector<16xi32> to vector<16xf32>
      %and3A_371 = arith.constant -65536 : i32
      %and3A_372 = vector.broadcast %and3A_371 : i32 to vector<16xi32>
      %and3A_373 = arith.andi %get3A_366, %and3A_372 : vector<16xi32>
      %bitcast3A_374 = vector.bitcast %and3A_373 : vector<16xi32> to vector<16xf32>
      %swap3A_375 = arith.index_cast %add3A_363 : i32 to index
      %swap3A_376 = arith.constant 0 : index
      %swap3A_377 = tpu.vector_load %arg13[%swap3A_375, %swap3A_376] {strides = array<i32>} : memref<128x64xf32, #tpu.memory_space<vmem>>, vector<16xf32>,
      tpu.vector_store %arg13[%swap3A_375, %swap3A_376], %bitcast3A_370 {strides = array<i32>} : memref<128x64xf32, #tpu.memory_space<vmem>>, vector<16xf32>,
      %swap3A_378 = arith.index_cast %add3A_363 : i32 to index
      %swap3A_379 = arith.constant 16 : index
      %swap3A_380 = tpu.vector_load %arg13[%swap3A_378, %swap3A_379] {strides = array<i32>} : memref<128x64xf32, #tpu.memory_space<vmem>>, vector<16xf32>,
      tpu.vector_store %arg13[%swap3A_378, %swap3A_379], %bitcast3A_374 {strides = array<i32>} : memref<128x64xf32, #tpu.memory_space<vmem>>, vector<16xf32>,
      %get3A_381 = arith.index_cast %add3A_363 : i32 to index
      %get3A_382 = arith.constant 16 : index
      %get3A_383 = tpu.vector_load %arg11[%get3A_381, %get3A_382] {strides = array<i32>} : memref<128x32xi32, #tpu.memory_space<vmem>>, vector<16xi32>,
      %shift_left3A_384 = arith.constant 16 : i32
      %shift_left3A_385 = vector.broadcast %shift_left3A_384 : i32 to vector<16xi32>
      %shift_left3A_386 = arith.shli %get3A_383, %shift_left3A_385 : vector<16xi32>
      %bitcast3A_387 = vector.bitcast %shift_left3A_386 : vector<16xi32> to vector<16xf32>
      %and3A_388 = arith.constant -65536 : i32
      %and3A_389 = vector.broadcast %and3A_388 : i32 to vector<16xi32>
      %and3A_390 = arith.andi %get3A_383, %and3A_389 : vector<16xi32>
      %bitcast3A_391 = vector.bitcast %and3A_390 : vector<16xi32> to vector<16xf32>
      %swap3A_392 = arith.index_cast %add3A_363 : i32 to index
      %swap3A_393 = arith.constant 32 : index
      %swap3A_394 = tpu.vector_load %arg13[%swap3A_392, %swap3A_393] {strides = array<i32>} : memref<128x64xf32, #tpu.memory_space<vmem>>, vector<16xf32>,
      tpu.vector_store %arg13[%swap3A_392, %swap3A_393], %bitcast3A_387 {strides = array<i32>} : memref<128x64xf32, #tpu.memory_space<vmem>>, vector<16xf32>,
      %swap3A_395 = arith.index_cast %add3A_363 : i32 to index
      %swap3A_396 = arith.constant 48 : index
      %swap3A_397 = tpu.vector_load %arg13[%swap3A_395, %swap3A_396] {strides = array<i32>} : memref<128x64xf32, #tpu.memory_space<vmem>>, vector<16xf32>,
      tpu.vector_store %arg13[%swap3A_395, %swap3A_396], %bitcast3A_391 {strides = array<i32>} : memref<128x64xf32, #tpu.memory_space<vmem>>, vector<16xf32>,
      %mul3A_398 = arith.constant 4 : i32
      %mul3A_399 = arith.muli %mul3A_398, %scan3A_285 : i32
      %add3A_400 = arith.constant 3 : i32
      %add3A_401 = arith.addi %mul3A_399, %add3A_400 : i32
      %get3A_402 = arith.index_cast %add3A_401 : i32 to index
      %get3A_403 = arith.constant 0 : index
      %get3A_404 = tpu.vector_load %arg11[%get3A_402, %get3A_403] {strides = array<i32>} : memref<128x32xi32, #tpu.memory_space<vmem>>, vector<16xi32>,
      %shift_left3A_405 = arith.constant 16 : i32
      %shift_left3A_406 = vector.broadcast %shift_left3A_405 : i32 to vector<16xi32>
      %shift_left3A_407 = arith.shli %get3A_404, %shift_left3A_406 : vector<16xi32>
      %bitcast3A_408 = vector.bitcast %shift_left3A_407 : vector<16xi32> to vector<16xf32>
      %and3A_409 = arith.constant -65536 : i32
      %and3A_410 = vector.broadcast %and3A_409 : i32 to vector<16xi32>
      %and3A_411 = arith.andi %get3A_404, %and3A_410 : vector<16xi32>
      %bitcast3A_412 = vector.bitcast %and3A_411 : vector<16xi32> to vector<16xf32>
      %swap3A_413 = arith.index_cast %add3A_401 : i32 to index
      %swap3A_414 = arith.constant 0 : index
      %swap3A_415 = tpu.vector_load %arg13[%swap3A_413, %swap3A_414] {strides = array<i32>} : memref<128x64xf32, #tpu.memory_space<vmem>>, vector<16xf32>,
      tpu.vector_store %arg13[%swap3A_413, %swap3A_414], %bitcast3A_408 {strides = array<i32>} : memref<128x64xf32, #tpu.memory_space<vmem>>, vector<16xf32>,
      %swap3A_416 = arith.index_cast %add3A_401 : i32 to index
      %swap3A_417 = arith.constant 16 : index
      %swap3A_418 = tpu.vector_load %arg13[%swap3A_416, %swap3A_417] {strides = array<i32>} : memref<128x64xf32, #tpu.memory_space<vmem>>, vector<16xf32>,
      tpu.vector_store %arg13[%swap3A_416, %swap3A_417], %bitcast3A_412 {strides = array<i32>} : memref<128x64xf32, #tpu.memory_space<vmem>>, vector<16xf32>,
      %get3A_419 = arith.index_cast %add3A_401 : i32 to index
      %get3A_420 = arith.constant 16 : index
      %get3A_421 = tpu.vector_load %arg11[%get3A_419, %get3A_420] {strides = array<i32>} : memref<128x32xi32, #tpu.memory_space<vmem>>, vector<16xi32>,
      %shift_left3A_422 = arith.constant 16 : i32
      %shift_left3A_423 = vector.broadcast %shift_left3A_422 : i32 to vector<16xi32>
      %shift_left3A_424 = arith.shli %get3A_421, %shift_left3A_423 : vector<16xi32>
      %bitcast3A_425 = vector.bitcast %shift_left3A_424 : vector<16xi32> to vector<16xf32>
      %and3A_426 = arith.constant -65536 : i32
      %and3A_427 = vector.broadcast %and3A_426 : i32 to vector<16xi32>
      %and3A_428 = arith.andi %get3A_421, %and3A_427 : vector<16xi32>
      %bitcast3A_429 = vector.bitcast %and3A_428 : vector<16xi32> to vector<16xf32>
      %swap3A_430 = arith.index_cast %add3A_401 : i32 to index
      %swap3A_431 = arith.constant 32 : index
      %swap3A_432 = tpu.vector_load %arg13[%swap3A_430, %swap3A_431] {strides = array<i32>} : memref<128x64xf32, #tpu.memory_space<vmem>>, vector<16xf32>,
      tpu.vector_store %arg13[%swap3A_430, %swap3A_431], %bitcast3A_425 {strides = array<i32>} : memref<128x64xf32, #tpu.memory_space<vmem>>, vector<16xf32>,
      %swap3A_433 = arith.index_cast %add3A_401 : i32 to index
      %swap3A_434 = arith.constant 48 : index
      %swap3A_435 = tpu.vector_load %arg13[%swap3A_433, %swap3A_434] {strides = array<i32>} : memref<128x64xf32, #tpu.memory_space<vmem>>, vector<16xf32>,
      tpu.vector_store %arg13[%swap3A_433, %swap3A_434], %bitcast3A_429 {strides = array<i32>} : memref<128x64xf32, #tpu.memory_space<vmem>>, vector<16xf32>,
      %scan3A_436 = arith.constant 0 : i32
      scf.yield %scan3A_436 : i32
    }
    %scan3A_270 = arith.constant 32 : i32
    %dma_start3A_271 = arith.constant 0 : i32
    %dma_start3A_272 = arith.constant 0 : i32
    %dma_start3A_273 = tpu.memref_slice %arg17[%dma_start3A_271, %dma_start3A_272] : memref<10240x64xf32, #tpu.memory_space<vmem_shared>> -> memref<10240x64xf32, #tpu.memory_space<vmem_shared>>
    tpu.enqueue_indirect_dma source(%arg13 : memref<128x64xf32, #tpu.memory_space<vmem>>) target(%dma_start3A_273 : memref<10240x64xf32, #tpu.memory_space<vmem_shared>>) offsets(%arg15 : memref<128xi32, #tpu.memory_space<vmem>>) semaphore(%arg23 : memref<!tpu.dma_semaphore, #tpu.memory_space<semaphore_mem>>) {add = true}
    %dma_wait3A_274 = arith.constant 0 : i32
    %dma_wait3A_275 = arith.constant 0 : i32
    %dma_wait3A_276 = tpu.memref_slice %arg17[%dma_wait3A_274, %dma_wait3A_275] : memref<10240x64xf32, #tpu.memory_space<vmem_shared>> -> memref<10240x64xf32, #tpu.memory_space<vmem_shared>>
    tpu.wait_indirect_dma semaphore(%arg22 : memref<!tpu.dma_semaphore, #tpu.memory_space<semaphore_mem>>) src(%arg12 : memref<128x64xf32, #tpu.memory_space<vmem>>) dst(%dma_wait3A_276 : memref<10240x64xf32, #tpu.memory_space<vmem_shared>>)
    %dma_wait3A_277 = arith.constant 0 : i32
    %dma_wait3A_278 = arith.constant 0 : i32
    %dma_wait3A_279 = tpu.memref_slice %arg17[%dma_wait3A_277, %dma_wait3A_278] : memref<10240x64xf32, #tpu.memory_space<vmem_shared>> -> memref<10240x64xf32, #tpu.memory_space<vmem_shared>>
    tpu.wait_indirect_dma semaphore(%arg23 : memref<!tpu.dma_semaphore, #tpu.memory_space<semaphore_mem>>) src(%arg13 : memref<128x64xf32, #tpu.memory_space<vmem>>) dst(%dma_wait3A_279 : memref<10240x64xf32, #tpu.memory_space<vmem_shared>>)
    %barrier3A_280 = arith.constant 0 : index
    tpu.barrier barrier_id(%barrier3A_280)
    %mul3A_281 = arith.constant 640 : i32
    %mul3A_282 = arith.muli %arg1, %mul3A_281 : i32
    "tpu.region"() ({
      %run_scoped3A = tpu.sem_alloc : memref<!tpu.dma_semaphore, #tpu.memory_space<semaphore_mem>>
      %dma_start3A_285 = arith.constant 0 : i32
      %dma_start3A_286 = tpu.memref_slice %arg17[%mul3A_282, %dma_start3A_285] : memref<10240x64xf32, #tpu.memory_space<vmem_shared>> -> memref<640x64xf32, #tpu.memory_space<vmem_shared>>
      %dma_start3A_287 = arith.constant 0 : i32
      %dma_start3A_288 = tpu.memref_slice %arg17[%mul3A_282, %dma_start3A_287] : memref<10240x64xf32, #tpu.memory_space<vmem_shared>> -> memref<640x64xf32, #tpu.memory_space<vmem_shared>>
      tpu.enqueue_dma source(%dma_start3A_288 : memref<640x64xf32, #tpu.memory_space<vmem_shared>>) target(%arg16 : memref<640x64xf32, #tpu.memory_space<vmem>>) target_semaphore(%run_scoped3A : memref<!tpu.dma_semaphore, #tpu.memory_space<semaphore_mem>>)
      %dma_wait3A_289 = arith.constant 0 : i32
      %dma_wait3A_290 = tpu.memref_slice %arg17[%mul3A_282, %dma_wait3A_289] : memref<10240x64xf32, #tpu.memory_space<vmem_shared>> -> memref<640x64xf32, #tpu.memory_space<vmem_shared>>
      %dma_wait3A_291 = arith.constant 0 : i32
      %dma_wait3A_292 = tpu.memref_slice %arg17[%mul3A_282, %dma_wait3A_291] : memref<10240x64xf32, #tpu.memory_space<vmem_shared>> -> memref<640x64xf32, #tpu.memory_space<vmem_shared>>
      tpu.wait_dma2 semaphore(%run_scoped3A : memref<!tpu.dma_semaphore, #tpu.memory_space<semaphore_mem>>) src(%dma_wait3A_292 : memref<640x64xf32, #tpu.memory_space<vmem_shared>>) dst(%arg16 : memref<640x64xf32, #tpu.memory_space<vmem>>)
      tpu.yield
    }) : () -> ()
    %mul3A_283 = arith.constant 640 : i32
    %mul3A_284 = arith.muli %arg1, %mul3A_283 : i32
    "tpu.region"() ({
      %run_scoped3A = tpu.sem_alloc : memref<!tpu.dma_semaphore, #tpu.memory_space<semaphore_mem>>
      %dma_start3A_285 = arith.constant 0 : i32
      %dma_start3A_286 = tpu.memref_slice %arg5[%arg0, %mul3A_284, %dma_start3A_285] : memref<2x10240x64xf32, #tpu.memory_space<hbm>> -> memref<1x640x64xf32, #tpu.memory_space<hbm>>
      %dma_start3A_287 = tpu.memref_squeeze %dma_start3A_286 : memref<1x640x64xf32, #tpu.memory_space<hbm>> -> memref<640x64xf32, #tpu.memory_space<hbm>>
      %dma_start3A_288 = arith.constant 0 : i32
      %dma_start3A_289 = tpu.memref_slice %arg5[%arg0, %mul3A_284, %dma_start3A_288] : memref<2x10240x64xf32, #tpu.memory_space<hbm>> -> memref<1x640x64xf32, #tpu.memory_space<hbm>>
      %dma_start3A_290 = tpu.memref_squeeze %dma_start3A_289 : memref<1x640x64xf32, #tpu.memory_space<hbm>> -> memref<640x64xf32, #tpu.memory_space<hbm>>
      tpu.enqueue_dma source(%arg16 : memref<640x64xf32, #tpu.memory_space<vmem>>) target(%dma_start3A_290 : memref<640x64xf32, #tpu.memory_space<hbm>>) target_semaphore(%run_scoped3A : memref<!tpu.dma_semaphore, #tpu.memory_space<semaphore_mem>>)
      %dma_wait3A_291 = arith.constant 0 : i32
      %dma_wait3A_292 = tpu.memref_slice %arg5[%arg0, %mul3A_284, %dma_wait3A_291] : memref<2x10240x64xf32, #tpu.memory_space<hbm>> -> memref<1x640x64xf32, #tpu.memory_space<hbm>>
      %dma_wait3A_293 = tpu.memref_squeeze %dma_wait3A_292 : memref<1x640x64xf32, #tpu.memory_space<hbm>> -> memref<640x64xf32, #tpu.memory_space<hbm>>
      %dma_wait3A_294 = arith.constant 0 : i32
      %dma_wait3A_295 = tpu.memref_slice %arg5[%arg0, %mul3A_284, %dma_wait3A_294] : memref<2x10240x64xf32, #tpu.memory_space<hbm>> -> memref<1x640x64xf32, #tpu.memory_space<hbm>>
      %dma_wait3A_296 = tpu.memref_squeeze %dma_wait3A_295 : memref<1x640x64xf32, #tpu.memory_space<hbm>> -> memref<640x64xf32, #tpu.memory_space<hbm>>
      tpu.wait_dma2 semaphore(%run_scoped3A : memref<!tpu.dma_semaphore, #tpu.memory_space<semaphore_mem>>) src(%arg16 : memref<640x64xf32, #tpu.memory_space<vmem>>) dst(%dma_wait3A_296 : memref<640x64xf32, #tpu.memory_space<hbm>>)
      tpu.yield
    }) : () -> ()
    return
  }
}

#map = affine_map<(d0, d1) -> (0, 0)>
#map1 = affine_map<(d0, d1) -> (0)>
#map2 = affine_map<(d0, d1) -> (0, 0, 0)>
module attributes {stable_mosaic.version = 14 : i64} {
  func.func @k(%arg0: i32, %arg1: i32, %arg2: memref<10000x32xi32, #tpu.memory_space<hbm>>, %arg3: memref<327680xi32, #tpu.memory_space<hbm>>, %arg4: memref<327680xi32, #tpu.memory_space<hbm>>, %arg5: memref<2x10240x64xf32, #tpu.memory_space<hbm>>, %arg6: memref<2x640x16xf32, #tpu.memory_space<hbm>>, %arg7: memref<128xi32, #tpu.memory_space<vmem>>, %arg8: memref<128xi32, #tpu.memory_space<vmem>>, %arg9: memref<128xi32, #tpu.memory_space<vmem>>, %arg10: memref<128xi32, #tpu.memory_space<vmem>>, %arg11: memref<128x32xi32, #tpu.memory_space<vmem>>, %arg12: memref<128x32xi32, #tpu.memory_space<vmem>>, %arg13: memref<128x64xf32, #tpu.memory_space<vmem>>, %arg14: memref<128x64xf32, #tpu.memory_space<vmem>>, %arg15: memref<128xi32, #tpu.memory_space<vmem>>, %arg16: memref<128xi32, #tpu.memory_space<vmem>>, %arg17: memref<640x64xf32, #tpu.memory_space<vmem>>, %arg18: memref<10240x64xf32, #tpu.memory_space<vmem_shared>>, %arg19: memref<!tpu.dma_semaphore, #tpu.memory_space<semaphore_mem>>, %arg20: memref<!tpu.dma_semaphore, #tpu.memory_space<semaphore_mem>>, %arg21: memref<!tpu.dma_semaphore, #tpu.memory_space<semaphore_mem>>, %arg22: memref<!tpu.dma_semaphore, #tpu.memory_space<semaphore_mem>>, %arg23: memref<!tpu.dma_semaphore, #tpu.memory_space<semaphore_mem>>, %arg24: memref<!tpu.dma_semaphore, #tpu.memory_space<semaphore_mem>>, %arg25: memref<640x16xf32, #tpu.memory_space<vmem>>, %arg26: memref<128xi32, #tpu.memory_space<vmem>>, %arg27: memref<640x16xf32, #tpu.memory_space<vmem_shared>>) attributes {dimension_semantics = [#tpu.dimension_semantics<core_parallel>, #tpu.dimension_semantics<subcore_parallel>], iteration_bounds = array<i64: 2, 16>, scalar_prefetch = 0 : i64, scratch_operands = 21 : i64, tpu.core_type = #tpu.core_type<sc_vector_subcore>, window_params = [{transform_indices = #map}, {transform_indices = #map1}, {transform_indices = #map1}, {transform_indices = #map2}, {transform_indices = #map2}]} {
    %mul3A = arith.constant 2 : i32
    %mul3A_0 = arith.muli %arg1, %mul3A : i32
    %add3A = arith.addi %mul3A_0, %arg0 : i32
    %scan3A = arith.constant 0 : i32
    %scan3A_1 = arith.constant 0 : i32
    %scan3A_2 = arith.constant 640 : i32
    %scan3A_3 = arith.addi %scan3A_1, %scan3A_2 : i32
    %scan3A_4 = arith.constant 1 : i32
    %scan3A_5 = scf.for %scan3A_757 = %scan3A_1 to %scan3A_3 step %scan3A_4 iter_args(%scan3A_758 = %scan3A) -> (i32)  : i32 {
      %broadcast_in_dim3A_759 = arith.constant 0.000000e+00 : f32
      %broadcast_in_dim3A_760 = vector.broadcast %broadcast_in_dim3A_759 : f32 to vector<16xf32>
      %swap3A_761 = arith.index_cast %scan3A_757 : i32 to index
      %swap3A_762 = arith.constant 0 : index
      %swap3A_763 = tpu.vector_load %arg17[%swap3A_761, %swap3A_762] {strides = array<i32>} : memref<640x64xf32, #tpu.memory_space<vmem>>, vector<16xf32>,
      tpu.vector_store %arg17[%swap3A_761, %swap3A_762], %broadcast_in_dim3A_760 {strides = array<i32>} : memref<640x64xf32, #tpu.memory_space<vmem>>, vector<16xf32>,
      %broadcast_in_dim3A_764 = arith.constant 0.000000e+00 : f32
      %broadcast_in_dim3A_765 = vector.broadcast %broadcast_in_dim3A_764 : f32 to vector<16xf32>
      %swap3A_766 = arith.index_cast %scan3A_757 : i32 to index
      %swap3A_767 = arith.constant 16 : index
      %swap3A_768 = tpu.vector_load %arg17[%swap3A_766, %swap3A_767] {strides = array<i32>} : memref<640x64xf32, #tpu.memory_space<vmem>>, vector<16xf32>,
      tpu.vector_store %arg17[%swap3A_766, %swap3A_767], %broadcast_in_dim3A_765 {strides = array<i32>} : memref<640x64xf32, #tpu.memory_space<vmem>>, vector<16xf32>,
      %broadcast_in_dim3A_769 = arith.constant 0.000000e+00 : f32
      %broadcast_in_dim3A_770 = vector.broadcast %broadcast_in_dim3A_769 : f32 to vector<16xf32>
      %swap3A_771 = arith.index_cast %scan3A_757 : i32 to index
      %swap3A_772 = arith.constant 32 : index
      %swap3A_773 = tpu.vector_load %arg17[%swap3A_771, %swap3A_772] {strides = array<i32>} : memref<640x64xf32, #tpu.memory_space<vmem>>, vector<16xf32>,
      tpu.vector_store %arg17[%swap3A_771, %swap3A_772], %broadcast_in_dim3A_770 {strides = array<i32>} : memref<640x64xf32, #tpu.memory_space<vmem>>, vector<16xf32>,
      %broadcast_in_dim3A_774 = arith.constant 0.000000e+00 : f32
      %broadcast_in_dim3A_775 = vector.broadcast %broadcast_in_dim3A_774 : f32 to vector<16xf32>
      %swap3A_776 = arith.index_cast %scan3A_757 : i32 to index
      %swap3A_777 = arith.constant 48 : index
      %swap3A_778 = tpu.vector_load %arg17[%swap3A_776, %swap3A_777] {strides = array<i32>} : memref<640x64xf32, #tpu.memory_space<vmem>>, vector<16xf32>,
      tpu.vector_store %arg17[%swap3A_776, %swap3A_777], %broadcast_in_dim3A_775 {strides = array<i32>} : memref<640x64xf32, #tpu.memory_space<vmem>>, vector<16xf32>,
      %scan3A_779 = arith.constant 0 : i32
      scf.yield %scan3A_779 : i32
    }
    %scan3A_6 = arith.constant 640 : i32
    %mul3A_7 = arith.constant 640 : i32
    %mul3A_8 = arith.muli %arg1, %mul3A_7 : i32
    "tpu.region"() ({
      %run_scoped3A = tpu.sem_alloc : memref<!tpu.dma_semaphore, #tpu.memory_space<semaphore_mem>>
      %dma_start3A_757 = arith.constant 0 : i32
      %dma_start3A_758 = tpu.memref_slice %arg18[%mul3A_8, %dma_start3A_757] : memref<10240x64xf32, #tpu.memory_space<vmem_shared>> -> memref<640x64xf32, #tpu.memory_space<vmem_shared>>
      %dma_start3A_759 = arith.constant 0 : i32
      %dma_start3A_760 = tpu.memref_slice %arg18[%mul3A_8, %dma_start3A_759] : memref<10240x64xf32, #tpu.memory_space<vmem_shared>> -> memref<640x64xf32, #tpu.memory_space<vmem_shared>>
      tpu.enqueue_dma source(%arg17 : memref<640x64xf32, #tpu.memory_space<vmem>>) target(%dma_start3A_760 : memref<640x64xf32, #tpu.memory_space<vmem_shared>>) target_semaphore(%run_scoped3A : memref<!tpu.dma_semaphore, #tpu.memory_space<semaphore_mem>>)
      %dma_wait3A_761 = arith.constant 0 : i32
      %dma_wait3A_762 = tpu.memref_slice %arg18[%mul3A_8, %dma_wait3A_761] : memref<10240x64xf32, #tpu.memory_space<vmem_shared>> -> memref<640x64xf32, #tpu.memory_space<vmem_shared>>
      %dma_wait3A_763 = arith.constant 0 : i32
      %dma_wait3A_764 = tpu.memref_slice %arg18[%mul3A_8, %dma_wait3A_763] : memref<10240x64xf32, #tpu.memory_space<vmem_shared>> -> memref<640x64xf32, #tpu.memory_space<vmem_shared>>
      tpu.wait_dma2 semaphore(%run_scoped3A : memref<!tpu.dma_semaphore, #tpu.memory_space<semaphore_mem>>) src(%arg17 : memref<640x64xf32, #tpu.memory_space<vmem>>) dst(%dma_wait3A_764 : memref<640x64xf32, #tpu.memory_space<vmem_shared>>)
      tpu.yield
    }) : () -> ()
    %scan3A_9 = arith.constant 0 : i32
    %scan3A_10 = arith.constant 0 : i32
    %scan3A_11 = arith.constant 640 : i32
    %scan3A_12 = arith.addi %scan3A_10, %scan3A_11 : i32
    %scan3A_13 = arith.constant 1 : i32
    %scan3A_14 = scf.for %scan3A_757 = %scan3A_10 to %scan3A_12 step %scan3A_13 iter_args(%scan3A_758 = %scan3A_9) -> (i32)  : i32 {
      %broadcast_in_dim3A_759 = arith.constant 0.000000e+00 : f32
      %broadcast_in_dim3A_760 = vector.broadcast %broadcast_in_dim3A_759 : f32 to vector<16xf32>
      %swap3A_761 = arith.index_cast %scan3A_757 : i32 to index
      %swap3A_762 = arith.constant 0 : index
      %swap3A_763 = tpu.vector_load %arg25[%swap3A_761, %swap3A_762] {strides = array<i32>} : memref<640x16xf32, #tpu.memory_space<vmem>>, vector<16xf32>,
      tpu.vector_store %arg25[%swap3A_761, %swap3A_762], %broadcast_in_dim3A_760 {strides = array<i32>} : memref<640x16xf32, #tpu.memory_space<vmem>>, vector<16xf32>,
      %scan3A_764 = arith.constant 0 : i32
      scf.yield %scan3A_764 : i32
    }
    %scan3A_15 = arith.constant 640 : i32
    %mul3A_16 = arith.constant 40 : i32
    %mul3A_17 = arith.muli %arg1, %mul3A_16 : i32
    %mul3A_18 = arith.constant 40 : i32
    %mul3A_19 = arith.muli %arg1, %mul3A_18 : i32
    "tpu.region"() ({
      %run_scoped3A = tpu.sem_alloc : memref<!tpu.dma_semaphore, #tpu.memory_space<semaphore_mem>>
      %dma_start3A_757 = arith.constant 0 : i32
      %dma_start3A_758 = tpu.memref_slice %arg25[%mul3A_17, %dma_start3A_757] : memref<640x16xf32, #tpu.memory_space<vmem>> -> memref<40x16xf32, #tpu.memory_space<vmem>>
      %dma_start3A_759 = arith.constant 0 : i32
      %dma_start3A_760 = tpu.memref_slice %arg27[%mul3A_19, %dma_start3A_759] : memref<640x16xf32, #tpu.memory_space<vmem_shared>> -> memref<40x16xf32, #tpu.memory_space<vmem_shared>>
      %dma_start3A_761 = arith.constant 0 : i32
      %dma_start3A_762 = tpu.memref_slice %arg27[%mul3A_19, %dma_start3A_761] : memref<640x16xf32, #tpu.memory_space<vmem_shared>> -> memref<40x16xf32, #tpu.memory_space<vmem_shared>>
      %dma_start3A_763 = arith.constant 0 : i32
      %dma_start3A_764 = tpu.memref_slice %arg25[%mul3A_17, %dma_start3A_763] : memref<640x16xf32, #tpu.memory_space<vmem>> -> memref<40x16xf32, #tpu.memory_space<vmem>>
      tpu.enqueue_dma source(%dma_start3A_764 : memref<40x16xf32, #tpu.memory_space<vmem>>) target(%dma_start3A_762 : memref<40x16xf32, #tpu.memory_space<vmem_shared>>) target_semaphore(%run_scoped3A : memref<!tpu.dma_semaphore, #tpu.memory_space<semaphore_mem>>)
      %dma_wait3A_765 = arith.constant 0 : i32
      %dma_wait3A_766 = tpu.memref_slice %arg25[%mul3A_17, %dma_wait3A_765] : memref<640x16xf32, #tpu.memory_space<vmem>> -> memref<40x16xf32, #tpu.memory_space<vmem>>
      %dma_wait3A_767 = arith.constant 0 : i32
      %dma_wait3A_768 = tpu.memref_slice %arg27[%mul3A_19, %dma_wait3A_767] : memref<640x16xf32, #tpu.memory_space<vmem_shared>> -> memref<40x16xf32, #tpu.memory_space<vmem_shared>>
      %dma_wait3A_769 = arith.constant 0 : i32
      %dma_wait3A_770 = tpu.memref_slice %arg27[%mul3A_19, %dma_wait3A_769] : memref<640x16xf32, #tpu.memory_space<vmem_shared>> -> memref<40x16xf32, #tpu.memory_space<vmem_shared>>
      %dma_wait3A_771 = arith.constant 0 : i32
      %dma_wait3A_772 = tpu.memref_slice %arg25[%mul3A_17, %dma_wait3A_771] : memref<640x16xf32, #tpu.memory_space<vmem>> -> memref<40x16xf32, #tpu.memory_space<vmem>>
      tpu.wait_dma2 semaphore(%run_scoped3A : memref<!tpu.dma_semaphore, #tpu.memory_space<semaphore_mem>>) src(%dma_wait3A_772 : memref<40x16xf32, #tpu.memory_space<vmem>>) dst(%dma_wait3A_770 : memref<40x16xf32, #tpu.memory_space<vmem_shared>>)
      tpu.yield
    }) : () -> ()
    %barrier3A = arith.constant 0 : index
    tpu.barrier barrier_id(%barrier3A)
    %mul3A_20 = arith.constant 10240 : i32
    %mul3A_21 = arith.muli %add3A, %mul3A_20 : i32
    %add3A_22 = arith.constant 0 : i32
    %add3A_23 = arith.addi %mul3A_21, %add3A_22 : i32
    %dma_start3A = tpu.memref_slice %arg3[%add3A_23] : memref<327680xi32, #tpu.memory_space<hbm>> -> memref<128xi32, #tpu.memory_space<hbm>>
    %dma_start3A_24 = tpu.memref_slice %arg3[%add3A_23] : memref<327680xi32, #tpu.memory_space<hbm>> -> memref<128xi32, #tpu.memory_space<hbm>>
    tpu.enqueue_dma source(%dma_start3A_24 : memref<128xi32, #tpu.memory_space<hbm>>) target(%arg7 : memref<128xi32, #tpu.memory_space<vmem>>) target_semaphore(%arg21 : memref<!tpu.dma_semaphore, #tpu.memory_space<semaphore_mem>>)
    %dma_start3A_25 = tpu.memref_slice %arg4[%add3A_23] : memref<327680xi32, #tpu.memory_space<hbm>> -> memref<128xi32, #tpu.memory_space<hbm>>
    %dma_start3A_26 = tpu.memref_slice %arg4[%add3A_23] : memref<327680xi32, #tpu.memory_space<hbm>> -> memref<128xi32, #tpu.memory_space<hbm>>
    tpu.enqueue_dma source(%dma_start3A_26 : memref<128xi32, #tpu.memory_space<hbm>>) target(%arg9 : memref<128xi32, #tpu.memory_space<vmem>>) target_semaphore(%arg21 : memref<!tpu.dma_semaphore, #tpu.memory_space<semaphore_mem>>)
    %dma_wait3A = arith.constant 0 : i32
    %dma_wait3A_27 = tpu.memref_slice %arg3[%dma_wait3A] : memref<327680xi32, #tpu.memory_space<hbm>> -> memref<128xi32, #tpu.memory_space<hbm>>
    %dma_wait3A_28 = arith.constant 0 : i32
    %dma_wait3A_29 = tpu.memref_slice %arg3[%dma_wait3A_28] : memref<327680xi32, #tpu.memory_space<hbm>> -> memref<128xi32, #tpu.memory_space<hbm>>
    tpu.wait_dma2 semaphore(%arg21 : memref<!tpu.dma_semaphore, #tpu.memory_space<semaphore_mem>>) src(%dma_wait3A_29 : memref<128xi32, #tpu.memory_space<hbm>>) dst(%arg7 : memref<128xi32, #tpu.memory_space<vmem>>)
    %dma_wait3A_30 = arith.constant 0 : i32
    %dma_wait3A_31 = tpu.memref_slice %arg4[%dma_wait3A_30] : memref<327680xi32, #tpu.memory_space<hbm>> -> memref<128xi32, #tpu.memory_space<hbm>>
    %dma_wait3A_32 = arith.constant 0 : i32
    %dma_wait3A_33 = tpu.memref_slice %arg4[%dma_wait3A_32] : memref<327680xi32, #tpu.memory_space<hbm>> -> memref<128xi32, #tpu.memory_space<hbm>>
    tpu.wait_dma2 semaphore(%arg21 : memref<!tpu.dma_semaphore, #tpu.memory_space<semaphore_mem>>) src(%dma_wait3A_33 : memref<128xi32, #tpu.memory_space<hbm>>) dst(%arg9 : memref<128xi32, #tpu.memory_space<vmem>>)
    %dma_start3A_34 = arith.constant 0 : i32
    %dma_start3A_35 = arith.constant 0 : i32
    %dma_start3A_36 = tpu.memref_slice %arg2[%dma_start3A_34, %dma_start3A_35] : memref<10000x32xi32, #tpu.memory_space<hbm>> -> memref<10000x32xi32, #tpu.memory_space<hbm>>
    tpu.enqueue_indirect_dma source(%dma_start3A_36 : memref<10000x32xi32, #tpu.memory_space<hbm>>) target(%arg11 : memref<128x32xi32, #tpu.memory_space<vmem>>) offsets(%arg7 : memref<128xi32, #tpu.memory_space<vmem>>) semaphore(%arg19 : memref<!tpu.dma_semaphore, #tpu.memory_space<semaphore_mem>>)
    %mul3A_37 = arith.constant 10240 : i32
    %mul3A_38 = arith.muli %add3A, %mul3A_37 : i32
    %add3A_39 = arith.constant 128 : i32
    %add3A_40 = arith.addi %mul3A_38, %add3A_39 : i32
    %dma_start3A_41 = tpu.memref_slice %arg3[%add3A_40] : memref<327680xi32, #tpu.memory_space<hbm>> -> memref<128xi32, #tpu.memory_space<hbm>>
    %dma_start3A_42 = tpu.memref_slice %arg3[%add3A_40] : memref<327680xi32, #tpu.memory_space<hbm>> -> memref<128xi32, #tpu.memory_space<hbm>>
    tpu.enqueue_dma source(%dma_start3A_42 : memref<128xi32, #tpu.memory_space<hbm>>) target(%arg8 : memref<128xi32, #tpu.memory_space<vmem>>) target_semaphore(%arg22 : memref<!tpu.dma_semaphore, #tpu.memory_space<semaphore_mem>>)
    %dma_start3A_43 = tpu.memref_slice %arg4[%add3A_40] : memref<327680xi32, #tpu.memory_space<hbm>> -> memref<128xi32, #tpu.memory_space<hbm>>
    %dma_start3A_44 = tpu.memref_slice %arg4[%add3A_40] : memref<327680xi32, #tpu.memory_space<hbm>> -> memref<128xi32, #tpu.memory_space<hbm>>
    tpu.enqueue_dma source(%dma_start3A_44 : memref<128xi32, #tpu.memory_space<hbm>>) target(%arg10 : memref<128xi32, #tpu.memory_space<vmem>>) target_semaphore(%arg22 : memref<!tpu.dma_semaphore, #tpu.memory_space<semaphore_mem>>)
    %dma_wait3A_45 = arith.constant 0 : i32
    %dma_wait3A_46 = tpu.memref_slice %arg3[%dma_wait3A_45] : memref<327680xi32, #tpu.memory_space<hbm>> -> memref<128xi32, #tpu.memory_space<hbm>>
    %dma_wait3A_47 = arith.constant 0 : i32
    %dma_wait3A_48 = tpu.memref_slice %arg3[%dma_wait3A_47] : memref<327680xi32, #tpu.memory_space<hbm>> -> memref<128xi32, #tpu.memory_space<hbm>>
    tpu.wait_dma2 semaphore(%arg22 : memref<!tpu.dma_semaphore, #tpu.memory_space<semaphore_mem>>) src(%dma_wait3A_48 : memref<128xi32, #tpu.memory_space<hbm>>) dst(%arg8 : memref<128xi32, #tpu.memory_space<vmem>>)
    %dma_wait3A_49 = arith.constant 0 : i32
    %dma_wait3A_50 = tpu.memref_slice %arg4[%dma_wait3A_49] : memref<327680xi32, #tpu.memory_space<hbm>> -> memref<128xi32, #tpu.memory_space<hbm>>
    %dma_wait3A_51 = arith.constant 0 : i32
    %dma_wait3A_52 = tpu.memref_slice %arg4[%dma_wait3A_51] : memref<327680xi32, #tpu.memory_space<hbm>> -> memref<128xi32, #tpu.memory_space<hbm>>
    tpu.wait_dma2 semaphore(%arg22 : memref<!tpu.dma_semaphore, #tpu.memory_space<semaphore_mem>>) src(%dma_wait3A_52 : memref<128xi32, #tpu.memory_space<hbm>>) dst(%arg10 : memref<128xi32, #tpu.memory_space<vmem>>)
    %dma_start3A_53 = arith.constant 0 : i32
    %dma_start3A_54 = arith.constant 0 : i32
    %dma_start3A_55 = tpu.memref_slice %arg2[%dma_start3A_53, %dma_start3A_54] : memref<10000x32xi32, #tpu.memory_space<hbm>> -> memref<10000x32xi32, #tpu.memory_space<hbm>>
    tpu.enqueue_indirect_dma source(%dma_start3A_55 : memref<10000x32xi32, #tpu.memory_space<hbm>>) target(%arg12 : memref<128x32xi32, #tpu.memory_space<vmem>>) offsets(%arg8 : memref<128xi32, #tpu.memory_space<vmem>>) semaphore(%arg20 : memref<!tpu.dma_semaphore, #tpu.memory_space<semaphore_mem>>)
    %dma_wait3A_56 = arith.constant 0 : i32
    %dma_wait3A_57 = arith.constant 0 : i32
    %dma_wait3A_58 = tpu.memref_slice %arg2[%dma_wait3A_56, %dma_wait3A_57] : memref<10000x32xi32, #tpu.memory_space<hbm>> -> memref<10000x32xi32, #tpu.memory_space<hbm>>
    tpu.wait_indirect_dma semaphore(%arg19 : memref<!tpu.dma_semaphore, #tpu.memory_space<semaphore_mem>>) src(%dma_wait3A_58 : memref<10000x32xi32, #tpu.memory_space<hbm>>) dst(%arg11 : memref<128x32xi32, #tpu.memory_space<vmem>>)
    %get3A = arith.constant 0 : index
    %get3A_59 = tpu.vector_load %arg9[%get3A] {strides = array<i32>} : memref<128xi32, #tpu.memory_space<vmem>>, vector<16xi32>,
    %swap3A = arith.constant 0 : index
    %swap3A_60 = tpu.vector_load %arg15[%swap3A] {strides = array<i32>} : memref<128xi32, #tpu.memory_space<vmem>>, vector<16xi32>,
    tpu.vector_store %arg15[%swap3A], %get3A_59 {strides = array<i32>} : memref<128xi32, #tpu.memory_space<vmem>>, vector<16xi32>,
    %shift_right_arithmetic3A = arith.constant 4 : i32
    %shift_right_arithmetic3A_61 = vector.broadcast %shift_right_arithmetic3A : i32 to vector<16xi32>
    %shift_right_arithmetic3A_62 = arith.shrsi %get3A_59, %shift_right_arithmetic3A_61 : vector<16xi32>
    %and3A = arith.constant 15 : i32
    %and3A_63 = vector.broadcast %and3A : i32 to vector<16xi32>
    %and3A_64 = arith.andi %get3A_59, %and3A_63 : vector<16xi32>
    %broadcast_in_dim3A = arith.constant 1.000000e+00 : f32
    %broadcast_in_dim3A_65 = vector.broadcast %broadcast_in_dim3A : f32 to vector<16xf32>
    tpu.vector_store_idx %arg25[%shift_right_arithmetic3A_62, %and3A_64], %broadcast_in_dim3A_65 {add = true} : memref<640x16xf32, #tpu.memory_space<vmem>>[vector<16xi32>, vector<16xi32>], vector<16xf32>,
    %get3A_66 = arith.constant 16 : index
    %get3A_67 = tpu.vector_load %arg9[%get3A_66] {strides = array<i32>} : memref<128xi32, #tpu.memory_space<vmem>>, vector<16xi32>,
    %swap3A_68 = arith.constant 16 : index
    %swap3A_69 = tpu.vector_load %arg15[%swap3A_68] {strides = array<i32>} : memref<128xi32, #tpu.memory_space<vmem>>, vector<16xi32>,
    tpu.vector_store %arg15[%swap3A_68], %get3A_67 {strides = array<i32>} : memref<128xi32, #tpu.memory_space<vmem>>, vector<16xi32>,
    %shift_right_arithmetic3A_70 = arith.constant 4 : i32
    %shift_right_arithmetic3A_71 = vector.broadcast %shift_right_arithmetic3A_70 : i32 to vector<16xi32>
    %shift_right_arithmetic3A_72 = arith.shrsi %get3A_67, %shift_right_arithmetic3A_71 : vector<16xi32>
    %and3A_73 = arith.constant 15 : i32
    %and3A_74 = vector.broadcast %and3A_73 : i32 to vector<16xi32>
    %and3A_75 = arith.andi %get3A_67, %and3A_74 : vector<16xi32>
    %broadcast_in_dim3A_76 = arith.constant 1.000000e+00 : f32
    %broadcast_in_dim3A_77 = vector.broadcast %broadcast_in_dim3A_76 : f32 to vector<16xf32>
    tpu.vector_store_idx %arg25[%shift_right_arithmetic3A_72, %and3A_75], %broadcast_in_dim3A_77 {add = true} : memref<640x16xf32, #tpu.memory_space<vmem>>[vector<16xi32>, vector<16xi32>], vector<16xf32>,
    %get3A_78 = arith.constant 32 : index
    %get3A_79 = tpu.vector_load %arg9[%get3A_78] {strides = array<i32>} : memref<128xi32, #tpu.memory_space<vmem>>, vector<16xi32>,
    %swap3A_80 = arith.constant 32 : index
    %swap3A_81 = tpu.vector_load %arg15[%swap3A_80] {strides = array<i32>} : memref<128xi32, #tpu.memory_space<vmem>>, vector<16xi32>,
    tpu.vector_store %arg15[%swap3A_80], %get3A_79 {strides = array<i32>} : memref<128xi32, #tpu.memory_space<vmem>>, vector<16xi32>,
    %shift_right_arithmetic3A_82 = arith.constant 4 : i32
    %shift_right_arithmetic3A_83 = vector.broadcast %shift_right_arithmetic3A_82 : i32 to vector<16xi32>
    %shift_right_arithmetic3A_84 = arith.shrsi %get3A_79, %shift_right_arithmetic3A_83 : vector<16xi32>
    %and3A_85 = arith.constant 15 : i32
    %and3A_86 = vector.broadcast %and3A_85 : i32 to vector<16xi32>
    %and3A_87 = arith.andi %get3A_79, %and3A_86 : vector<16xi32>
    %broadcast_in_dim3A_88 = arith.constant 1.000000e+00 : f32
    %broadcast_in_dim3A_89 = vector.broadcast %broadcast_in_dim3A_88 : f32 to vector<16xf32>
    tpu.vector_store_idx %arg25[%shift_right_arithmetic3A_84, %and3A_87], %broadcast_in_dim3A_89 {add = true} : memref<640x16xf32, #tpu.memory_space<vmem>>[vector<16xi32>, vector<16xi32>], vector<16xf32>,
    %get3A_90 = arith.constant 48 : index
    %get3A_91 = tpu.vector_load %arg9[%get3A_90] {strides = array<i32>} : memref<128xi32, #tpu.memory_space<vmem>>, vector<16xi32>,
    %swap3A_92 = arith.constant 48 : index
    %swap3A_93 = tpu.vector_load %arg15[%swap3A_92] {strides = array<i32>} : memref<128xi32, #tpu.memory_space<vmem>>, vector<16xi32>,
    tpu.vector_store %arg15[%swap3A_92], %get3A_91 {strides = array<i32>} : memref<128xi32, #tpu.memory_space<vmem>>, vector<16xi32>,
    %shift_right_arithmetic3A_94 = arith.constant 4 : i32
    %shift_right_arithmetic3A_95 = vector.broadcast %shift_right_arithmetic3A_94 : i32 to vector<16xi32>
    %shift_right_arithmetic3A_96 = arith.shrsi %get3A_91, %shift_right_arithmetic3A_95 : vector<16xi32>
    %and3A_97 = arith.constant 15 : i32
    %and3A_98 = vector.broadcast %and3A_97 : i32 to vector<16xi32>
    %and3A_99 = arith.andi %get3A_91, %and3A_98 : vector<16xi32>
    %broadcast_in_dim3A_100 = arith.constant 1.000000e+00 : f32
    %broadcast_in_dim3A_101 = vector.broadcast %broadcast_in_dim3A_100 : f32 to vector<16xf32>
    tpu.vector_store_idx %arg25[%shift_right_arithmetic3A_96, %and3A_99], %broadcast_in_dim3A_101 {add = true} : memref<640x16xf32, #tpu.memory_space<vmem>>[vector<16xi32>, vector<16xi32>], vector<16xf32>,
    %get3A_102 = arith.constant 64 : index
    %get3A_103 = tpu.vector_load %arg9[%get3A_102] {strides = array<i32>} : memref<128xi32, #tpu.memory_space<vmem>>, vector<16xi32>,
    %swap3A_104 = arith.constant 64 : index
    %swap3A_105 = tpu.vector_load %arg15[%swap3A_104] {strides = array<i32>} : memref<128xi32, #tpu.memory_space<vmem>>, vector<16xi32>,
    tpu.vector_store %arg15[%swap3A_104], %get3A_103 {strides = array<i32>} : memref<128xi32, #tpu.memory_space<vmem>>, vector<16xi32>,
    %shift_right_arithmetic3A_106 = arith.constant 4 : i32
    %shift_right_arithmetic3A_107 = vector.broadcast %shift_right_arithmetic3A_106 : i32 to vector<16xi32>
    %shift_right_arithmetic3A_108 = arith.shrsi %get3A_103, %shift_right_arithmetic3A_107 : vector<16xi32>
    %and3A_109 = arith.constant 15 : i32
    %and3A_110 = vector.broadcast %and3A_109 : i32 to vector<16xi32>
    %and3A_111 = arith.andi %get3A_103, %and3A_110 : vector<16xi32>
    %broadcast_in_dim3A_112 = arith.constant 1.000000e+00 : f32
    %broadcast_in_dim3A_113 = vector.broadcast %broadcast_in_dim3A_112 : f32 to vector<16xf32>
    tpu.vector_store_idx %arg25[%shift_right_arithmetic3A_108, %and3A_111], %broadcast_in_dim3A_113 {add = true} : memref<640x16xf32, #tpu.memory_space<vmem>>[vector<16xi32>, vector<16xi32>], vector<16xf32>,
    %get3A_114 = arith.constant 80 : index
    %get3A_115 = tpu.vector_load %arg9[%get3A_114] {strides = array<i32>} : memref<128xi32, #tpu.memory_space<vmem>>, vector<16xi32>,
    %swap3A_116 = arith.constant 80 : index
    %swap3A_117 = tpu.vector_load %arg15[%swap3A_116] {strides = array<i32>} : memref<128xi32, #tpu.memory_space<vmem>>, vector<16xi32>,
    tpu.vector_store %arg15[%swap3A_116], %get3A_115 {strides = array<i32>} : memref<128xi32, #tpu.memory_space<vmem>>, vector<16xi32>,
    %shift_right_arithmetic3A_118 = arith.constant 4 : i32
    %shift_right_arithmetic3A_119 = vector.broadcast %shift_right_arithmetic3A_118 : i32 to vector<16xi32>
    %shift_right_arithmetic3A_120 = arith.shrsi %get3A_115, %shift_right_arithmetic3A_119 : vector<16xi32>
    %and3A_121 = arith.constant 15 : i32
    %and3A_122 = vector.broadcast %and3A_121 : i32 to vector<16xi32>
    %and3A_123 = arith.andi %get3A_115, %and3A_122 : vector<16xi32>
    %broadcast_in_dim3A_124 = arith.constant 1.000000e+00 : f32
    %broadcast_in_dim3A_125 = vector.broadcast %broadcast_in_dim3A_124 : f32 to vector<16xf32>
    tpu.vector_store_idx %arg25[%shift_right_arithmetic3A_120, %and3A_123], %broadcast_in_dim3A_125 {add = true} : memref<640x16xf32, #tpu.memory_space<vmem>>[vector<16xi32>, vector<16xi32>], vector<16xf32>,
    %get3A_126 = arith.constant 96 : index
    %get3A_127 = tpu.vector_load %arg9[%get3A_126] {strides = array<i32>} : memref<128xi32, #tpu.memory_space<vmem>>, vector<16xi32>,
    %swap3A_128 = arith.constant 96 : index
    %swap3A_129 = tpu.vector_load %arg15[%swap3A_128] {strides = array<i32>} : memref<128xi32, #tpu.memory_space<vmem>>, vector<16xi32>,
    tpu.vector_store %arg15[%swap3A_128], %get3A_127 {strides = array<i32>} : memref<128xi32, #tpu.memory_space<vmem>>, vector<16xi32>,
    %shift_right_arithmetic3A_130 = arith.constant 4 : i32
    %shift_right_arithmetic3A_131 = vector.broadcast %shift_right_arithmetic3A_130 : i32 to vector<16xi32>
    %shift_right_arithmetic3A_132 = arith.shrsi %get3A_127, %shift_right_arithmetic3A_131 : vector<16xi32>
    %and3A_133 = arith.constant 15 : i32
    %and3A_134 = vector.broadcast %and3A_133 : i32 to vector<16xi32>
    %and3A_135 = arith.andi %get3A_127, %and3A_134 : vector<16xi32>
    %broadcast_in_dim3A_136 = arith.constant 1.000000e+00 : f32
    %broadcast_in_dim3A_137 = vector.broadcast %broadcast_in_dim3A_136 : f32 to vector<16xf32>
    tpu.vector_store_idx %arg25[%shift_right_arithmetic3A_132, %and3A_135], %broadcast_in_dim3A_137 {add = true} : memref<640x16xf32, #tpu.memory_space<vmem>>[vector<16xi32>, vector<16xi32>], vector<16xf32>,
    %get3A_138 = arith.constant 112 : index
    %get3A_139 = tpu.vector_load %arg9[%get3A_138] {strides = array<i32>} : memref<128xi32, #tpu.memory_space<vmem>>, vector<16xi32>,
    %swap3A_140 = arith.constant 112 : index
    %swap3A_141 = tpu.vector_load %arg15[%swap3A_140] {strides = array<i32>} : memref<128xi32, #tpu.memory_space<vmem>>, vector<16xi32>,
    tpu.vector_store %arg15[%swap3A_140], %get3A_139 {strides = array<i32>} : memref<128xi32, #tpu.memory_space<vmem>>, vector<16xi32>,
    %shift_right_arithmetic3A_142 = arith.constant 4 : i32
    %shift_right_arithmetic3A_143 = vector.broadcast %shift_right_arithmetic3A_142 : i32 to vector<16xi32>
    %shift_right_arithmetic3A_144 = arith.shrsi %get3A_139, %shift_right_arithmetic3A_143 : vector<16xi32>
    %and3A_145 = arith.constant 15 : i32
    %and3A_146 = vector.broadcast %and3A_145 : i32 to vector<16xi32>
    %and3A_147 = arith.andi %get3A_139, %and3A_146 : vector<16xi32>
    %broadcast_in_dim3A_148 = arith.constant 1.000000e+00 : f32
    %broadcast_in_dim3A_149 = vector.broadcast %broadcast_in_dim3A_148 : f32 to vector<16xf32>
    tpu.vector_store_idx %arg25[%shift_right_arithmetic3A_144, %and3A_147], %broadcast_in_dim3A_149 {add = true} : memref<640x16xf32, #tpu.memory_space<vmem>>[vector<16xi32>, vector<16xi32>], vector<16xf32>,
    %mul3A_150 = arith.constant 10240 : i32
    %mul3A_151 = arith.muli %add3A, %mul3A_150 : i32
    %add3A_152 = arith.constant 256 : i32
    %add3A_153 = arith.addi %mul3A_151, %add3A_152 : i32
    %dma_start3A_154 = tpu.memref_slice %arg3[%add3A_153] : memref<327680xi32, #tpu.memory_space<hbm>> -> memref<128xi32, #tpu.memory_space<hbm>>
    %dma_start3A_155 = tpu.memref_slice %arg3[%add3A_153] : memref<327680xi32, #tpu.memory_space<hbm>> -> memref<128xi32, #tpu.memory_space<hbm>>
    tpu.enqueue_dma source(%dma_start3A_155 : memref<128xi32, #tpu.memory_space<hbm>>) target(%arg7 : memref<128xi32, #tpu.memory_space<vmem>>) target_semaphore(%arg21 : memref<!tpu.dma_semaphore, #tpu.memory_space<semaphore_mem>>)
    %dma_start3A_156 = tpu.memref_slice %arg4[%add3A_153] : memref<327680xi32, #tpu.memory_space<hbm>> -> memref<128xi32, #tpu.memory_space<hbm>>
    %dma_start3A_157 = tpu.memref_slice %arg4[%add3A_153] : memref<327680xi32, #tpu.memory_space<hbm>> -> memref<128xi32, #tpu.memory_space<hbm>>
    tpu.enqueue_dma source(%dma_start3A_157 : memref<128xi32, #tpu.memory_space<hbm>>) target(%arg9 : memref<128xi32, #tpu.memory_space<vmem>>) target_semaphore(%arg21 : memref<!tpu.dma_semaphore, #tpu.memory_space<semaphore_mem>>)
    %scan3A_158 = arith.constant 0 : i32
    %scan3A_159 = arith.constant 0 : i32
    %scan3A_160 = arith.constant 32 : i32
    %scan3A_161 = arith.addi %scan3A_159, %scan3A_160 : i32
    %scan3A_162 = arith.constant 1 : i32
    %scan3A_163 = scf.for %scan3A_757 = %scan3A_159 to %scan3A_161 step %scan3A_162 iter_args(%scan3A_758 = %scan3A_158) -> (i32)  : i32 {
      %mul3A_759 = arith.constant 4 : i32
      %mul3A_760 = arith.muli %mul3A_759, %scan3A_757 : i32
      %add3A_761 = arith.constant 0 : i32
      %add3A_762 = arith.addi %mul3A_760, %add3A_761 : i32
      %get3A_763 = arith.index_cast %add3A_762 : i32 to index
      %get3A_764 = arith.constant 0 : index
      %get3A_765 = tpu.vector_load %arg11[%get3A_763, %get3A_764] {strides = array<i32>} : memref<128x32xi32, #tpu.memory_space<vmem>>, vector<16xi32>,
      %shift_left3A = arith.constant 16 : i32
      %shift_left3A_766 = vector.broadcast %shift_left3A : i32 to vector<16xi32>
      %shift_left3A_767 = arith.shli %get3A_765, %shift_left3A_766 : vector<16xi32>
      %bitcast3A = vector.bitcast %shift_left3A_767 : vector<16xi32> to vector<16xf32>
      %and3A_768 = arith.constant -65536 : i32
      %and3A_769 = vector.broadcast %and3A_768 : i32 to vector<16xi32>
      %and3A_770 = arith.andi %get3A_765, %and3A_769 : vector<16xi32>
      %bitcast3A_771 = vector.bitcast %and3A_770 : vector<16xi32> to vector<16xf32>
      %swap3A_772 = arith.index_cast %add3A_762 : i32 to index
      %swap3A_773 = arith.constant 0 : index
      %swap3A_774 = tpu.vector_load %arg13[%swap3A_772, %swap3A_773] {strides = array<i32>} : memref<128x64xf32, #tpu.memory_space<vmem>>, vector<16xf32>,
      tpu.vector_store %arg13[%swap3A_772, %swap3A_773], %bitcast3A {strides = array<i32>} : memref<128x64xf32, #tpu.memory_space<vmem>>, vector<16xf32>,
      %swap3A_775 = arith.index_cast %add3A_762 : i32 to index
      %swap3A_776 = arith.constant 16 : index
      %swap3A_777 = tpu.vector_load %arg13[%swap3A_775, %swap3A_776] {strides = array<i32>} : memref<128x64xf32, #tpu.memory_space<vmem>>, vector<16xf32>,
      tpu.vector_store %arg13[%swap3A_775, %swap3A_776], %bitcast3A_771 {strides = array<i32>} : memref<128x64xf32, #tpu.memory_space<vmem>>, vector<16xf32>,
      %get3A_778 = arith.index_cast %add3A_762 : i32 to index
      %get3A_779 = arith.constant 16 : index
      %get3A_780 = tpu.vector_load %arg11[%get3A_778, %get3A_779] {strides = array<i32>} : memref<128x32xi32, #tpu.memory_space<vmem>>, vector<16xi32>,
      %shift_left3A_781 = arith.constant 16 : i32
      %shift_left3A_782 = vector.broadcast %shift_left3A_781 : i32 to vector<16xi32>
      %shift_left3A_783 = arith.shli %get3A_780, %shift_left3A_782 : vector<16xi32>
      %bitcast3A_784 = vector.bitcast %shift_left3A_783 : vector<16xi32> to vector<16xf32>
      %and3A_785 = arith.constant -65536 : i32
      %and3A_786 = vector.broadcast %and3A_785 : i32 to vector<16xi32>
      %and3A_787 = arith.andi %get3A_780, %and3A_786 : vector<16xi32>
      %bitcast3A_788 = vector.bitcast %and3A_787 : vector<16xi32> to vector<16xf32>
      %swap3A_789 = arith.index_cast %add3A_762 : i32 to index
      %swap3A_790 = arith.constant 32 : index
      %swap3A_791 = tpu.vector_load %arg13[%swap3A_789, %swap3A_790] {strides = array<i32>} : memref<128x64xf32, #tpu.memory_space<vmem>>, vector<16xf32>,
      tpu.vector_store %arg13[%swap3A_789, %swap3A_790], %bitcast3A_784 {strides = array<i32>} : memref<128x64xf32, #tpu.memory_space<vmem>>, vector<16xf32>,
      %swap3A_792 = arith.index_cast %add3A_762 : i32 to index
      %swap3A_793 = arith.constant 48 : index
      %swap3A_794 = tpu.vector_load %arg13[%swap3A_792, %swap3A_793] {strides = array<i32>} : memref<128x64xf32, #tpu.memory_space<vmem>>, vector<16xf32>,
      tpu.vector_store %arg13[%swap3A_792, %swap3A_793], %bitcast3A_788 {strides = array<i32>} : memref<128x64xf32, #tpu.memory_space<vmem>>, vector<16xf32>,
      %mul3A_795 = arith.constant 4 : i32
      %mul3A_796 = arith.muli %mul3A_795, %scan3A_757 : i32
      %add3A_797 = arith.constant 1 : i32
      %add3A_798 = arith.addi %mul3A_796, %add3A_797 : i32
      %get3A_799 = arith.index_cast %add3A_798 : i32 to index
      %get3A_800 = arith.constant 0 : index
      %get3A_801 = tpu.vector_load %arg11[%get3A_799, %get3A_800] {strides = array<i32>} : memref<128x32xi32, #tpu.memory_space<vmem>>, vector<16xi32>,
      %shift_left3A_802 = arith.constant 16 : i32
      %shift_left3A_803 = vector.broadcast %shift_left3A_802 : i32 to vector<16xi32>
      %shift_left3A_804 = arith.shli %get3A_801, %shift_left3A_803 : vector<16xi32>
      %bitcast3A_805 = vector.bitcast %shift_left3A_804 : vector<16xi32> to vector<16xf32>
      %and3A_806 = arith.constant -65536 : i32
      %and3A_807 = vector.broadcast %and3A_806 : i32 to vector<16xi32>
      %and3A_808 = arith.andi %get3A_801, %and3A_807 : vector<16xi32>
      %bitcast3A_809 = vector.bitcast %and3A_808 : vector<16xi32> to vector<16xf32>
      %swap3A_810 = arith.index_cast %add3A_798 : i32 to index
      %swap3A_811 = arith.constant 0 : index
      %swap3A_812 = tpu.vector_load %arg13[%swap3A_810, %swap3A_811] {strides = array<i32>} : memref<128x64xf32, #tpu.memory_space<vmem>>, vector<16xf32>,
      tpu.vector_store %arg13[%swap3A_810, %swap3A_811], %bitcast3A_805 {strides = array<i32>} : memref<128x64xf32, #tpu.memory_space<vmem>>, vector<16xf32>,
      %swap3A_813 = arith.index_cast %add3A_798 : i32 to index
      %swap3A_814 = arith.constant 16 : index
      %swap3A_815 = tpu.vector_load %arg13[%swap3A_813, %swap3A_814] {strides = array<i32>} : memref<128x64xf32, #tpu.memory_space<vmem>>, vector<16xf32>,
      tpu.vector_store %arg13[%swap3A_813, %swap3A_814], %bitcast3A_809 {strides = array<i32>} : memref<128x64xf32, #tpu.memory_space<vmem>>, vector<16xf32>,
      %get3A_816 = arith.index_cast %add3A_798 : i32 to index
      %get3A_817 = arith.constant 16 : index
      %get3A_818 = tpu.vector_load %arg11[%get3A_816, %get3A_817] {strides = array<i32>} : memref<128x32xi32, #tpu.memory_space<vmem>>, vector<16xi32>,
      %shift_left3A_819 = arith.constant 16 : i32
      %shift_left3A_820 = vector.broadcast %shift_left3A_819 : i32 to vector<16xi32>
      %shift_left3A_821 = arith.shli %get3A_818, %shift_left3A_820 : vector<16xi32>
      %bitcast3A_822 = vector.bitcast %shift_left3A_821 : vector<16xi32> to vector<16xf32>
      %and3A_823 = arith.constant -65536 : i32
      %and3A_824 = vector.broadcast %and3A_823 : i32 to vector<16xi32>
      %and3A_825 = arith.andi %get3A_818, %and3A_824 : vector<16xi32>
      %bitcast3A_826 = vector.bitcast %and3A_825 : vector<16xi32> to vector<16xf32>
      %swap3A_827 = arith.index_cast %add3A_798 : i32 to index
      %swap3A_828 = arith.constant 32 : index
      %swap3A_829 = tpu.vector_load %arg13[%swap3A_827, %swap3A_828] {strides = array<i32>} : memref<128x64xf32, #tpu.memory_space<vmem>>, vector<16xf32>,
      tpu.vector_store %arg13[%swap3A_827, %swap3A_828], %bitcast3A_822 {strides = array<i32>} : memref<128x64xf32, #tpu.memory_space<vmem>>, vector<16xf32>,
      %swap3A_830 = arith.index_cast %add3A_798 : i32 to index
      %swap3A_831 = arith.constant 48 : index
      %swap3A_832 = tpu.vector_load %arg13[%swap3A_830, %swap3A_831] {strides = array<i32>} : memref<128x64xf32, #tpu.memory_space<vmem>>, vector<16xf32>,
      tpu.vector_store %arg13[%swap3A_830, %swap3A_831], %bitcast3A_826 {strides = array<i32>} : memref<128x64xf32, #tpu.memory_space<vmem>>, vector<16xf32>,
      %mul3A_833 = arith.constant 4 : i32
      %mul3A_834 = arith.muli %mul3A_833, %scan3A_757 : i32
      %add3A_835 = arith.constant 2 : i32
      %add3A_836 = arith.addi %mul3A_834, %add3A_835 : i32
      %get3A_837 = arith.index_cast %add3A_836 : i32 to index
      %get3A_838 = arith.constant 0 : index
      %get3A_839 = tpu.vector_load %arg11[%get3A_837, %get3A_838] {strides = array<i32>} : memref<128x32xi32, #tpu.memory_space<vmem>>, vector<16xi32>,
      %shift_left3A_840 = arith.constant 16 : i32
      %shift_left3A_841 = vector.broadcast %shift_left3A_840 : i32 to vector<16xi32>
      %shift_left3A_842 = arith.shli %get3A_839, %shift_left3A_841 : vector<16xi32>
      %bitcast3A_843 = vector.bitcast %shift_left3A_842 : vector<16xi32> to vector<16xf32>
      %and3A_844 = arith.constant -65536 : i32
      %and3A_845 = vector.broadcast %and3A_844 : i32 to vector<16xi32>
      %and3A_846 = arith.andi %get3A_839, %and3A_845 : vector<16xi32>
      %bitcast3A_847 = vector.bitcast %and3A_846 : vector<16xi32> to vector<16xf32>
      %swap3A_848 = arith.index_cast %add3A_836 : i32 to index
      %swap3A_849 = arith.constant 0 : index
      %swap3A_850 = tpu.vector_load %arg13[%swap3A_848, %swap3A_849] {strides = array<i32>} : memref<128x64xf32, #tpu.memory_space<vmem>>, vector<16xf32>,
      tpu.vector_store %arg13[%swap3A_848, %swap3A_849], %bitcast3A_843 {strides = array<i32>} : memref<128x64xf32, #tpu.memory_space<vmem>>, vector<16xf32>,
      %swap3A_851 = arith.index_cast %add3A_836 : i32 to index
      %swap3A_852 = arith.constant 16 : index
      %swap3A_853 = tpu.vector_load %arg13[%swap3A_851, %swap3A_852] {strides = array<i32>} : memref<128x64xf32, #tpu.memory_space<vmem>>, vector<16xf32>,
      tpu.vector_store %arg13[%swap3A_851, %swap3A_852], %bitcast3A_847 {strides = array<i32>} : memref<128x64xf32, #tpu.memory_space<vmem>>, vector<16xf32>,
      %get3A_854 = arith.index_cast %add3A_836 : i32 to index
      %get3A_855 = arith.constant 16 : index
      %get3A_856 = tpu.vector_load %arg11[%get3A_854, %get3A_855] {strides = array<i32>} : memref<128x32xi32, #tpu.memory_space<vmem>>, vector<16xi32>,
      %shift_left3A_857 = arith.constant 16 : i32
      %shift_left3A_858 = vector.broadcast %shift_left3A_857 : i32 to vector<16xi32>
      %shift_left3A_859 = arith.shli %get3A_856, %shift_left3A_858 : vector<16xi32>
      %bitcast3A_860 = vector.bitcast %shift_left3A_859 : vector<16xi32> to vector<16xf32>
      %and3A_861 = arith.constant -65536 : i32
      %and3A_862 = vector.broadcast %and3A_861 : i32 to vector<16xi32>
      %and3A_863 = arith.andi %get3A_856, %and3A_862 : vector<16xi32>
      %bitcast3A_864 = vector.bitcast %and3A_863 : vector<16xi32> to vector<16xf32>
      %swap3A_865 = arith.index_cast %add3A_836 : i32 to index
      %swap3A_866 = arith.constant 32 : index
      %swap3A_867 = tpu.vector_load %arg13[%swap3A_865, %swap3A_866] {strides = array<i32>} : memref<128x64xf32, #tpu.memory_space<vmem>>, vector<16xf32>,
      tpu.vector_store %arg13[%swap3A_865, %swap3A_866], %bitcast3A_860 {strides = array<i32>} : memref<128x64xf32, #tpu.memory_space<vmem>>, vector<16xf32>,
      %swap3A_868 = arith.index_cast %add3A_836 : i32 to index
      %swap3A_869 = arith.constant 48 : index
      %swap3A_870 = tpu.vector_load %arg13[%swap3A_868, %swap3A_869] {strides = array<i32>} : memref<128x64xf32, #tpu.memory_space<vmem>>, vector<16xf32>,
      tpu.vector_store %arg13[%swap3A_868, %swap3A_869], %bitcast3A_864 {strides = array<i32>} : memref<128x64xf32, #tpu.memory_space<vmem>>, vector<16xf32>,
      %mul3A_871 = arith.constant 4 : i32
      %mul3A_872 = arith.muli %mul3A_871, %scan3A_757 : i32
      %add3A_873 = arith.constant 3 : i32
      %add3A_874 = arith.addi %mul3A_872, %add3A_873 : i32
      %get3A_875 = arith.index_cast %add3A_874 : i32 to index
      %get3A_876 = arith.constant 0 : index
      %get3A_877 = tpu.vector_load %arg11[%get3A_875, %get3A_876] {strides = array<i32>} : memref<128x32xi32, #tpu.memory_space<vmem>>, vector<16xi32>,
      %shift_left3A_878 = arith.constant 16 : i32
      %shift_left3A_879 = vector.broadcast %shift_left3A_878 : i32 to vector<16xi32>
      %shift_left3A_880 = arith.shli %get3A_877, %shift_left3A_879 : vector<16xi32>
      %bitcast3A_881 = vector.bitcast %shift_left3A_880 : vector<16xi32> to vector<16xf32>
      %and3A_882 = arith.constant -65536 : i32
      %and3A_883 = vector.broadcast %and3A_882 : i32 to vector<16xi32>
      %and3A_884 = arith.andi %get3A_877, %and3A_883 : vector<16xi32>
      %bitcast3A_885 = vector.bitcast %and3A_884 : vector<16xi32> to vector<16xf32>
      %swap3A_886 = arith.index_cast %add3A_874 : i32 to index
      %swap3A_887 = arith.constant 0 : index
      %swap3A_888 = tpu.vector_load %arg13[%swap3A_886, %swap3A_887] {strides = array<i32>} : memref<128x64xf32, #tpu.memory_space<vmem>>, vector<16xf32>,
      tpu.vector_store %arg13[%swap3A_886, %swap3A_887], %bitcast3A_881 {strides = array<i32>} : memref<128x64xf32, #tpu.memory_space<vmem>>, vector<16xf32>,
      %swap3A_889 = arith.index_cast %add3A_874 : i32 to index
      %swap3A_890 = arith.constant 16 : index
      %swap3A_891 = tpu.vector_load %arg13[%swap3A_889, %swap3A_890] {strides = array<i32>} : memref<128x64xf32, #tpu.memory_space<vmem>>, vector<16xf32>,
      tpu.vector_store %arg13[%swap3A_889, %swap3A_890], %bitcast3A_885 {strides = array<i32>} : memref<128x64xf32, #tpu.memory_space<vmem>>, vector<16xf32>,
      %get3A_892 = arith.index_cast %add3A_874 : i32 to index
      %get3A_893 = arith.constant 16 : index
      %get3A_894 = tpu.vector_load %arg11[%get3A_892, %get3A_893] {strides = array<i32>} : memref<128x32xi32, #tpu.memory_space<vmem>>, vector<16xi32>,
      %shift_left3A_895 = arith.constant 16 : i32
      %shift_left3A_896 = vector.broadcast %shift_left3A_895 : i32 to vector<16xi32>
      %shift_left3A_897 = arith.shli %get3A_894, %shift_left3A_896 : vector<16xi32>
      %bitcast3A_898 = vector.bitcast %shift_left3A_897 : vector<16xi32> to vector<16xf32>
      %and3A_899 = arith.constant -65536 : i32
      %and3A_900 = vector.broadcast %and3A_899 : i32 to vector<16xi32>
      %and3A_901 = arith.andi %get3A_894, %and3A_900 : vector<16xi32>
      %bitcast3A_902 = vector.bitcast %and3A_901 : vector<16xi32> to vector<16xf32>
      %swap3A_903 = arith.index_cast %add3A_874 : i32 to index
      %swap3A_904 = arith.constant 32 : index
      %swap3A_905 = tpu.vector_load %arg13[%swap3A_903, %swap3A_904] {strides = array<i32>} : memref<128x64xf32, #tpu.memory_space<vmem>>, vector<16xf32>,
      tpu.vector_store %arg13[%swap3A_903, %swap3A_904], %bitcast3A_898 {strides = array<i32>} : memref<128x64xf32, #tpu.memory_space<vmem>>, vector<16xf32>,
      %swap3A_906 = arith.index_cast %add3A_874 : i32 to index
      %swap3A_907 = arith.constant 48 : index
      %swap3A_908 = tpu.vector_load %arg13[%swap3A_906, %swap3A_907] {strides = array<i32>} : memref<128x64xf32, #tpu.memory_space<vmem>>, vector<16xf32>,
      tpu.vector_store %arg13[%swap3A_906, %swap3A_907], %bitcast3A_902 {strides = array<i32>} : memref<128x64xf32, #tpu.memory_space<vmem>>, vector<16xf32>,
      %scan3A_909 = arith.constant 0 : i32
      scf.yield %scan3A_909 : i32
    }
    %scan3A_164 = arith.constant 32 : i32
    %dma_start3A_165 = arith.constant 0 : i32
    %dma_start3A_166 = arith.constant 0 : i32
    %dma_start3A_167 = tpu.memref_slice %arg18[%dma_start3A_165, %dma_start3A_166] : memref<10240x64xf32, #tpu.memory_space<vmem_shared>> -> memref<10240x64xf32, #tpu.memory_space<vmem_shared>>
    tpu.enqueue_indirect_dma source(%arg13 : memref<128x64xf32, #tpu.memory_space<vmem>>) target(%dma_start3A_167 : memref<10240x64xf32, #tpu.memory_space<vmem_shared>>) offsets(%arg15 : memref<128xi32, #tpu.memory_space<vmem>>) semaphore(%arg23 : memref<!tpu.dma_semaphore, #tpu.memory_space<semaphore_mem>>) {add = true}
    %dma_wait3A_168 = arith.constant 0 : i32
    %dma_wait3A_169 = tpu.memref_slice %arg3[%dma_wait3A_168] : memref<327680xi32, #tpu.memory_space<hbm>> -> memref<128xi32, #tpu.memory_space<hbm>>
    %dma_wait3A_170 = arith.constant 0 : i32
    %dma_wait3A_171 = tpu.memref_slice %arg3[%dma_wait3A_170] : memref<327680xi32, #tpu.memory_space<hbm>> -> memref<128xi32, #tpu.memory_space<hbm>>
    tpu.wait_dma2 semaphore(%arg21 : memref<!tpu.dma_semaphore, #tpu.memory_space<semaphore_mem>>) src(%dma_wait3A_171 : memref<128xi32, #tpu.memory_space<hbm>>) dst(%arg7 : memref<128xi32, #tpu.memory_space<vmem>>)
    %dma_wait3A_172 = arith.constant 0 : i32
    %dma_wait3A_173 = tpu.memref_slice %arg4[%dma_wait3A_172] : memref<327680xi32, #tpu.memory_space<hbm>> -> memref<128xi32, #tpu.memory_space<hbm>>
    %dma_wait3A_174 = arith.constant 0 : i32
    %dma_wait3A_175 = tpu.memref_slice %arg4[%dma_wait3A_174] : memref<327680xi32, #tpu.memory_space<hbm>> -> memref<128xi32, #tpu.memory_space<hbm>>
    tpu.wait_dma2 semaphore(%arg21 : memref<!tpu.dma_semaphore, #tpu.memory_space<semaphore_mem>>) src(%dma_wait3A_175 : memref<128xi32, #tpu.memory_space<hbm>>) dst(%arg9 : memref<128xi32, #tpu.memory_space<vmem>>)
    %dma_start3A_176 = arith.constant 0 : i32
    %dma_start3A_177 = arith.constant 0 : i32
    %dma_start3A_178 = tpu.memref_slice %arg2[%dma_start3A_176, %dma_start3A_177] : memref<10000x32xi32, #tpu.memory_space<hbm>> -> memref<10000x32xi32, #tpu.memory_space<hbm>>
    tpu.enqueue_indirect_dma source(%dma_start3A_178 : memref<10000x32xi32, #tpu.memory_space<hbm>>) target(%arg11 : memref<128x32xi32, #tpu.memory_space<vmem>>) offsets(%arg7 : memref<128xi32, #tpu.memory_space<vmem>>) semaphore(%arg19 : memref<!tpu.dma_semaphore, #tpu.memory_space<semaphore_mem>>)
    %dma_wait3A_179 = arith.constant 0 : i32
    %dma_wait3A_180 = arith.constant 0 : i32
    %dma_wait3A_181 = tpu.memref_slice %arg2[%dma_wait3A_179, %dma_wait3A_180] : memref<10000x32xi32, #tpu.memory_space<hbm>> -> memref<10000x32xi32, #tpu.memory_space<hbm>>
    tpu.wait_indirect_dma semaphore(%arg20 : memref<!tpu.dma_semaphore, #tpu.memory_space<semaphore_mem>>) src(%dma_wait3A_181 : memref<10000x32xi32, #tpu.memory_space<hbm>>) dst(%arg12 : memref<128x32xi32, #tpu.memory_space<vmem>>)
    %get3A_182 = arith.constant 0 : index
    %get3A_183 = tpu.vector_load %arg10[%get3A_182] {strides = array<i32>} : memref<128xi32, #tpu.memory_space<vmem>>, vector<16xi32>,
    %swap3A_184 = arith.constant 0 : index
    %swap3A_185 = tpu.vector_load %arg16[%swap3A_184] {strides = array<i32>} : memref<128xi32, #tpu.memory_space<vmem>>, vector<16xi32>,
    tpu.vector_store %arg16[%swap3A_184], %get3A_183 {strides = array<i32>} : memref<128xi32, #tpu.memory_space<vmem>>, vector<16xi32>,
    %shift_right_arithmetic3A_186 = arith.constant 4 : i32
    %shift_right_arithmetic3A_187 = vector.broadcast %shift_right_arithmetic3A_186 : i32 to vector<16xi32>
    %shift_right_arithmetic3A_188 = arith.shrsi %get3A_183, %shift_right_arithmetic3A_187 : vector<16xi32>
    %and3A_189 = arith.constant 15 : i32
    %and3A_190 = vector.broadcast %and3A_189 : i32 to vector<16xi32>
    %and3A_191 = arith.andi %get3A_183, %and3A_190 : vector<16xi32>
    %broadcast_in_dim3A_192 = arith.constant 1.000000e+00 : f32
    %broadcast_in_dim3A_193 = vector.broadcast %broadcast_in_dim3A_192 : f32 to vector<16xf32>
    tpu.vector_store_idx %arg25[%shift_right_arithmetic3A_188, %and3A_191], %broadcast_in_dim3A_193 {add = true} : memref<640x16xf32, #tpu.memory_space<vmem>>[vector<16xi32>, vector<16xi32>], vector<16xf32>,
    %get3A_194 = arith.constant 16 : index
    %get3A_195 = tpu.vector_load %arg10[%get3A_194] {strides = array<i32>} : memref<128xi32, #tpu.memory_space<vmem>>, vector<16xi32>,
    %swap3A_196 = arith.constant 16 : index
    %swap3A_197 = tpu.vector_load %arg16[%swap3A_196] {strides = array<i32>} : memref<128xi32, #tpu.memory_space<vmem>>, vector<16xi32>,
    tpu.vector_store %arg16[%swap3A_196], %get3A_195 {strides = array<i32>} : memref<128xi32, #tpu.memory_space<vmem>>, vector<16xi32>,
    %shift_right_arithmetic3A_198 = arith.constant 4 : i32
    %shift_right_arithmetic3A_199 = vector.broadcast %shift_right_arithmetic3A_198 : i32 to vector<16xi32>
    %shift_right_arithmetic3A_200 = arith.shrsi %get3A_195, %shift_right_arithmetic3A_199 : vector<16xi32>
    %and3A_201 = arith.constant 15 : i32
    %and3A_202 = vector.broadcast %and3A_201 : i32 to vector<16xi32>
    %and3A_203 = arith.andi %get3A_195, %and3A_202 : vector<16xi32>
    %broadcast_in_dim3A_204 = arith.constant 1.000000e+00 : f32
    %broadcast_in_dim3A_205 = vector.broadcast %broadcast_in_dim3A_204 : f32 to vector<16xf32>
    tpu.vector_store_idx %arg25[%shift_right_arithmetic3A_200, %and3A_203], %broadcast_in_dim3A_205 {add = true} : memref<640x16xf32, #tpu.memory_space<vmem>>[vector<16xi32>, vector<16xi32>], vector<16xf32>,
    %get3A_206 = arith.constant 32 : index
    %get3A_207 = tpu.vector_load %arg10[%get3A_206] {strides = array<i32>} : memref<128xi32, #tpu.memory_space<vmem>>, vector<16xi32>,
    %swap3A_208 = arith.constant 32 : index
    %swap3A_209 = tpu.vector_load %arg16[%swap3A_208] {strides = array<i32>} : memref<128xi32, #tpu.memory_space<vmem>>, vector<16xi32>,
    tpu.vector_store %arg16[%swap3A_208], %get3A_207 {strides = array<i32>} : memref<128xi32, #tpu.memory_space<vmem>>, vector<16xi32>,
    %shift_right_arithmetic3A_210 = arith.constant 4 : i32
    %shift_right_arithmetic3A_211 = vector.broadcast %shift_right_arithmetic3A_210 : i32 to vector<16xi32>
    %shift_right_arithmetic3A_212 = arith.shrsi %get3A_207, %shift_right_arithmetic3A_211 : vector<16xi32>
    %and3A_213 = arith.constant 15 : i32
    %and3A_214 = vector.broadcast %and3A_213 : i32 to vector<16xi32>
    %and3A_215 = arith.andi %get3A_207, %and3A_214 : vector<16xi32>
    %broadcast_in_dim3A_216 = arith.constant 1.000000e+00 : f32
    %broadcast_in_dim3A_217 = vector.broadcast %broadcast_in_dim3A_216 : f32 to vector<16xf32>
    tpu.vector_store_idx %arg25[%shift_right_arithmetic3A_212, %and3A_215], %broadcast_in_dim3A_217 {add = true} : memref<640x16xf32, #tpu.memory_space<vmem>>[vector<16xi32>, vector<16xi32>], vector<16xf32>,
    %get3A_218 = arith.constant 48 : index
    %get3A_219 = tpu.vector_load %arg10[%get3A_218] {strides = array<i32>} : memref<128xi32, #tpu.memory_space<vmem>>, vector<16xi32>,
    %swap3A_220 = arith.constant 48 : index
    %swap3A_221 = tpu.vector_load %arg16[%swap3A_220] {strides = array<i32>} : memref<128xi32, #tpu.memory_space<vmem>>, vector<16xi32>,
    tpu.vector_store %arg16[%swap3A_220], %get3A_219 {strides = array<i32>} : memref<128xi32, #tpu.memory_space<vmem>>, vector<16xi32>,
    %shift_right_arithmetic3A_222 = arith.constant 4 : i32
    %shift_right_arithmetic3A_223 = vector.broadcast %shift_right_arithmetic3A_222 : i32 to vector<16xi32>
    %shift_right_arithmetic3A_224 = arith.shrsi %get3A_219, %shift_right_arithmetic3A_223 : vector<16xi32>
    %and3A_225 = arith.constant 15 : i32
    %and3A_226 = vector.broadcast %and3A_225 : i32 to vector<16xi32>
    %and3A_227 = arith.andi %get3A_219, %and3A_226 : vector<16xi32>
    %broadcast_in_dim3A_228 = arith.constant 1.000000e+00 : f32
    %broadcast_in_dim3A_229 = vector.broadcast %broadcast_in_dim3A_228 : f32 to vector<16xf32>
    tpu.vector_store_idx %arg25[%shift_right_arithmetic3A_224, %and3A_227], %broadcast_in_dim3A_229 {add = true} : memref<640x16xf32, #tpu.memory_space<vmem>>[vector<16xi32>, vector<16xi32>], vector<16xf32>,
    %get3A_230 = arith.constant 64 : index
    %get3A_231 = tpu.vector_load %arg10[%get3A_230] {strides = array<i32>} : memref<128xi32, #tpu.memory_space<vmem>>, vector<16xi32>,
    %swap3A_232 = arith.constant 64 : index
    %swap3A_233 = tpu.vector_load %arg16[%swap3A_232] {strides = array<i32>} : memref<128xi32, #tpu.memory_space<vmem>>, vector<16xi32>,
    tpu.vector_store %arg16[%swap3A_232], %get3A_231 {strides = array<i32>} : memref<128xi32, #tpu.memory_space<vmem>>, vector<16xi32>,
    %shift_right_arithmetic3A_234 = arith.constant 4 : i32
    %shift_right_arithmetic3A_235 = vector.broadcast %shift_right_arithmetic3A_234 : i32 to vector<16xi32>
    %shift_right_arithmetic3A_236 = arith.shrsi %get3A_231, %shift_right_arithmetic3A_235 : vector<16xi32>
    %and3A_237 = arith.constant 15 : i32
    %and3A_238 = vector.broadcast %and3A_237 : i32 to vector<16xi32>
    %and3A_239 = arith.andi %get3A_231, %and3A_238 : vector<16xi32>
    %broadcast_in_dim3A_240 = arith.constant 1.000000e+00 : f32
    %broadcast_in_dim3A_241 = vector.broadcast %broadcast_in_dim3A_240 : f32 to vector<16xf32>
    tpu.vector_store_idx %arg25[%shift_right_arithmetic3A_236, %and3A_239], %broadcast_in_dim3A_241 {add = true} : memref<640x16xf32, #tpu.memory_space<vmem>>[vector<16xi32>, vector<16xi32>], vector<16xf32>,
    %get3A_242 = arith.constant 80 : index
    %get3A_243 = tpu.vector_load %arg10[%get3A_242] {strides = array<i32>} : memref<128xi32, #tpu.memory_space<vmem>>, vector<16xi32>,
    %swap3A_244 = arith.constant 80 : index
    %swap3A_245 = tpu.vector_load %arg16[%swap3A_244] {strides = array<i32>} : memref<128xi32, #tpu.memory_space<vmem>>, vector<16xi32>,
    tpu.vector_store %arg16[%swap3A_244], %get3A_243 {strides = array<i32>} : memref<128xi32, #tpu.memory_space<vmem>>, vector<16xi32>,
    %shift_right_arithmetic3A_246 = arith.constant 4 : i32
    %shift_right_arithmetic3A_247 = vector.broadcast %shift_right_arithmetic3A_246 : i32 to vector<16xi32>
    %shift_right_arithmetic3A_248 = arith.shrsi %get3A_243, %shift_right_arithmetic3A_247 : vector<16xi32>
    %and3A_249 = arith.constant 15 : i32
    %and3A_250 = vector.broadcast %and3A_249 : i32 to vector<16xi32>
    %and3A_251 = arith.andi %get3A_243, %and3A_250 : vector<16xi32>
    %broadcast_in_dim3A_252 = arith.constant 1.000000e+00 : f32
    %broadcast_in_dim3A_253 = vector.broadcast %broadcast_in_dim3A_252 : f32 to vector<16xf32>
    tpu.vector_store_idx %arg25[%shift_right_arithmetic3A_248, %and3A_251], %broadcast_in_dim3A_253 {add = true} : memref<640x16xf32, #tpu.memory_space<vmem>>[vector<16xi32>, vector<16xi32>], vector<16xf32>,
    %get3A_254 = arith.constant 96 : index
    %get3A_255 = tpu.vector_load %arg10[%get3A_254] {strides = array<i32>} : memref<128xi32, #tpu.memory_space<vmem>>, vector<16xi32>,
    %swap3A_256 = arith.constant 96 : index
    %swap3A_257 = tpu.vector_load %arg16[%swap3A_256] {strides = array<i32>} : memref<128xi32, #tpu.memory_space<vmem>>, vector<16xi32>,
    tpu.vector_store %arg16[%swap3A_256], %get3A_255 {strides = array<i32>} : memref<128xi32, #tpu.memory_space<vmem>>, vector<16xi32>,
    %shift_right_arithmetic3A_258 = arith.constant 4 : i32
    %shift_right_arithmetic3A_259 = vector.broadcast %shift_right_arithmetic3A_258 : i32 to vector<16xi32>
    %shift_right_arithmetic3A_260 = arith.shrsi %get3A_255, %shift_right_arithmetic3A_259 : vector<16xi32>
    %and3A_261 = arith.constant 15 : i32
    %and3A_262 = vector.broadcast %and3A_261 : i32 to vector<16xi32>
    %and3A_263 = arith.andi %get3A_255, %and3A_262 : vector<16xi32>
    %broadcast_in_dim3A_264 = arith.constant 1.000000e+00 : f32
    %broadcast_in_dim3A_265 = vector.broadcast %broadcast_in_dim3A_264 : f32 to vector<16xf32>
    tpu.vector_store_idx %arg25[%shift_right_arithmetic3A_260, %and3A_263], %broadcast_in_dim3A_265 {add = true} : memref<640x16xf32, #tpu.memory_space<vmem>>[vector<16xi32>, vector<16xi32>], vector<16xf32>,
    %get3A_266 = arith.constant 112 : index
    %get3A_267 = tpu.vector_load %arg10[%get3A_266] {strides = array<i32>} : memref<128xi32, #tpu.memory_space<vmem>>, vector<16xi32>,
    %swap3A_268 = arith.constant 112 : index
    %swap3A_269 = tpu.vector_load %arg16[%swap3A_268] {strides = array<i32>} : memref<128xi32, #tpu.memory_space<vmem>>, vector<16xi32>,
    tpu.vector_store %arg16[%swap3A_268], %get3A_267 {strides = array<i32>} : memref<128xi32, #tpu.memory_space<vmem>>, vector<16xi32>,
    %shift_right_arithmetic3A_270 = arith.constant 4 : i32
    %shift_right_arithmetic3A_271 = vector.broadcast %shift_right_arithmetic3A_270 : i32 to vector<16xi32>
    %shift_right_arithmetic3A_272 = arith.shrsi %get3A_267, %shift_right_arithmetic3A_271 : vector<16xi32>
    %and3A_273 = arith.constant 15 : i32
    %and3A_274 = vector.broadcast %and3A_273 : i32 to vector<16xi32>
    %and3A_275 = arith.andi %get3A_267, %and3A_274 : vector<16xi32>
    %broadcast_in_dim3A_276 = arith.constant 1.000000e+00 : f32
    %broadcast_in_dim3A_277 = vector.broadcast %broadcast_in_dim3A_276 : f32 to vector<16xf32>
    tpu.vector_store_idx %arg25[%shift_right_arithmetic3A_272, %and3A_275], %broadcast_in_dim3A_277 {add = true} : memref<640x16xf32, #tpu.memory_space<vmem>>[vector<16xi32>, vector<16xi32>], vector<16xf32>,
    %mul3A_278 = arith.constant 10240 : i32
    %mul3A_279 = arith.muli %add3A, %mul3A_278 : i32
    %add3A_280 = arith.constant 384 : i32
    %add3A_281 = arith.addi %mul3A_279, %add3A_280 : i32
    %dma_start3A_282 = tpu.memref_slice %arg3[%add3A_281] : memref<327680xi32, #tpu.memory_space<hbm>> -> memref<128xi32, #tpu.memory_space<hbm>>
    %dma_start3A_283 = tpu.memref_slice %arg3[%add3A_281] : memref<327680xi32, #tpu.memory_space<hbm>> -> memref<128xi32, #tpu.memory_space<hbm>>
    tpu.enqueue_dma source(%dma_start3A_283 : memref<128xi32, #tpu.memory_space<hbm>>) target(%arg8 : memref<128xi32, #tpu.memory_space<vmem>>) target_semaphore(%arg22 : memref<!tpu.dma_semaphore, #tpu.memory_space<semaphore_mem>>)
    %dma_start3A_284 = tpu.memref_slice %arg4[%add3A_281] : memref<327680xi32, #tpu.memory_space<hbm>> -> memref<128xi32, #tpu.memory_space<hbm>>
    %dma_start3A_285 = tpu.memref_slice %arg4[%add3A_281] : memref<327680xi32, #tpu.memory_space<hbm>> -> memref<128xi32, #tpu.memory_space<hbm>>
    tpu.enqueue_dma source(%dma_start3A_285 : memref<128xi32, #tpu.memory_space<hbm>>) target(%arg10 : memref<128xi32, #tpu.memory_space<vmem>>) target_semaphore(%arg22 : memref<!tpu.dma_semaphore, #tpu.memory_space<semaphore_mem>>)
    %scan3A_286 = arith.constant 0 : i32
    %scan3A_287 = arith.constant 0 : i32
    %scan3A_288 = arith.constant 32 : i32
    %scan3A_289 = arith.addi %scan3A_287, %scan3A_288 : i32
    %scan3A_290 = arith.constant 1 : i32
    %scan3A_291 = scf.for %scan3A_757 = %scan3A_287 to %scan3A_289 step %scan3A_290 iter_args(%scan3A_758 = %scan3A_286) -> (i32)  : i32 {
      %mul3A_759 = arith.constant 4 : i32
      %mul3A_760 = arith.muli %mul3A_759, %scan3A_757 : i32
      %add3A_761 = arith.constant 0 : i32
      %add3A_762 = arith.addi %mul3A_760, %add3A_761 : i32
      %get3A_763 = arith.index_cast %add3A_762 : i32 to index
      %get3A_764 = arith.constant 0 : index
      %get3A_765 = tpu.vector_load %arg12[%get3A_763, %get3A_764] {strides = array<i32>} : memref<128x32xi32, #tpu.memory_space<vmem>>, vector<16xi32>,
      %shift_left3A = arith.constant 16 : i32
      %shift_left3A_766 = vector.broadcast %shift_left3A : i32 to vector<16xi32>
      %shift_left3A_767 = arith.shli %get3A_765, %shift_left3A_766 : vector<16xi32>
      %bitcast3A = vector.bitcast %shift_left3A_767 : vector<16xi32> to vector<16xf32>
      %and3A_768 = arith.constant -65536 : i32
      %and3A_769 = vector.broadcast %and3A_768 : i32 to vector<16xi32>
      %and3A_770 = arith.andi %get3A_765, %and3A_769 : vector<16xi32>
      %bitcast3A_771 = vector.bitcast %and3A_770 : vector<16xi32> to vector<16xf32>
      %swap3A_772 = arith.index_cast %add3A_762 : i32 to index
      %swap3A_773 = arith.constant 0 : index
      %swap3A_774 = tpu.vector_load %arg14[%swap3A_772, %swap3A_773] {strides = array<i32>} : memref<128x64xf32, #tpu.memory_space<vmem>>, vector<16xf32>,
      tpu.vector_store %arg14[%swap3A_772, %swap3A_773], %bitcast3A {strides = array<i32>} : memref<128x64xf32, #tpu.memory_space<vmem>>, vector<16xf32>,
      %swap3A_775 = arith.index_cast %add3A_762 : i32 to index
      %swap3A_776 = arith.constant 16 : index
      %swap3A_777 = tpu.vector_load %arg14[%swap3A_775, %swap3A_776] {strides = array<i32>} : memref<128x64xf32, #tpu.memory_space<vmem>>, vector<16xf32>,
      tpu.vector_store %arg14[%swap3A_775, %swap3A_776], %bitcast3A_771 {strides = array<i32>} : memref<128x64xf32, #tpu.memory_space<vmem>>, vector<16xf32>,
      %get3A_778 = arith.index_cast %add3A_762 : i32 to index
      %get3A_779 = arith.constant 16 : index
      %get3A_780 = tpu.vector_load %arg12[%get3A_778, %get3A_779] {strides = array<i32>} : memref<128x32xi32, #tpu.memory_space<vmem>>, vector<16xi32>,
      %shift_left3A_781 = arith.constant 16 : i32
      %shift_left3A_782 = vector.broadcast %shift_left3A_781 : i32 to vector<16xi32>
      %shift_left3A_783 = arith.shli %get3A_780, %shift_left3A_782 : vector<16xi32>
      %bitcast3A_784 = vector.bitcast %shift_left3A_783 : vector<16xi32> to vector<16xf32>
      %and3A_785 = arith.constant -65536 : i32
      %and3A_786 = vector.broadcast %and3A_785 : i32 to vector<16xi32>
      %and3A_787 = arith.andi %get3A_780, %and3A_786 : vector<16xi32>
      %bitcast3A_788 = vector.bitcast %and3A_787 : vector<16xi32> to vector<16xf32>
      %swap3A_789 = arith.index_cast %add3A_762 : i32 to index
      %swap3A_790 = arith.constant 32 : index
      %swap3A_791 = tpu.vector_load %arg14[%swap3A_789, %swap3A_790] {strides = array<i32>} : memref<128x64xf32, #tpu.memory_space<vmem>>, vector<16xf32>,
      tpu.vector_store %arg14[%swap3A_789, %swap3A_790], %bitcast3A_784 {strides = array<i32>} : memref<128x64xf32, #tpu.memory_space<vmem>>, vector<16xf32>,
      %swap3A_792 = arith.index_cast %add3A_762 : i32 to index
      %swap3A_793 = arith.constant 48 : index
      %swap3A_794 = tpu.vector_load %arg14[%swap3A_792, %swap3A_793] {strides = array<i32>} : memref<128x64xf32, #tpu.memory_space<vmem>>, vector<16xf32>,
      tpu.vector_store %arg14[%swap3A_792, %swap3A_793], %bitcast3A_788 {strides = array<i32>} : memref<128x64xf32, #tpu.memory_space<vmem>>, vector<16xf32>,
      %mul3A_795 = arith.constant 4 : i32
      %mul3A_796 = arith.muli %mul3A_795, %scan3A_757 : i32
      %add3A_797 = arith.constant 1 : i32
      %add3A_798 = arith.addi %mul3A_796, %add3A_797 : i32
      %get3A_799 = arith.index_cast %add3A_798 : i32 to index
      %get3A_800 = arith.constant 0 : index
      %get3A_801 = tpu.vector_load %arg12[%get3A_799, %get3A_800] {strides = array<i32>} : memref<128x32xi32, #tpu.memory_space<vmem>>, vector<16xi32>,
      %shift_left3A_802 = arith.constant 16 : i32
      %shift_left3A_803 = vector.broadcast %shift_left3A_802 : i32 to vector<16xi32>
      %shift_left3A_804 = arith.shli %get3A_801, %shift_left3A_803 : vector<16xi32>
      %bitcast3A_805 = vector.bitcast %shift_left3A_804 : vector<16xi32> to vector<16xf32>
      %and3A_806 = arith.constant -65536 : i32
      %and3A_807 = vector.broadcast %and3A_806 : i32 to vector<16xi32>
      %and3A_808 = arith.andi %get3A_801, %and3A_807 : vector<16xi32>
      %bitcast3A_809 = vector.bitcast %and3A_808 : vector<16xi32> to vector<16xf32>
      %swap3A_810 = arith.index_cast %add3A_798 : i32 to index
      %swap3A_811 = arith.constant 0 : index
      %swap3A_812 = tpu.vector_load %arg14[%swap3A_810, %swap3A_811] {strides = array<i32>} : memref<128x64xf32, #tpu.memory_space<vmem>>, vector<16xf32>,
      tpu.vector_store %arg14[%swap3A_810, %swap3A_811], %bitcast3A_805 {strides = array<i32>} : memref<128x64xf32, #tpu.memory_space<vmem>>, vector<16xf32>,
      %swap3A_813 = arith.index_cast %add3A_798 : i32 to index
      %swap3A_814 = arith.constant 16 : index
      %swap3A_815 = tpu.vector_load %arg14[%swap3A_813, %swap3A_814] {strides = array<i32>} : memref<128x64xf32, #tpu.memory_space<vmem>>, vector<16xf32>,
      tpu.vector_store %arg14[%swap3A_813, %swap3A_814], %bitcast3A_809 {strides = array<i32>} : memref<128x64xf32, #tpu.memory_space<vmem>>, vector<16xf32>,
      %get3A_816 = arith.index_cast %add3A_798 : i32 to index
      %get3A_817 = arith.constant 16 : index
      %get3A_818 = tpu.vector_load %arg12[%get3A_816, %get3A_817] {strides = array<i32>} : memref<128x32xi32, #tpu.memory_space<vmem>>, vector<16xi32>,
      %shift_left3A_819 = arith.constant 16 : i32
      %shift_left3A_820 = vector.broadcast %shift_left3A_819 : i32 to vector<16xi32>
      %shift_left3A_821 = arith.shli %get3A_818, %shift_left3A_820 : vector<16xi32>
      %bitcast3A_822 = vector.bitcast %shift_left3A_821 : vector<16xi32> to vector<16xf32>
      %and3A_823 = arith.constant -65536 : i32
      %and3A_824 = vector.broadcast %and3A_823 : i32 to vector<16xi32>
      %and3A_825 = arith.andi %get3A_818, %and3A_824 : vector<16xi32>
      %bitcast3A_826 = vector.bitcast %and3A_825 : vector<16xi32> to vector<16xf32>
      %swap3A_827 = arith.index_cast %add3A_798 : i32 to index
      %swap3A_828 = arith.constant 32 : index
      %swap3A_829 = tpu.vector_load %arg14[%swap3A_827, %swap3A_828] {strides = array<i32>} : memref<128x64xf32, #tpu.memory_space<vmem>>, vector<16xf32>,
      tpu.vector_store %arg14[%swap3A_827, %swap3A_828], %bitcast3A_822 {strides = array<i32>} : memref<128x64xf32, #tpu.memory_space<vmem>>, vector<16xf32>,
      %swap3A_830 = arith.index_cast %add3A_798 : i32 to index
      %swap3A_831 = arith.constant 48 : index
      %swap3A_832 = tpu.vector_load %arg14[%swap3A_830, %swap3A_831] {strides = array<i32>} : memref<128x64xf32, #tpu.memory_space<vmem>>, vector<16xf32>,
      tpu.vector_store %arg14[%swap3A_830, %swap3A_831], %bitcast3A_826 {strides = array<i32>} : memref<128x64xf32, #tpu.memory_space<vmem>>, vector<16xf32>,
      %mul3A_833 = arith.constant 4 : i32
      %mul3A_834 = arith.muli %mul3A_833, %scan3A_757 : i32
      %add3A_835 = arith.constant 2 : i32
      %add3A_836 = arith.addi %mul3A_834, %add3A_835 : i32
      %get3A_837 = arith.index_cast %add3A_836 : i32 to index
      %get3A_838 = arith.constant 0 : index
      %get3A_839 = tpu.vector_load %arg12[%get3A_837, %get3A_838] {strides = array<i32>} : memref<128x32xi32, #tpu.memory_space<vmem>>, vector<16xi32>,
      %shift_left3A_840 = arith.constant 16 : i32
      %shift_left3A_841 = vector.broadcast %shift_left3A_840 : i32 to vector<16xi32>
      %shift_left3A_842 = arith.shli %get3A_839, %shift_left3A_841 : vector<16xi32>
      %bitcast3A_843 = vector.bitcast %shift_left3A_842 : vector<16xi32> to vector<16xf32>
      %and3A_844 = arith.constant -65536 : i32
      %and3A_845 = vector.broadcast %and3A_844 : i32 to vector<16xi32>
      %and3A_846 = arith.andi %get3A_839, %and3A_845 : vector<16xi32>
      %bitcast3A_847 = vector.bitcast %and3A_846 : vector<16xi32> to vector<16xf32>
      %swap3A_848 = arith.index_cast %add3A_836 : i32 to index
      %swap3A_849 = arith.constant 0 : index
      %swap3A_850 = tpu.vector_load %arg14[%swap3A_848, %swap3A_849] {strides = array<i32>} : memref<128x64xf32, #tpu.memory_space<vmem>>, vector<16xf32>,
      tpu.vector_store %arg14[%swap3A_848, %swap3A_849], %bitcast3A_843 {strides = array<i32>} : memref<128x64xf32, #tpu.memory_space<vmem>>, vector<16xf32>,
      %swap3A_851 = arith.index_cast %add3A_836 : i32 to index
      %swap3A_852 = arith.constant 16 : index
      %swap3A_853 = tpu.vector_load %arg14[%swap3A_851, %swap3A_852] {strides = array<i32>} : memref<128x64xf32, #tpu.memory_space<vmem>>, vector<16xf32>,
      tpu.vector_store %arg14[%swap3A_851, %swap3A_852], %bitcast3A_847 {strides = array<i32>} : memref<128x64xf32, #tpu.memory_space<vmem>>, vector<16xf32>,
      %get3A_854 = arith.index_cast %add3A_836 : i32 to index
      %get3A_855 = arith.constant 16 : index
      %get3A_856 = tpu.vector_load %arg12[%get3A_854, %get3A_855] {strides = array<i32>} : memref<128x32xi32, #tpu.memory_space<vmem>>, vector<16xi32>,
      %shift_left3A_857 = arith.constant 16 : i32
      %shift_left3A_858 = vector.broadcast %shift_left3A_857 : i32 to vector<16xi32>
      %shift_left3A_859 = arith.shli %get3A_856, %shift_left3A_858 : vector<16xi32>
      %bitcast3A_860 = vector.bitcast %shift_left3A_859 : vector<16xi32> to vector<16xf32>
      %and3A_861 = arith.constant -65536 : i32
      %and3A_862 = vector.broadcast %and3A_861 : i32 to vector<16xi32>
      %and3A_863 = arith.andi %get3A_856, %and3A_862 : vector<16xi32>
      %bitcast3A_864 = vector.bitcast %and3A_863 : vector<16xi32> to vector<16xf32>
      %swap3A_865 = arith.index_cast %add3A_836 : i32 to index
      %swap3A_866 = arith.constant 32 : index
      %swap3A_867 = tpu.vector_load %arg14[%swap3A_865, %swap3A_866] {strides = array<i32>} : memref<128x64xf32, #tpu.memory_space<vmem>>, vector<16xf32>,
      tpu.vector_store %arg14[%swap3A_865, %swap3A_866], %bitcast3A_860 {strides = array<i32>} : memref<128x64xf32, #tpu.memory_space<vmem>>, vector<16xf32>,
      %swap3A_868 = arith.index_cast %add3A_836 : i32 to index
      %swap3A_869 = arith.constant 48 : index
      %swap3A_870 = tpu.vector_load %arg14[%swap3A_868, %swap3A_869] {strides = array<i32>} : memref<128x64xf32, #tpu.memory_space<vmem>>, vector<16xf32>,
      tpu.vector_store %arg14[%swap3A_868, %swap3A_869], %bitcast3A_864 {strides = array<i32>} : memref<128x64xf32, #tpu.memory_space<vmem>>, vector<16xf32>,
      %mul3A_871 = arith.constant 4 : i32
      %mul3A_872 = arith.muli %mul3A_871, %scan3A_757 : i32
      %add3A_873 = arith.constant 3 : i32
      %add3A_874 = arith.addi %mul3A_872, %add3A_873 : i32
      %get3A_875 = arith.index_cast %add3A_874 : i32 to index
      %get3A_876 = arith.constant 0 : index
      %get3A_877 = tpu.vector_load %arg12[%get3A_875, %get3A_876] {strides = array<i32>} : memref<128x32xi32, #tpu.memory_space<vmem>>, vector<16xi32>,
      %shift_left3A_878 = arith.constant 16 : i32
      %shift_left3A_879 = vector.broadcast %shift_left3A_878 : i32 to vector<16xi32>
      %shift_left3A_880 = arith.shli %get3A_877, %shift_left3A_879 : vector<16xi32>
      %bitcast3A_881 = vector.bitcast %shift_left3A_880 : vector<16xi32> to vector<16xf32>
      %and3A_882 = arith.constant -65536 : i32
      %and3A_883 = vector.broadcast %and3A_882 : i32 to vector<16xi32>
      %and3A_884 = arith.andi %get3A_877, %and3A_883 : vector<16xi32>
      %bitcast3A_885 = vector.bitcast %and3A_884 : vector<16xi32> to vector<16xf32>
      %swap3A_886 = arith.index_cast %add3A_874 : i32 to index
      %swap3A_887 = arith.constant 0 : index
      %swap3A_888 = tpu.vector_load %arg14[%swap3A_886, %swap3A_887] {strides = array<i32>} : memref<128x64xf32, #tpu.memory_space<vmem>>, vector<16xf32>,
      tpu.vector_store %arg14[%swap3A_886, %swap3A_887], %bitcast3A_881 {strides = array<i32>} : memref<128x64xf32, #tpu.memory_space<vmem>>, vector<16xf32>,
      %swap3A_889 = arith.index_cast %add3A_874 : i32 to index
      %swap3A_890 = arith.constant 16 : index
      %swap3A_891 = tpu.vector_load %arg14[%swap3A_889, %swap3A_890] {strides = array<i32>} : memref<128x64xf32, #tpu.memory_space<vmem>>, vector<16xf32>,
      tpu.vector_store %arg14[%swap3A_889, %swap3A_890], %bitcast3A_885 {strides = array<i32>} : memref<128x64xf32, #tpu.memory_space<vmem>>, vector<16xf32>,
      %get3A_892 = arith.index_cast %add3A_874 : i32 to index
      %get3A_893 = arith.constant 16 : index
      %get3A_894 = tpu.vector_load %arg12[%get3A_892, %get3A_893] {strides = array<i32>} : memref<128x32xi32, #tpu.memory_space<vmem>>, vector<16xi32>,
      %shift_left3A_895 = arith.constant 16 : i32
      %shift_left3A_896 = vector.broadcast %shift_left3A_895 : i32 to vector<16xi32>
      %shift_left3A_897 = arith.shli %get3A_894, %shift_left3A_896 : vector<16xi32>
      %bitcast3A_898 = vector.bitcast %shift_left3A_897 : vector<16xi32> to vector<16xf32>
      %and3A_899 = arith.constant -65536 : i32
      %and3A_900 = vector.broadcast %and3A_899 : i32 to vector<16xi32>
      %and3A_901 = arith.andi %get3A_894, %and3A_900 : vector<16xi32>
      %bitcast3A_902 = vector.bitcast %and3A_901 : vector<16xi32> to vector<16xf32>
      %swap3A_903 = arith.index_cast %add3A_874 : i32 to index
      %swap3A_904 = arith.constant 32 : index
      %swap3A_905 = tpu.vector_load %arg14[%swap3A_903, %swap3A_904] {strides = array<i32>} : memref<128x64xf32, #tpu.memory_space<vmem>>, vector<16xf32>,
      tpu.vector_store %arg14[%swap3A_903, %swap3A_904], %bitcast3A_898 {strides = array<i32>} : memref<128x64xf32, #tpu.memory_space<vmem>>, vector<16xf32>,
      %swap3A_906 = arith.index_cast %add3A_874 : i32 to index
      %swap3A_907 = arith.constant 48 : index
      %swap3A_908 = tpu.vector_load %arg14[%swap3A_906, %swap3A_907] {strides = array<i32>} : memref<128x64xf32, #tpu.memory_space<vmem>>, vector<16xf32>,
      tpu.vector_store %arg14[%swap3A_906, %swap3A_907], %bitcast3A_902 {strides = array<i32>} : memref<128x64xf32, #tpu.memory_space<vmem>>, vector<16xf32>,
      %scan3A_909 = arith.constant 0 : i32
      scf.yield %scan3A_909 : i32
    }
    %scan3A_292 = arith.constant 32 : i32
    %dma_start3A_293 = arith.constant 0 : i32
    %dma_start3A_294 = arith.constant 0 : i32
    %dma_start3A_295 = tpu.memref_slice %arg18[%dma_start3A_293, %dma_start3A_294] : memref<10240x64xf32, #tpu.memory_space<vmem_shared>> -> memref<10240x64xf32, #tpu.memory_space<vmem_shared>>
    tpu.enqueue_indirect_dma source(%arg14 : memref<128x64xf32, #tpu.memory_space<vmem>>) target(%dma_start3A_295 : memref<10240x64xf32, #tpu.memory_space<vmem_shared>>) offsets(%arg16 : memref<128xi32, #tpu.memory_space<vmem>>) semaphore(%arg24 : memref<!tpu.dma_semaphore, #tpu.memory_space<semaphore_mem>>) {add = true}
    %scan3A_296 = arith.constant 0 : i32
    %scan3A_297 = arith.constant 1 : i32
    %scan3A_298 = arith.constant 38 : i32
    %scan3A_299 = arith.addi %scan3A_297, %scan3A_298 : i32
    %scan3A_300 = arith.constant 1 : i32
    %scan3A_301 = scf.for %scan3A_757 = %scan3A_297 to %scan3A_299 step %scan3A_300 iter_args(%scan3A_758 = %scan3A_296) -> (i32)  : i32 {
      %mul3A_759 = arith.constant 2 : i32
      %mul3A_760 = arith.muli %mul3A_759, %scan3A_757 : i32
      %dma_wait3A_761 = arith.constant 0 : i32
      %dma_wait3A_762 = tpu.memref_slice %arg3[%dma_wait3A_761] : memref<327680xi32, #tpu.memory_space<hbm>> -> memref<128xi32, #tpu.memory_space<hbm>>
      %dma_wait3A_763 = arith.constant 0 : i32
      %dma_wait3A_764 = tpu.memref_slice %arg3[%dma_wait3A_763] : memref<327680xi32, #tpu.memory_space<hbm>> -> memref<128xi32, #tpu.memory_space<hbm>>
      tpu.wait_dma2 semaphore(%arg22 : memref<!tpu.dma_semaphore, #tpu.memory_space<semaphore_mem>>) src(%dma_wait3A_764 : memref<128xi32, #tpu.memory_space<hbm>>) dst(%arg8 : memref<128xi32, #tpu.memory_space<vmem>>)
      %dma_wait3A_765 = arith.constant 0 : i32
      %dma_wait3A_766 = tpu.memref_slice %arg4[%dma_wait3A_765] : memref<327680xi32, #tpu.memory_space<hbm>> -> memref<128xi32, #tpu.memory_space<hbm>>
      %dma_wait3A_767 = arith.constant 0 : i32
      %dma_wait3A_768 = tpu.memref_slice %arg4[%dma_wait3A_767] : memref<327680xi32, #tpu.memory_space<hbm>> -> memref<128xi32, #tpu.memory_space<hbm>>
      tpu.wait_dma2 semaphore(%arg22 : memref<!tpu.dma_semaphore, #tpu.memory_space<semaphore_mem>>) src(%dma_wait3A_768 : memref<128xi32, #tpu.memory_space<hbm>>) dst(%arg10 : memref<128xi32, #tpu.memory_space<vmem>>)
      %dma_start3A_769 = arith.constant 0 : i32
      %dma_start3A_770 = arith.constant 0 : i32
      %dma_start3A_771 = tpu.memref_slice %arg2[%dma_start3A_769, %dma_start3A_770] : memref<10000x32xi32, #tpu.memory_space<hbm>> -> memref<10000x32xi32, #tpu.memory_space<hbm>>
      tpu.enqueue_indirect_dma source(%dma_start3A_771 : memref<10000x32xi32, #tpu.memory_space<hbm>>) target(%arg12 : memref<128x32xi32, #tpu.memory_space<vmem>>) offsets(%arg8 : memref<128xi32, #tpu.memory_space<vmem>>) semaphore(%arg20 : memref<!tpu.dma_semaphore, #tpu.memory_space<semaphore_mem>>)
      %dma_wait3A_772 = arith.constant 0 : i32
      %dma_wait3A_773 = arith.constant 0 : i32
      %dma_wait3A_774 = tpu.memref_slice %arg2[%dma_wait3A_772, %dma_wait3A_773] : memref<10000x32xi32, #tpu.memory_space<hbm>> -> memref<10000x32xi32, #tpu.memory_space<hbm>>
      tpu.wait_indirect_dma semaphore(%arg19 : memref<!tpu.dma_semaphore, #tpu.memory_space<semaphore_mem>>) src(%dma_wait3A_774 : memref<10000x32xi32, #tpu.memory_space<hbm>>) dst(%arg11 : memref<128x32xi32, #tpu.memory_space<vmem>>)
      %dma_wait3A_775 = arith.constant 0 : i32
      %dma_wait3A_776 = arith.constant 0 : i32
      %dma_wait3A_777 = tpu.memref_slice %arg18[%dma_wait3A_775, %dma_wait3A_776] : memref<10240x64xf32, #tpu.memory_space<vmem_shared>> -> memref<10240x64xf32, #tpu.memory_space<vmem_shared>>
      tpu.wait_indirect_dma semaphore(%arg23 : memref<!tpu.dma_semaphore, #tpu.memory_space<semaphore_mem>>) src(%arg13 : memref<128x64xf32, #tpu.memory_space<vmem>>) dst(%dma_wait3A_777 : memref<10240x64xf32, #tpu.memory_space<vmem_shared>>)
      %get3A_778 = arith.constant 0 : index
      %get3A_779 = tpu.vector_load %arg9[%get3A_778] {strides = array<i32>} : memref<128xi32, #tpu.memory_space<vmem>>, vector<16xi32>,
      %swap3A_780 = arith.constant 0 : index
      %swap3A_781 = tpu.vector_load %arg15[%swap3A_780] {strides = array<i32>} : memref<128xi32, #tpu.memory_space<vmem>>, vector<16xi32>,
      tpu.vector_store %arg15[%swap3A_780], %get3A_779 {strides = array<i32>} : memref<128xi32, #tpu.memory_space<vmem>>, vector<16xi32>,
      %shift_right_arithmetic3A_782 = arith.constant 4 : i32
      %shift_right_arithmetic3A_783 = vector.broadcast %shift_right_arithmetic3A_782 : i32 to vector<16xi32>
      %shift_right_arithmetic3A_784 = arith.shrsi %get3A_779, %shift_right_arithmetic3A_783 : vector<16xi32>
      %and3A_785 = arith.constant 15 : i32
      %and3A_786 = vector.broadcast %and3A_785 : i32 to vector<16xi32>
      %and3A_787 = arith.andi %get3A_779, %and3A_786 : vector<16xi32>
      %broadcast_in_dim3A_788 = arith.constant 1.000000e+00 : f32
      %broadcast_in_dim3A_789 = vector.broadcast %broadcast_in_dim3A_788 : f32 to vector<16xf32>
      tpu.vector_store_idx %arg25[%shift_right_arithmetic3A_784, %and3A_787], %broadcast_in_dim3A_789 {add = true} : memref<640x16xf32, #tpu.memory_space<vmem>>[vector<16xi32>, vector<16xi32>], vector<16xf32>,
      %get3A_790 = arith.constant 16 : index
      %get3A_791 = tpu.vector_load %arg9[%get3A_790] {strides = array<i32>} : memref<128xi32, #tpu.memory_space<vmem>>, vector<16xi32>,
      %swap3A_792 = arith.constant 16 : index
      %swap3A_793 = tpu.vector_load %arg15[%swap3A_792] {strides = array<i32>} : memref<128xi32, #tpu.memory_space<vmem>>, vector<16xi32>,
      tpu.vector_store %arg15[%swap3A_792], %get3A_791 {strides = array<i32>} : memref<128xi32, #tpu.memory_space<vmem>>, vector<16xi32>,
      %shift_right_arithmetic3A_794 = arith.constant 4 : i32
      %shift_right_arithmetic3A_795 = vector.broadcast %shift_right_arithmetic3A_794 : i32 to vector<16xi32>
      %shift_right_arithmetic3A_796 = arith.shrsi %get3A_791, %shift_right_arithmetic3A_795 : vector<16xi32>
      %and3A_797 = arith.constant 15 : i32
      %and3A_798 = vector.broadcast %and3A_797 : i32 to vector<16xi32>
      %and3A_799 = arith.andi %get3A_791, %and3A_798 : vector<16xi32>
      %broadcast_in_dim3A_800 = arith.constant 1.000000e+00 : f32
      %broadcast_in_dim3A_801 = vector.broadcast %broadcast_in_dim3A_800 : f32 to vector<16xf32>
      tpu.vector_store_idx %arg25[%shift_right_arithmetic3A_796, %and3A_799], %broadcast_in_dim3A_801 {add = true} : memref<640x16xf32, #tpu.memory_space<vmem>>[vector<16xi32>, vector<16xi32>], vector<16xf32>,
      %get3A_802 = arith.constant 32 : index
      %get3A_803 = tpu.vector_load %arg9[%get3A_802] {strides = array<i32>} : memref<128xi32, #tpu.memory_space<vmem>>, vector<16xi32>,
      %swap3A_804 = arith.constant 32 : index
      %swap3A_805 = tpu.vector_load %arg15[%swap3A_804] {strides = array<i32>} : memref<128xi32, #tpu.memory_space<vmem>>, vector<16xi32>,
      tpu.vector_store %arg15[%swap3A_804], %get3A_803 {strides = array<i32>} : memref<128xi32, #tpu.memory_space<vmem>>, vector<16xi32>,
      %shift_right_arithmetic3A_806 = arith.constant 4 : i32
      %shift_right_arithmetic3A_807 = vector.broadcast %shift_right_arithmetic3A_806 : i32 to vector<16xi32>
      %shift_right_arithmetic3A_808 = arith.shrsi %get3A_803, %shift_right_arithmetic3A_807 : vector<16xi32>
      %and3A_809 = arith.constant 15 : i32
      %and3A_810 = vector.broadcast %and3A_809 : i32 to vector<16xi32>
      %and3A_811 = arith.andi %get3A_803, %and3A_810 : vector<16xi32>
      %broadcast_in_dim3A_812 = arith.constant 1.000000e+00 : f32
      %broadcast_in_dim3A_813 = vector.broadcast %broadcast_in_dim3A_812 : f32 to vector<16xf32>
      tpu.vector_store_idx %arg25[%shift_right_arithmetic3A_808, %and3A_811], %broadcast_in_dim3A_813 {add = true} : memref<640x16xf32, #tpu.memory_space<vmem>>[vector<16xi32>, vector<16xi32>], vector<16xf32>,
      %get3A_814 = arith.constant 48 : index
      %get3A_815 = tpu.vector_load %arg9[%get3A_814] {strides = array<i32>} : memref<128xi32, #tpu.memory_space<vmem>>, vector<16xi32>,
      %swap3A_816 = arith.constant 48 : index
      %swap3A_817 = tpu.vector_load %arg15[%swap3A_816] {strides = array<i32>} : memref<128xi32, #tpu.memory_space<vmem>>, vector<16xi32>,
      tpu.vector_store %arg15[%swap3A_816], %get3A_815 {strides = array<i32>} : memref<128xi32, #tpu.memory_space<vmem>>, vector<16xi32>,
      %shift_right_arithmetic3A_818 = arith.constant 4 : i32
      %shift_right_arithmetic3A_819 = vector.broadcast %shift_right_arithmetic3A_818 : i32 to vector<16xi32>
      %shift_right_arithmetic3A_820 = arith.shrsi %get3A_815, %shift_right_arithmetic3A_819 : vector<16xi32>
      %and3A_821 = arith.constant 15 : i32
      %and3A_822 = vector.broadcast %and3A_821 : i32 to vector<16xi32>
      %and3A_823 = arith.andi %get3A_815, %and3A_822 : vector<16xi32>
      %broadcast_in_dim3A_824 = arith.constant 1.000000e+00 : f32
      %broadcast_in_dim3A_825 = vector.broadcast %broadcast_in_dim3A_824 : f32 to vector<16xf32>
      tpu.vector_store_idx %arg25[%shift_right_arithmetic3A_820, %and3A_823], %broadcast_in_dim3A_825 {add = true} : memref<640x16xf32, #tpu.memory_space<vmem>>[vector<16xi32>, vector<16xi32>], vector<16xf32>,
      %get3A_826 = arith.constant 64 : index
      %get3A_827 = tpu.vector_load %arg9[%get3A_826] {strides = array<i32>} : memref<128xi32, #tpu.memory_space<vmem>>, vector<16xi32>,
      %swap3A_828 = arith.constant 64 : index
      %swap3A_829 = tpu.vector_load %arg15[%swap3A_828] {strides = array<i32>} : memref<128xi32, #tpu.memory_space<vmem>>, vector<16xi32>,
      tpu.vector_store %arg15[%swap3A_828], %get3A_827 {strides = array<i32>} : memref<128xi32, #tpu.memory_space<vmem>>, vector<16xi32>,
      %shift_right_arithmetic3A_830 = arith.constant 4 : i32
      %shift_right_arithmetic3A_831 = vector.broadcast %shift_right_arithmetic3A_830 : i32 to vector<16xi32>
      %shift_right_arithmetic3A_832 = arith.shrsi %get3A_827, %shift_right_arithmetic3A_831 : vector<16xi32>
      %and3A_833 = arith.constant 15 : i32
      %and3A_834 = vector.broadcast %and3A_833 : i32 to vector<16xi32>
      %and3A_835 = arith.andi %get3A_827, %and3A_834 : vector<16xi32>
      %broadcast_in_dim3A_836 = arith.constant 1.000000e+00 : f32
      %broadcast_in_dim3A_837 = vector.broadcast %broadcast_in_dim3A_836 : f32 to vector<16xf32>
      tpu.vector_store_idx %arg25[%shift_right_arithmetic3A_832, %and3A_835], %broadcast_in_dim3A_837 {add = true} : memref<640x16xf32, #tpu.memory_space<vmem>>[vector<16xi32>, vector<16xi32>], vector<16xf32>,
      %get3A_838 = arith.constant 80 : index
      %get3A_839 = tpu.vector_load %arg9[%get3A_838] {strides = array<i32>} : memref<128xi32, #tpu.memory_space<vmem>>, vector<16xi32>,
      %swap3A_840 = arith.constant 80 : index
      %swap3A_841 = tpu.vector_load %arg15[%swap3A_840] {strides = array<i32>} : memref<128xi32, #tpu.memory_space<vmem>>, vector<16xi32>,
      tpu.vector_store %arg15[%swap3A_840], %get3A_839 {strides = array<i32>} : memref<128xi32, #tpu.memory_space<vmem>>, vector<16xi32>,
      %shift_right_arithmetic3A_842 = arith.constant 4 : i32
      %shift_right_arithmetic3A_843 = vector.broadcast %shift_right_arithmetic3A_842 : i32 to vector<16xi32>
      %shift_right_arithmetic3A_844 = arith.shrsi %get3A_839, %shift_right_arithmetic3A_843 : vector<16xi32>
      %and3A_845 = arith.constant 15 : i32
      %and3A_846 = vector.broadcast %and3A_845 : i32 to vector<16xi32>
      %and3A_847 = arith.andi %get3A_839, %and3A_846 : vector<16xi32>
      %broadcast_in_dim3A_848 = arith.constant 1.000000e+00 : f32
      %broadcast_in_dim3A_849 = vector.broadcast %broadcast_in_dim3A_848 : f32 to vector<16xf32>
      tpu.vector_store_idx %arg25[%shift_right_arithmetic3A_844, %and3A_847], %broadcast_in_dim3A_849 {add = true} : memref<640x16xf32, #tpu.memory_space<vmem>>[vector<16xi32>, vector<16xi32>], vector<16xf32>,
      %get3A_850 = arith.constant 96 : index
      %get3A_851 = tpu.vector_load %arg9[%get3A_850] {strides = array<i32>} : memref<128xi32, #tpu.memory_space<vmem>>, vector<16xi32>,
      %swap3A_852 = arith.constant 96 : index
      %swap3A_853 = tpu.vector_load %arg15[%swap3A_852] {strides = array<i32>} : memref<128xi32, #tpu.memory_space<vmem>>, vector<16xi32>,
      tpu.vector_store %arg15[%swap3A_852], %get3A_851 {strides = array<i32>} : memref<128xi32, #tpu.memory_space<vmem>>, vector<16xi32>,
      %shift_right_arithmetic3A_854 = arith.constant 4 : i32
      %shift_right_arithmetic3A_855 = vector.broadcast %shift_right_arithmetic3A_854 : i32 to vector<16xi32>
      %shift_right_arithmetic3A_856 = arith.shrsi %get3A_851, %shift_right_arithmetic3A_855 : vector<16xi32>
      %and3A_857 = arith.constant 15 : i32
      %and3A_858 = vector.broadcast %and3A_857 : i32 to vector<16xi32>
      %and3A_859 = arith.andi %get3A_851, %and3A_858 : vector<16xi32>
      %broadcast_in_dim3A_860 = arith.constant 1.000000e+00 : f32
      %broadcast_in_dim3A_861 = vector.broadcast %broadcast_in_dim3A_860 : f32 to vector<16xf32>
      tpu.vector_store_idx %arg25[%shift_right_arithmetic3A_856, %and3A_859], %broadcast_in_dim3A_861 {add = true} : memref<640x16xf32, #tpu.memory_space<vmem>>[vector<16xi32>, vector<16xi32>], vector<16xf32>,
      %get3A_862 = arith.constant 112 : index
      %get3A_863 = tpu.vector_load %arg9[%get3A_862] {strides = array<i32>} : memref<128xi32, #tpu.memory_space<vmem>>, vector<16xi32>,
      %swap3A_864 = arith.constant 112 : index
      %swap3A_865 = tpu.vector_load %arg15[%swap3A_864] {strides = array<i32>} : memref<128xi32, #tpu.memory_space<vmem>>, vector<16xi32>,
      tpu.vector_store %arg15[%swap3A_864], %get3A_863 {strides = array<i32>} : memref<128xi32, #tpu.memory_space<vmem>>, vector<16xi32>,
      %shift_right_arithmetic3A_866 = arith.constant 4 : i32
      %shift_right_arithmetic3A_867 = vector.broadcast %shift_right_arithmetic3A_866 : i32 to vector<16xi32>
      %shift_right_arithmetic3A_868 = arith.shrsi %get3A_863, %shift_right_arithmetic3A_867 : vector<16xi32>
      %and3A_869 = arith.constant 15 : i32
      %and3A_870 = vector.broadcast %and3A_869 : i32 to vector<16xi32>
      %and3A_871 = arith.andi %get3A_863, %and3A_870 : vector<16xi32>
      %broadcast_in_dim3A_872 = arith.constant 1.000000e+00 : f32
      %broadcast_in_dim3A_873 = vector.broadcast %broadcast_in_dim3A_872 : f32 to vector<16xf32>
      tpu.vector_store_idx %arg25[%shift_right_arithmetic3A_868, %and3A_871], %broadcast_in_dim3A_873 {add = true} : memref<640x16xf32, #tpu.memory_space<vmem>>[vector<16xi32>, vector<16xi32>], vector<16xf32>,
      %add3A_874 = arith.constant 2 : i32
      %add3A_875 = arith.addi %mul3A_760, %add3A_874 : i32
      %mul3A_876 = arith.constant 10240 : i32
      %mul3A_877 = arith.muli %add3A, %mul3A_876 : i32
      %mul3A_878 = arith.constant 128 : i32
      %mul3A_879 = arith.muli %add3A_875, %mul3A_878 : i32
      %add3A_880 = arith.addi %mul3A_877, %mul3A_879 : i32
      %dma_start3A_881 = tpu.memref_slice %arg3[%add3A_880] : memref<327680xi32, #tpu.memory_space<hbm>> -> memref<128xi32, #tpu.memory_space<hbm>>
      %dma_start3A_882 = tpu.memref_slice %arg3[%add3A_880] : memref<327680xi32, #tpu.memory_space<hbm>> -> memref<128xi32, #tpu.memory_space<hbm>>
      tpu.enqueue_dma source(%dma_start3A_882 : memref<128xi32, #tpu.memory_space<hbm>>) target(%arg7 : memref<128xi32, #tpu.memory_space<vmem>>) target_semaphore(%arg21 : memref<!tpu.dma_semaphore, #tpu.memory_space<semaphore_mem>>)
      %dma_start3A_883 = tpu.memref_slice %arg4[%add3A_880] : memref<327680xi32, #tpu.memory_space<hbm>> -> memref<128xi32, #tpu.memory_space<hbm>>
      %dma_start3A_884 = tpu.memref_slice %arg4[%add3A_880] : memref<327680xi32, #tpu.memory_space<hbm>> -> memref<128xi32, #tpu.memory_space<hbm>>
      tpu.enqueue_dma source(%dma_start3A_884 : memref<128xi32, #tpu.memory_space<hbm>>) target(%arg9 : memref<128xi32, #tpu.memory_space<vmem>>) target_semaphore(%arg21 : memref<!tpu.dma_semaphore, #tpu.memory_space<semaphore_mem>>)
      %scan3A_885 = arith.constant 0 : i32
      %scan3A_886 = arith.constant 0 : i32
      %scan3A_887 = arith.constant 32 : i32
      %scan3A_888 = arith.addi %scan3A_886, %scan3A_887 : i32
      %scan3A_889 = arith.constant 1 : i32
      %scan3A_890 = scf.for %scan3A_1034 = %scan3A_886 to %scan3A_888 step %scan3A_889 iter_args(%scan3A_1035 = %scan3A_885) -> (i32)  : i32 {
        %mul3A_1036 = arith.constant 4 : i32
        %mul3A_1037 = arith.muli %mul3A_1036, %scan3A_1034 : i32
        %add3A_1038 = arith.constant 0 : i32
        %add3A_1039 = arith.addi %mul3A_1037, %add3A_1038 : i32
        %get3A_1040 = arith.index_cast %add3A_1039 : i32 to index
        %get3A_1041 = arith.constant 0 : index
        %get3A_1042 = tpu.vector_load %arg11[%get3A_1040, %get3A_1041] {strides = array<i32>} : memref<128x32xi32, #tpu.memory_space<vmem>>, vector<16xi32>,
        %shift_left3A = arith.constant 16 : i32
        %shift_left3A_1043 = vector.broadcast %shift_left3A : i32 to vector<16xi32>
        %shift_left3A_1044 = arith.shli %get3A_1042, %shift_left3A_1043 : vector<16xi32>
        %bitcast3A = vector.bitcast %shift_left3A_1044 : vector<16xi32> to vector<16xf32>
        %and3A_1045 = arith.constant -65536 : i32
        %and3A_1046 = vector.broadcast %and3A_1045 : i32 to vector<16xi32>
        %and3A_1047 = arith.andi %get3A_1042, %and3A_1046 : vector<16xi32>
        %bitcast3A_1048 = vector.bitcast %and3A_1047 : vector<16xi32> to vector<16xf32>
        %swap3A_1049 = arith.index_cast %add3A_1039 : i32 to index
        %swap3A_1050 = arith.constant 0 : index
        %swap3A_1051 = tpu.vector_load %arg13[%swap3A_1049, %swap3A_1050] {strides = array<i32>} : memref<128x64xf32, #tpu.memory_space<vmem>>, vector<16xf32>,
        tpu.vector_store %arg13[%swap3A_1049, %swap3A_1050], %bitcast3A {strides = array<i32>} : memref<128x64xf32, #tpu.memory_space<vmem>>, vector<16xf32>,
        %swap3A_1052 = arith.index_cast %add3A_1039 : i32 to index
        %swap3A_1053 = arith.constant 16 : index
        %swap3A_1054 = tpu.vector_load %arg13[%swap3A_1052, %swap3A_1053] {strides = array<i32>} : memref<128x64xf32, #tpu.memory_space<vmem>>, vector<16xf32>,
        tpu.vector_store %arg13[%swap3A_1052, %swap3A_1053], %bitcast3A_1048 {strides = array<i32>} : memref<128x64xf32, #tpu.memory_space<vmem>>, vector<16xf32>,
        %get3A_1055 = arith.index_cast %add3A_1039 : i32 to index
        %get3A_1056 = arith.constant 16 : index
        %get3A_1057 = tpu.vector_load %arg11[%get3A_1055, %get3A_1056] {strides = array<i32>} : memref<128x32xi32, #tpu.memory_space<vmem>>, vector<16xi32>,
        %shift_left3A_1058 = arith.constant 16 : i32
        %shift_left3A_1059 = vector.broadcast %shift_left3A_1058 : i32 to vector<16xi32>
        %shift_left3A_1060 = arith.shli %get3A_1057, %shift_left3A_1059 : vector<16xi32>
        %bitcast3A_1061 = vector.bitcast %shift_left3A_1060 : vector<16xi32> to vector<16xf32>
        %and3A_1062 = arith.constant -65536 : i32
        %and3A_1063 = vector.broadcast %and3A_1062 : i32 to vector<16xi32>
        %and3A_1064 = arith.andi %get3A_1057, %and3A_1063 : vector<16xi32>
        %bitcast3A_1065 = vector.bitcast %and3A_1064 : vector<16xi32> to vector<16xf32>
        %swap3A_1066 = arith.index_cast %add3A_1039 : i32 to index
        %swap3A_1067 = arith.constant 32 : index
        %swap3A_1068 = tpu.vector_load %arg13[%swap3A_1066, %swap3A_1067] {strides = array<i32>} : memref<128x64xf32, #tpu.memory_space<vmem>>, vector<16xf32>,
        tpu.vector_store %arg13[%swap3A_1066, %swap3A_1067], %bitcast3A_1061 {strides = array<i32>} : memref<128x64xf32, #tpu.memory_space<vmem>>, vector<16xf32>,
        %swap3A_1069 = arith.index_cast %add3A_1039 : i32 to index
        %swap3A_1070 = arith.constant 48 : index
        %swap3A_1071 = tpu.vector_load %arg13[%swap3A_1069, %swap3A_1070] {strides = array<i32>} : memref<128x64xf32, #tpu.memory_space<vmem>>, vector<16xf32>,
        tpu.vector_store %arg13[%swap3A_1069, %swap3A_1070], %bitcast3A_1065 {strides = array<i32>} : memref<128x64xf32, #tpu.memory_space<vmem>>, vector<16xf32>,
        %mul3A_1072 = arith.constant 4 : i32
        %mul3A_1073 = arith.muli %mul3A_1072, %scan3A_1034 : i32
        %add3A_1074 = arith.constant 1 : i32
        %add3A_1075 = arith.addi %mul3A_1073, %add3A_1074 : i32
        %get3A_1076 = arith.index_cast %add3A_1075 : i32 to index
        %get3A_1077 = arith.constant 0 : index
        %get3A_1078 = tpu.vector_load %arg11[%get3A_1076, %get3A_1077] {strides = array<i32>} : memref<128x32xi32, #tpu.memory_space<vmem>>, vector<16xi32>,
        %shift_left3A_1079 = arith.constant 16 : i32
        %shift_left3A_1080 = vector.broadcast %shift_left3A_1079 : i32 to vector<16xi32>
        %shift_left3A_1081 = arith.shli %get3A_1078, %shift_left3A_1080 : vector<16xi32>
        %bitcast3A_1082 = vector.bitcast %shift_left3A_1081 : vector<16xi32> to vector<16xf32>
        %and3A_1083 = arith.constant -65536 : i32
        %and3A_1084 = vector.broadcast %and3A_1083 : i32 to vector<16xi32>
        %and3A_1085 = arith.andi %get3A_1078, %and3A_1084 : vector<16xi32>
        %bitcast3A_1086 = vector.bitcast %and3A_1085 : vector<16xi32> to vector<16xf32>
        %swap3A_1087 = arith.index_cast %add3A_1075 : i32 to index
        %swap3A_1088 = arith.constant 0 : index
        %swap3A_1089 = tpu.vector_load %arg13[%swap3A_1087, %swap3A_1088] {strides = array<i32>} : memref<128x64xf32, #tpu.memory_space<vmem>>, vector<16xf32>,
        tpu.vector_store %arg13[%swap3A_1087, %swap3A_1088], %bitcast3A_1082 {strides = array<i32>} : memref<128x64xf32, #tpu.memory_space<vmem>>, vector<16xf32>,
        %swap3A_1090 = arith.index_cast %add3A_1075 : i32 to index
        %swap3A_1091 = arith.constant 16 : index
        %swap3A_1092 = tpu.vector_load %arg13[%swap3A_1090, %swap3A_1091] {strides = array<i32>} : memref<128x64xf32, #tpu.memory_space<vmem>>, vector<16xf32>,
        tpu.vector_store %arg13[%swap3A_1090, %swap3A_1091], %bitcast3A_1086 {strides = array<i32>} : memref<128x64xf32, #tpu.memory_space<vmem>>, vector<16xf32>,
        %get3A_1093 = arith.index_cast %add3A_1075 : i32 to index
        %get3A_1094 = arith.constant 16 : index
        %get3A_1095 = tpu.vector_load %arg11[%get3A_1093, %get3A_1094] {strides = array<i32>} : memref<128x32xi32, #tpu.memory_space<vmem>>, vector<16xi32>,
        %shift_left3A_1096 = arith.constant 16 : i32
        %shift_left3A_1097 = vector.broadcast %shift_left3A_1096 : i32 to vector<16xi32>
        %shift_left3A_1098 = arith.shli %get3A_1095, %shift_left3A_1097 : vector<16xi32>
        %bitcast3A_1099 = vector.bitcast %shift_left3A_1098 : vector<16xi32> to vector<16xf32>
        %and3A_1100 = arith.constant -65536 : i32
        %and3A_1101 = vector.broadcast %and3A_1100 : i32 to vector<16xi32>
        %and3A_1102 = arith.andi %get3A_1095, %and3A_1101 : vector<16xi32>
        %bitcast3A_1103 = vector.bitcast %and3A_1102 : vector<16xi32> to vector<16xf32>
        %swap3A_1104 = arith.index_cast %add3A_1075 : i32 to index
        %swap3A_1105 = arith.constant 32 : index
        %swap3A_1106 = tpu.vector_load %arg13[%swap3A_1104, %swap3A_1105] {strides = array<i32>} : memref<128x64xf32, #tpu.memory_space<vmem>>, vector<16xf32>,
        tpu.vector_store %arg13[%swap3A_1104, %swap3A_1105], %bitcast3A_1099 {strides = array<i32>} : memref<128x64xf32, #tpu.memory_space<vmem>>, vector<16xf32>,
        %swap3A_1107 = arith.index_cast %add3A_1075 : i32 to index
        %swap3A_1108 = arith.constant 48 : index
        %swap3A_1109 = tpu.vector_load %arg13[%swap3A_1107, %swap3A_1108] {strides = array<i32>} : memref<128x64xf32, #tpu.memory_space<vmem>>, vector<16xf32>,
        tpu.vector_store %arg13[%swap3A_1107, %swap3A_1108], %bitcast3A_1103 {strides = array<i32>} : memref<128x64xf32, #tpu.memory_space<vmem>>, vector<16xf32>,
        %mul3A_1110 = arith.constant 4 : i32
        %mul3A_1111 = arith.muli %mul3A_1110, %scan3A_1034 : i32
        %add3A_1112 = arith.constant 2 : i32
        %add3A_1113 = arith.addi %mul3A_1111, %add3A_1112 : i32
        %get3A_1114 = arith.index_cast %add3A_1113 : i32 to index
        %get3A_1115 = arith.constant 0 : index
        %get3A_1116 = tpu.vector_load %arg11[%get3A_1114, %get3A_1115] {strides = array<i32>} : memref<128x32xi32, #tpu.memory_space<vmem>>, vector<16xi32>,
        %shift_left3A_1117 = arith.constant 16 : i32
        %shift_left3A_1118 = vector.broadcast %shift_left3A_1117 : i32 to vector<16xi32>
        %shift_left3A_1119 = arith.shli %get3A_1116, %shift_left3A_1118 : vector<16xi32>
        %bitcast3A_1120 = vector.bitcast %shift_left3A_1119 : vector<16xi32> to vector<16xf32>
        %and3A_1121 = arith.constant -65536 : i32
        %and3A_1122 = vector.broadcast %and3A_1121 : i32 to vector<16xi32>
        %and3A_1123 = arith.andi %get3A_1116, %and3A_1122 : vector<16xi32>
        %bitcast3A_1124 = vector.bitcast %and3A_1123 : vector<16xi32> to vector<16xf32>
        %swap3A_1125 = arith.index_cast %add3A_1113 : i32 to index
        %swap3A_1126 = arith.constant 0 : index
        %swap3A_1127 = tpu.vector_load %arg13[%swap3A_1125, %swap3A_1126] {strides = array<i32>} : memref<128x64xf32, #tpu.memory_space<vmem>>, vector<16xf32>,
        tpu.vector_store %arg13[%swap3A_1125, %swap3A_1126], %bitcast3A_1120 {strides = array<i32>} : memref<128x64xf32, #tpu.memory_space<vmem>>, vector<16xf32>,
        %swap3A_1128 = arith.index_cast %add3A_1113 : i32 to index
        %swap3A_1129 = arith.constant 16 : index
        %swap3A_1130 = tpu.vector_load %arg13[%swap3A_1128, %swap3A_1129] {strides = array<i32>} : memref<128x64xf32, #tpu.memory_space<vmem>>, vector<16xf32>,
        tpu.vector_store %arg13[%swap3A_1128, %swap3A_1129], %bitcast3A_1124 {strides = array<i32>} : memref<128x64xf32, #tpu.memory_space<vmem>>, vector<16xf32>,
        %get3A_1131 = arith.index_cast %add3A_1113 : i32 to index
        %get3A_1132 = arith.constant 16 : index
        %get3A_1133 = tpu.vector_load %arg11[%get3A_1131, %get3A_1132] {strides = array<i32>} : memref<128x32xi32, #tpu.memory_space<vmem>>, vector<16xi32>,
        %shift_left3A_1134 = arith.constant 16 : i32
        %shift_left3A_1135 = vector.broadcast %shift_left3A_1134 : i32 to vector<16xi32>
        %shift_left3A_1136 = arith.shli %get3A_1133, %shift_left3A_1135 : vector<16xi32>
        %bitcast3A_1137 = vector.bitcast %shift_left3A_1136 : vector<16xi32> to vector<16xf32>
        %and3A_1138 = arith.constant -65536 : i32
        %and3A_1139 = vector.broadcast %and3A_1138 : i32 to vector<16xi32>
        %and3A_1140 = arith.andi %get3A_1133, %and3A_1139 : vector<16xi32>
        %bitcast3A_1141 = vector.bitcast %and3A_1140 : vector<16xi32> to vector<16xf32>
        %swap3A_1142 = arith.index_cast %add3A_1113 : i32 to index
        %swap3A_1143 = arith.constant 32 : index
        %swap3A_1144 = tpu.vector_load %arg13[%swap3A_1142, %swap3A_1143] {strides = array<i32>} : memref<128x64xf32, #tpu.memory_space<vmem>>, vector<16xf32>,
        tpu.vector_store %arg13[%swap3A_1142, %swap3A_1143], %bitcast3A_1137 {strides = array<i32>} : memref<128x64xf32, #tpu.memory_space<vmem>>, vector<16xf32>,
        %swap3A_1145 = arith.index_cast %add3A_1113 : i32 to index
        %swap3A_1146 = arith.constant 48 : index
        %swap3A_1147 = tpu.vector_load %arg13[%swap3A_1145, %swap3A_1146] {strides = array<i32>} : memref<128x64xf32, #tpu.memory_space<vmem>>, vector<16xf32>,
        tpu.vector_store %arg13[%swap3A_1145, %swap3A_1146], %bitcast3A_1141 {strides = array<i32>} : memref<128x64xf32, #tpu.memory_space<vmem>>, vector<16xf32>,
        %mul3A_1148 = arith.constant 4 : i32
        %mul3A_1149 = arith.muli %mul3A_1148, %scan3A_1034 : i32
        %add3A_1150 = arith.constant 3 : i32
        %add3A_1151 = arith.addi %mul3A_1149, %add3A_1150 : i32
        %get3A_1152 = arith.index_cast %add3A_1151 : i32 to index
        %get3A_1153 = arith.constant 0 : index
        %get3A_1154 = tpu.vector_load %arg11[%get3A_1152, %get3A_1153] {strides = array<i32>} : memref<128x32xi32, #tpu.memory_space<vmem>>, vector<16xi32>,
        %shift_left3A_1155 = arith.constant 16 : i32
        %shift_left3A_1156 = vector.broadcast %shift_left3A_1155 : i32 to vector<16xi32>
        %shift_left3A_1157 = arith.shli %get3A_1154, %shift_left3A_1156 : vector<16xi32>
        %bitcast3A_1158 = vector.bitcast %shift_left3A_1157 : vector<16xi32> to vector<16xf32>
        %and3A_1159 = arith.constant -65536 : i32
        %and3A_1160 = vector.broadcast %and3A_1159 : i32 to vector<16xi32>
        %and3A_1161 = arith.andi %get3A_1154, %and3A_1160 : vector<16xi32>
        %bitcast3A_1162 = vector.bitcast %and3A_1161 : vector<16xi32> to vector<16xf32>
        %swap3A_1163 = arith.index_cast %add3A_1151 : i32 to index
        %swap3A_1164 = arith.constant 0 : index
        %swap3A_1165 = tpu.vector_load %arg13[%swap3A_1163, %swap3A_1164] {strides = array<i32>} : memref<128x64xf32, #tpu.memory_space<vmem>>, vector<16xf32>,
        tpu.vector_store %arg13[%swap3A_1163, %swap3A_1164], %bitcast3A_1158 {strides = array<i32>} : memref<128x64xf32, #tpu.memory_space<vmem>>, vector<16xf32>,
        %swap3A_1166 = arith.index_cast %add3A_1151 : i32 to index
        %swap3A_1167 = arith.constant 16 : index
        %swap3A_1168 = tpu.vector_load %arg13[%swap3A_1166, %swap3A_1167] {strides = array<i32>} : memref<128x64xf32, #tpu.memory_space<vmem>>, vector<16xf32>,
        tpu.vector_store %arg13[%swap3A_1166, %swap3A_1167], %bitcast3A_1162 {strides = array<i32>} : memref<128x64xf32, #tpu.memory_space<vmem>>, vector<16xf32>,
        %get3A_1169 = arith.index_cast %add3A_1151 : i32 to index
        %get3A_1170 = arith.constant 16 : index
        %get3A_1171 = tpu.vector_load %arg11[%get3A_1169, %get3A_1170] {strides = array<i32>} : memref<128x32xi32, #tpu.memory_space<vmem>>, vector<16xi32>,
        %shift_left3A_1172 = arith.constant 16 : i32
        %shift_left3A_1173 = vector.broadcast %shift_left3A_1172 : i32 to vector<16xi32>
        %shift_left3A_1174 = arith.shli %get3A_1171, %shift_left3A_1173 : vector<16xi32>
        %bitcast3A_1175 = vector.bitcast %shift_left3A_1174 : vector<16xi32> to vector<16xf32>
        %and3A_1176 = arith.constant -65536 : i32
        %and3A_1177 = vector.broadcast %and3A_1176 : i32 to vector<16xi32>
        %and3A_1178 = arith.andi %get3A_1171, %and3A_1177 : vector<16xi32>
        %bitcast3A_1179 = vector.bitcast %and3A_1178 : vector<16xi32> to vector<16xf32>
        %swap3A_1180 = arith.index_cast %add3A_1151 : i32 to index
        %swap3A_1181 = arith.constant 32 : index
        %swap3A_1182 = tpu.vector_load %arg13[%swap3A_1180, %swap3A_1181] {strides = array<i32>} : memref<128x64xf32, #tpu.memory_space<vmem>>, vector<16xf32>,
        tpu.vector_store %arg13[%swap3A_1180, %swap3A_1181], %bitcast3A_1175 {strides = array<i32>} : memref<128x64xf32, #tpu.memory_space<vmem>>, vector<16xf32>,
        %swap3A_1183 = arith.index_cast %add3A_1151 : i32 to index
        %swap3A_1184 = arith.constant 48 : index
        %swap3A_1185 = tpu.vector_load %arg13[%swap3A_1183, %swap3A_1184] {strides = array<i32>} : memref<128x64xf32, #tpu.memory_space<vmem>>, vector<16xf32>,
        tpu.vector_store %arg13[%swap3A_1183, %swap3A_1184], %bitcast3A_1179 {strides = array<i32>} : memref<128x64xf32, #tpu.memory_space<vmem>>, vector<16xf32>,
        %scan3A_1186 = arith.constant 0 : i32
        scf.yield %scan3A_1186 : i32
      }
      %scan3A_891 = arith.constant 32 : i32
      %dma_start3A_892 = arith.constant 0 : i32
      %dma_start3A_893 = arith.constant 0 : i32
      %dma_start3A_894 = tpu.memref_slice %arg18[%dma_start3A_892, %dma_start3A_893] : memref<10240x64xf32, #tpu.memory_space<vmem_shared>> -> memref<10240x64xf32, #tpu.memory_space<vmem_shared>>
      tpu.enqueue_indirect_dma source(%arg13 : memref<128x64xf32, #tpu.memory_space<vmem>>) target(%dma_start3A_894 : memref<10240x64xf32, #tpu.memory_space<vmem_shared>>) offsets(%arg15 : memref<128xi32, #tpu.memory_space<vmem>>) semaphore(%arg23 : memref<!tpu.dma_semaphore, #tpu.memory_space<semaphore_mem>>) {add = true}
      %mul3A_895 = arith.constant 2 : i32
      %mul3A_896 = arith.muli %mul3A_895, %scan3A_757 : i32
      %add3A_897 = arith.constant 1 : i32
      %add3A_898 = arith.addi %mul3A_896, %add3A_897 : i32
      %dma_wait3A_899 = arith.constant 0 : i32
      %dma_wait3A_900 = tpu.memref_slice %arg3[%dma_wait3A_899] : memref<327680xi32, #tpu.memory_space<hbm>> -> memref<128xi32, #tpu.memory_space<hbm>>
      %dma_wait3A_901 = arith.constant 0 : i32
      %dma_wait3A_902 = tpu.memref_slice %arg3[%dma_wait3A_901] : memref<327680xi32, #tpu.memory_space<hbm>> -> memref<128xi32, #tpu.memory_space<hbm>>
      tpu.wait_dma2 semaphore(%arg21 : memref<!tpu.dma_semaphore, #tpu.memory_space<semaphore_mem>>) src(%dma_wait3A_902 : memref<128xi32, #tpu.memory_space<hbm>>) dst(%arg7 : memref<128xi32, #tpu.memory_space<vmem>>)
      %dma_wait3A_903 = arith.constant 0 : i32
      %dma_wait3A_904 = tpu.memref_slice %arg4[%dma_wait3A_903] : memref<327680xi32, #tpu.memory_space<hbm>> -> memref<128xi32, #tpu.memory_space<hbm>>
      %dma_wait3A_905 = arith.constant 0 : i32
      %dma_wait3A_906 = tpu.memref_slice %arg4[%dma_wait3A_905] : memref<327680xi32, #tpu.memory_space<hbm>> -> memref<128xi32, #tpu.memory_space<hbm>>
      tpu.wait_dma2 semaphore(%arg21 : memref<!tpu.dma_semaphore, #tpu.memory_space<semaphore_mem>>) src(%dma_wait3A_906 : memref<128xi32, #tpu.memory_space<hbm>>) dst(%arg9 : memref<128xi32, #tpu.memory_space<vmem>>)
      %dma_start3A_907 = arith.constant 0 : i32
      %dma_start3A_908 = arith.constant 0 : i32
      %dma_start3A_909 = tpu.memref_slice %arg2[%dma_start3A_907, %dma_start3A_908] : memref<10000x32xi32, #tpu.memory_space<hbm>> -> memref<10000x32xi32, #tpu.memory_space<hbm>>
      tpu.enqueue_indirect_dma source(%dma_start3A_909 : memref<10000x32xi32, #tpu.memory_space<hbm>>) target(%arg11 : memref<128x32xi32, #tpu.memory_space<vmem>>) offsets(%arg7 : memref<128xi32, #tpu.memory_space<vmem>>) semaphore(%arg19 : memref<!tpu.dma_semaphore, #tpu.memory_space<semaphore_mem>>)
      %dma_wait3A_910 = arith.constant 0 : i32
      %dma_wait3A_911 = arith.constant 0 : i32
      %dma_wait3A_912 = tpu.memref_slice %arg2[%dma_wait3A_910, %dma_wait3A_911] : memref<10000x32xi32, #tpu.memory_space<hbm>> -> memref<10000x32xi32, #tpu.memory_space<hbm>>
      tpu.wait_indirect_dma semaphore(%arg20 : memref<!tpu.dma_semaphore, #tpu.memory_space<semaphore_mem>>) src(%dma_wait3A_912 : memref<10000x32xi32, #tpu.memory_space<hbm>>) dst(%arg12 : memref<128x32xi32, #tpu.memory_space<vmem>>)
      %dma_wait3A_913 = arith.constant 0 : i32
      %dma_wait3A_914 = arith.constant 0 : i32
      %dma_wait3A_915 = tpu.memref_slice %arg18[%dma_wait3A_913, %dma_wait3A_914] : memref<10240x64xf32, #tpu.memory_space<vmem_shared>> -> memref<10240x64xf32, #tpu.memory_space<vmem_shared>>
      tpu.wait_indirect_dma semaphore(%arg24 : memref<!tpu.dma_semaphore, #tpu.memory_space<semaphore_mem>>) src(%arg14 : memref<128x64xf32, #tpu.memory_space<vmem>>) dst(%dma_wait3A_915 : memref<10240x64xf32, #tpu.memory_space<vmem_shared>>)
      %get3A_916 = arith.constant 0 : index
      %get3A_917 = tpu.vector_load %arg10[%get3A_916] {strides = array<i32>} : memref<128xi32, #tpu.memory_space<vmem>>, vector<16xi32>,
      %swap3A_918 = arith.constant 0 : index
      %swap3A_919 = tpu.vector_load %arg16[%swap3A_918] {strides = array<i32>} : memref<128xi32, #tpu.memory_space<vmem>>, vector<16xi32>,
      tpu.vector_store %arg16[%swap3A_918], %get3A_917 {strides = array<i32>} : memref<128xi32, #tpu.memory_space<vmem>>, vector<16xi32>,
      %shift_right_arithmetic3A_920 = arith.constant 4 : i32
      %shift_right_arithmetic3A_921 = vector.broadcast %shift_right_arithmetic3A_920 : i32 to vector<16xi32>
      %shift_right_arithmetic3A_922 = arith.shrsi %get3A_917, %shift_right_arithmetic3A_921 : vector<16xi32>
      %and3A_923 = arith.constant 15 : i32
      %and3A_924 = vector.broadcast %and3A_923 : i32 to vector<16xi32>
      %and3A_925 = arith.andi %get3A_917, %and3A_924 : vector<16xi32>
      %broadcast_in_dim3A_926 = arith.constant 1.000000e+00 : f32
      %broadcast_in_dim3A_927 = vector.broadcast %broadcast_in_dim3A_926 : f32 to vector<16xf32>
      tpu.vector_store_idx %arg25[%shift_right_arithmetic3A_922, %and3A_925], %broadcast_in_dim3A_927 {add = true} : memref<640x16xf32, #tpu.memory_space<vmem>>[vector<16xi32>, vector<16xi32>], vector<16xf32>,
      %get3A_928 = arith.constant 16 : index
      %get3A_929 = tpu.vector_load %arg10[%get3A_928] {strides = array<i32>} : memref<128xi32, #tpu.memory_space<vmem>>, vector<16xi32>,
      %swap3A_930 = arith.constant 16 : index
      %swap3A_931 = tpu.vector_load %arg16[%swap3A_930] {strides = array<i32>} : memref<128xi32, #tpu.memory_space<vmem>>, vector<16xi32>,
      tpu.vector_store %arg16[%swap3A_930], %get3A_929 {strides = array<i32>} : memref<128xi32, #tpu.memory_space<vmem>>, vector<16xi32>,
      %shift_right_arithmetic3A_932 = arith.constant 4 : i32
      %shift_right_arithmetic3A_933 = vector.broadcast %shift_right_arithmetic3A_932 : i32 to vector<16xi32>
      %shift_right_arithmetic3A_934 = arith.shrsi %get3A_929, %shift_right_arithmetic3A_933 : vector<16xi32>
      %and3A_935 = arith.constant 15 : i32
      %and3A_936 = vector.broadcast %and3A_935 : i32 to vector<16xi32>
      %and3A_937 = arith.andi %get3A_929, %and3A_936 : vector<16xi32>
      %broadcast_in_dim3A_938 = arith.constant 1.000000e+00 : f32
      %broadcast_in_dim3A_939 = vector.broadcast %broadcast_in_dim3A_938 : f32 to vector<16xf32>
      tpu.vector_store_idx %arg25[%shift_right_arithmetic3A_934, %and3A_937], %broadcast_in_dim3A_939 {add = true} : memref<640x16xf32, #tpu.memory_space<vmem>>[vector<16xi32>, vector<16xi32>], vector<16xf32>,
      %get3A_940 = arith.constant 32 : index
      %get3A_941 = tpu.vector_load %arg10[%get3A_940] {strides = array<i32>} : memref<128xi32, #tpu.memory_space<vmem>>, vector<16xi32>,
      %swap3A_942 = arith.constant 32 : index
      %swap3A_943 = tpu.vector_load %arg16[%swap3A_942] {strides = array<i32>} : memref<128xi32, #tpu.memory_space<vmem>>, vector<16xi32>,
      tpu.vector_store %arg16[%swap3A_942], %get3A_941 {strides = array<i32>} : memref<128xi32, #tpu.memory_space<vmem>>, vector<16xi32>,
      %shift_right_arithmetic3A_944 = arith.constant 4 : i32
      %shift_right_arithmetic3A_945 = vector.broadcast %shift_right_arithmetic3A_944 : i32 to vector<16xi32>
      %shift_right_arithmetic3A_946 = arith.shrsi %get3A_941, %shift_right_arithmetic3A_945 : vector<16xi32>
      %and3A_947 = arith.constant 15 : i32
      %and3A_948 = vector.broadcast %and3A_947 : i32 to vector<16xi32>
      %and3A_949 = arith.andi %get3A_941, %and3A_948 : vector<16xi32>
      %broadcast_in_dim3A_950 = arith.constant 1.000000e+00 : f32
      %broadcast_in_dim3A_951 = vector.broadcast %broadcast_in_dim3A_950 : f32 to vector<16xf32>
      tpu.vector_store_idx %arg25[%shift_right_arithmetic3A_946, %and3A_949], %broadcast_in_dim3A_951 {add = true} : memref<640x16xf32, #tpu.memory_space<vmem>>[vector<16xi32>, vector<16xi32>], vector<16xf32>,
      %get3A_952 = arith.constant 48 : index
      %get3A_953 = tpu.vector_load %arg10[%get3A_952] {strides = array<i32>} : memref<128xi32, #tpu.memory_space<vmem>>, vector<16xi32>,
      %swap3A_954 = arith.constant 48 : index
      %swap3A_955 = tpu.vector_load %arg16[%swap3A_954] {strides = array<i32>} : memref<128xi32, #tpu.memory_space<vmem>>, vector<16xi32>,
      tpu.vector_store %arg16[%swap3A_954], %get3A_953 {strides = array<i32>} : memref<128xi32, #tpu.memory_space<vmem>>, vector<16xi32>,
      %shift_right_arithmetic3A_956 = arith.constant 4 : i32
      %shift_right_arithmetic3A_957 = vector.broadcast %shift_right_arithmetic3A_956 : i32 to vector<16xi32>
      %shift_right_arithmetic3A_958 = arith.shrsi %get3A_953, %shift_right_arithmetic3A_957 : vector<16xi32>
      %and3A_959 = arith.constant 15 : i32
      %and3A_960 = vector.broadcast %and3A_959 : i32 to vector<16xi32>
      %and3A_961 = arith.andi %get3A_953, %and3A_960 : vector<16xi32>
      %broadcast_in_dim3A_962 = arith.constant 1.000000e+00 : f32
      %broadcast_in_dim3A_963 = vector.broadcast %broadcast_in_dim3A_962 : f32 to vector<16xf32>
      tpu.vector_store_idx %arg25[%shift_right_arithmetic3A_958, %and3A_961], %broadcast_in_dim3A_963 {add = true} : memref<640x16xf32, #tpu.memory_space<vmem>>[vector<16xi32>, vector<16xi32>], vector<16xf32>,
      %get3A_964 = arith.constant 64 : index
      %get3A_965 = tpu.vector_load %arg10[%get3A_964] {strides = array<i32>} : memref<128xi32, #tpu.memory_space<vmem>>, vector<16xi32>,
      %swap3A_966 = arith.constant 64 : index
      %swap3A_967 = tpu.vector_load %arg16[%swap3A_966] {strides = array<i32>} : memref<128xi32, #tpu.memory_space<vmem>>, vector<16xi32>,
      tpu.vector_store %arg16[%swap3A_966], %get3A_965 {strides = array<i32>} : memref<128xi32, #tpu.memory_space<vmem>>, vector<16xi32>,
      %shift_right_arithmetic3A_968 = arith.constant 4 : i32
      %shift_right_arithmetic3A_969 = vector.broadcast %shift_right_arithmetic3A_968 : i32 to vector<16xi32>
      %shift_right_arithmetic3A_970 = arith.shrsi %get3A_965, %shift_right_arithmetic3A_969 : vector<16xi32>
      %and3A_971 = arith.constant 15 : i32
      %and3A_972 = vector.broadcast %and3A_971 : i32 to vector<16xi32>
      %and3A_973 = arith.andi %get3A_965, %and3A_972 : vector<16xi32>
      %broadcast_in_dim3A_974 = arith.constant 1.000000e+00 : f32
      %broadcast_in_dim3A_975 = vector.broadcast %broadcast_in_dim3A_974 : f32 to vector<16xf32>
      tpu.vector_store_idx %arg25[%shift_right_arithmetic3A_970, %and3A_973], %broadcast_in_dim3A_975 {add = true} : memref<640x16xf32, #tpu.memory_space<vmem>>[vector<16xi32>, vector<16xi32>], vector<16xf32>,
      %get3A_976 = arith.constant 80 : index
      %get3A_977 = tpu.vector_load %arg10[%get3A_976] {strides = array<i32>} : memref<128xi32, #tpu.memory_space<vmem>>, vector<16xi32>,
      %swap3A_978 = arith.constant 80 : index
      %swap3A_979 = tpu.vector_load %arg16[%swap3A_978] {strides = array<i32>} : memref<128xi32, #tpu.memory_space<vmem>>, vector<16xi32>,
      tpu.vector_store %arg16[%swap3A_978], %get3A_977 {strides = array<i32>} : memref<128xi32, #tpu.memory_space<vmem>>, vector<16xi32>,
      %shift_right_arithmetic3A_980 = arith.constant 4 : i32
      %shift_right_arithmetic3A_981 = vector.broadcast %shift_right_arithmetic3A_980 : i32 to vector<16xi32>
      %shift_right_arithmetic3A_982 = arith.shrsi %get3A_977, %shift_right_arithmetic3A_981 : vector<16xi32>
      %and3A_983 = arith.constant 15 : i32
      %and3A_984 = vector.broadcast %and3A_983 : i32 to vector<16xi32>
      %and3A_985 = arith.andi %get3A_977, %and3A_984 : vector<16xi32>
      %broadcast_in_dim3A_986 = arith.constant 1.000000e+00 : f32
      %broadcast_in_dim3A_987 = vector.broadcast %broadcast_in_dim3A_986 : f32 to vector<16xf32>
      tpu.vector_store_idx %arg25[%shift_right_arithmetic3A_982, %and3A_985], %broadcast_in_dim3A_987 {add = true} : memref<640x16xf32, #tpu.memory_space<vmem>>[vector<16xi32>, vector<16xi32>], vector<16xf32>,
      %get3A_988 = arith.constant 96 : index
      %get3A_989 = tpu.vector_load %arg10[%get3A_988] {strides = array<i32>} : memref<128xi32, #tpu.memory_space<vmem>>, vector<16xi32>,
      %swap3A_990 = arith.constant 96 : index
      %swap3A_991 = tpu.vector_load %arg16[%swap3A_990] {strides = array<i32>} : memref<128xi32, #tpu.memory_space<vmem>>, vector<16xi32>,
      tpu.vector_store %arg16[%swap3A_990], %get3A_989 {strides = array<i32>} : memref<128xi32, #tpu.memory_space<vmem>>, vector<16xi32>,
      %shift_right_arithmetic3A_992 = arith.constant 4 : i32
      %shift_right_arithmetic3A_993 = vector.broadcast %shift_right_arithmetic3A_992 : i32 to vector<16xi32>
      %shift_right_arithmetic3A_994 = arith.shrsi %get3A_989, %shift_right_arithmetic3A_993 : vector<16xi32>
      %and3A_995 = arith.constant 15 : i32
      %and3A_996 = vector.broadcast %and3A_995 : i32 to vector<16xi32>
      %and3A_997 = arith.andi %get3A_989, %and3A_996 : vector<16xi32>
      %broadcast_in_dim3A_998 = arith.constant 1.000000e+00 : f32
      %broadcast_in_dim3A_999 = vector.broadcast %broadcast_in_dim3A_998 : f32 to vector<16xf32>
      tpu.vector_store_idx %arg25[%shift_right_arithmetic3A_994, %and3A_997], %broadcast_in_dim3A_999 {add = true} : memref<640x16xf32, #tpu.memory_space<vmem>>[vector<16xi32>, vector<16xi32>], vector<16xf32>,
      %get3A_1000 = arith.constant 112 : index
      %get3A_1001 = tpu.vector_load %arg10[%get3A_1000] {strides = array<i32>} : memref<128xi32, #tpu.memory_space<vmem>>, vector<16xi32>,
      %swap3A_1002 = arith.constant 112 : index
      %swap3A_1003 = tpu.vector_load %arg16[%swap3A_1002] {strides = array<i32>} : memref<128xi32, #tpu.memory_space<vmem>>, vector<16xi32>,
      tpu.vector_store %arg16[%swap3A_1002], %get3A_1001 {strides = array<i32>} : memref<128xi32, #tpu.memory_space<vmem>>, vector<16xi32>,
      %shift_right_arithmetic3A_1004 = arith.constant 4 : i32
      %shift_right_arithmetic3A_1005 = vector.broadcast %shift_right_arithmetic3A_1004 : i32 to vector<16xi32>
      %shift_right_arithmetic3A_1006 = arith.shrsi %get3A_1001, %shift_right_arithmetic3A_1005 : vector<16xi32>
      %and3A_1007 = arith.constant 15 : i32
      %and3A_1008 = vector.broadcast %and3A_1007 : i32 to vector<16xi32>
      %and3A_1009 = arith.andi %get3A_1001, %and3A_1008 : vector<16xi32>
      %broadcast_in_dim3A_1010 = arith.constant 1.000000e+00 : f32
      %broadcast_in_dim3A_1011 = vector.broadcast %broadcast_in_dim3A_1010 : f32 to vector<16xf32>
      tpu.vector_store_idx %arg25[%shift_right_arithmetic3A_1006, %and3A_1009], %broadcast_in_dim3A_1011 {add = true} : memref<640x16xf32, #tpu.memory_space<vmem>>[vector<16xi32>, vector<16xi32>], vector<16xf32>,
      %add3A_1012 = arith.constant 2 : i32
      %add3A_1013 = arith.addi %add3A_898, %add3A_1012 : i32
      %mul3A_1014 = arith.constant 10240 : i32
      %mul3A_1015 = arith.muli %add3A, %mul3A_1014 : i32
      %mul3A_1016 = arith.constant 128 : i32
      %mul3A_1017 = arith.muli %add3A_1013, %mul3A_1016 : i32
      %add3A_1018 = arith.addi %mul3A_1015, %mul3A_1017 : i32
      %dma_start3A_1019 = tpu.memref_slice %arg3[%add3A_1018] : memref<327680xi32, #tpu.memory_space<hbm>> -> memref<128xi32, #tpu.memory_space<hbm>>
      %dma_start3A_1020 = tpu.memref_slice %arg3[%add3A_1018] : memref<327680xi32, #tpu.memory_space<hbm>> -> memref<128xi32, #tpu.memory_space<hbm>>
      tpu.enqueue_dma source(%dma_start3A_1020 : memref<128xi32, #tpu.memory_space<hbm>>) target(%arg8 : memref<128xi32, #tpu.memory_space<vmem>>) target_semaphore(%arg22 : memref<!tpu.dma_semaphore, #tpu.memory_space<semaphore_mem>>)
      %dma_start3A_1021 = tpu.memref_slice %arg4[%add3A_1018] : memref<327680xi32, #tpu.memory_space<hbm>> -> memref<128xi32, #tpu.memory_space<hbm>>
      %dma_start3A_1022 = tpu.memref_slice %arg4[%add3A_1018] : memref<327680xi32, #tpu.memory_space<hbm>> -> memref<128xi32, #tpu.memory_space<hbm>>
      tpu.enqueue_dma source(%dma_start3A_1022 : memref<128xi32, #tpu.memory_space<hbm>>) target(%arg10 : memref<128xi32, #tpu.memory_space<vmem>>) target_semaphore(%arg22 : memref<!tpu.dma_semaphore, #tpu.memory_space<semaphore_mem>>)
      %scan3A_1023 = arith.constant 0 : i32
      %scan3A_1024 = arith.constant 0 : i32
      %scan3A_1025 = arith.constant 32 : i32
      %scan3A_1026 = arith.addi %scan3A_1024, %scan3A_1025 : i32
      %scan3A_1027 = arith.constant 1 : i32
      %scan3A_1028 = scf.for %scan3A_1034 = %scan3A_1024 to %scan3A_1026 step %scan3A_1027 iter_args(%scan3A_1035 = %scan3A_1023) -> (i32)  : i32 {
        %mul3A_1036 = arith.constant 4 : i32
        %mul3A_1037 = arith.muli %mul3A_1036, %scan3A_1034 : i32
        %add3A_1038 = arith.constant 0 : i32
        %add3A_1039 = arith.addi %mul3A_1037, %add3A_1038 : i32
        %get3A_1040 = arith.index_cast %add3A_1039 : i32 to index
        %get3A_1041 = arith.constant 0 : index
        %get3A_1042 = tpu.vector_load %arg12[%get3A_1040, %get3A_1041] {strides = array<i32>} : memref<128x32xi32, #tpu.memory_space<vmem>>, vector<16xi32>,
        %shift_left3A = arith.constant 16 : i32
        %shift_left3A_1043 = vector.broadcast %shift_left3A : i32 to vector<16xi32>
        %shift_left3A_1044 = arith.shli %get3A_1042, %shift_left3A_1043 : vector<16xi32>
        %bitcast3A = vector.bitcast %shift_left3A_1044 : vector<16xi32> to vector<16xf32>
        %and3A_1045 = arith.constant -65536 : i32
        %and3A_1046 = vector.broadcast %and3A_1045 : i32 to vector<16xi32>
        %and3A_1047 = arith.andi %get3A_1042, %and3A_1046 : vector<16xi32>
        %bitcast3A_1048 = vector.bitcast %and3A_1047 : vector<16xi32> to vector<16xf32>
        %swap3A_1049 = arith.index_cast %add3A_1039 : i32 to index
        %swap3A_1050 = arith.constant 0 : index
        %swap3A_1051 = tpu.vector_load %arg14[%swap3A_1049, %swap3A_1050] {strides = array<i32>} : memref<128x64xf32, #tpu.memory_space<vmem>>, vector<16xf32>,
        tpu.vector_store %arg14[%swap3A_1049, %swap3A_1050], %bitcast3A {strides = array<i32>} : memref<128x64xf32, #tpu.memory_space<vmem>>, vector<16xf32>,
        %swap3A_1052 = arith.index_cast %add3A_1039 : i32 to index
        %swap3A_1053 = arith.constant 16 : index
        %swap3A_1054 = tpu.vector_load %arg14[%swap3A_1052, %swap3A_1053] {strides = array<i32>} : memref<128x64xf32, #tpu.memory_space<vmem>>, vector<16xf32>,
        tpu.vector_store %arg14[%swap3A_1052, %swap3A_1053], %bitcast3A_1048 {strides = array<i32>} : memref<128x64xf32, #tpu.memory_space<vmem>>, vector<16xf32>,
        %get3A_1055 = arith.index_cast %add3A_1039 : i32 to index
        %get3A_1056 = arith.constant 16 : index
        %get3A_1057 = tpu.vector_load %arg12[%get3A_1055, %get3A_1056] {strides = array<i32>} : memref<128x32xi32, #tpu.memory_space<vmem>>, vector<16xi32>,
        %shift_left3A_1058 = arith.constant 16 : i32
        %shift_left3A_1059 = vector.broadcast %shift_left3A_1058 : i32 to vector<16xi32>
        %shift_left3A_1060 = arith.shli %get3A_1057, %shift_left3A_1059 : vector<16xi32>
        %bitcast3A_1061 = vector.bitcast %shift_left3A_1060 : vector<16xi32> to vector<16xf32>
        %and3A_1062 = arith.constant -65536 : i32
        %and3A_1063 = vector.broadcast %and3A_1062 : i32 to vector<16xi32>
        %and3A_1064 = arith.andi %get3A_1057, %and3A_1063 : vector<16xi32>
        %bitcast3A_1065 = vector.bitcast %and3A_1064 : vector<16xi32> to vector<16xf32>
        %swap3A_1066 = arith.index_cast %add3A_1039 : i32 to index
        %swap3A_1067 = arith.constant 32 : index
        %swap3A_1068 = tpu.vector_load %arg14[%swap3A_1066, %swap3A_1067] {strides = array<i32>} : memref<128x64xf32, #tpu.memory_space<vmem>>, vector<16xf32>,
        tpu.vector_store %arg14[%swap3A_1066, %swap3A_1067], %bitcast3A_1061 {strides = array<i32>} : memref<128x64xf32, #tpu.memory_space<vmem>>, vector<16xf32>,
        %swap3A_1069 = arith.index_cast %add3A_1039 : i32 to index
        %swap3A_1070 = arith.constant 48 : index
        %swap3A_1071 = tpu.vector_load %arg14[%swap3A_1069, %swap3A_1070] {strides = array<i32>} : memref<128x64xf32, #tpu.memory_space<vmem>>, vector<16xf32>,
        tpu.vector_store %arg14[%swap3A_1069, %swap3A_1070], %bitcast3A_1065 {strides = array<i32>} : memref<128x64xf32, #tpu.memory_space<vmem>>, vector<16xf32>,
        %mul3A_1072 = arith.constant 4 : i32
        %mul3A_1073 = arith.muli %mul3A_1072, %scan3A_1034 : i32
        %add3A_1074 = arith.constant 1 : i32
        %add3A_1075 = arith.addi %mul3A_1073, %add3A_1074 : i32
        %get3A_1076 = arith.index_cast %add3A_1075 : i32 to index
        %get3A_1077 = arith.constant 0 : index
        %get3A_1078 = tpu.vector_load %arg12[%get3A_1076, %get3A_1077] {strides = array<i32>} : memref<128x32xi32, #tpu.memory_space<vmem>>, vector<16xi32>,
        %shift_left3A_1079 = arith.constant 16 : i32
        %shift_left3A_1080 = vector.broadcast %shift_left3A_1079 : i32 to vector<16xi32>
        %shift_left3A_1081 = arith.shli %get3A_1078, %shift_left3A_1080 : vector<16xi32>
        %bitcast3A_1082 = vector.bitcast %shift_left3A_1081 : vector<16xi32> to vector<16xf32>
        %and3A_1083 = arith.constant -65536 : i32
        %and3A_1084 = vector.broadcast %and3A_1083 : i32 to vector<16xi32>
        %and3A_1085 = arith.andi %get3A_1078, %and3A_1084 : vector<16xi32>
        %bitcast3A_1086 = vector.bitcast %and3A_1085 : vector<16xi32> to vector<16xf32>
        %swap3A_1087 = arith.index_cast %add3A_1075 : i32 to index
        %swap3A_1088 = arith.constant 0 : index
        %swap3A_1089 = tpu.vector_load %arg14[%swap3A_1087, %swap3A_1088] {strides = array<i32>} : memref<128x64xf32, #tpu.memory_space<vmem>>, vector<16xf32>,
        tpu.vector_store %arg14[%swap3A_1087, %swap3A_1088], %bitcast3A_1082 {strides = array<i32>} : memref<128x64xf32, #tpu.memory_space<vmem>>, vector<16xf32>,
        %swap3A_1090 = arith.index_cast %add3A_1075 : i32 to index
        %swap3A_1091 = arith.constant 16 : index
        %swap3A_1092 = tpu.vector_load %arg14[%swap3A_1090, %swap3A_1091] {strides = array<i32>} : memref<128x64xf32, #tpu.memory_space<vmem>>, vector<16xf32>,
        tpu.vector_store %arg14[%swap3A_1090, %swap3A_1091], %bitcast3A_1086 {strides = array<i32>} : memref<128x64xf32, #tpu.memory_space<vmem>>, vector<16xf32>,
        %get3A_1093 = arith.index_cast %add3A_1075 : i32 to index
        %get3A_1094 = arith.constant 16 : index
        %get3A_1095 = tpu.vector_load %arg12[%get3A_1093, %get3A_1094] {strides = array<i32>} : memref<128x32xi32, #tpu.memory_space<vmem>>, vector<16xi32>,
        %shift_left3A_1096 = arith.constant 16 : i32
        %shift_left3A_1097 = vector.broadcast %shift_left3A_1096 : i32 to vector<16xi32>
        %shift_left3A_1098 = arith.shli %get3A_1095, %shift_left3A_1097 : vector<16xi32>
        %bitcast3A_1099 = vector.bitcast %shift_left3A_1098 : vector<16xi32> to vector<16xf32>
        %and3A_1100 = arith.constant -65536 : i32
        %and3A_1101 = vector.broadcast %and3A_1100 : i32 to vector<16xi32>
        %and3A_1102 = arith.andi %get3A_1095, %and3A_1101 : vector<16xi32>
        %bitcast3A_1103 = vector.bitcast %and3A_1102 : vector<16xi32> to vector<16xf32>
        %swap3A_1104 = arith.index_cast %add3A_1075 : i32 to index
        %swap3A_1105 = arith.constant 32 : index
        %swap3A_1106 = tpu.vector_load %arg14[%swap3A_1104, %swap3A_1105] {strides = array<i32>} : memref<128x64xf32, #tpu.memory_space<vmem>>, vector<16xf32>,
        tpu.vector_store %arg14[%swap3A_1104, %swap3A_1105], %bitcast3A_1099 {strides = array<i32>} : memref<128x64xf32, #tpu.memory_space<vmem>>, vector<16xf32>,
        %swap3A_1107 = arith.index_cast %add3A_1075 : i32 to index
        %swap3A_1108 = arith.constant 48 : index
        %swap3A_1109 = tpu.vector_load %arg14[%swap3A_1107, %swap3A_1108] {strides = array<i32>} : memref<128x64xf32, #tpu.memory_space<vmem>>, vector<16xf32>,
        tpu.vector_store %arg14[%swap3A_1107, %swap3A_1108], %bitcast3A_1103 {strides = array<i32>} : memref<128x64xf32, #tpu.memory_space<vmem>>, vector<16xf32>,
        %mul3A_1110 = arith.constant 4 : i32
        %mul3A_1111 = arith.muli %mul3A_1110, %scan3A_1034 : i32
        %add3A_1112 = arith.constant 2 : i32
        %add3A_1113 = arith.addi %mul3A_1111, %add3A_1112 : i32
        %get3A_1114 = arith.index_cast %add3A_1113 : i32 to index
        %get3A_1115 = arith.constant 0 : index
        %get3A_1116 = tpu.vector_load %arg12[%get3A_1114, %get3A_1115] {strides = array<i32>} : memref<128x32xi32, #tpu.memory_space<vmem>>, vector<16xi32>,
        %shift_left3A_1117 = arith.constant 16 : i32
        %shift_left3A_1118 = vector.broadcast %shift_left3A_1117 : i32 to vector<16xi32>
        %shift_left3A_1119 = arith.shli %get3A_1116, %shift_left3A_1118 : vector<16xi32>
        %bitcast3A_1120 = vector.bitcast %shift_left3A_1119 : vector<16xi32> to vector<16xf32>
        %and3A_1121 = arith.constant -65536 : i32
        %and3A_1122 = vector.broadcast %and3A_1121 : i32 to vector<16xi32>
        %and3A_1123 = arith.andi %get3A_1116, %and3A_1122 : vector<16xi32>
        %bitcast3A_1124 = vector.bitcast %and3A_1123 : vector<16xi32> to vector<16xf32>
        %swap3A_1125 = arith.index_cast %add3A_1113 : i32 to index
        %swap3A_1126 = arith.constant 0 : index
        %swap3A_1127 = tpu.vector_load %arg14[%swap3A_1125, %swap3A_1126] {strides = array<i32>} : memref<128x64xf32, #tpu.memory_space<vmem>>, vector<16xf32>,
        tpu.vector_store %arg14[%swap3A_1125, %swap3A_1126], %bitcast3A_1120 {strides = array<i32>} : memref<128x64xf32, #tpu.memory_space<vmem>>, vector<16xf32>,
        %swap3A_1128 = arith.index_cast %add3A_1113 : i32 to index
        %swap3A_1129 = arith.constant 16 : index
        %swap3A_1130 = tpu.vector_load %arg14[%swap3A_1128, %swap3A_1129] {strides = array<i32>} : memref<128x64xf32, #tpu.memory_space<vmem>>, vector<16xf32>,
        tpu.vector_store %arg14[%swap3A_1128, %swap3A_1129], %bitcast3A_1124 {strides = array<i32>} : memref<128x64xf32, #tpu.memory_space<vmem>>, vector<16xf32>,
        %get3A_1131 = arith.index_cast %add3A_1113 : i32 to index
        %get3A_1132 = arith.constant 16 : index
        %get3A_1133 = tpu.vector_load %arg12[%get3A_1131, %get3A_1132] {strides = array<i32>} : memref<128x32xi32, #tpu.memory_space<vmem>>, vector<16xi32>,
        %shift_left3A_1134 = arith.constant 16 : i32
        %shift_left3A_1135 = vector.broadcast %shift_left3A_1134 : i32 to vector<16xi32>
        %shift_left3A_1136 = arith.shli %get3A_1133, %shift_left3A_1135 : vector<16xi32>
        %bitcast3A_1137 = vector.bitcast %shift_left3A_1136 : vector<16xi32> to vector<16xf32>
        %and3A_1138 = arith.constant -65536 : i32
        %and3A_1139 = vector.broadcast %and3A_1138 : i32 to vector<16xi32>
        %and3A_1140 = arith.andi %get3A_1133, %and3A_1139 : vector<16xi32>
        %bitcast3A_1141 = vector.bitcast %and3A_1140 : vector<16xi32> to vector<16xf32>
        %swap3A_1142 = arith.index_cast %add3A_1113 : i32 to index
        %swap3A_1143 = arith.constant 32 : index
        %swap3A_1144 = tpu.vector_load %arg14[%swap3A_1142, %swap3A_1143] {strides = array<i32>} : memref<128x64xf32, #tpu.memory_space<vmem>>, vector<16xf32>,
        tpu.vector_store %arg14[%swap3A_1142, %swap3A_1143], %bitcast3A_1137 {strides = array<i32>} : memref<128x64xf32, #tpu.memory_space<vmem>>, vector<16xf32>,
        %swap3A_1145 = arith.index_cast %add3A_1113 : i32 to index
        %swap3A_1146 = arith.constant 48 : index
        %swap3A_1147 = tpu.vector_load %arg14[%swap3A_1145, %swap3A_1146] {strides = array<i32>} : memref<128x64xf32, #tpu.memory_space<vmem>>, vector<16xf32>,
        tpu.vector_store %arg14[%swap3A_1145, %swap3A_1146], %bitcast3A_1141 {strides = array<i32>} : memref<128x64xf32, #tpu.memory_space<vmem>>, vector<16xf32>,
        %mul3A_1148 = arith.constant 4 : i32
        %mul3A_1149 = arith.muli %mul3A_1148, %scan3A_1034 : i32
        %add3A_1150 = arith.constant 3 : i32
        %add3A_1151 = arith.addi %mul3A_1149, %add3A_1150 : i32
        %get3A_1152 = arith.index_cast %add3A_1151 : i32 to index
        %get3A_1153 = arith.constant 0 : index
        %get3A_1154 = tpu.vector_load %arg12[%get3A_1152, %get3A_1153] {strides = array<i32>} : memref<128x32xi32, #tpu.memory_space<vmem>>, vector<16xi32>,
        %shift_left3A_1155 = arith.constant 16 : i32
        %shift_left3A_1156 = vector.broadcast %shift_left3A_1155 : i32 to vector<16xi32>
        %shift_left3A_1157 = arith.shli %get3A_1154, %shift_left3A_1156 : vector<16xi32>
        %bitcast3A_1158 = vector.bitcast %shift_left3A_1157 : vector<16xi32> to vector<16xf32>
        %and3A_1159 = arith.constant -65536 : i32
        %and3A_1160 = vector.broadcast %and3A_1159 : i32 to vector<16xi32>
        %and3A_1161 = arith.andi %get3A_1154, %and3A_1160 : vector<16xi32>
        %bitcast3A_1162 = vector.bitcast %and3A_1161 : vector<16xi32> to vector<16xf32>
        %swap3A_1163 = arith.index_cast %add3A_1151 : i32 to index
        %swap3A_1164 = arith.constant 0 : index
        %swap3A_1165 = tpu.vector_load %arg14[%swap3A_1163, %swap3A_1164] {strides = array<i32>} : memref<128x64xf32, #tpu.memory_space<vmem>>, vector<16xf32>,
        tpu.vector_store %arg14[%swap3A_1163, %swap3A_1164], %bitcast3A_1158 {strides = array<i32>} : memref<128x64xf32, #tpu.memory_space<vmem>>, vector<16xf32>,
        %swap3A_1166 = arith.index_cast %add3A_1151 : i32 to index
        %swap3A_1167 = arith.constant 16 : index
        %swap3A_1168 = tpu.vector_load %arg14[%swap3A_1166, %swap3A_1167] {strides = array<i32>} : memref<128x64xf32, #tpu.memory_space<vmem>>, vector<16xf32>,
        tpu.vector_store %arg14[%swap3A_1166, %swap3A_1167], %bitcast3A_1162 {strides = array<i32>} : memref<128x64xf32, #tpu.memory_space<vmem>>, vector<16xf32>,
        %get3A_1169 = arith.index_cast %add3A_1151 : i32 to index
        %get3A_1170 = arith.constant 16 : index
        %get3A_1171 = tpu.vector_load %arg12[%get3A_1169, %get3A_1170] {strides = array<i32>} : memref<128x32xi32, #tpu.memory_space<vmem>>, vector<16xi32>,
        %shift_left3A_1172 = arith.constant 16 : i32
        %shift_left3A_1173 = vector.broadcast %shift_left3A_1172 : i32 to vector<16xi32>
        %shift_left3A_1174 = arith.shli %get3A_1171, %shift_left3A_1173 : vector<16xi32>
        %bitcast3A_1175 = vector.bitcast %shift_left3A_1174 : vector<16xi32> to vector<16xf32>
        %and3A_1176 = arith.constant -65536 : i32
        %and3A_1177 = vector.broadcast %and3A_1176 : i32 to vector<16xi32>
        %and3A_1178 = arith.andi %get3A_1171, %and3A_1177 : vector<16xi32>
        %bitcast3A_1179 = vector.bitcast %and3A_1178 : vector<16xi32> to vector<16xf32>
        %swap3A_1180 = arith.index_cast %add3A_1151 : i32 to index
        %swap3A_1181 = arith.constant 32 : index
        %swap3A_1182 = tpu.vector_load %arg14[%swap3A_1180, %swap3A_1181] {strides = array<i32>} : memref<128x64xf32, #tpu.memory_space<vmem>>, vector<16xf32>,
        tpu.vector_store %arg14[%swap3A_1180, %swap3A_1181], %bitcast3A_1175 {strides = array<i32>} : memref<128x64xf32, #tpu.memory_space<vmem>>, vector<16xf32>,
        %swap3A_1183 = arith.index_cast %add3A_1151 : i32 to index
        %swap3A_1184 = arith.constant 48 : index
        %swap3A_1185 = tpu.vector_load %arg14[%swap3A_1183, %swap3A_1184] {strides = array<i32>} : memref<128x64xf32, #tpu.memory_space<vmem>>, vector<16xf32>,
        tpu.vector_store %arg14[%swap3A_1183, %swap3A_1184], %bitcast3A_1179 {strides = array<i32>} : memref<128x64xf32, #tpu.memory_space<vmem>>, vector<16xf32>,
        %scan3A_1186 = arith.constant 0 : i32
        scf.yield %scan3A_1186 : i32
      }
      %scan3A_1029 = arith.constant 32 : i32
      %dma_start3A_1030 = arith.constant 0 : i32
      %dma_start3A_1031 = arith.constant 0 : i32
      %dma_start3A_1032 = tpu.memref_slice %arg18[%dma_start3A_1030, %dma_start3A_1031] : memref<10240x64xf32, #tpu.memory_space<vmem_shared>> -> memref<10240x64xf32, #tpu.memory_space<vmem_shared>>
      tpu.enqueue_indirect_dma source(%arg14 : memref<128x64xf32, #tpu.memory_space<vmem>>) target(%dma_start3A_1032 : memref<10240x64xf32, #tpu.memory_space<vmem_shared>>) offsets(%arg16 : memref<128xi32, #tpu.memory_space<vmem>>) semaphore(%arg24 : memref<!tpu.dma_semaphore, #tpu.memory_space<semaphore_mem>>) {add = true}
      %scan3A_1033 = arith.constant 0 : i32
      scf.yield %scan3A_1033 : i32
    }
    %scan3A_302 = arith.constant 38 : i32
    %dma_wait3A_303 = arith.constant 0 : i32
    %dma_wait3A_304 = tpu.memref_slice %arg3[%dma_wait3A_303] : memref<327680xi32, #tpu.memory_space<hbm>> -> memref<128xi32, #tpu.memory_space<hbm>>
    %dma_wait3A_305 = arith.constant 0 : i32
    %dma_wait3A_306 = tpu.memref_slice %arg3[%dma_wait3A_305] : memref<327680xi32, #tpu.memory_space<hbm>> -> memref<128xi32, #tpu.memory_space<hbm>>
    tpu.wait_dma2 semaphore(%arg22 : memref<!tpu.dma_semaphore, #tpu.memory_space<semaphore_mem>>) src(%dma_wait3A_306 : memref<128xi32, #tpu.memory_space<hbm>>) dst(%arg8 : memref<128xi32, #tpu.memory_space<vmem>>)
    %dma_wait3A_307 = arith.constant 0 : i32
    %dma_wait3A_308 = tpu.memref_slice %arg4[%dma_wait3A_307] : memref<327680xi32, #tpu.memory_space<hbm>> -> memref<128xi32, #tpu.memory_space<hbm>>
    %dma_wait3A_309 = arith.constant 0 : i32
    %dma_wait3A_310 = tpu.memref_slice %arg4[%dma_wait3A_309] : memref<327680xi32, #tpu.memory_space<hbm>> -> memref<128xi32, #tpu.memory_space<hbm>>
    tpu.wait_dma2 semaphore(%arg22 : memref<!tpu.dma_semaphore, #tpu.memory_space<semaphore_mem>>) src(%dma_wait3A_310 : memref<128xi32, #tpu.memory_space<hbm>>) dst(%arg10 : memref<128xi32, #tpu.memory_space<vmem>>)
    %dma_start3A_311 = arith.constant 0 : i32
    %dma_start3A_312 = arith.constant 0 : i32
    %dma_start3A_313 = tpu.memref_slice %arg2[%dma_start3A_311, %dma_start3A_312] : memref<10000x32xi32, #tpu.memory_space<hbm>> -> memref<10000x32xi32, #tpu.memory_space<hbm>>
    tpu.enqueue_indirect_dma source(%dma_start3A_313 : memref<10000x32xi32, #tpu.memory_space<hbm>>) target(%arg12 : memref<128x32xi32, #tpu.memory_space<vmem>>) offsets(%arg8 : memref<128xi32, #tpu.memory_space<vmem>>) semaphore(%arg20 : memref<!tpu.dma_semaphore, #tpu.memory_space<semaphore_mem>>)
    %dma_wait3A_314 = arith.constant 0 : i32
    %dma_wait3A_315 = arith.constant 0 : i32
    %dma_wait3A_316 = tpu.memref_slice %arg2[%dma_wait3A_314, %dma_wait3A_315] : memref<10000x32xi32, #tpu.memory_space<hbm>> -> memref<10000x32xi32, #tpu.memory_space<hbm>>
    tpu.wait_indirect_dma semaphore(%arg19 : memref<!tpu.dma_semaphore, #tpu.memory_space<semaphore_mem>>) src(%dma_wait3A_316 : memref<10000x32xi32, #tpu.memory_space<hbm>>) dst(%arg11 : memref<128x32xi32, #tpu.memory_space<vmem>>)
    %dma_wait3A_317 = arith.constant 0 : i32
    %dma_wait3A_318 = arith.constant 0 : i32
    %dma_wait3A_319 = tpu.memref_slice %arg18[%dma_wait3A_317, %dma_wait3A_318] : memref<10240x64xf32, #tpu.memory_space<vmem_shared>> -> memref<10240x64xf32, #tpu.memory_space<vmem_shared>>
    tpu.wait_indirect_dma semaphore(%arg23 : memref<!tpu.dma_semaphore, #tpu.memory_space<semaphore_mem>>) src(%arg13 : memref<128x64xf32, #tpu.memory_space<vmem>>) dst(%dma_wait3A_319 : memref<10240x64xf32, #tpu.memory_space<vmem_shared>>)
    %get3A_320 = arith.constant 0 : index
    %get3A_321 = tpu.vector_load %arg9[%get3A_320] {strides = array<i32>} : memref<128xi32, #tpu.memory_space<vmem>>, vector<16xi32>,
    %swap3A_322 = arith.constant 0 : index
    %swap3A_323 = tpu.vector_load %arg15[%swap3A_322] {strides = array<i32>} : memref<128xi32, #tpu.memory_space<vmem>>, vector<16xi32>,
    tpu.vector_store %arg15[%swap3A_322], %get3A_321 {strides = array<i32>} : memref<128xi32, #tpu.memory_space<vmem>>, vector<16xi32>,
    %shift_right_arithmetic3A_324 = arith.constant 4 : i32
    %shift_right_arithmetic3A_325 = vector.broadcast %shift_right_arithmetic3A_324 : i32 to vector<16xi32>
    %shift_right_arithmetic3A_326 = arith.shrsi %get3A_321, %shift_right_arithmetic3A_325 : vector<16xi32>
    %and3A_327 = arith.constant 15 : i32
    %and3A_328 = vector.broadcast %and3A_327 : i32 to vector<16xi32>
    %and3A_329 = arith.andi %get3A_321, %and3A_328 : vector<16xi32>
    %broadcast_in_dim3A_330 = arith.constant 1.000000e+00 : f32
    %broadcast_in_dim3A_331 = vector.broadcast %broadcast_in_dim3A_330 : f32 to vector<16xf32>
    tpu.vector_store_idx %arg25[%shift_right_arithmetic3A_326, %and3A_329], %broadcast_in_dim3A_331 {add = true} : memref<640x16xf32, #tpu.memory_space<vmem>>[vector<16xi32>, vector<16xi32>], vector<16xf32>,
    %get3A_332 = arith.constant 16 : index
    %get3A_333 = tpu.vector_load %arg9[%get3A_332] {strides = array<i32>} : memref<128xi32, #tpu.memory_space<vmem>>, vector<16xi32>,
    %swap3A_334 = arith.constant 16 : index
    %swap3A_335 = tpu.vector_load %arg15[%swap3A_334] {strides = array<i32>} : memref<128xi32, #tpu.memory_space<vmem>>, vector<16xi32>,
    tpu.vector_store %arg15[%swap3A_334], %get3A_333 {strides = array<i32>} : memref<128xi32, #tpu.memory_space<vmem>>, vector<16xi32>,
    %shift_right_arithmetic3A_336 = arith.constant 4 : i32
    %shift_right_arithmetic3A_337 = vector.broadcast %shift_right_arithmetic3A_336 : i32 to vector<16xi32>
    %shift_right_arithmetic3A_338 = arith.shrsi %get3A_333, %shift_right_arithmetic3A_337 : vector<16xi32>
    %and3A_339 = arith.constant 15 : i32
    %and3A_340 = vector.broadcast %and3A_339 : i32 to vector<16xi32>
    %and3A_341 = arith.andi %get3A_333, %and3A_340 : vector<16xi32>
    %broadcast_in_dim3A_342 = arith.constant 1.000000e+00 : f32
    %broadcast_in_dim3A_343 = vector.broadcast %broadcast_in_dim3A_342 : f32 to vector<16xf32>
    tpu.vector_store_idx %arg25[%shift_right_arithmetic3A_338, %and3A_341], %broadcast_in_dim3A_343 {add = true} : memref<640x16xf32, #tpu.memory_space<vmem>>[vector<16xi32>, vector<16xi32>], vector<16xf32>,
    %get3A_344 = arith.constant 32 : index
    %get3A_345 = tpu.vector_load %arg9[%get3A_344] {strides = array<i32>} : memref<128xi32, #tpu.memory_space<vmem>>, vector<16xi32>,
    %swap3A_346 = arith.constant 32 : index
    %swap3A_347 = tpu.vector_load %arg15[%swap3A_346] {strides = array<i32>} : memref<128xi32, #tpu.memory_space<vmem>>, vector<16xi32>,
    tpu.vector_store %arg15[%swap3A_346], %get3A_345 {strides = array<i32>} : memref<128xi32, #tpu.memory_space<vmem>>, vector<16xi32>,
    %shift_right_arithmetic3A_348 = arith.constant 4 : i32
    %shift_right_arithmetic3A_349 = vector.broadcast %shift_right_arithmetic3A_348 : i32 to vector<16xi32>
    %shift_right_arithmetic3A_350 = arith.shrsi %get3A_345, %shift_right_arithmetic3A_349 : vector<16xi32>
    %and3A_351 = arith.constant 15 : i32
    %and3A_352 = vector.broadcast %and3A_351 : i32 to vector<16xi32>
    %and3A_353 = arith.andi %get3A_345, %and3A_352 : vector<16xi32>
    %broadcast_in_dim3A_354 = arith.constant 1.000000e+00 : f32
    %broadcast_in_dim3A_355 = vector.broadcast %broadcast_in_dim3A_354 : f32 to vector<16xf32>
    tpu.vector_store_idx %arg25[%shift_right_arithmetic3A_350, %and3A_353], %broadcast_in_dim3A_355 {add = true} : memref<640x16xf32, #tpu.memory_space<vmem>>[vector<16xi32>, vector<16xi32>], vector<16xf32>,
    %get3A_356 = arith.constant 48 : index
    %get3A_357 = tpu.vector_load %arg9[%get3A_356] {strides = array<i32>} : memref<128xi32, #tpu.memory_space<vmem>>, vector<16xi32>,
    %swap3A_358 = arith.constant 48 : index
    %swap3A_359 = tpu.vector_load %arg15[%swap3A_358] {strides = array<i32>} : memref<128xi32, #tpu.memory_space<vmem>>, vector<16xi32>,
    tpu.vector_store %arg15[%swap3A_358], %get3A_357 {strides = array<i32>} : memref<128xi32, #tpu.memory_space<vmem>>, vector<16xi32>,
    %shift_right_arithmetic3A_360 = arith.constant 4 : i32
    %shift_right_arithmetic3A_361 = vector.broadcast %shift_right_arithmetic3A_360 : i32 to vector<16xi32>
    %shift_right_arithmetic3A_362 = arith.shrsi %get3A_357, %shift_right_arithmetic3A_361 : vector<16xi32>
    %and3A_363 = arith.constant 15 : i32
    %and3A_364 = vector.broadcast %and3A_363 : i32 to vector<16xi32>
    %and3A_365 = arith.andi %get3A_357, %and3A_364 : vector<16xi32>
    %broadcast_in_dim3A_366 = arith.constant 1.000000e+00 : f32
    %broadcast_in_dim3A_367 = vector.broadcast %broadcast_in_dim3A_366 : f32 to vector<16xf32>
    tpu.vector_store_idx %arg25[%shift_right_arithmetic3A_362, %and3A_365], %broadcast_in_dim3A_367 {add = true} : memref<640x16xf32, #tpu.memory_space<vmem>>[vector<16xi32>, vector<16xi32>], vector<16xf32>,
    %get3A_368 = arith.constant 64 : index
    %get3A_369 = tpu.vector_load %arg9[%get3A_368] {strides = array<i32>} : memref<128xi32, #tpu.memory_space<vmem>>, vector<16xi32>,
    %swap3A_370 = arith.constant 64 : index
    %swap3A_371 = tpu.vector_load %arg15[%swap3A_370] {strides = array<i32>} : memref<128xi32, #tpu.memory_space<vmem>>, vector<16xi32>,
    tpu.vector_store %arg15[%swap3A_370], %get3A_369 {strides = array<i32>} : memref<128xi32, #tpu.memory_space<vmem>>, vector<16xi32>,
    %shift_right_arithmetic3A_372 = arith.constant 4 : i32
    %shift_right_arithmetic3A_373 = vector.broadcast %shift_right_arithmetic3A_372 : i32 to vector<16xi32>
    %shift_right_arithmetic3A_374 = arith.shrsi %get3A_369, %shift_right_arithmetic3A_373 : vector<16xi32>
    %and3A_375 = arith.constant 15 : i32
    %and3A_376 = vector.broadcast %and3A_375 : i32 to vector<16xi32>
    %and3A_377 = arith.andi %get3A_369, %and3A_376 : vector<16xi32>
    %broadcast_in_dim3A_378 = arith.constant 1.000000e+00 : f32
    %broadcast_in_dim3A_379 = vector.broadcast %broadcast_in_dim3A_378 : f32 to vector<16xf32>
    tpu.vector_store_idx %arg25[%shift_right_arithmetic3A_374, %and3A_377], %broadcast_in_dim3A_379 {add = true} : memref<640x16xf32, #tpu.memory_space<vmem>>[vector<16xi32>, vector<16xi32>], vector<16xf32>,
    %get3A_380 = arith.constant 80 : index
    %get3A_381 = tpu.vector_load %arg9[%get3A_380] {strides = array<i32>} : memref<128xi32, #tpu.memory_space<vmem>>, vector<16xi32>,
    %swap3A_382 = arith.constant 80 : index
    %swap3A_383 = tpu.vector_load %arg15[%swap3A_382] {strides = array<i32>} : memref<128xi32, #tpu.memory_space<vmem>>, vector<16xi32>,
    tpu.vector_store %arg15[%swap3A_382], %get3A_381 {strides = array<i32>} : memref<128xi32, #tpu.memory_space<vmem>>, vector<16xi32>,
    %shift_right_arithmetic3A_384 = arith.constant 4 : i32
    %shift_right_arithmetic3A_385 = vector.broadcast %shift_right_arithmetic3A_384 : i32 to vector<16xi32>
    %shift_right_arithmetic3A_386 = arith.shrsi %get3A_381, %shift_right_arithmetic3A_385 : vector<16xi32>
    %and3A_387 = arith.constant 15 : i32
    %and3A_388 = vector.broadcast %and3A_387 : i32 to vector<16xi32>
    %and3A_389 = arith.andi %get3A_381, %and3A_388 : vector<16xi32>
    %broadcast_in_dim3A_390 = arith.constant 1.000000e+00 : f32
    %broadcast_in_dim3A_391 = vector.broadcast %broadcast_in_dim3A_390 : f32 to vector<16xf32>
    tpu.vector_store_idx %arg25[%shift_right_arithmetic3A_386, %and3A_389], %broadcast_in_dim3A_391 {add = true} : memref<640x16xf32, #tpu.memory_space<vmem>>[vector<16xi32>, vector<16xi32>], vector<16xf32>,
    %get3A_392 = arith.constant 96 : index
    %get3A_393 = tpu.vector_load %arg9[%get3A_392] {strides = array<i32>} : memref<128xi32, #tpu.memory_space<vmem>>, vector<16xi32>,
    %swap3A_394 = arith.constant 96 : index
    %swap3A_395 = tpu.vector_load %arg15[%swap3A_394] {strides = array<i32>} : memref<128xi32, #tpu.memory_space<vmem>>, vector<16xi32>,
    tpu.vector_store %arg15[%swap3A_394], %get3A_393 {strides = array<i32>} : memref<128xi32, #tpu.memory_space<vmem>>, vector<16xi32>,
    %shift_right_arithmetic3A_396 = arith.constant 4 : i32
    %shift_right_arithmetic3A_397 = vector.broadcast %shift_right_arithmetic3A_396 : i32 to vector<16xi32>
    %shift_right_arithmetic3A_398 = arith.shrsi %get3A_393, %shift_right_arithmetic3A_397 : vector<16xi32>
    %and3A_399 = arith.constant 15 : i32
    %and3A_400 = vector.broadcast %and3A_399 : i32 to vector<16xi32>
    %and3A_401 = arith.andi %get3A_393, %and3A_400 : vector<16xi32>
    %broadcast_in_dim3A_402 = arith.constant 1.000000e+00 : f32
    %broadcast_in_dim3A_403 = vector.broadcast %broadcast_in_dim3A_402 : f32 to vector<16xf32>
    tpu.vector_store_idx %arg25[%shift_right_arithmetic3A_398, %and3A_401], %broadcast_in_dim3A_403 {add = true} : memref<640x16xf32, #tpu.memory_space<vmem>>[vector<16xi32>, vector<16xi32>], vector<16xf32>,
    %get3A_404 = arith.constant 112 : index
    %get3A_405 = tpu.vector_load %arg9[%get3A_404] {strides = array<i32>} : memref<128xi32, #tpu.memory_space<vmem>>, vector<16xi32>,
    %swap3A_406 = arith.constant 112 : index
    %swap3A_407 = tpu.vector_load %arg15[%swap3A_406] {strides = array<i32>} : memref<128xi32, #tpu.memory_space<vmem>>, vector<16xi32>,
    tpu.vector_store %arg15[%swap3A_406], %get3A_405 {strides = array<i32>} : memref<128xi32, #tpu.memory_space<vmem>>, vector<16xi32>,
    %shift_right_arithmetic3A_408 = arith.constant 4 : i32
    %shift_right_arithmetic3A_409 = vector.broadcast %shift_right_arithmetic3A_408 : i32 to vector<16xi32>
    %shift_right_arithmetic3A_410 = arith.shrsi %get3A_405, %shift_right_arithmetic3A_409 : vector<16xi32>
    %and3A_411 = arith.constant 15 : i32
    %and3A_412 = vector.broadcast %and3A_411 : i32 to vector<16xi32>
    %and3A_413 = arith.andi %get3A_405, %and3A_412 : vector<16xi32>
    %broadcast_in_dim3A_414 = arith.constant 1.000000e+00 : f32
    %broadcast_in_dim3A_415 = vector.broadcast %broadcast_in_dim3A_414 : f32 to vector<16xf32>
    tpu.vector_store_idx %arg25[%shift_right_arithmetic3A_410, %and3A_413], %broadcast_in_dim3A_415 {add = true} : memref<640x16xf32, #tpu.memory_space<vmem>>[vector<16xi32>, vector<16xi32>], vector<16xf32>,
    %scan3A_416 = arith.constant 0 : i32
    %scan3A_417 = arith.constant 0 : i32
    %scan3A_418 = arith.constant 32 : i32
    %scan3A_419 = arith.addi %scan3A_417, %scan3A_418 : i32
    %scan3A_420 = arith.constant 1 : i32
    %scan3A_421 = scf.for %scan3A_757 = %scan3A_417 to %scan3A_419 step %scan3A_420 iter_args(%scan3A_758 = %scan3A_416) -> (i32)  : i32 {
      %mul3A_759 = arith.constant 4 : i32
      %mul3A_760 = arith.muli %mul3A_759, %scan3A_757 : i32
      %add3A_761 = arith.constant 0 : i32
      %add3A_762 = arith.addi %mul3A_760, %add3A_761 : i32
      %get3A_763 = arith.index_cast %add3A_762 : i32 to index
      %get3A_764 = arith.constant 0 : index
      %get3A_765 = tpu.vector_load %arg11[%get3A_763, %get3A_764] {strides = array<i32>} : memref<128x32xi32, #tpu.memory_space<vmem>>, vector<16xi32>,
      %shift_left3A = arith.constant 16 : i32
      %shift_left3A_766 = vector.broadcast %shift_left3A : i32 to vector<16xi32>
      %shift_left3A_767 = arith.shli %get3A_765, %shift_left3A_766 : vector<16xi32>
      %bitcast3A = vector.bitcast %shift_left3A_767 : vector<16xi32> to vector<16xf32>
      %and3A_768 = arith.constant -65536 : i32
      %and3A_769 = vector.broadcast %and3A_768 : i32 to vector<16xi32>
      %and3A_770 = arith.andi %get3A_765, %and3A_769 : vector<16xi32>
      %bitcast3A_771 = vector.bitcast %and3A_770 : vector<16xi32> to vector<16xf32>
      %swap3A_772 = arith.index_cast %add3A_762 : i32 to index
      %swap3A_773 = arith.constant 0 : index
      %swap3A_774 = tpu.vector_load %arg13[%swap3A_772, %swap3A_773] {strides = array<i32>} : memref<128x64xf32, #tpu.memory_space<vmem>>, vector<16xf32>,
      tpu.vector_store %arg13[%swap3A_772, %swap3A_773], %bitcast3A {strides = array<i32>} : memref<128x64xf32, #tpu.memory_space<vmem>>, vector<16xf32>,
      %swap3A_775 = arith.index_cast %add3A_762 : i32 to index
      %swap3A_776 = arith.constant 16 : index
      %swap3A_777 = tpu.vector_load %arg13[%swap3A_775, %swap3A_776] {strides = array<i32>} : memref<128x64xf32, #tpu.memory_space<vmem>>, vector<16xf32>,
      tpu.vector_store %arg13[%swap3A_775, %swap3A_776], %bitcast3A_771 {strides = array<i32>} : memref<128x64xf32, #tpu.memory_space<vmem>>, vector<16xf32>,
      %get3A_778 = arith.index_cast %add3A_762 : i32 to index
      %get3A_779 = arith.constant 16 : index
      %get3A_780 = tpu.vector_load %arg11[%get3A_778, %get3A_779] {strides = array<i32>} : memref<128x32xi32, #tpu.memory_space<vmem>>, vector<16xi32>,
      %shift_left3A_781 = arith.constant 16 : i32
      %shift_left3A_782 = vector.broadcast %shift_left3A_781 : i32 to vector<16xi32>
      %shift_left3A_783 = arith.shli %get3A_780, %shift_left3A_782 : vector<16xi32>
      %bitcast3A_784 = vector.bitcast %shift_left3A_783 : vector<16xi32> to vector<16xf32>
      %and3A_785 = arith.constant -65536 : i32
      %and3A_786 = vector.broadcast %and3A_785 : i32 to vector<16xi32>
      %and3A_787 = arith.andi %get3A_780, %and3A_786 : vector<16xi32>
      %bitcast3A_788 = vector.bitcast %and3A_787 : vector<16xi32> to vector<16xf32>
      %swap3A_789 = arith.index_cast %add3A_762 : i32 to index
      %swap3A_790 = arith.constant 32 : index
      %swap3A_791 = tpu.vector_load %arg13[%swap3A_789, %swap3A_790] {strides = array<i32>} : memref<128x64xf32, #tpu.memory_space<vmem>>, vector<16xf32>,
      tpu.vector_store %arg13[%swap3A_789, %swap3A_790], %bitcast3A_784 {strides = array<i32>} : memref<128x64xf32, #tpu.memory_space<vmem>>, vector<16xf32>,
      %swap3A_792 = arith.index_cast %add3A_762 : i32 to index
      %swap3A_793 = arith.constant 48 : index
      %swap3A_794 = tpu.vector_load %arg13[%swap3A_792, %swap3A_793] {strides = array<i32>} : memref<128x64xf32, #tpu.memory_space<vmem>>, vector<16xf32>,
      tpu.vector_store %arg13[%swap3A_792, %swap3A_793], %bitcast3A_788 {strides = array<i32>} : memref<128x64xf32, #tpu.memory_space<vmem>>, vector<16xf32>,
      %mul3A_795 = arith.constant 4 : i32
      %mul3A_796 = arith.muli %mul3A_795, %scan3A_757 : i32
      %add3A_797 = arith.constant 1 : i32
      %add3A_798 = arith.addi %mul3A_796, %add3A_797 : i32
      %get3A_799 = arith.index_cast %add3A_798 : i32 to index
      %get3A_800 = arith.constant 0 : index
      %get3A_801 = tpu.vector_load %arg11[%get3A_799, %get3A_800] {strides = array<i32>} : memref<128x32xi32, #tpu.memory_space<vmem>>, vector<16xi32>,
      %shift_left3A_802 = arith.constant 16 : i32
      %shift_left3A_803 = vector.broadcast %shift_left3A_802 : i32 to vector<16xi32>
      %shift_left3A_804 = arith.shli %get3A_801, %shift_left3A_803 : vector<16xi32>
      %bitcast3A_805 = vector.bitcast %shift_left3A_804 : vector<16xi32> to vector<16xf32>
      %and3A_806 = arith.constant -65536 : i32
      %and3A_807 = vector.broadcast %and3A_806 : i32 to vector<16xi32>
      %and3A_808 = arith.andi %get3A_801, %and3A_807 : vector<16xi32>
      %bitcast3A_809 = vector.bitcast %and3A_808 : vector<16xi32> to vector<16xf32>
      %swap3A_810 = arith.index_cast %add3A_798 : i32 to index
      %swap3A_811 = arith.constant 0 : index
      %swap3A_812 = tpu.vector_load %arg13[%swap3A_810, %swap3A_811] {strides = array<i32>} : memref<128x64xf32, #tpu.memory_space<vmem>>, vector<16xf32>,
      tpu.vector_store %arg13[%swap3A_810, %swap3A_811], %bitcast3A_805 {strides = array<i32>} : memref<128x64xf32, #tpu.memory_space<vmem>>, vector<16xf32>,
      %swap3A_813 = arith.index_cast %add3A_798 : i32 to index
      %swap3A_814 = arith.constant 16 : index
      %swap3A_815 = tpu.vector_load %arg13[%swap3A_813, %swap3A_814] {strides = array<i32>} : memref<128x64xf32, #tpu.memory_space<vmem>>, vector<16xf32>,
      tpu.vector_store %arg13[%swap3A_813, %swap3A_814], %bitcast3A_809 {strides = array<i32>} : memref<128x64xf32, #tpu.memory_space<vmem>>, vector<16xf32>,
      %get3A_816 = arith.index_cast %add3A_798 : i32 to index
      %get3A_817 = arith.constant 16 : index
      %get3A_818 = tpu.vector_load %arg11[%get3A_816, %get3A_817] {strides = array<i32>} : memref<128x32xi32, #tpu.memory_space<vmem>>, vector<16xi32>,
      %shift_left3A_819 = arith.constant 16 : i32
      %shift_left3A_820 = vector.broadcast %shift_left3A_819 : i32 to vector<16xi32>
      %shift_left3A_821 = arith.shli %get3A_818, %shift_left3A_820 : vector<16xi32>
      %bitcast3A_822 = vector.bitcast %shift_left3A_821 : vector<16xi32> to vector<16xf32>
      %and3A_823 = arith.constant -65536 : i32
      %and3A_824 = vector.broadcast %and3A_823 : i32 to vector<16xi32>
      %and3A_825 = arith.andi %get3A_818, %and3A_824 : vector<16xi32>
      %bitcast3A_826 = vector.bitcast %and3A_825 : vector<16xi32> to vector<16xf32>
      %swap3A_827 = arith.index_cast %add3A_798 : i32 to index
      %swap3A_828 = arith.constant 32 : index
      %swap3A_829 = tpu.vector_load %arg13[%swap3A_827, %swap3A_828] {strides = array<i32>} : memref<128x64xf32, #tpu.memory_space<vmem>>, vector<16xf32>,
      tpu.vector_store %arg13[%swap3A_827, %swap3A_828], %bitcast3A_822 {strides = array<i32>} : memref<128x64xf32, #tpu.memory_space<vmem>>, vector<16xf32>,
      %swap3A_830 = arith.index_cast %add3A_798 : i32 to index
      %swap3A_831 = arith.constant 48 : index
      %swap3A_832 = tpu.vector_load %arg13[%swap3A_830, %swap3A_831] {strides = array<i32>} : memref<128x64xf32, #tpu.memory_space<vmem>>, vector<16xf32>,
      tpu.vector_store %arg13[%swap3A_830, %swap3A_831], %bitcast3A_826 {strides = array<i32>} : memref<128x64xf32, #tpu.memory_space<vmem>>, vector<16xf32>,
      %mul3A_833 = arith.constant 4 : i32
      %mul3A_834 = arith.muli %mul3A_833, %scan3A_757 : i32
      %add3A_835 = arith.constant 2 : i32
      %add3A_836 = arith.addi %mul3A_834, %add3A_835 : i32
      %get3A_837 = arith.index_cast %add3A_836 : i32 to index
      %get3A_838 = arith.constant 0 : index
      %get3A_839 = tpu.vector_load %arg11[%get3A_837, %get3A_838] {strides = array<i32>} : memref<128x32xi32, #tpu.memory_space<vmem>>, vector<16xi32>,
      %shift_left3A_840 = arith.constant 16 : i32
      %shift_left3A_841 = vector.broadcast %shift_left3A_840 : i32 to vector<16xi32>
      %shift_left3A_842 = arith.shli %get3A_839, %shift_left3A_841 : vector<16xi32>
      %bitcast3A_843 = vector.bitcast %shift_left3A_842 : vector<16xi32> to vector<16xf32>
      %and3A_844 = arith.constant -65536 : i32
      %and3A_845 = vector.broadcast %and3A_844 : i32 to vector<16xi32>
      %and3A_846 = arith.andi %get3A_839, %and3A_845 : vector<16xi32>
      %bitcast3A_847 = vector.bitcast %and3A_846 : vector<16xi32> to vector<16xf32>
      %swap3A_848 = arith.index_cast %add3A_836 : i32 to index
      %swap3A_849 = arith.constant 0 : index
      %swap3A_850 = tpu.vector_load %arg13[%swap3A_848, %swap3A_849] {strides = array<i32>} : memref<128x64xf32, #tpu.memory_space<vmem>>, vector<16xf32>,
      tpu.vector_store %arg13[%swap3A_848, %swap3A_849], %bitcast3A_843 {strides = array<i32>} : memref<128x64xf32, #tpu.memory_space<vmem>>, vector<16xf32>,
      %swap3A_851 = arith.index_cast %add3A_836 : i32 to index
      %swap3A_852 = arith.constant 16 : index
      %swap3A_853 = tpu.vector_load %arg13[%swap3A_851, %swap3A_852] {strides = array<i32>} : memref<128x64xf32, #tpu.memory_space<vmem>>, vector<16xf32>,
      tpu.vector_store %arg13[%swap3A_851, %swap3A_852], %bitcast3A_847 {strides = array<i32>} : memref<128x64xf32, #tpu.memory_space<vmem>>, vector<16xf32>,
      %get3A_854 = arith.index_cast %add3A_836 : i32 to index
      %get3A_855 = arith.constant 16 : index
      %get3A_856 = tpu.vector_load %arg11[%get3A_854, %get3A_855] {strides = array<i32>} : memref<128x32xi32, #tpu.memory_space<vmem>>, vector<16xi32>,
      %shift_left3A_857 = arith.constant 16 : i32
      %shift_left3A_858 = vector.broadcast %shift_left3A_857 : i32 to vector<16xi32>
      %shift_left3A_859 = arith.shli %get3A_856, %shift_left3A_858 : vector<16xi32>
      %bitcast3A_860 = vector.bitcast %shift_left3A_859 : vector<16xi32> to vector<16xf32>
      %and3A_861 = arith.constant -65536 : i32
      %and3A_862 = vector.broadcast %and3A_861 : i32 to vector<16xi32>
      %and3A_863 = arith.andi %get3A_856, %and3A_862 : vector<16xi32>
      %bitcast3A_864 = vector.bitcast %and3A_863 : vector<16xi32> to vector<16xf32>
      %swap3A_865 = arith.index_cast %add3A_836 : i32 to index
      %swap3A_866 = arith.constant 32 : index
      %swap3A_867 = tpu.vector_load %arg13[%swap3A_865, %swap3A_866] {strides = array<i32>} : memref<128x64xf32, #tpu.memory_space<vmem>>, vector<16xf32>,
      tpu.vector_store %arg13[%swap3A_865, %swap3A_866], %bitcast3A_860 {strides = array<i32>} : memref<128x64xf32, #tpu.memory_space<vmem>>, vector<16xf32>,
      %swap3A_868 = arith.index_cast %add3A_836 : i32 to index
      %swap3A_869 = arith.constant 48 : index
      %swap3A_870 = tpu.vector_load %arg13[%swap3A_868, %swap3A_869] {strides = array<i32>} : memref<128x64xf32, #tpu.memory_space<vmem>>, vector<16xf32>,
      tpu.vector_store %arg13[%swap3A_868, %swap3A_869], %bitcast3A_864 {strides = array<i32>} : memref<128x64xf32, #tpu.memory_space<vmem>>, vector<16xf32>,
      %mul3A_871 = arith.constant 4 : i32
      %mul3A_872 = arith.muli %mul3A_871, %scan3A_757 : i32
      %add3A_873 = arith.constant 3 : i32
      %add3A_874 = arith.addi %mul3A_872, %add3A_873 : i32
      %get3A_875 = arith.index_cast %add3A_874 : i32 to index
      %get3A_876 = arith.constant 0 : index
      %get3A_877 = tpu.vector_load %arg11[%get3A_875, %get3A_876] {strides = array<i32>} : memref<128x32xi32, #tpu.memory_space<vmem>>, vector<16xi32>,
      %shift_left3A_878 = arith.constant 16 : i32
      %shift_left3A_879 = vector.broadcast %shift_left3A_878 : i32 to vector<16xi32>
      %shift_left3A_880 = arith.shli %get3A_877, %shift_left3A_879 : vector<16xi32>
      %bitcast3A_881 = vector.bitcast %shift_left3A_880 : vector<16xi32> to vector<16xf32>
      %and3A_882 = arith.constant -65536 : i32
      %and3A_883 = vector.broadcast %and3A_882 : i32 to vector<16xi32>
      %and3A_884 = arith.andi %get3A_877, %and3A_883 : vector<16xi32>
      %bitcast3A_885 = vector.bitcast %and3A_884 : vector<16xi32> to vector<16xf32>
      %swap3A_886 = arith.index_cast %add3A_874 : i32 to index
      %swap3A_887 = arith.constant 0 : index
      %swap3A_888 = tpu.vector_load %arg13[%swap3A_886, %swap3A_887] {strides = array<i32>} : memref<128x64xf32, #tpu.memory_space<vmem>>, vector<16xf32>,
      tpu.vector_store %arg13[%swap3A_886, %swap3A_887], %bitcast3A_881 {strides = array<i32>} : memref<128x64xf32, #tpu.memory_space<vmem>>, vector<16xf32>,
      %swap3A_889 = arith.index_cast %add3A_874 : i32 to index
      %swap3A_890 = arith.constant 16 : index
      %swap3A_891 = tpu.vector_load %arg13[%swap3A_889, %swap3A_890] {strides = array<i32>} : memref<128x64xf32, #tpu.memory_space<vmem>>, vector<16xf32>,
      tpu.vector_store %arg13[%swap3A_889, %swap3A_890], %bitcast3A_885 {strides = array<i32>} : memref<128x64xf32, #tpu.memory_space<vmem>>, vector<16xf32>,
      %get3A_892 = arith.index_cast %add3A_874 : i32 to index
      %get3A_893 = arith.constant 16 : index
      %get3A_894 = tpu.vector_load %arg11[%get3A_892, %get3A_893] {strides = array<i32>} : memref<128x32xi32, #tpu.memory_space<vmem>>, vector<16xi32>,
      %shift_left3A_895 = arith.constant 16 : i32
      %shift_left3A_896 = vector.broadcast %shift_left3A_895 : i32 to vector<16xi32>
      %shift_left3A_897 = arith.shli %get3A_894, %shift_left3A_896 : vector<16xi32>
      %bitcast3A_898 = vector.bitcast %shift_left3A_897 : vector<16xi32> to vector<16xf32>
      %and3A_899 = arith.constant -65536 : i32
      %and3A_900 = vector.broadcast %and3A_899 : i32 to vector<16xi32>
      %and3A_901 = arith.andi %get3A_894, %and3A_900 : vector<16xi32>
      %bitcast3A_902 = vector.bitcast %and3A_901 : vector<16xi32> to vector<16xf32>
      %swap3A_903 = arith.index_cast %add3A_874 : i32 to index
      %swap3A_904 = arith.constant 32 : index
      %swap3A_905 = tpu.vector_load %arg13[%swap3A_903, %swap3A_904] {strides = array<i32>} : memref<128x64xf32, #tpu.memory_space<vmem>>, vector<16xf32>,
      tpu.vector_store %arg13[%swap3A_903, %swap3A_904], %bitcast3A_898 {strides = array<i32>} : memref<128x64xf32, #tpu.memory_space<vmem>>, vector<16xf32>,
      %swap3A_906 = arith.index_cast %add3A_874 : i32 to index
      %swap3A_907 = arith.constant 48 : index
      %swap3A_908 = tpu.vector_load %arg13[%swap3A_906, %swap3A_907] {strides = array<i32>} : memref<128x64xf32, #tpu.memory_space<vmem>>, vector<16xf32>,
      tpu.vector_store %arg13[%swap3A_906, %swap3A_907], %bitcast3A_902 {strides = array<i32>} : memref<128x64xf32, #tpu.memory_space<vmem>>, vector<16xf32>,
      %scan3A_909 = arith.constant 0 : i32
      scf.yield %scan3A_909 : i32
    }
    %scan3A_422 = arith.constant 32 : i32
    %dma_start3A_423 = arith.constant 0 : i32
    %dma_start3A_424 = arith.constant 0 : i32
    %dma_start3A_425 = tpu.memref_slice %arg18[%dma_start3A_423, %dma_start3A_424] : memref<10240x64xf32, #tpu.memory_space<vmem_shared>> -> memref<10240x64xf32, #tpu.memory_space<vmem_shared>>
    tpu.enqueue_indirect_dma source(%arg13 : memref<128x64xf32, #tpu.memory_space<vmem>>) target(%dma_start3A_425 : memref<10240x64xf32, #tpu.memory_space<vmem_shared>>) offsets(%arg15 : memref<128xi32, #tpu.memory_space<vmem>>) semaphore(%arg23 : memref<!tpu.dma_semaphore, #tpu.memory_space<semaphore_mem>>) {add = true}
    %dma_wait3A_426 = arith.constant 0 : i32
    %dma_wait3A_427 = arith.constant 0 : i32
    %dma_wait3A_428 = tpu.memref_slice %arg2[%dma_wait3A_426, %dma_wait3A_427] : memref<10000x32xi32, #tpu.memory_space<hbm>> -> memref<10000x32xi32, #tpu.memory_space<hbm>>
    tpu.wait_indirect_dma semaphore(%arg20 : memref<!tpu.dma_semaphore, #tpu.memory_space<semaphore_mem>>) src(%dma_wait3A_428 : memref<10000x32xi32, #tpu.memory_space<hbm>>) dst(%arg12 : memref<128x32xi32, #tpu.memory_space<vmem>>)
    %dma_wait3A_429 = arith.constant 0 : i32
    %dma_wait3A_430 = arith.constant 0 : i32
    %dma_wait3A_431 = tpu.memref_slice %arg18[%dma_wait3A_429, %dma_wait3A_430] : memref<10240x64xf32, #tpu.memory_space<vmem_shared>> -> memref<10240x64xf32, #tpu.memory_space<vmem_shared>>
    tpu.wait_indirect_dma semaphore(%arg24 : memref<!tpu.dma_semaphore, #tpu.memory_space<semaphore_mem>>) src(%arg14 : memref<128x64xf32, #tpu.memory_space<vmem>>) dst(%dma_wait3A_431 : memref<10240x64xf32, #tpu.memory_space<vmem_shared>>)
    %get3A_432 = arith.constant 0 : index
    %get3A_433 = tpu.vector_load %arg10[%get3A_432] {strides = array<i32>} : memref<128xi32, #tpu.memory_space<vmem>>, vector<16xi32>,
    %swap3A_434 = arith.constant 0 : index
    %swap3A_435 = tpu.vector_load %arg16[%swap3A_434] {strides = array<i32>} : memref<128xi32, #tpu.memory_space<vmem>>, vector<16xi32>,
    tpu.vector_store %arg16[%swap3A_434], %get3A_433 {strides = array<i32>} : memref<128xi32, #tpu.memory_space<vmem>>, vector<16xi32>,
    %shift_right_arithmetic3A_436 = arith.constant 4 : i32
    %shift_right_arithmetic3A_437 = vector.broadcast %shift_right_arithmetic3A_436 : i32 to vector<16xi32>
    %shift_right_arithmetic3A_438 = arith.shrsi %get3A_433, %shift_right_arithmetic3A_437 : vector<16xi32>
    %and3A_439 = arith.constant 15 : i32
    %and3A_440 = vector.broadcast %and3A_439 : i32 to vector<16xi32>
    %and3A_441 = arith.andi %get3A_433, %and3A_440 : vector<16xi32>
    %broadcast_in_dim3A_442 = arith.constant 1.000000e+00 : f32
    %broadcast_in_dim3A_443 = vector.broadcast %broadcast_in_dim3A_442 : f32 to vector<16xf32>
    tpu.vector_store_idx %arg25[%shift_right_arithmetic3A_438, %and3A_441], %broadcast_in_dim3A_443 {add = true} : memref<640x16xf32, #tpu.memory_space<vmem>>[vector<16xi32>, vector<16xi32>], vector<16xf32>,
    %get3A_444 = arith.constant 16 : index
    %get3A_445 = tpu.vector_load %arg10[%get3A_444] {strides = array<i32>} : memref<128xi32, #tpu.memory_space<vmem>>, vector<16xi32>,
    %swap3A_446 = arith.constant 16 : index
    %swap3A_447 = tpu.vector_load %arg16[%swap3A_446] {strides = array<i32>} : memref<128xi32, #tpu.memory_space<vmem>>, vector<16xi32>,
    tpu.vector_store %arg16[%swap3A_446], %get3A_445 {strides = array<i32>} : memref<128xi32, #tpu.memory_space<vmem>>, vector<16xi32>,
    %shift_right_arithmetic3A_448 = arith.constant 4 : i32
    %shift_right_arithmetic3A_449 = vector.broadcast %shift_right_arithmetic3A_448 : i32 to vector<16xi32>
    %shift_right_arithmetic3A_450 = arith.shrsi %get3A_445, %shift_right_arithmetic3A_449 : vector<16xi32>
    %and3A_451 = arith.constant 15 : i32
    %and3A_452 = vector.broadcast %and3A_451 : i32 to vector<16xi32>
    %and3A_453 = arith.andi %get3A_445, %and3A_452 : vector<16xi32>
    %broadcast_in_dim3A_454 = arith.constant 1.000000e+00 : f32
    %broadcast_in_dim3A_455 = vector.broadcast %broadcast_in_dim3A_454 : f32 to vector<16xf32>
    tpu.vector_store_idx %arg25[%shift_right_arithmetic3A_450, %and3A_453], %broadcast_in_dim3A_455 {add = true} : memref<640x16xf32, #tpu.memory_space<vmem>>[vector<16xi32>, vector<16xi32>], vector<16xf32>,
    %get3A_456 = arith.constant 32 : index
    %get3A_457 = tpu.vector_load %arg10[%get3A_456] {strides = array<i32>} : memref<128xi32, #tpu.memory_space<vmem>>, vector<16xi32>,
    %swap3A_458 = arith.constant 32 : index
    %swap3A_459 = tpu.vector_load %arg16[%swap3A_458] {strides = array<i32>} : memref<128xi32, #tpu.memory_space<vmem>>, vector<16xi32>,
    tpu.vector_store %arg16[%swap3A_458], %get3A_457 {strides = array<i32>} : memref<128xi32, #tpu.memory_space<vmem>>, vector<16xi32>,
    %shift_right_arithmetic3A_460 = arith.constant 4 : i32
    %shift_right_arithmetic3A_461 = vector.broadcast %shift_right_arithmetic3A_460 : i32 to vector<16xi32>
    %shift_right_arithmetic3A_462 = arith.shrsi %get3A_457, %shift_right_arithmetic3A_461 : vector<16xi32>
    %and3A_463 = arith.constant 15 : i32
    %and3A_464 = vector.broadcast %and3A_463 : i32 to vector<16xi32>
    %and3A_465 = arith.andi %get3A_457, %and3A_464 : vector<16xi32>
    %broadcast_in_dim3A_466 = arith.constant 1.000000e+00 : f32
    %broadcast_in_dim3A_467 = vector.broadcast %broadcast_in_dim3A_466 : f32 to vector<16xf32>
    tpu.vector_store_idx %arg25[%shift_right_arithmetic3A_462, %and3A_465], %broadcast_in_dim3A_467 {add = true} : memref<640x16xf32, #tpu.memory_space<vmem>>[vector<16xi32>, vector<16xi32>], vector<16xf32>,
    %get3A_468 = arith.constant 48 : index
    %get3A_469 = tpu.vector_load %arg10[%get3A_468] {strides = array<i32>} : memref<128xi32, #tpu.memory_space<vmem>>, vector<16xi32>,
    %swap3A_470 = arith.constant 48 : index
    %swap3A_471 = tpu.vector_load %arg16[%swap3A_470] {strides = array<i32>} : memref<128xi32, #tpu.memory_space<vmem>>, vector<16xi32>,
    tpu.vector_store %arg16[%swap3A_470], %get3A_469 {strides = array<i32>} : memref<128xi32, #tpu.memory_space<vmem>>, vector<16xi32>,
    %shift_right_arithmetic3A_472 = arith.constant 4 : i32
    %shift_right_arithmetic3A_473 = vector.broadcast %shift_right_arithmetic3A_472 : i32 to vector<16xi32>
    %shift_right_arithmetic3A_474 = arith.shrsi %get3A_469, %shift_right_arithmetic3A_473 : vector<16xi32>
    %and3A_475 = arith.constant 15 : i32
    %and3A_476 = vector.broadcast %and3A_475 : i32 to vector<16xi32>
    %and3A_477 = arith.andi %get3A_469, %and3A_476 : vector<16xi32>
    %broadcast_in_dim3A_478 = arith.constant 1.000000e+00 : f32
    %broadcast_in_dim3A_479 = vector.broadcast %broadcast_in_dim3A_478 : f32 to vector<16xf32>
    tpu.vector_store_idx %arg25[%shift_right_arithmetic3A_474, %and3A_477], %broadcast_in_dim3A_479 {add = true} : memref<640x16xf32, #tpu.memory_space<vmem>>[vector<16xi32>, vector<16xi32>], vector<16xf32>,
    %get3A_480 = arith.constant 64 : index
    %get3A_481 = tpu.vector_load %arg10[%get3A_480] {strides = array<i32>} : memref<128xi32, #tpu.memory_space<vmem>>, vector<16xi32>,
    %swap3A_482 = arith.constant 64 : index
    %swap3A_483 = tpu.vector_load %arg16[%swap3A_482] {strides = array<i32>} : memref<128xi32, #tpu.memory_space<vmem>>, vector<16xi32>,
    tpu.vector_store %arg16[%swap3A_482], %get3A_481 {strides = array<i32>} : memref<128xi32, #tpu.memory_space<vmem>>, vector<16xi32>,
    %shift_right_arithmetic3A_484 = arith.constant 4 : i32
    %shift_right_arithmetic3A_485 = vector.broadcast %shift_right_arithmetic3A_484 : i32 to vector<16xi32>
    %shift_right_arithmetic3A_486 = arith.shrsi %get3A_481, %shift_right_arithmetic3A_485 : vector<16xi32>
    %and3A_487 = arith.constant 15 : i32
    %and3A_488 = vector.broadcast %and3A_487 : i32 to vector<16xi32>
    %and3A_489 = arith.andi %get3A_481, %and3A_488 : vector<16xi32>
    %broadcast_in_dim3A_490 = arith.constant 1.000000e+00 : f32
    %broadcast_in_dim3A_491 = vector.broadcast %broadcast_in_dim3A_490 : f32 to vector<16xf32>
    tpu.vector_store_idx %arg25[%shift_right_arithmetic3A_486, %and3A_489], %broadcast_in_dim3A_491 {add = true} : memref<640x16xf32, #tpu.memory_space<vmem>>[vector<16xi32>, vector<16xi32>], vector<16xf32>,
    %get3A_492 = arith.constant 80 : index
    %get3A_493 = tpu.vector_load %arg10[%get3A_492] {strides = array<i32>} : memref<128xi32, #tpu.memory_space<vmem>>, vector<16xi32>,
    %swap3A_494 = arith.constant 80 : index
    %swap3A_495 = tpu.vector_load %arg16[%swap3A_494] {strides = array<i32>} : memref<128xi32, #tpu.memory_space<vmem>>, vector<16xi32>,
    tpu.vector_store %arg16[%swap3A_494], %get3A_493 {strides = array<i32>} : memref<128xi32, #tpu.memory_space<vmem>>, vector<16xi32>,
    %shift_right_arithmetic3A_496 = arith.constant 4 : i32
    %shift_right_arithmetic3A_497 = vector.broadcast %shift_right_arithmetic3A_496 : i32 to vector<16xi32>
    %shift_right_arithmetic3A_498 = arith.shrsi %get3A_493, %shift_right_arithmetic3A_497 : vector<16xi32>
    %and3A_499 = arith.constant 15 : i32
    %and3A_500 = vector.broadcast %and3A_499 : i32 to vector<16xi32>
    %and3A_501 = arith.andi %get3A_493, %and3A_500 : vector<16xi32>
    %broadcast_in_dim3A_502 = arith.constant 1.000000e+00 : f32
    %broadcast_in_dim3A_503 = vector.broadcast %broadcast_in_dim3A_502 : f32 to vector<16xf32>
    tpu.vector_store_idx %arg25[%shift_right_arithmetic3A_498, %and3A_501], %broadcast_in_dim3A_503 {add = true} : memref<640x16xf32, #tpu.memory_space<vmem>>[vector<16xi32>, vector<16xi32>], vector<16xf32>,
    %get3A_504 = arith.constant 96 : index
    %get3A_505 = tpu.vector_load %arg10[%get3A_504] {strides = array<i32>} : memref<128xi32, #tpu.memory_space<vmem>>, vector<16xi32>,
    %swap3A_506 = arith.constant 96 : index
    %swap3A_507 = tpu.vector_load %arg16[%swap3A_506] {strides = array<i32>} : memref<128xi32, #tpu.memory_space<vmem>>, vector<16xi32>,
    tpu.vector_store %arg16[%swap3A_506], %get3A_505 {strides = array<i32>} : memref<128xi32, #tpu.memory_space<vmem>>, vector<16xi32>,
    %shift_right_arithmetic3A_508 = arith.constant 4 : i32
    %shift_right_arithmetic3A_509 = vector.broadcast %shift_right_arithmetic3A_508 : i32 to vector<16xi32>
    %shift_right_arithmetic3A_510 = arith.shrsi %get3A_505, %shift_right_arithmetic3A_509 : vector<16xi32>
    %and3A_511 = arith.constant 15 : i32
    %and3A_512 = vector.broadcast %and3A_511 : i32 to vector<16xi32>
    %and3A_513 = arith.andi %get3A_505, %and3A_512 : vector<16xi32>
    %broadcast_in_dim3A_514 = arith.constant 1.000000e+00 : f32
    %broadcast_in_dim3A_515 = vector.broadcast %broadcast_in_dim3A_514 : f32 to vector<16xf32>
    tpu.vector_store_idx %arg25[%shift_right_arithmetic3A_510, %and3A_513], %broadcast_in_dim3A_515 {add = true} : memref<640x16xf32, #tpu.memory_space<vmem>>[vector<16xi32>, vector<16xi32>], vector<16xf32>,
    %get3A_516 = arith.constant 112 : index
    %get3A_517 = tpu.vector_load %arg10[%get3A_516] {strides = array<i32>} : memref<128xi32, #tpu.memory_space<vmem>>, vector<16xi32>,
    %swap3A_518 = arith.constant 112 : index
    %swap3A_519 = tpu.vector_load %arg16[%swap3A_518] {strides = array<i32>} : memref<128xi32, #tpu.memory_space<vmem>>, vector<16xi32>,
    tpu.vector_store %arg16[%swap3A_518], %get3A_517 {strides = array<i32>} : memref<128xi32, #tpu.memory_space<vmem>>, vector<16xi32>,
    %shift_right_arithmetic3A_520 = arith.constant 4 : i32
    %shift_right_arithmetic3A_521 = vector.broadcast %shift_right_arithmetic3A_520 : i32 to vector<16xi32>
    %shift_right_arithmetic3A_522 = arith.shrsi %get3A_517, %shift_right_arithmetic3A_521 : vector<16xi32>
    %and3A_523 = arith.constant 15 : i32
    %and3A_524 = vector.broadcast %and3A_523 : i32 to vector<16xi32>
    %and3A_525 = arith.andi %get3A_517, %and3A_524 : vector<16xi32>
    %broadcast_in_dim3A_526 = arith.constant 1.000000e+00 : f32
    %broadcast_in_dim3A_527 = vector.broadcast %broadcast_in_dim3A_526 : f32 to vector<16xf32>
    tpu.vector_store_idx %arg25[%shift_right_arithmetic3A_522, %and3A_525], %broadcast_in_dim3A_527 {add = true} : memref<640x16xf32, #tpu.memory_space<vmem>>[vector<16xi32>, vector<16xi32>], vector<16xf32>,
    %scan3A_528 = arith.constant 0 : i32
    %scan3A_529 = arith.constant 0 : i32
    %scan3A_530 = arith.constant 32 : i32
    %scan3A_531 = arith.addi %scan3A_529, %scan3A_530 : i32
    %scan3A_532 = arith.constant 1 : i32
    %scan3A_533 = scf.for %scan3A_757 = %scan3A_529 to %scan3A_531 step %scan3A_532 iter_args(%scan3A_758 = %scan3A_528) -> (i32)  : i32 {
      %mul3A_759 = arith.constant 4 : i32
      %mul3A_760 = arith.muli %mul3A_759, %scan3A_757 : i32
      %add3A_761 = arith.constant 0 : i32
      %add3A_762 = arith.addi %mul3A_760, %add3A_761 : i32
      %get3A_763 = arith.index_cast %add3A_762 : i32 to index
      %get3A_764 = arith.constant 0 : index
      %get3A_765 = tpu.vector_load %arg12[%get3A_763, %get3A_764] {strides = array<i32>} : memref<128x32xi32, #tpu.memory_space<vmem>>, vector<16xi32>,
      %shift_left3A = arith.constant 16 : i32
      %shift_left3A_766 = vector.broadcast %shift_left3A : i32 to vector<16xi32>
      %shift_left3A_767 = arith.shli %get3A_765, %shift_left3A_766 : vector<16xi32>
      %bitcast3A = vector.bitcast %shift_left3A_767 : vector<16xi32> to vector<16xf32>
      %and3A_768 = arith.constant -65536 : i32
      %and3A_769 = vector.broadcast %and3A_768 : i32 to vector<16xi32>
      %and3A_770 = arith.andi %get3A_765, %and3A_769 : vector<16xi32>
      %bitcast3A_771 = vector.bitcast %and3A_770 : vector<16xi32> to vector<16xf32>
      %swap3A_772 = arith.index_cast %add3A_762 : i32 to index
      %swap3A_773 = arith.constant 0 : index
      %swap3A_774 = tpu.vector_load %arg14[%swap3A_772, %swap3A_773] {strides = array<i32>} : memref<128x64xf32, #tpu.memory_space<vmem>>, vector<16xf32>,
      tpu.vector_store %arg14[%swap3A_772, %swap3A_773], %bitcast3A {strides = array<i32>} : memref<128x64xf32, #tpu.memory_space<vmem>>, vector<16xf32>,
      %swap3A_775 = arith.index_cast %add3A_762 : i32 to index
      %swap3A_776 = arith.constant 16 : index
      %swap3A_777 = tpu.vector_load %arg14[%swap3A_775, %swap3A_776] {strides = array<i32>} : memref<128x64xf32, #tpu.memory_space<vmem>>, vector<16xf32>,
      tpu.vector_store %arg14[%swap3A_775, %swap3A_776], %bitcast3A_771 {strides = array<i32>} : memref<128x64xf32, #tpu.memory_space<vmem>>, vector<16xf32>,
      %get3A_778 = arith.index_cast %add3A_762 : i32 to index
      %get3A_779 = arith.constant 16 : index
      %get3A_780 = tpu.vector_load %arg12[%get3A_778, %get3A_779] {strides = array<i32>} : memref<128x32xi32, #tpu.memory_space<vmem>>, vector<16xi32>,
      %shift_left3A_781 = arith.constant 16 : i32
      %shift_left3A_782 = vector.broadcast %shift_left3A_781 : i32 to vector<16xi32>
      %shift_left3A_783 = arith.shli %get3A_780, %shift_left3A_782 : vector<16xi32>
      %bitcast3A_784 = vector.bitcast %shift_left3A_783 : vector<16xi32> to vector<16xf32>
      %and3A_785 = arith.constant -65536 : i32
      %and3A_786 = vector.broadcast %and3A_785 : i32 to vector<16xi32>
      %and3A_787 = arith.andi %get3A_780, %and3A_786 : vector<16xi32>
      %bitcast3A_788 = vector.bitcast %and3A_787 : vector<16xi32> to vector<16xf32>
      %swap3A_789 = arith.index_cast %add3A_762 : i32 to index
      %swap3A_790 = arith.constant 32 : index
      %swap3A_791 = tpu.vector_load %arg14[%swap3A_789, %swap3A_790] {strides = array<i32>} : memref<128x64xf32, #tpu.memory_space<vmem>>, vector<16xf32>,
      tpu.vector_store %arg14[%swap3A_789, %swap3A_790], %bitcast3A_784 {strides = array<i32>} : memref<128x64xf32, #tpu.memory_space<vmem>>, vector<16xf32>,
      %swap3A_792 = arith.index_cast %add3A_762 : i32 to index
      %swap3A_793 = arith.constant 48 : index
      %swap3A_794 = tpu.vector_load %arg14[%swap3A_792, %swap3A_793] {strides = array<i32>} : memref<128x64xf32, #tpu.memory_space<vmem>>, vector<16xf32>,
      tpu.vector_store %arg14[%swap3A_792, %swap3A_793], %bitcast3A_788 {strides = array<i32>} : memref<128x64xf32, #tpu.memory_space<vmem>>, vector<16xf32>,
      %mul3A_795 = arith.constant 4 : i32
      %mul3A_796 = arith.muli %mul3A_795, %scan3A_757 : i32
      %add3A_797 = arith.constant 1 : i32
      %add3A_798 = arith.addi %mul3A_796, %add3A_797 : i32
      %get3A_799 = arith.index_cast %add3A_798 : i32 to index
      %get3A_800 = arith.constant 0 : index
      %get3A_801 = tpu.vector_load %arg12[%get3A_799, %get3A_800] {strides = array<i32>} : memref<128x32xi32, #tpu.memory_space<vmem>>, vector<16xi32>,
      %shift_left3A_802 = arith.constant 16 : i32
      %shift_left3A_803 = vector.broadcast %shift_left3A_802 : i32 to vector<16xi32>
      %shift_left3A_804 = arith.shli %get3A_801, %shift_left3A_803 : vector<16xi32>
      %bitcast3A_805 = vector.bitcast %shift_left3A_804 : vector<16xi32> to vector<16xf32>
      %and3A_806 = arith.constant -65536 : i32
      %and3A_807 = vector.broadcast %and3A_806 : i32 to vector<16xi32>
      %and3A_808 = arith.andi %get3A_801, %and3A_807 : vector<16xi32>
      %bitcast3A_809 = vector.bitcast %and3A_808 : vector<16xi32> to vector<16xf32>
      %swap3A_810 = arith.index_cast %add3A_798 : i32 to index
      %swap3A_811 = arith.constant 0 : index
      %swap3A_812 = tpu.vector_load %arg14[%swap3A_810, %swap3A_811] {strides = array<i32>} : memref<128x64xf32, #tpu.memory_space<vmem>>, vector<16xf32>,
      tpu.vector_store %arg14[%swap3A_810, %swap3A_811], %bitcast3A_805 {strides = array<i32>} : memref<128x64xf32, #tpu.memory_space<vmem>>, vector<16xf32>,
      %swap3A_813 = arith.index_cast %add3A_798 : i32 to index
      %swap3A_814 = arith.constant 16 : index
      %swap3A_815 = tpu.vector_load %arg14[%swap3A_813, %swap3A_814] {strides = array<i32>} : memref<128x64xf32, #tpu.memory_space<vmem>>, vector<16xf32>,
      tpu.vector_store %arg14[%swap3A_813, %swap3A_814], %bitcast3A_809 {strides = array<i32>} : memref<128x64xf32, #tpu.memory_space<vmem>>, vector<16xf32>,
      %get3A_816 = arith.index_cast %add3A_798 : i32 to index
      %get3A_817 = arith.constant 16 : index
      %get3A_818 = tpu.vector_load %arg12[%get3A_816, %get3A_817] {strides = array<i32>} : memref<128x32xi32, #tpu.memory_space<vmem>>, vector<16xi32>,
      %shift_left3A_819 = arith.constant 16 : i32
      %shift_left3A_820 = vector.broadcast %shift_left3A_819 : i32 to vector<16xi32>
      %shift_left3A_821 = arith.shli %get3A_818, %shift_left3A_820 : vector<16xi32>
      %bitcast3A_822 = vector.bitcast %shift_left3A_821 : vector<16xi32> to vector<16xf32>
      %and3A_823 = arith.constant -65536 : i32
      %and3A_824 = vector.broadcast %and3A_823 : i32 to vector<16xi32>
      %and3A_825 = arith.andi %get3A_818, %and3A_824 : vector<16xi32>
      %bitcast3A_826 = vector.bitcast %and3A_825 : vector<16xi32> to vector<16xf32>
      %swap3A_827 = arith.index_cast %add3A_798 : i32 to index
      %swap3A_828 = arith.constant 32 : index
      %swap3A_829 = tpu.vector_load %arg14[%swap3A_827, %swap3A_828] {strides = array<i32>} : memref<128x64xf32, #tpu.memory_space<vmem>>, vector<16xf32>,
      tpu.vector_store %arg14[%swap3A_827, %swap3A_828], %bitcast3A_822 {strides = array<i32>} : memref<128x64xf32, #tpu.memory_space<vmem>>, vector<16xf32>,
      %swap3A_830 = arith.index_cast %add3A_798 : i32 to index
      %swap3A_831 = arith.constant 48 : index
      %swap3A_832 = tpu.vector_load %arg14[%swap3A_830, %swap3A_831] {strides = array<i32>} : memref<128x64xf32, #tpu.memory_space<vmem>>, vector<16xf32>,
      tpu.vector_store %arg14[%swap3A_830, %swap3A_831], %bitcast3A_826 {strides = array<i32>} : memref<128x64xf32, #tpu.memory_space<vmem>>, vector<16xf32>,
      %mul3A_833 = arith.constant 4 : i32
      %mul3A_834 = arith.muli %mul3A_833, %scan3A_757 : i32
      %add3A_835 = arith.constant 2 : i32
      %add3A_836 = arith.addi %mul3A_834, %add3A_835 : i32
      %get3A_837 = arith.index_cast %add3A_836 : i32 to index
      %get3A_838 = arith.constant 0 : index
      %get3A_839 = tpu.vector_load %arg12[%get3A_837, %get3A_838] {strides = array<i32>} : memref<128x32xi32, #tpu.memory_space<vmem>>, vector<16xi32>,
      %shift_left3A_840 = arith.constant 16 : i32
      %shift_left3A_841 = vector.broadcast %shift_left3A_840 : i32 to vector<16xi32>
      %shift_left3A_842 = arith.shli %get3A_839, %shift_left3A_841 : vector<16xi32>
      %bitcast3A_843 = vector.bitcast %shift_left3A_842 : vector<16xi32> to vector<16xf32>
      %and3A_844 = arith.constant -65536 : i32
      %and3A_845 = vector.broadcast %and3A_844 : i32 to vector<16xi32>
      %and3A_846 = arith.andi %get3A_839, %and3A_845 : vector<16xi32>
      %bitcast3A_847 = vector.bitcast %and3A_846 : vector<16xi32> to vector<16xf32>
      %swap3A_848 = arith.index_cast %add3A_836 : i32 to index
      %swap3A_849 = arith.constant 0 : index
      %swap3A_850 = tpu.vector_load %arg14[%swap3A_848, %swap3A_849] {strides = array<i32>} : memref<128x64xf32, #tpu.memory_space<vmem>>, vector<16xf32>,
      tpu.vector_store %arg14[%swap3A_848, %swap3A_849], %bitcast3A_843 {strides = array<i32>} : memref<128x64xf32, #tpu.memory_space<vmem>>, vector<16xf32>,
      %swap3A_851 = arith.index_cast %add3A_836 : i32 to index
      %swap3A_852 = arith.constant 16 : index
      %swap3A_853 = tpu.vector_load %arg14[%swap3A_851, %swap3A_852] {strides = array<i32>} : memref<128x64xf32, #tpu.memory_space<vmem>>, vector<16xf32>,
      tpu.vector_store %arg14[%swap3A_851, %swap3A_852], %bitcast3A_847 {strides = array<i32>} : memref<128x64xf32, #tpu.memory_space<vmem>>, vector<16xf32>,
      %get3A_854 = arith.index_cast %add3A_836 : i32 to index
      %get3A_855 = arith.constant 16 : index
      %get3A_856 = tpu.vector_load %arg12[%get3A_854, %get3A_855] {strides = array<i32>} : memref<128x32xi32, #tpu.memory_space<vmem>>, vector<16xi32>,
      %shift_left3A_857 = arith.constant 16 : i32
      %shift_left3A_858 = vector.broadcast %shift_left3A_857 : i32 to vector<16xi32>
      %shift_left3A_859 = arith.shli %get3A_856, %shift_left3A_858 : vector<16xi32>
      %bitcast3A_860 = vector.bitcast %shift_left3A_859 : vector<16xi32> to vector<16xf32>
      %and3A_861 = arith.constant -65536 : i32
      %and3A_862 = vector.broadcast %and3A_861 : i32 to vector<16xi32>
      %and3A_863 = arith.andi %get3A_856, %and3A_862 : vector<16xi32>
      %bitcast3A_864 = vector.bitcast %and3A_863 : vector<16xi32> to vector<16xf32>
      %swap3A_865 = arith.index_cast %add3A_836 : i32 to index
      %swap3A_866 = arith.constant 32 : index
      %swap3A_867 = tpu.vector_load %arg14[%swap3A_865, %swap3A_866] {strides = array<i32>} : memref<128x64xf32, #tpu.memory_space<vmem>>, vector<16xf32>,
      tpu.vector_store %arg14[%swap3A_865, %swap3A_866], %bitcast3A_860 {strides = array<i32>} : memref<128x64xf32, #tpu.memory_space<vmem>>, vector<16xf32>,
      %swap3A_868 = arith.index_cast %add3A_836 : i32 to index
      %swap3A_869 = arith.constant 48 : index
      %swap3A_870 = tpu.vector_load %arg14[%swap3A_868, %swap3A_869] {strides = array<i32>} : memref<128x64xf32, #tpu.memory_space<vmem>>, vector<16xf32>,
      tpu.vector_store %arg14[%swap3A_868, %swap3A_869], %bitcast3A_864 {strides = array<i32>} : memref<128x64xf32, #tpu.memory_space<vmem>>, vector<16xf32>,
      %mul3A_871 = arith.constant 4 : i32
      %mul3A_872 = arith.muli %mul3A_871, %scan3A_757 : i32
      %add3A_873 = arith.constant 3 : i32
      %add3A_874 = arith.addi %mul3A_872, %add3A_873 : i32
      %get3A_875 = arith.index_cast %add3A_874 : i32 to index
      %get3A_876 = arith.constant 0 : index
      %get3A_877 = tpu.vector_load %arg12[%get3A_875, %get3A_876] {strides = array<i32>} : memref<128x32xi32, #tpu.memory_space<vmem>>, vector<16xi32>,
      %shift_left3A_878 = arith.constant 16 : i32
      %shift_left3A_879 = vector.broadcast %shift_left3A_878 : i32 to vector<16xi32>
      %shift_left3A_880 = arith.shli %get3A_877, %shift_left3A_879 : vector<16xi32>
      %bitcast3A_881 = vector.bitcast %shift_left3A_880 : vector<16xi32> to vector<16xf32>
      %and3A_882 = arith.constant -65536 : i32
      %and3A_883 = vector.broadcast %and3A_882 : i32 to vector<16xi32>
      %and3A_884 = arith.andi %get3A_877, %and3A_883 : vector<16xi32>
      %bitcast3A_885 = vector.bitcast %and3A_884 : vector<16xi32> to vector<16xf32>
      %swap3A_886 = arith.index_cast %add3A_874 : i32 to index
      %swap3A_887 = arith.constant 0 : index
      %swap3A_888 = tpu.vector_load %arg14[%swap3A_886, %swap3A_887] {strides = array<i32>} : memref<128x64xf32, #tpu.memory_space<vmem>>, vector<16xf32>,
      tpu.vector_store %arg14[%swap3A_886, %swap3A_887], %bitcast3A_881 {strides = array<i32>} : memref<128x64xf32, #tpu.memory_space<vmem>>, vector<16xf32>,
      %swap3A_889 = arith.index_cast %add3A_874 : i32 to index
      %swap3A_890 = arith.constant 16 : index
      %swap3A_891 = tpu.vector_load %arg14[%swap3A_889, %swap3A_890] {strides = array<i32>} : memref<128x64xf32, #tpu.memory_space<vmem>>, vector<16xf32>,
      tpu.vector_store %arg14[%swap3A_889, %swap3A_890], %bitcast3A_885 {strides = array<i32>} : memref<128x64xf32, #tpu.memory_space<vmem>>, vector<16xf32>,
      %get3A_892 = arith.index_cast %add3A_874 : i32 to index
      %get3A_893 = arith.constant 16 : index
      %get3A_894 = tpu.vector_load %arg12[%get3A_892, %get3A_893] {strides = array<i32>} : memref<128x32xi32, #tpu.memory_space<vmem>>, vector<16xi32>,
      %shift_left3A_895 = arith.constant 16 : i32
      %shift_left3A_896 = vector.broadcast %shift_left3A_895 : i32 to vector<16xi32>
      %shift_left3A_897 = arith.shli %get3A_894, %shift_left3A_896 : vector<16xi32>
      %bitcast3A_898 = vector.bitcast %shift_left3A_897 : vector<16xi32> to vector<16xf32>
      %and3A_899 = arith.constant -65536 : i32
      %and3A_900 = vector.broadcast %and3A_899 : i32 to vector<16xi32>
      %and3A_901 = arith.andi %get3A_894, %and3A_900 : vector<16xi32>
      %bitcast3A_902 = vector.bitcast %and3A_901 : vector<16xi32> to vector<16xf32>
      %swap3A_903 = arith.index_cast %add3A_874 : i32 to index
      %swap3A_904 = arith.constant 32 : index
      %swap3A_905 = tpu.vector_load %arg14[%swap3A_903, %swap3A_904] {strides = array<i32>} : memref<128x64xf32, #tpu.memory_space<vmem>>, vector<16xf32>,
      tpu.vector_store %arg14[%swap3A_903, %swap3A_904], %bitcast3A_898 {strides = array<i32>} : memref<128x64xf32, #tpu.memory_space<vmem>>, vector<16xf32>,
      %swap3A_906 = arith.index_cast %add3A_874 : i32 to index
      %swap3A_907 = arith.constant 48 : index
      %swap3A_908 = tpu.vector_load %arg14[%swap3A_906, %swap3A_907] {strides = array<i32>} : memref<128x64xf32, #tpu.memory_space<vmem>>, vector<16xf32>,
      tpu.vector_store %arg14[%swap3A_906, %swap3A_907], %bitcast3A_902 {strides = array<i32>} : memref<128x64xf32, #tpu.memory_space<vmem>>, vector<16xf32>,
      %scan3A_909 = arith.constant 0 : i32
      scf.yield %scan3A_909 : i32
    }
    %scan3A_534 = arith.constant 32 : i32
    %dma_start3A_535 = arith.constant 0 : i32
    %dma_start3A_536 = arith.constant 0 : i32
    %dma_start3A_537 = tpu.memref_slice %arg18[%dma_start3A_535, %dma_start3A_536] : memref<10240x64xf32, #tpu.memory_space<vmem_shared>> -> memref<10240x64xf32, #tpu.memory_space<vmem_shared>>
    tpu.enqueue_indirect_dma source(%arg14 : memref<128x64xf32, #tpu.memory_space<vmem>>) target(%dma_start3A_537 : memref<10240x64xf32, #tpu.memory_space<vmem_shared>>) offsets(%arg16 : memref<128xi32, #tpu.memory_space<vmem>>) semaphore(%arg24 : memref<!tpu.dma_semaphore, #tpu.memory_space<semaphore_mem>>) {add = true}
    %dma_wait3A_538 = arith.constant 0 : i32
    %dma_wait3A_539 = arith.constant 0 : i32
    %dma_wait3A_540 = tpu.memref_slice %arg18[%dma_wait3A_538, %dma_wait3A_539] : memref<10240x64xf32, #tpu.memory_space<vmem_shared>> -> memref<10240x64xf32, #tpu.memory_space<vmem_shared>>
    tpu.wait_indirect_dma semaphore(%arg23 : memref<!tpu.dma_semaphore, #tpu.memory_space<semaphore_mem>>) src(%arg13 : memref<128x64xf32, #tpu.memory_space<vmem>>) dst(%dma_wait3A_540 : memref<10240x64xf32, #tpu.memory_space<vmem_shared>>)
    %dma_wait3A_541 = arith.constant 0 : i32
    %dma_wait3A_542 = arith.constant 0 : i32
    %dma_wait3A_543 = tpu.memref_slice %arg18[%dma_wait3A_541, %dma_wait3A_542] : memref<10240x64xf32, #tpu.memory_space<vmem_shared>> -> memref<10240x64xf32, #tpu.memory_space<vmem_shared>>
    tpu.wait_indirect_dma semaphore(%arg24 : memref<!tpu.dma_semaphore, #tpu.memory_space<semaphore_mem>>) src(%arg14 : memref<128x64xf32, #tpu.memory_space<vmem>>) dst(%dma_wait3A_543 : memref<10240x64xf32, #tpu.memory_space<vmem_shared>>)
    %iota3A = tpu.iota {dimensions = array<i32: 0>} : vector<16xi32>
    %add3A_544 = arith.constant 0 : i32
    %add3A_545 = vector.broadcast %add3A_544 : i32 to vector<16xi32>
    %add3A_546 = arith.addi %iota3A, %add3A_545 : vector<16xi32>
    %swap3A_547 = arith.constant 0 : index
    %swap3A_548 = tpu.vector_load %arg26[%swap3A_547] {strides = array<i32>} : memref<128xi32, #tpu.memory_space<vmem>>, vector<16xi32>,
    tpu.vector_store %arg26[%swap3A_547], %add3A_546 {strides = array<i32>} : memref<128xi32, #tpu.memory_space<vmem>>, vector<16xi32>,
    %add3A_549 = arith.constant 16 : i32
    %add3A_550 = vector.broadcast %add3A_549 : i32 to vector<16xi32>
    %add3A_551 = arith.addi %iota3A, %add3A_550 : vector<16xi32>
    %swap3A_552 = arith.constant 16 : index
    %swap3A_553 = tpu.vector_load %arg26[%swap3A_552] {strides = array<i32>} : memref<128xi32, #tpu.memory_space<vmem>>, vector<16xi32>,
    tpu.vector_store %arg26[%swap3A_552], %add3A_551 {strides = array<i32>} : memref<128xi32, #tpu.memory_space<vmem>>, vector<16xi32>,
    %add3A_554 = arith.constant 32 : i32
    %add3A_555 = vector.broadcast %add3A_554 : i32 to vector<16xi32>
    %add3A_556 = arith.addi %iota3A, %add3A_555 : vector<16xi32>
    %swap3A_557 = arith.constant 32 : index
    %swap3A_558 = tpu.vector_load %arg26[%swap3A_557] {strides = array<i32>} : memref<128xi32, #tpu.memory_space<vmem>>, vector<16xi32>,
    tpu.vector_store %arg26[%swap3A_557], %add3A_556 {strides = array<i32>} : memref<128xi32, #tpu.memory_space<vmem>>, vector<16xi32>,
    %add3A_559 = arith.constant 48 : i32
    %add3A_560 = vector.broadcast %add3A_559 : i32 to vector<16xi32>
    %add3A_561 = arith.addi %iota3A, %add3A_560 : vector<16xi32>
    %swap3A_562 = arith.constant 48 : index
    %swap3A_563 = tpu.vector_load %arg26[%swap3A_562] {strides = array<i32>} : memref<128xi32, #tpu.memory_space<vmem>>, vector<16xi32>,
    tpu.vector_store %arg26[%swap3A_562], %add3A_561 {strides = array<i32>} : memref<128xi32, #tpu.memory_space<vmem>>, vector<16xi32>,
    %add3A_564 = arith.constant 64 : i32
    %add3A_565 = vector.broadcast %add3A_564 : i32 to vector<16xi32>
    %add3A_566 = arith.addi %iota3A, %add3A_565 : vector<16xi32>
    %swap3A_567 = arith.constant 64 : index
    %swap3A_568 = tpu.vector_load %arg26[%swap3A_567] {strides = array<i32>} : memref<128xi32, #tpu.memory_space<vmem>>, vector<16xi32>,
    tpu.vector_store %arg26[%swap3A_567], %add3A_566 {strides = array<i32>} : memref<128xi32, #tpu.memory_space<vmem>>, vector<16xi32>,
    %add3A_569 = arith.constant 80 : i32
    %add3A_570 = vector.broadcast %add3A_569 : i32 to vector<16xi32>
    %add3A_571 = arith.addi %iota3A, %add3A_570 : vector<16xi32>
    %swap3A_572 = arith.constant 80 : index
    %swap3A_573 = tpu.vector_load %arg26[%swap3A_572] {strides = array<i32>} : memref<128xi32, #tpu.memory_space<vmem>>, vector<16xi32>,
    tpu.vector_store %arg26[%swap3A_572], %add3A_571 {strides = array<i32>} : memref<128xi32, #tpu.memory_space<vmem>>, vector<16xi32>,
    %add3A_574 = arith.constant 96 : i32
    %add3A_575 = vector.broadcast %add3A_574 : i32 to vector<16xi32>
    %add3A_576 = arith.addi %iota3A, %add3A_575 : vector<16xi32>
    %swap3A_577 = arith.constant 96 : index
    %swap3A_578 = tpu.vector_load %arg26[%swap3A_577] {strides = array<i32>} : memref<128xi32, #tpu.memory_space<vmem>>, vector<16xi32>,
    tpu.vector_store %arg26[%swap3A_577], %add3A_576 {strides = array<i32>} : memref<128xi32, #tpu.memory_space<vmem>>, vector<16xi32>,
    %add3A_579 = arith.constant 112 : i32
    %add3A_580 = vector.broadcast %add3A_579 : i32 to vector<16xi32>
    %add3A_581 = arith.addi %iota3A, %add3A_580 : vector<16xi32>
    %swap3A_582 = arith.constant 112 : index
    %swap3A_583 = tpu.vector_load %arg26[%swap3A_582] {strides = array<i32>} : memref<128xi32, #tpu.memory_space<vmem>>, vector<16xi32>,
    tpu.vector_store %arg26[%swap3A_582], %add3A_581 {strides = array<i32>} : memref<128xi32, #tpu.memory_space<vmem>>, vector<16xi32>,
    "tpu.region"() ({
      %run_scoped3A = tpu.sem_alloc : memref<!tpu.dma_semaphore, #tpu.memory_space<semaphore_mem>>
      %dma_start3A_757 = arith.constant 0 : i32
      %dma_start3A_758 = arith.constant 0 : i32
      %dma_start3A_759 = tpu.memref_slice %arg25[%dma_start3A_757, %dma_start3A_758] : memref<640x16xf32, #tpu.memory_space<vmem>> -> memref<128x16xf32, #tpu.memory_space<vmem>>
      %dma_start3A_760 = arith.constant 0 : i32
      %dma_start3A_761 = arith.constant 0 : i32
      %dma_start3A_762 = tpu.memref_slice %arg27[%dma_start3A_760, %dma_start3A_761] : memref<640x16xf32, #tpu.memory_space<vmem_shared>> -> memref<640x16xf32, #tpu.memory_space<vmem_shared>>
      tpu.enqueue_indirect_dma source(%dma_start3A_759 : memref<128x16xf32, #tpu.memory_space<vmem>>) target(%dma_start3A_762 : memref<640x16xf32, #tpu.memory_space<vmem_shared>>) offsets(%arg26 : memref<128xi32, #tpu.memory_space<vmem>>) semaphore(%run_scoped3A : memref<!tpu.dma_semaphore, #tpu.memory_space<semaphore_mem>>) {add = true}
      %dma_wait3A_763 = arith.constant 0 : i32
      %dma_wait3A_764 = arith.constant 0 : i32
      %dma_wait3A_765 = tpu.memref_slice %arg25[%dma_wait3A_763, %dma_wait3A_764] : memref<640x16xf32, #tpu.memory_space<vmem>> -> memref<128x16xf32, #tpu.memory_space<vmem>>
      %dma_wait3A_766 = arith.constant 0 : i32
      %dma_wait3A_767 = arith.constant 0 : i32
      %dma_wait3A_768 = tpu.memref_slice %arg27[%dma_wait3A_766, %dma_wait3A_767] : memref<640x16xf32, #tpu.memory_space<vmem_shared>> -> memref<640x16xf32, #tpu.memory_space<vmem_shared>>
      tpu.wait_indirect_dma semaphore(%run_scoped3A : memref<!tpu.dma_semaphore, #tpu.memory_space<semaphore_mem>>) src(%dma_wait3A_765 : memref<128x16xf32, #tpu.memory_space<vmem>>) dst(%dma_wait3A_768 : memref<640x16xf32, #tpu.memory_space<vmem_shared>>)
      tpu.yield
    }) : () -> ()
    %add3A_584 = arith.constant 128 : i32
    %add3A_585 = vector.broadcast %add3A_584 : i32 to vector<16xi32>
    %add3A_586 = arith.addi %iota3A, %add3A_585 : vector<16xi32>
    %swap3A_587 = arith.constant 0 : index
    %swap3A_588 = tpu.vector_load %arg26[%swap3A_587] {strides = array<i32>} : memref<128xi32, #tpu.memory_space<vmem>>, vector<16xi32>,
    tpu.vector_store %arg26[%swap3A_587], %add3A_586 {strides = array<i32>} : memref<128xi32, #tpu.memory_space<vmem>>, vector<16xi32>,
    %add3A_589 = arith.constant 144 : i32
    %add3A_590 = vector.broadcast %add3A_589 : i32 to vector<16xi32>
    %add3A_591 = arith.addi %iota3A, %add3A_590 : vector<16xi32>
    %swap3A_592 = arith.constant 16 : index
    %swap3A_593 = tpu.vector_load %arg26[%swap3A_592] {strides = array<i32>} : memref<128xi32, #tpu.memory_space<vmem>>, vector<16xi32>,
    tpu.vector_store %arg26[%swap3A_592], %add3A_591 {strides = array<i32>} : memref<128xi32, #tpu.memory_space<vmem>>, vector<16xi32>,
    %add3A_594 = arith.constant 160 : i32
    %add3A_595 = vector.broadcast %add3A_594 : i32 to vector<16xi32>
    %add3A_596 = arith.addi %iota3A, %add3A_595 : vector<16xi32>
    %swap3A_597 = arith.constant 32 : index
    %swap3A_598 = tpu.vector_load %arg26[%swap3A_597] {strides = array<i32>} : memref<128xi32, #tpu.memory_space<vmem>>, vector<16xi32>,
    tpu.vector_store %arg26[%swap3A_597], %add3A_596 {strides = array<i32>} : memref<128xi32, #tpu.memory_space<vmem>>, vector<16xi32>,
    %add3A_599 = arith.constant 176 : i32
    %add3A_600 = vector.broadcast %add3A_599 : i32 to vector<16xi32>
    %add3A_601 = arith.addi %iota3A, %add3A_600 : vector<16xi32>
    %swap3A_602 = arith.constant 48 : index
    %swap3A_603 = tpu.vector_load %arg26[%swap3A_602] {strides = array<i32>} : memref<128xi32, #tpu.memory_space<vmem>>, vector<16xi32>,
    tpu.vector_store %arg26[%swap3A_602], %add3A_601 {strides = array<i32>} : memref<128xi32, #tpu.memory_space<vmem>>, vector<16xi32>,
    %add3A_604 = arith.constant 192 : i32
    %add3A_605 = vector.broadcast %add3A_604 : i32 to vector<16xi32>
    %add3A_606 = arith.addi %iota3A, %add3A_605 : vector<16xi32>
    %swap3A_607 = arith.constant 64 : index
    %swap3A_608 = tpu.vector_load %arg26[%swap3A_607] {strides = array<i32>} : memref<128xi32, #tpu.memory_space<vmem>>, vector<16xi32>,
    tpu.vector_store %arg26[%swap3A_607], %add3A_606 {strides = array<i32>} : memref<128xi32, #tpu.memory_space<vmem>>, vector<16xi32>,
    %add3A_609 = arith.constant 208 : i32
    %add3A_610 = vector.broadcast %add3A_609 : i32 to vector<16xi32>
    %add3A_611 = arith.addi %iota3A, %add3A_610 : vector<16xi32>
    %swap3A_612 = arith.constant 80 : index
    %swap3A_613 = tpu.vector_load %arg26[%swap3A_612] {strides = array<i32>} : memref<128xi32, #tpu.memory_space<vmem>>, vector<16xi32>,
    tpu.vector_store %arg26[%swap3A_612], %add3A_611 {strides = array<i32>} : memref<128xi32, #tpu.memory_space<vmem>>, vector<16xi32>,
    %add3A_614 = arith.constant 224 : i32
    %add3A_615 = vector.broadcast %add3A_614 : i32 to vector<16xi32>
    %add3A_616 = arith.addi %iota3A, %add3A_615 : vector<16xi32>
    %swap3A_617 = arith.constant 96 : index
    %swap3A_618 = tpu.vector_load %arg26[%swap3A_617] {strides = array<i32>} : memref<128xi32, #tpu.memory_space<vmem>>, vector<16xi32>,
    tpu.vector_store %arg26[%swap3A_617], %add3A_616 {strides = array<i32>} : memref<128xi32, #tpu.memory_space<vmem>>, vector<16xi32>,
    %add3A_619 = arith.constant 240 : i32
    %add3A_620 = vector.broadcast %add3A_619 : i32 to vector<16xi32>
    %add3A_621 = arith.addi %iota3A, %add3A_620 : vector<16xi32>
    %swap3A_622 = arith.constant 112 : index
    %swap3A_623 = tpu.vector_load %arg26[%swap3A_622] {strides = array<i32>} : memref<128xi32, #tpu.memory_space<vmem>>, vector<16xi32>,
    tpu.vector_store %arg26[%swap3A_622], %add3A_621 {strides = array<i32>} : memref<128xi32, #tpu.memory_space<vmem>>, vector<16xi32>,
    "tpu.region"() ({
      %run_scoped3A = tpu.sem_alloc : memref<!tpu.dma_semaphore, #tpu.memory_space<semaphore_mem>>
      %dma_start3A_757 = arith.constant 128 : i32
      %dma_start3A_758 = arith.constant 0 : i32
      %dma_start3A_759 = tpu.memref_slice %arg25[%dma_start3A_757, %dma_start3A_758] : memref<640x16xf32, #tpu.memory_space<vmem>> -> memref<128x16xf32, #tpu.memory_space<vmem>>
      %dma_start3A_760 = arith.constant 0 : i32
      %dma_start3A_761 = arith.constant 0 : i32
      %dma_start3A_762 = tpu.memref_slice %arg27[%dma_start3A_760, %dma_start3A_761] : memref<640x16xf32, #tpu.memory_space<vmem_shared>> -> memref<640x16xf32, #tpu.memory_space<vmem_shared>>
      tpu.enqueue_indirect_dma source(%dma_start3A_759 : memref<128x16xf32, #tpu.memory_space<vmem>>) target(%dma_start3A_762 : memref<640x16xf32, #tpu.memory_space<vmem_shared>>) offsets(%arg26 : memref<128xi32, #tpu.memory_space<vmem>>) semaphore(%run_scoped3A : memref<!tpu.dma_semaphore, #tpu.memory_space<semaphore_mem>>) {add = true}
      %dma_wait3A_763 = arith.constant 128 : i32
      %dma_wait3A_764 = arith.constant 0 : i32
      %dma_wait3A_765 = tpu.memref_slice %arg25[%dma_wait3A_763, %dma_wait3A_764] : memref<640x16xf32, #tpu.memory_space<vmem>> -> memref<128x16xf32, #tpu.memory_space<vmem>>
      %dma_wait3A_766 = arith.constant 0 : i32
      %dma_wait3A_767 = arith.constant 0 : i32
      %dma_wait3A_768 = tpu.memref_slice %arg27[%dma_wait3A_766, %dma_wait3A_767] : memref<640x16xf32, #tpu.memory_space<vmem_shared>> -> memref<640x16xf32, #tpu.memory_space<vmem_shared>>
      tpu.wait_indirect_dma semaphore(%run_scoped3A : memref<!tpu.dma_semaphore, #tpu.memory_space<semaphore_mem>>) src(%dma_wait3A_765 : memref<128x16xf32, #tpu.memory_space<vmem>>) dst(%dma_wait3A_768 : memref<640x16xf32, #tpu.memory_space<vmem_shared>>)
      tpu.yield
    }) : () -> ()
    %add3A_624 = arith.constant 256 : i32
    %add3A_625 = vector.broadcast %add3A_624 : i32 to vector<16xi32>
    %add3A_626 = arith.addi %iota3A, %add3A_625 : vector<16xi32>
    %swap3A_627 = arith.constant 0 : index
    %swap3A_628 = tpu.vector_load %arg26[%swap3A_627] {strides = array<i32>} : memref<128xi32, #tpu.memory_space<vmem>>, vector<16xi32>,
    tpu.vector_store %arg26[%swap3A_627], %add3A_626 {strides = array<i32>} : memref<128xi32, #tpu.memory_space<vmem>>, vector<16xi32>,
    %add3A_629 = arith.constant 272 : i32
    %add3A_630 = vector.broadcast %add3A_629 : i32 to vector<16xi32>
    %add3A_631 = arith.addi %iota3A, %add3A_630 : vector<16xi32>
    %swap3A_632 = arith.constant 16 : index
    %swap3A_633 = tpu.vector_load %arg26[%swap3A_632] {strides = array<i32>} : memref<128xi32, #tpu.memory_space<vmem>>, vector<16xi32>,
    tpu.vector_store %arg26[%swap3A_632], %add3A_631 {strides = array<i32>} : memref<128xi32, #tpu.memory_space<vmem>>, vector<16xi32>,
    %add3A_634 = arith.constant 288 : i32
    %add3A_635 = vector.broadcast %add3A_634 : i32 to vector<16xi32>
    %add3A_636 = arith.addi %iota3A, %add3A_635 : vector<16xi32>
    %swap3A_637 = arith.constant 32 : index
    %swap3A_638 = tpu.vector_load %arg26[%swap3A_637] {strides = array<i32>} : memref<128xi32, #tpu.memory_space<vmem>>, vector<16xi32>,
    tpu.vector_store %arg26[%swap3A_637], %add3A_636 {strides = array<i32>} : memref<128xi32, #tpu.memory_space<vmem>>, vector<16xi32>,
    %add3A_639 = arith.constant 304 : i32
    %add3A_640 = vector.broadcast %add3A_639 : i32 to vector<16xi32>
    %add3A_641 = arith.addi %iota3A, %add3A_640 : vector<16xi32>
    %swap3A_642 = arith.constant 48 : index
    %swap3A_643 = tpu.vector_load %arg26[%swap3A_642] {strides = array<i32>} : memref<128xi32, #tpu.memory_space<vmem>>, vector<16xi32>,
    tpu.vector_store %arg26[%swap3A_642], %add3A_641 {strides = array<i32>} : memref<128xi32, #tpu.memory_space<vmem>>, vector<16xi32>,
    %add3A_644 = arith.constant 320 : i32
    %add3A_645 = vector.broadcast %add3A_644 : i32 to vector<16xi32>
    %add3A_646 = arith.addi %iota3A, %add3A_645 : vector<16xi32>
    %swap3A_647 = arith.constant 64 : index
    %swap3A_648 = tpu.vector_load %arg26[%swap3A_647] {strides = array<i32>} : memref<128xi32, #tpu.memory_space<vmem>>, vector<16xi32>,
    tpu.vector_store %arg26[%swap3A_647], %add3A_646 {strides = array<i32>} : memref<128xi32, #tpu.memory_space<vmem>>, vector<16xi32>,
    %add3A_649 = arith.constant 336 : i32
    %add3A_650 = vector.broadcast %add3A_649 : i32 to vector<16xi32>
    %add3A_651 = arith.addi %iota3A, %add3A_650 : vector<16xi32>
    %swap3A_652 = arith.constant 80 : index
    %swap3A_653 = tpu.vector_load %arg26[%swap3A_652] {strides = array<i32>} : memref<128xi32, #tpu.memory_space<vmem>>, vector<16xi32>,
    tpu.vector_store %arg26[%swap3A_652], %add3A_651 {strides = array<i32>} : memref<128xi32, #tpu.memory_space<vmem>>, vector<16xi32>,
    %add3A_654 = arith.constant 352 : i32
    %add3A_655 = vector.broadcast %add3A_654 : i32 to vector<16xi32>
    %add3A_656 = arith.addi %iota3A, %add3A_655 : vector<16xi32>
    %swap3A_657 = arith.constant 96 : index
    %swap3A_658 = tpu.vector_load %arg26[%swap3A_657] {strides = array<i32>} : memref<128xi32, #tpu.memory_space<vmem>>, vector<16xi32>,
    tpu.vector_store %arg26[%swap3A_657], %add3A_656 {strides = array<i32>} : memref<128xi32, #tpu.memory_space<vmem>>, vector<16xi32>,
    %add3A_659 = arith.constant 368 : i32
    %add3A_660 = vector.broadcast %add3A_659 : i32 to vector<16xi32>
    %add3A_661 = arith.addi %iota3A, %add3A_660 : vector<16xi32>
    %swap3A_662 = arith.constant 112 : index
    %swap3A_663 = tpu.vector_load %arg26[%swap3A_662] {strides = array<i32>} : memref<128xi32, #tpu.memory_space<vmem>>, vector<16xi32>,
    tpu.vector_store %arg26[%swap3A_662], %add3A_661 {strides = array<i32>} : memref<128xi32, #tpu.memory_space<vmem>>, vector<16xi32>,
    "tpu.region"() ({
      %run_scoped3A = tpu.sem_alloc : memref<!tpu.dma_semaphore, #tpu.memory_space<semaphore_mem>>
      %dma_start3A_757 = arith.constant 256 : i32
      %dma_start3A_758 = arith.constant 0 : i32
      %dma_start3A_759 = tpu.memref_slice %arg25[%dma_start3A_757, %dma_start3A_758] : memref<640x16xf32, #tpu.memory_space<vmem>> -> memref<128x16xf32, #tpu.memory_space<vmem>>
      %dma_start3A_760 = arith.constant 0 : i32
      %dma_start3A_761 = arith.constant 0 : i32
      %dma_start3A_762 = tpu.memref_slice %arg27[%dma_start3A_760, %dma_start3A_761] : memref<640x16xf32, #tpu.memory_space<vmem_shared>> -> memref<640x16xf32, #tpu.memory_space<vmem_shared>>
      tpu.enqueue_indirect_dma source(%dma_start3A_759 : memref<128x16xf32, #tpu.memory_space<vmem>>) target(%dma_start3A_762 : memref<640x16xf32, #tpu.memory_space<vmem_shared>>) offsets(%arg26 : memref<128xi32, #tpu.memory_space<vmem>>) semaphore(%run_scoped3A : memref<!tpu.dma_semaphore, #tpu.memory_space<semaphore_mem>>) {add = true}
      %dma_wait3A_763 = arith.constant 256 : i32
      %dma_wait3A_764 = arith.constant 0 : i32
      %dma_wait3A_765 = tpu.memref_slice %arg25[%dma_wait3A_763, %dma_wait3A_764] : memref<640x16xf32, #tpu.memory_space<vmem>> -> memref<128x16xf32, #tpu.memory_space<vmem>>
      %dma_wait3A_766 = arith.constant 0 : i32
      %dma_wait3A_767 = arith.constant 0 : i32
      %dma_wait3A_768 = tpu.memref_slice %arg27[%dma_wait3A_766, %dma_wait3A_767] : memref<640x16xf32, #tpu.memory_space<vmem_shared>> -> memref<640x16xf32, #tpu.memory_space<vmem_shared>>
      tpu.wait_indirect_dma semaphore(%run_scoped3A : memref<!tpu.dma_semaphore, #tpu.memory_space<semaphore_mem>>) src(%dma_wait3A_765 : memref<128x16xf32, #tpu.memory_space<vmem>>) dst(%dma_wait3A_768 : memref<640x16xf32, #tpu.memory_space<vmem_shared>>)
      tpu.yield
    }) : () -> ()
    %add3A_664 = arith.constant 384 : i32
    %add3A_665 = vector.broadcast %add3A_664 : i32 to vector<16xi32>
    %add3A_666 = arith.addi %iota3A, %add3A_665 : vector<16xi32>
    %swap3A_667 = arith.constant 0 : index
    %swap3A_668 = tpu.vector_load %arg26[%swap3A_667] {strides = array<i32>} : memref<128xi32, #tpu.memory_space<vmem>>, vector<16xi32>,
    tpu.vector_store %arg26[%swap3A_667], %add3A_666 {strides = array<i32>} : memref<128xi32, #tpu.memory_space<vmem>>, vector<16xi32>,
    %add3A_669 = arith.constant 400 : i32
    %add3A_670 = vector.broadcast %add3A_669 : i32 to vector<16xi32>
    %add3A_671 = arith.addi %iota3A, %add3A_670 : vector<16xi32>
    %swap3A_672 = arith.constant 16 : index
    %swap3A_673 = tpu.vector_load %arg26[%swap3A_672] {strides = array<i32>} : memref<128xi32, #tpu.memory_space<vmem>>, vector<16xi32>,
    tpu.vector_store %arg26[%swap3A_672], %add3A_671 {strides = array<i32>} : memref<128xi32, #tpu.memory_space<vmem>>, vector<16xi32>,
    %add3A_674 = arith.constant 416 : i32
    %add3A_675 = vector.broadcast %add3A_674 : i32 to vector<16xi32>
    %add3A_676 = arith.addi %iota3A, %add3A_675 : vector<16xi32>
    %swap3A_677 = arith.constant 32 : index
    %swap3A_678 = tpu.vector_load %arg26[%swap3A_677] {strides = array<i32>} : memref<128xi32, #tpu.memory_space<vmem>>, vector<16xi32>,
    tpu.vector_store %arg26[%swap3A_677], %add3A_676 {strides = array<i32>} : memref<128xi32, #tpu.memory_space<vmem>>, vector<16xi32>,
    %add3A_679 = arith.constant 432 : i32
    %add3A_680 = vector.broadcast %add3A_679 : i32 to vector<16xi32>
    %add3A_681 = arith.addi %iota3A, %add3A_680 : vector<16xi32>
    %swap3A_682 = arith.constant 48 : index
    %swap3A_683 = tpu.vector_load %arg26[%swap3A_682] {strides = array<i32>} : memref<128xi32, #tpu.memory_space<vmem>>, vector<16xi32>,
    tpu.vector_store %arg26[%swap3A_682], %add3A_681 {strides = array<i32>} : memref<128xi32, #tpu.memory_space<vmem>>, vector<16xi32>,
    %add3A_684 = arith.constant 448 : i32
    %add3A_685 = vector.broadcast %add3A_684 : i32 to vector<16xi32>
    %add3A_686 = arith.addi %iota3A, %add3A_685 : vector<16xi32>
    %swap3A_687 = arith.constant 64 : index
    %swap3A_688 = tpu.vector_load %arg26[%swap3A_687] {strides = array<i32>} : memref<128xi32, #tpu.memory_space<vmem>>, vector<16xi32>,
    tpu.vector_store %arg26[%swap3A_687], %add3A_686 {strides = array<i32>} : memref<128xi32, #tpu.memory_space<vmem>>, vector<16xi32>,
    %add3A_689 = arith.constant 464 : i32
    %add3A_690 = vector.broadcast %add3A_689 : i32 to vector<16xi32>
    %add3A_691 = arith.addi %iota3A, %add3A_690 : vector<16xi32>
    %swap3A_692 = arith.constant 80 : index
    %swap3A_693 = tpu.vector_load %arg26[%swap3A_692] {strides = array<i32>} : memref<128xi32, #tpu.memory_space<vmem>>, vector<16xi32>,
    tpu.vector_store %arg26[%swap3A_692], %add3A_691 {strides = array<i32>} : memref<128xi32, #tpu.memory_space<vmem>>, vector<16xi32>,
    %add3A_694 = arith.constant 480 : i32
    %add3A_695 = vector.broadcast %add3A_694 : i32 to vector<16xi32>
    %add3A_696 = arith.addi %iota3A, %add3A_695 : vector<16xi32>
    %swap3A_697 = arith.constant 96 : index
    %swap3A_698 = tpu.vector_load %arg26[%swap3A_697] {strides = array<i32>} : memref<128xi32, #tpu.memory_space<vmem>>, vector<16xi32>,
    tpu.vector_store %arg26[%swap3A_697], %add3A_696 {strides = array<i32>} : memref<128xi32, #tpu.memory_space<vmem>>, vector<16xi32>,
    %add3A_699 = arith.constant 496 : i32
    %add3A_700 = vector.broadcast %add3A_699 : i32 to vector<16xi32>
    %add3A_701 = arith.addi %iota3A, %add3A_700 : vector<16xi32>
    %swap3A_702 = arith.constant 112 : index
    %swap3A_703 = tpu.vector_load %arg26[%swap3A_702] {strides = array<i32>} : memref<128xi32, #tpu.memory_space<vmem>>, vector<16xi32>,
    tpu.vector_store %arg26[%swap3A_702], %add3A_701 {strides = array<i32>} : memref<128xi32, #tpu.memory_space<vmem>>, vector<16xi32>,
    "tpu.region"() ({
      %run_scoped3A = tpu.sem_alloc : memref<!tpu.dma_semaphore, #tpu.memory_space<semaphore_mem>>
      %dma_start3A_757 = arith.constant 384 : i32
      %dma_start3A_758 = arith.constant 0 : i32
      %dma_start3A_759 = tpu.memref_slice %arg25[%dma_start3A_757, %dma_start3A_758] : memref<640x16xf32, #tpu.memory_space<vmem>> -> memref<128x16xf32, #tpu.memory_space<vmem>>
      %dma_start3A_760 = arith.constant 0 : i32
      %dma_start3A_761 = arith.constant 0 : i32
      %dma_start3A_762 = tpu.memref_slice %arg27[%dma_start3A_760, %dma_start3A_761] : memref<640x16xf32, #tpu.memory_space<vmem_shared>> -> memref<640x16xf32, #tpu.memory_space<vmem_shared>>
      tpu.enqueue_indirect_dma source(%dma_start3A_759 : memref<128x16xf32, #tpu.memory_space<vmem>>) target(%dma_start3A_762 : memref<640x16xf32, #tpu.memory_space<vmem_shared>>) offsets(%arg26 : memref<128xi32, #tpu.memory_space<vmem>>) semaphore(%run_scoped3A : memref<!tpu.dma_semaphore, #tpu.memory_space<semaphore_mem>>) {add = true}
      %dma_wait3A_763 = arith.constant 384 : i32
      %dma_wait3A_764 = arith.constant 0 : i32
      %dma_wait3A_765 = tpu.memref_slice %arg25[%dma_wait3A_763, %dma_wait3A_764] : memref<640x16xf32, #tpu.memory_space<vmem>> -> memref<128x16xf32, #tpu.memory_space<vmem>>
      %dma_wait3A_766 = arith.constant 0 : i32
      %dma_wait3A_767 = arith.constant 0 : i32
      %dma_wait3A_768 = tpu.memref_slice %arg27[%dma_wait3A_766, %dma_wait3A_767] : memref<640x16xf32, #tpu.memory_space<vmem_shared>> -> memref<640x16xf32, #tpu.memory_space<vmem_shared>>
      tpu.wait_indirect_dma semaphore(%run_scoped3A : memref<!tpu.dma_semaphore, #tpu.memory_space<semaphore_mem>>) src(%dma_wait3A_765 : memref<128x16xf32, #tpu.memory_space<vmem>>) dst(%dma_wait3A_768 : memref<640x16xf32, #tpu.memory_space<vmem_shared>>)
      tpu.yield
    }) : () -> ()
    %add3A_704 = arith.constant 512 : i32
    %add3A_705 = vector.broadcast %add3A_704 : i32 to vector<16xi32>
    %add3A_706 = arith.addi %iota3A, %add3A_705 : vector<16xi32>
    %swap3A_707 = arith.constant 0 : index
    %swap3A_708 = tpu.vector_load %arg26[%swap3A_707] {strides = array<i32>} : memref<128xi32, #tpu.memory_space<vmem>>, vector<16xi32>,
    tpu.vector_store %arg26[%swap3A_707], %add3A_706 {strides = array<i32>} : memref<128xi32, #tpu.memory_space<vmem>>, vector<16xi32>,
    %add3A_709 = arith.constant 528 : i32
    %add3A_710 = vector.broadcast %add3A_709 : i32 to vector<16xi32>
    %add3A_711 = arith.addi %iota3A, %add3A_710 : vector<16xi32>
    %swap3A_712 = arith.constant 16 : index
    %swap3A_713 = tpu.vector_load %arg26[%swap3A_712] {strides = array<i32>} : memref<128xi32, #tpu.memory_space<vmem>>, vector<16xi32>,
    tpu.vector_store %arg26[%swap3A_712], %add3A_711 {strides = array<i32>} : memref<128xi32, #tpu.memory_space<vmem>>, vector<16xi32>,
    %add3A_714 = arith.constant 544 : i32
    %add3A_715 = vector.broadcast %add3A_714 : i32 to vector<16xi32>
    %add3A_716 = arith.addi %iota3A, %add3A_715 : vector<16xi32>
    %swap3A_717 = arith.constant 32 : index
    %swap3A_718 = tpu.vector_load %arg26[%swap3A_717] {strides = array<i32>} : memref<128xi32, #tpu.memory_space<vmem>>, vector<16xi32>,
    tpu.vector_store %arg26[%swap3A_717], %add3A_716 {strides = array<i32>} : memref<128xi32, #tpu.memory_space<vmem>>, vector<16xi32>,
    %add3A_719 = arith.constant 560 : i32
    %add3A_720 = vector.broadcast %add3A_719 : i32 to vector<16xi32>
    %add3A_721 = arith.addi %iota3A, %add3A_720 : vector<16xi32>
    %swap3A_722 = arith.constant 48 : index
    %swap3A_723 = tpu.vector_load %arg26[%swap3A_722] {strides = array<i32>} : memref<128xi32, #tpu.memory_space<vmem>>, vector<16xi32>,
    tpu.vector_store %arg26[%swap3A_722], %add3A_721 {strides = array<i32>} : memref<128xi32, #tpu.memory_space<vmem>>, vector<16xi32>,
    %add3A_724 = arith.constant 576 : i32
    %add3A_725 = vector.broadcast %add3A_724 : i32 to vector<16xi32>
    %add3A_726 = arith.addi %iota3A, %add3A_725 : vector<16xi32>
    %swap3A_727 = arith.constant 64 : index
    %swap3A_728 = tpu.vector_load %arg26[%swap3A_727] {strides = array<i32>} : memref<128xi32, #tpu.memory_space<vmem>>, vector<16xi32>,
    tpu.vector_store %arg26[%swap3A_727], %add3A_726 {strides = array<i32>} : memref<128xi32, #tpu.memory_space<vmem>>, vector<16xi32>,
    %add3A_729 = arith.constant 592 : i32
    %add3A_730 = vector.broadcast %add3A_729 : i32 to vector<16xi32>
    %add3A_731 = arith.addi %iota3A, %add3A_730 : vector<16xi32>
    %swap3A_732 = arith.constant 80 : index
    %swap3A_733 = tpu.vector_load %arg26[%swap3A_732] {strides = array<i32>} : memref<128xi32, #tpu.memory_space<vmem>>, vector<16xi32>,
    tpu.vector_store %arg26[%swap3A_732], %add3A_731 {strides = array<i32>} : memref<128xi32, #tpu.memory_space<vmem>>, vector<16xi32>,
    %add3A_734 = arith.constant 608 : i32
    %add3A_735 = vector.broadcast %add3A_734 : i32 to vector<16xi32>
    %add3A_736 = arith.addi %iota3A, %add3A_735 : vector<16xi32>
    %swap3A_737 = arith.constant 96 : index
    %swap3A_738 = tpu.vector_load %arg26[%swap3A_737] {strides = array<i32>} : memref<128xi32, #tpu.memory_space<vmem>>, vector<16xi32>,
    tpu.vector_store %arg26[%swap3A_737], %add3A_736 {strides = array<i32>} : memref<128xi32, #tpu.memory_space<vmem>>, vector<16xi32>,
    %add3A_739 = arith.constant 624 : i32
    %add3A_740 = vector.broadcast %add3A_739 : i32 to vector<16xi32>
    %add3A_741 = arith.addi %iota3A, %add3A_740 : vector<16xi32>
    %swap3A_742 = arith.constant 112 : index
    %swap3A_743 = tpu.vector_load %arg26[%swap3A_742] {strides = array<i32>} : memref<128xi32, #tpu.memory_space<vmem>>, vector<16xi32>,
    tpu.vector_store %arg26[%swap3A_742], %add3A_741 {strides = array<i32>} : memref<128xi32, #tpu.memory_space<vmem>>, vector<16xi32>,
    "tpu.region"() ({
      %run_scoped3A = tpu.sem_alloc : memref<!tpu.dma_semaphore, #tpu.memory_space<semaphore_mem>>
      %dma_start3A_757 = arith.constant 512 : i32
      %dma_start3A_758 = arith.constant 0 : i32
      %dma_start3A_759 = tpu.memref_slice %arg25[%dma_start3A_757, %dma_start3A_758] : memref<640x16xf32, #tpu.memory_space<vmem>> -> memref<128x16xf32, #tpu.memory_space<vmem>>
      %dma_start3A_760 = arith.constant 0 : i32
      %dma_start3A_761 = arith.constant 0 : i32
      %dma_start3A_762 = tpu.memref_slice %arg27[%dma_start3A_760, %dma_start3A_761] : memref<640x16xf32, #tpu.memory_space<vmem_shared>> -> memref<640x16xf32, #tpu.memory_space<vmem_shared>>
      tpu.enqueue_indirect_dma source(%dma_start3A_759 : memref<128x16xf32, #tpu.memory_space<vmem>>) target(%dma_start3A_762 : memref<640x16xf32, #tpu.memory_space<vmem_shared>>) offsets(%arg26 : memref<128xi32, #tpu.memory_space<vmem>>) semaphore(%run_scoped3A : memref<!tpu.dma_semaphore, #tpu.memory_space<semaphore_mem>>) {add = true}
      %dma_wait3A_763 = arith.constant 512 : i32
      %dma_wait3A_764 = arith.constant 0 : i32
      %dma_wait3A_765 = tpu.memref_slice %arg25[%dma_wait3A_763, %dma_wait3A_764] : memref<640x16xf32, #tpu.memory_space<vmem>> -> memref<128x16xf32, #tpu.memory_space<vmem>>
      %dma_wait3A_766 = arith.constant 0 : i32
      %dma_wait3A_767 = arith.constant 0 : i32
      %dma_wait3A_768 = tpu.memref_slice %arg27[%dma_wait3A_766, %dma_wait3A_767] : memref<640x16xf32, #tpu.memory_space<vmem_shared>> -> memref<640x16xf32, #tpu.memory_space<vmem_shared>>
      tpu.wait_indirect_dma semaphore(%run_scoped3A : memref<!tpu.dma_semaphore, #tpu.memory_space<semaphore_mem>>) src(%dma_wait3A_765 : memref<128x16xf32, #tpu.memory_space<vmem>>) dst(%dma_wait3A_768 : memref<640x16xf32, #tpu.memory_space<vmem_shared>>)
      tpu.yield
    }) : () -> ()
    %barrier3A_744 = arith.constant 0 : index
    tpu.barrier barrier_id(%barrier3A_744)
    %mul3A_745 = arith.constant 640 : i32
    %mul3A_746 = arith.muli %arg1, %mul3A_745 : i32
    "tpu.region"() ({
      %run_scoped3A = tpu.sem_alloc : memref<!tpu.dma_semaphore, #tpu.memory_space<semaphore_mem>>
      %dma_start3A_757 = arith.constant 0 : i32
      %dma_start3A_758 = tpu.memref_slice %arg18[%mul3A_746, %dma_start3A_757] : memref<10240x64xf32, #tpu.memory_space<vmem_shared>> -> memref<640x64xf32, #tpu.memory_space<vmem_shared>>
      %dma_start3A_759 = arith.constant 0 : i32
      %dma_start3A_760 = tpu.memref_slice %arg18[%mul3A_746, %dma_start3A_759] : memref<10240x64xf32, #tpu.memory_space<vmem_shared>> -> memref<640x64xf32, #tpu.memory_space<vmem_shared>>
      tpu.enqueue_dma source(%dma_start3A_760 : memref<640x64xf32, #tpu.memory_space<vmem_shared>>) target(%arg17 : memref<640x64xf32, #tpu.memory_space<vmem>>) target_semaphore(%run_scoped3A : memref<!tpu.dma_semaphore, #tpu.memory_space<semaphore_mem>>)
      %dma_wait3A_761 = arith.constant 0 : i32
      %dma_wait3A_762 = tpu.memref_slice %arg18[%mul3A_746, %dma_wait3A_761] : memref<10240x64xf32, #tpu.memory_space<vmem_shared>> -> memref<640x64xf32, #tpu.memory_space<vmem_shared>>
      %dma_wait3A_763 = arith.constant 0 : i32
      %dma_wait3A_764 = tpu.memref_slice %arg18[%mul3A_746, %dma_wait3A_763] : memref<10240x64xf32, #tpu.memory_space<vmem_shared>> -> memref<640x64xf32, #tpu.memory_space<vmem_shared>>
      tpu.wait_dma2 semaphore(%run_scoped3A : memref<!tpu.dma_semaphore, #tpu.memory_space<semaphore_mem>>) src(%dma_wait3A_764 : memref<640x64xf32, #tpu.memory_space<vmem_shared>>) dst(%arg17 : memref<640x64xf32, #tpu.memory_space<vmem>>)
      tpu.yield
    }) : () -> ()
    %mul3A_747 = arith.constant 640 : i32
    %mul3A_748 = arith.muli %arg1, %mul3A_747 : i32
    "tpu.region"() ({
      %run_scoped3A = tpu.sem_alloc : memref<!tpu.dma_semaphore, #tpu.memory_space<semaphore_mem>>
      %dma_start3A_757 = arith.constant 0 : i32
      %dma_start3A_758 = tpu.memref_slice %arg5[%arg0, %mul3A_748, %dma_start3A_757] : memref<2x10240x64xf32, #tpu.memory_space<hbm>> -> memref<1x640x64xf32, #tpu.memory_space<hbm>>
      %dma_start3A_759 = tpu.memref_squeeze %dma_start3A_758 : memref<1x640x64xf32, #tpu.memory_space<hbm>> -> memref<640x64xf32, #tpu.memory_space<hbm>>
      %dma_start3A_760 = arith.constant 0 : i32
      %dma_start3A_761 = tpu.memref_slice %arg5[%arg0, %mul3A_748, %dma_start3A_760] : memref<2x10240x64xf32, #tpu.memory_space<hbm>> -> memref<1x640x64xf32, #tpu.memory_space<hbm>>
      %dma_start3A_762 = tpu.memref_squeeze %dma_start3A_761 : memref<1x640x64xf32, #tpu.memory_space<hbm>> -> memref<640x64xf32, #tpu.memory_space<hbm>>
      tpu.enqueue_dma source(%arg17 : memref<640x64xf32, #tpu.memory_space<vmem>>) target(%dma_start3A_762 : memref<640x64xf32, #tpu.memory_space<hbm>>) target_semaphore(%run_scoped3A : memref<!tpu.dma_semaphore, #tpu.memory_space<semaphore_mem>>)
      %dma_wait3A_763 = arith.constant 0 : i32
      %dma_wait3A_764 = tpu.memref_slice %arg5[%arg0, %mul3A_748, %dma_wait3A_763] : memref<2x10240x64xf32, #tpu.memory_space<hbm>> -> memref<1x640x64xf32, #tpu.memory_space<hbm>>
      %dma_wait3A_765 = tpu.memref_squeeze %dma_wait3A_764 : memref<1x640x64xf32, #tpu.memory_space<hbm>> -> memref<640x64xf32, #tpu.memory_space<hbm>>
      %dma_wait3A_766 = arith.constant 0 : i32
      %dma_wait3A_767 = tpu.memref_slice %arg5[%arg0, %mul3A_748, %dma_wait3A_766] : memref<2x10240x64xf32, #tpu.memory_space<hbm>> -> memref<1x640x64xf32, #tpu.memory_space<hbm>>
      %dma_wait3A_768 = tpu.memref_squeeze %dma_wait3A_767 : memref<1x640x64xf32, #tpu.memory_space<hbm>> -> memref<640x64xf32, #tpu.memory_space<hbm>>
      tpu.wait_dma2 semaphore(%run_scoped3A : memref<!tpu.dma_semaphore, #tpu.memory_space<semaphore_mem>>) src(%arg17 : memref<640x64xf32, #tpu.memory_space<vmem>>) dst(%dma_wait3A_768 : memref<640x64xf32, #tpu.memory_space<hbm>>)
      tpu.yield
    }) : () -> ()
    %mul3A_749 = arith.constant 40 : i32
    %mul3A_750 = arith.muli %arg1, %mul3A_749 : i32
    %mul3A_751 = arith.constant 40 : i32
    %mul3A_752 = arith.muli %arg1, %mul3A_751 : i32
    "tpu.region"() ({
      %run_scoped3A = tpu.sem_alloc : memref<!tpu.dma_semaphore, #tpu.memory_space<semaphore_mem>>
      %dma_start3A_757 = arith.constant 0 : i32
      %dma_start3A_758 = tpu.memref_slice %arg25[%mul3A_752, %dma_start3A_757] : memref<640x16xf32, #tpu.memory_space<vmem>> -> memref<40x16xf32, #tpu.memory_space<vmem>>
      %dma_start3A_759 = arith.constant 0 : i32
      %dma_start3A_760 = tpu.memref_slice %arg27[%mul3A_750, %dma_start3A_759] : memref<640x16xf32, #tpu.memory_space<vmem_shared>> -> memref<40x16xf32, #tpu.memory_space<vmem_shared>>
      %dma_start3A_761 = arith.constant 0 : i32
      %dma_start3A_762 = tpu.memref_slice %arg25[%mul3A_752, %dma_start3A_761] : memref<640x16xf32, #tpu.memory_space<vmem>> -> memref<40x16xf32, #tpu.memory_space<vmem>>
      %dma_start3A_763 = arith.constant 0 : i32
      %dma_start3A_764 = tpu.memref_slice %arg27[%mul3A_750, %dma_start3A_763] : memref<640x16xf32, #tpu.memory_space<vmem_shared>> -> memref<40x16xf32, #tpu.memory_space<vmem_shared>>
      tpu.enqueue_dma source(%dma_start3A_764 : memref<40x16xf32, #tpu.memory_space<vmem_shared>>) target(%dma_start3A_762 : memref<40x16xf32, #tpu.memory_space<vmem>>) target_semaphore(%run_scoped3A : memref<!tpu.dma_semaphore, #tpu.memory_space<semaphore_mem>>)
      %dma_wait3A_765 = arith.constant 0 : i32
      %dma_wait3A_766 = tpu.memref_slice %arg25[%mul3A_752, %dma_wait3A_765] : memref<640x16xf32, #tpu.memory_space<vmem>> -> memref<40x16xf32, #tpu.memory_space<vmem>>
      %dma_wait3A_767 = arith.constant 0 : i32
      %dma_wait3A_768 = tpu.memref_slice %arg27[%mul3A_750, %dma_wait3A_767] : memref<640x16xf32, #tpu.memory_space<vmem_shared>> -> memref<40x16xf32, #tpu.memory_space<vmem_shared>>
      %dma_wait3A_769 = arith.constant 0 : i32
      %dma_wait3A_770 = tpu.memref_slice %arg25[%mul3A_752, %dma_wait3A_769] : memref<640x16xf32, #tpu.memory_space<vmem>> -> memref<40x16xf32, #tpu.memory_space<vmem>>
      %dma_wait3A_771 = arith.constant 0 : i32
      %dma_wait3A_772 = tpu.memref_slice %arg27[%mul3A_750, %dma_wait3A_771] : memref<640x16xf32, #tpu.memory_space<vmem_shared>> -> memref<40x16xf32, #tpu.memory_space<vmem_shared>>
      tpu.wait_dma2 semaphore(%run_scoped3A : memref<!tpu.dma_semaphore, #tpu.memory_space<semaphore_mem>>) src(%dma_wait3A_772 : memref<40x16xf32, #tpu.memory_space<vmem_shared>>) dst(%dma_wait3A_770 : memref<40x16xf32, #tpu.memory_space<vmem>>)
      tpu.yield
    }) : () -> ()
    %mul3A_753 = arith.constant 40 : i32
    %mul3A_754 = arith.muli %arg1, %mul3A_753 : i32
    %mul3A_755 = arith.constant 40 : i32
    %mul3A_756 = arith.muli %arg1, %mul3A_755 : i32
    "tpu.region"() ({
      %run_scoped3A = tpu.sem_alloc : memref<!tpu.dma_semaphore, #tpu.memory_space<semaphore_mem>>
      %dma_start3A_757 = arith.constant 0 : i32
      %dma_start3A_758 = tpu.memref_slice %arg25[%mul3A_754, %dma_start3A_757] : memref<640x16xf32, #tpu.memory_space<vmem>> -> memref<40x16xf32, #tpu.memory_space<vmem>>
      %dma_start3A_759 = arith.constant 0 : i32
      %dma_start3A_760 = tpu.memref_slice %arg6[%arg0, %mul3A_756, %dma_start3A_759] : memref<2x640x16xf32, #tpu.memory_space<hbm>> -> memref<1x40x16xf32, #tpu.memory_space<hbm>>
      %dma_start3A_761 = tpu.memref_squeeze %dma_start3A_760 : memref<1x40x16xf32, #tpu.memory_space<hbm>> -> memref<40x16xf32, #tpu.memory_space<hbm>>
      %dma_start3A_762 = arith.constant 0 : i32
      %dma_start3A_763 = tpu.memref_slice %arg6[%arg0, %mul3A_756, %dma_start3A_762] : memref<2x640x16xf32, #tpu.memory_space<hbm>> -> memref<1x40x16xf32, #tpu.memory_space<hbm>>
      %dma_start3A_764 = tpu.memref_squeeze %dma_start3A_763 : memref<1x40x16xf32, #tpu.memory_space<hbm>> -> memref<40x16xf32, #tpu.memory_space<hbm>>
      %dma_start3A_765 = arith.constant 0 : i32
      %dma_start3A_766 = tpu.memref_slice %arg25[%mul3A_754, %dma_start3A_765] : memref<640x16xf32, #tpu.memory_space<vmem>> -> memref<40x16xf32, #tpu.memory_space<vmem>>
      tpu.enqueue_dma source(%dma_start3A_766 : memref<40x16xf32, #tpu.memory_space<vmem>>) target(%dma_start3A_764 : memref<40x16xf32, #tpu.memory_space<hbm>>) target_semaphore(%run_scoped3A : memref<!tpu.dma_semaphore, #tpu.memory_space<semaphore_mem>>)
      %dma_wait3A_767 = arith.constant 0 : i32
      %dma_wait3A_768 = tpu.memref_slice %arg25[%mul3A_754, %dma_wait3A_767] : memref<640x16xf32, #tpu.memory_space<vmem>> -> memref<40x16xf32, #tpu.memory_space<vmem>>
      %dma_wait3A_769 = arith.constant 0 : i32
      %dma_wait3A_770 = tpu.memref_slice %arg6[%arg0, %mul3A_756, %dma_wait3A_769] : memref<2x640x16xf32, #tpu.memory_space<hbm>> -> memref<1x40x16xf32, #tpu.memory_space<hbm>>
      %dma_wait3A_771 = tpu.memref_squeeze %dma_wait3A_770 : memref<1x40x16xf32, #tpu.memory_space<hbm>> -> memref<40x16xf32, #tpu.memory_space<hbm>>
      %dma_wait3A_772 = arith.constant 0 : i32
      %dma_wait3A_773 = tpu.memref_slice %arg6[%arg0, %mul3A_756, %dma_wait3A_772] : memref<2x640x16xf32, #tpu.memory_space<hbm>> -> memref<1x40x16xf32, #tpu.memory_space<hbm>>
      %dma_wait3A_774 = tpu.memref_squeeze %dma_wait3A_773 : memref<1x40x16xf32, #tpu.memory_space<hbm>> -> memref<40x16xf32, #tpu.memory_space<hbm>>
      %dma_wait3A_775 = arith.constant 0 : i32
      %dma_wait3A_776 = tpu.memref_slice %arg25[%mul3A_754, %dma_wait3A_775] : memref<640x16xf32, #tpu.memory_space<vmem>> -> memref<40x16xf32, #tpu.memory_space<vmem>>
      tpu.wait_dma2 semaphore(%run_scoped3A : memref<!tpu.dma_semaphore, #tpu.memory_space<semaphore_mem>>) src(%dma_wait3A_776 : memref<40x16xf32, #tpu.memory_space<vmem>>) dst(%dma_wait3A_774 : memref<40x16xf32, #tpu.memory_space<hbm>>)
      tpu.yield
    }) : () -> ()
    return
  }
}

module attributes {stable_mosaic.version = 14 : i64} {
  func.func @body(%arg0: memref<10000x128xf32, #tpu.memory_space<vmem>>, %arg1: memref<64x128xf32, #tpu.memory_space<vmem>>, %arg2: memref<64x128xf32, #tpu.memory_space<vmem>>, %arg3: memref<1x64xf32, #tpu.memory_space<vmem>>, %arg4: memref<10000x64xbf16, #tpu.memory_space<vmem>>, %arg5: memref<10000x64xf32, #tpu.memory_space<vmem>>) attributes {dimension_semantics = [], scalar_prefetch = 0 : i64, scratch_operands = 0 : i64, tpu.core_type = #tpu.core_type<tc>} {
    %get3A = arith.constant 0 : index
    %get3A_0 = arith.constant 0 : index
    %get3A_1 = vector.load %arg0[%get3A, %get3A_0] : memref<10000x128xf32, #tpu.memory_space<vmem>>, vector<10000x128xf32>
    %get3A_2 = arith.constant 0 : index
    %get3A_3 = arith.constant 0 : index
    %get3A_4 = vector.load %arg1[%get3A_2, %get3A_3] : memref<64x128xf32, #tpu.memory_space<vmem>>, vector<64x128xf32>
    %dot_general3A = arith.constant dense<0.000000e+00> : vector<10000x64xf32>
    %dot_general3A_5 = tpu.matmul %get3A_1, %get3A_4, %dot_general3A {dimension_numbers = #tpu.dot_dimension_numbers<[1], [1], [0], [0], [0, 0, 1, 0], [], []>, transpose_lhs_hint = false} : vector<10000x128xf32>, vector<64x128xf32>, vector<10000x64xf32> -> vector<10000x64xf32>
    %convert_element_type3A = arith.truncf %dot_general3A_5 : vector<10000x64xf32> to vector<10000x64xbf16>
    %swap3A = arith.constant 0 : index
    %swap3A_6 = arith.constant 0 : index
    %swap3A_7 = vector.load %arg4[%swap3A, %swap3A_6] : memref<10000x64xbf16, #tpu.memory_space<vmem>>, vector<10000x64xbf16>
    tpu.vector_store %arg4[%swap3A, %swap3A_6], %convert_element_type3A {strides = array<i32>} : memref<10000x64xbf16, #tpu.memory_space<vmem>>, vector<10000x64xbf16>,
    %get3A_8 = arith.constant 0 : index
    %get3A_9 = arith.constant 0 : index
    %get3A_10 = vector.load %arg2[%get3A_8, %get3A_9] : memref<64x128xf32, #tpu.memory_space<vmem>>, vector<64x128xf32>
    %dot_general3A_11 = arith.constant dense<0.000000e+00> : vector<10000x64xf32>
    %dot_general3A_12 = tpu.matmul %get3A_1, %get3A_10, %dot_general3A_11 {dimension_numbers = #tpu.dot_dimension_numbers<[1], [1], [0], [0], [0, 0, 1, 0], [], []>, transpose_lhs_hint = false} : vector<10000x128xf32>, vector<64x128xf32>, vector<10000x64xf32> -> vector<10000x64xf32>
    %get3A_13 = arith.constant 0 : index
    %get3A_14 = arith.constant 0 : index
    %get3A_15 = vector.load %arg3[%get3A_13, %get3A_14] : memref<1x64xf32, #tpu.memory_space<vmem>>, vector<1x64xf32>
    %add3A = vector.broadcast %get3A_15 : vector<1x64xf32> to vector<10000x64xf32>
    %add3A_16 = arith.addf %dot_general3A_12, %add3A : vector<10000x64xf32>
    %swap3A_17 = arith.constant 0 : index
    %swap3A_18 = arith.constant 0 : index
    %swap3A_19 = vector.load %arg5[%swap3A_17, %swap3A_18] : memref<10000x64xf32, #tpu.memory_space<vmem>>, vector<10000x64xf32>
    tpu.vector_store %arg5[%swap3A_17, %swap3A_18], %add3A_16 {strides = array<i32>} : memref<10000x64xf32, #tpu.memory_space<vmem>>, vector<10000x64xf32>,
    return
  }
}

module attributes {stable_mosaic.version = 14 : i64} {
  func.func @body(%arg0: memref<2x10240x64xf32, #tpu.memory_space<vmem>>, %arg1: memref<10000x1xf32, #tpu.memory_space<vmem>>, %arg2: memref<10000x1xf32, #tpu.memory_space<vmem>>, %arg3: memref<10000x64xf32, #tpu.memory_space<vmem>>, %arg4: memref<64x64xf32, #tpu.memory_space<vmem>>, %arg5: memref<64x64xf32, #tpu.memory_space<vmem>>, %arg6: memref<1x64xf32, #tpu.memory_space<vmem>>, %arg7: memref<10000x64xbf16, #tpu.memory_space<vmem>>, %arg8: memref<10000x64xf32, #tpu.memory_space<vmem>>) attributes {dimension_semantics = [], scalar_prefetch = 0 : i64, scratch_operands = 0 : i64, tpu.core_type = #tpu.core_type<tc>} {
    %get3A = arith.constant 0 : index
    %get3A_0 = arith.constant 0 : index
    %get3A_1 = vector.load %arg1[%get3A, %get3A_0] : memref<10000x1xf32, #tpu.memory_space<vmem>>, vector<10000x1xf32>
    %get3A_2 = arith.constant 0 : index
    %get3A_3 = arith.constant 0 : index
    %get3A_4 = vector.load %arg2[%get3A_2, %get3A_3] : memref<10000x1xf32, #tpu.memory_space<vmem>>, vector<10000x1xf32>
    %add3A = arith.addf %get3A_1, %get3A_4 : vector<10000x1xf32>
    %max3A = arith.constant 1.000000e+00 : f32
    %max3A_5 = vector.broadcast %max3A : f32 to vector<10000x1xf32>
    %max3A_6 = arith.maximumf %add3A, %max3A_5 : vector<10000x1xf32>
    %div3A = arith.constant 1.000000e+00 : f32
    %div3A_7 = vector.broadcast %div3A : f32 to vector<10000x1xf32>
    %div3A_8 = arith.divf %div3A_7, %max3A_6 : vector<10000x1xf32>
    %get3A_9 = arith.constant 0 : index
    %get3A_10 = arith.constant 0 : index
    %get3A_11 = arith.constant 0 : index
    %get3A_12 = vector.load %arg0[%get3A_9, %get3A_10, %get3A_11] : memref<2x10240x64xf32, #tpu.memory_space<vmem>>, vector<1x10000x64xf32>
    %get3A_13 = vector.shape_cast %get3A_12 : vector<1x10000x64xf32> to vector<10000x64xf32>
    %get3A_14 = arith.constant 1 : index
    %get3A_15 = arith.constant 0 : index
    %get3A_16 = arith.constant 0 : index
    %get3A_17 = vector.load %arg0[%get3A_14, %get3A_15, %get3A_16] : memref<2x10240x64xf32, #tpu.memory_space<vmem>>, vector<1x10000x64xf32>
    %get3A_18 = vector.shape_cast %get3A_17 : vector<1x10000x64xf32> to vector<10000x64xf32>
    %add3A_19 = arith.addf %get3A_13, %get3A_18 : vector<10000x64xf32>
    %mul3A = vector.broadcast %div3A_8 : vector<10000x1xf32> to vector<10000x64xf32>
    %mul3A_20 = arith.mulf %add3A_19, %mul3A : vector<10000x64xf32>
    %get3A_21 = arith.constant 0 : index
    %get3A_22 = arith.constant 0 : index
    %get3A_23 = vector.load %arg3[%get3A_21, %get3A_22] : memref<10000x64xf32, #tpu.memory_space<vmem>>, vector<10000x64xf32>
    %add3A_24 = arith.addf %mul3A_20, %get3A_23 : vector<10000x64xf32>
    %max3A_25 = arith.constant 0.000000e+00 : f32
    %max3A_26 = vector.broadcast %max3A_25 : f32 to vector<10000x64xf32>
    %max3A_27 = arith.maximumf %add3A_24, %max3A_26 : vector<10000x64xf32>
    %get3A_28 = arith.constant 0 : index
    %get3A_29 = arith.constant 0 : index
    %get3A_30 = vector.load %arg4[%get3A_28, %get3A_29] : memref<64x64xf32, #tpu.memory_space<vmem>>, vector<64x64xf32>
    %dot_general3A = arith.constant dense<0.000000e+00> : vector<10000x64xf32>
    %dot_general3A_31 = tpu.matmul %max3A_27, %get3A_30, %dot_general3A {dimension_numbers = #tpu.dot_dimension_numbers<[1], [1], [0], [0], [0, 0, 1, 0], [], []>, transpose_lhs_hint = false} : vector<10000x64xf32>, vector<64x64xf32>, vector<10000x64xf32> -> vector<10000x64xf32>
    %convert_element_type3A = arith.truncf %dot_general3A_31 : vector<10000x64xf32> to vector<10000x64xbf16>
    %swap3A = arith.constant 0 : index
    %swap3A_32 = arith.constant 0 : index
    %swap3A_33 = vector.load %arg7[%swap3A, %swap3A_32] : memref<10000x64xbf16, #tpu.memory_space<vmem>>, vector<10000x64xbf16>
    tpu.vector_store %arg7[%swap3A, %swap3A_32], %convert_element_type3A {strides = array<i32>} : memref<10000x64xbf16, #tpu.memory_space<vmem>>, vector<10000x64xbf16>,
    %get3A_34 = arith.constant 0 : index
    %get3A_35 = arith.constant 0 : index
    %get3A_36 = vector.load %arg5[%get3A_34, %get3A_35] : memref<64x64xf32, #tpu.memory_space<vmem>>, vector<64x64xf32>
    %dot_general3A_37 = arith.constant dense<0.000000e+00> : vector<10000x64xf32>
    %dot_general3A_38 = tpu.matmul %max3A_27, %get3A_36, %dot_general3A_37 {dimension_numbers = #tpu.dot_dimension_numbers<[1], [1], [0], [0], [0, 0, 1, 0], [], []>, transpose_lhs_hint = false} : vector<10000x64xf32>, vector<64x64xf32>, vector<10000x64xf32> -> vector<10000x64xf32>
    %get3A_39 = arith.constant 0 : index
    %get3A_40 = arith.constant 0 : index
    %get3A_41 = vector.load %arg6[%get3A_39, %get3A_40] : memref<1x64xf32, #tpu.memory_space<vmem>>, vector<1x64xf32>
    %add3A_42 = vector.broadcast %get3A_41 : vector<1x64xf32> to vector<10000x64xf32>
    %add3A_43 = arith.addf %dot_general3A_38, %add3A_42 : vector<10000x64xf32>
    %swap3A_44 = arith.constant 0 : index
    %swap3A_45 = arith.constant 0 : index
    %swap3A_46 = vector.load %arg8[%swap3A_44, %swap3A_45] : memref<10000x64xf32, #tpu.memory_space<vmem>>, vector<10000x64xf32>
    tpu.vector_store %arg8[%swap3A_44, %swap3A_45], %add3A_43 {strides = array<i32>} : memref<10000x64xf32, #tpu.memory_space<vmem>>, vector<10000x64xf32>,
    return
  }
}

module attributes {stable_mosaic.version = 14 : i64} {
  func.func @body(%arg0: memref<2x10240x64xf32, #tpu.memory_space<vmem>>, %arg1: memref<10000x1xf32, #tpu.memory_space<vmem>>, %arg2: memref<10000x1xf32, #tpu.memory_space<vmem>>, %arg3: memref<10000x64xf32, #tpu.memory_space<vmem>>, %arg4: memref<10000x64xf32, #tpu.memory_space<vmem>>) attributes {dimension_semantics = [], scalar_prefetch = 0 : i64, scratch_operands = 0 : i64, tpu.core_type = #tpu.core_type<tc>} {
    %get3A = arith.constant 0 : index
    %get3A_0 = arith.constant 0 : index
    %get3A_1 = vector.load %arg1[%get3A, %get3A_0] : memref<10000x1xf32, #tpu.memory_space<vmem>>, vector<10000x1xf32>
    %get3A_2 = arith.constant 0 : index
    %get3A_3 = arith.constant 0 : index
    %get3A_4 = vector.load %arg2[%get3A_2, %get3A_3] : memref<10000x1xf32, #tpu.memory_space<vmem>>, vector<10000x1xf32>
    %add3A = arith.addf %get3A_1, %get3A_4 : vector<10000x1xf32>
    %max3A = arith.constant 1.000000e+00 : f32
    %max3A_5 = vector.broadcast %max3A : f32 to vector<10000x1xf32>
    %max3A_6 = arith.maximumf %add3A, %max3A_5 : vector<10000x1xf32>
    %div3A = arith.constant 1.000000e+00 : f32
    %div3A_7 = vector.broadcast %div3A : f32 to vector<10000x1xf32>
    %div3A_8 = arith.divf %div3A_7, %max3A_6 : vector<10000x1xf32>
    %get3A_9 = arith.constant 0 : index
    %get3A_10 = arith.constant 0 : index
    %get3A_11 = arith.constant 0 : index
    %get3A_12 = vector.load %arg0[%get3A_9, %get3A_10, %get3A_11] : memref<2x10240x64xf32, #tpu.memory_space<vmem>>, vector<1x10000x64xf32>
    %get3A_13 = vector.shape_cast %get3A_12 : vector<1x10000x64xf32> to vector<10000x64xf32>
    %get3A_14 = arith.constant 1 : index
    %get3A_15 = arith.constant 0 : index
    %get3A_16 = arith.constant 0 : index
    %get3A_17 = vector.load %arg0[%get3A_14, %get3A_15, %get3A_16] : memref<2x10240x64xf32, #tpu.memory_space<vmem>>, vector<1x10000x64xf32>
    %get3A_18 = vector.shape_cast %get3A_17 : vector<1x10000x64xf32> to vector<10000x64xf32>
    %add3A_19 = arith.addf %get3A_13, %get3A_18 : vector<10000x64xf32>
    %mul3A = vector.broadcast %div3A_8 : vector<10000x1xf32> to vector<10000x64xf32>
    %mul3A_20 = arith.mulf %add3A_19, %mul3A : vector<10000x64xf32>
    %get3A_21 = arith.constant 0 : index
    %get3A_22 = arith.constant 0 : index
    %get3A_23 = vector.load %arg3[%get3A_21, %get3A_22] : memref<10000x64xf32, #tpu.memory_space<vmem>>, vector<10000x64xf32>
    %add3A_24 = arith.addf %mul3A_20, %get3A_23 : vector<10000x64xf32>
    %swap3A = arith.constant 0 : index
    %swap3A_25 = arith.constant 0 : index
    %swap3A_26 = vector.load %arg4[%swap3A, %swap3A_25] : memref<10000x64xf32, #tpu.memory_space<vmem>>, vector<10000x64xf32>
    tpu.vector_store %arg4[%swap3A, %swap3A_25], %add3A_24 {strides = array<i32>} : memref<10000x64xf32, #tpu.memory_space<vmem>>, vector<10000x64xf32>,
    return
  }
}

</mosaic_0001>

<sc_bundles>
// kernel: kernel.10.cloned.1.call-start
scs
__scs_entry_jumppad:
0x0: {  	(pc) =	sbr.rel $0x88, $3  }
0x1: {  	(tag) =	ssettag $0x0;
	lr =	simm.s32 $0x1  }
0x2: {  	[smem:$0x3F99] =	sst lr;
	_ =	strace $0xD0000000  }
0x3: {  	_ = 	snop  }
0x4: {  	_ = 	snop  }
0x5: {  	_ = 	snop  }
0x6: {  	_ = 	snop  }
0x7: {  	_ = 	snop  }
__scs_overlays_trampoline_lowered:
0x8: {  	[smem:$0x3FA8] =	sst s0  }
0x9: {  	[smem:$0x3FA9] =	sst s1  }
0xa: {  	[smem:$0x3FAA] =	sst s2  }
0xb: {  	[smem:$0x3FAB] =	sst s3  }
0xc: {  	[smem:$0x3FAC] =	sst s4  }
0xd: {  	[smem:$0x3FAD] =	sst s5  }
0xe: {  	[smem:$0x3FAE] =	sst s6  }
0xf: {  	[smem:$0x3FAF] =	sst s7  }
0x10: {  	[smem:$0x3FB0] =	sst s8  }
0x11: {  	[smem:$0x3FB1] =	sst s9;
	s0 =	simm.s32 @!p0 $0x0  }
0x12: {  	s1 =	sld [smem:$0x3F97];
	s0 =	simm.s32 @p0 $0x1  }
0x13: {  	[smem:$0x3FB2] =	sst s0;
	s0 =	simm.s32 @!p1 $0x0  }
0x14: {  	s2 =	sld [smem:$0x3F96];
	s0 =	simm.s32 @p1 $0x1  }
0x15: {  	[smem:$0x3FB3] =	sst s0;
	s0 =	simm.s32 @!p2 $0x0  }
0x16: {  	s3 =	sld [smem:$0x3FDB];
	s0 =	simm.s32 @p2 $0x1  }
0x17: {  	s4 =	simm.s32 $0x1BF5;
	[smem:$0x3FB5] =	sst s0  }
0x18: {  	s0 =	sld [smem:$0x3F98];
	_ =	swait.ge [sflag:s4], $0x0  }
0x19: {  	s7 =	sld [smem:$0x3F99]  }
0x1a: {  	s8 =	sadd.s32 $0xFFFFE003, lr  }
0x1b: {  	s9 =	sadd.s32 $0xFFFFFEF7, lr;
	s5 =	simm.s32 $0xFFFFFFFF;
	p2 =	slt.u32 s8, $0xFFFFF086  }
0x1c: {  	p1 =	slt.u32 s9, $0xF7A;
	s5 =	simm.s32 @!p2 $0x0  }
0x1d: {  	s5 =	simm.s32 @p1 $0x1;
	p0 =	seq.s32 s7, s2  }
0x1e: {  	s7 =	smul.u32 @!p0 $0xF7A, s2;
	p2 =	seq.s32 @!p0 s5, $0x0  }
0x1f: {  	s9 =	smul.u32 $0xF7A, s1;
	s8 =	simm.s32 @!p0 $0x1BF5;
	p2 =	por !p2, p0  }
0x20: {  	[sflag:s8] =	ssyncset.s32 @!p0 $0xFFFFF086;
	s6 =	sadd.s32 @!p0 s3, s7;
	s7 =	simm.s32 @!p0 $0x108  }
0x21: {  	s3 =	sadd.s32 s3, s9;
	s6 =	sadd.s32 @!p0 $0x88, s6;
	s7 =	simm.s32 @p2 $0x1082  }
0x22: {  	[simem:s7], [sflag:s8] =	dma.local @!p0 [hbm:s6], $0xF7A  }
0x23: {  	s9 =	sor.u32 $0xD0000000, s2;
	s6 =	simm.s32 $0x108;
	_ =	swait.ge @!p0 [sflag:s8], $0x0  }
0x24: {  	s3 =	sadd.s32 $0x88, s3;
	s6 =	simm.s32 @!p1 $0x1082;
	[sflag:s4] =	ssyncset.s32 $0xFFFFF086  }
0x25: {  	[simem:s6], [sflag:s4] =	dma.local [hbm:s3], $0xF7A  }
0x26: {  	[smem:$0x3F99] =	sst s1;
	(tag) =	ssettag s2;
	_ =	strace s9  }
0x27: {  	s1 =	sld [smem:$0x3FA9]  }
0x28: {  	s2 =	sld [smem:$0x3FAA]  }
0x29: {  	s4 =	sld [smem:$0x3FAC]  }
0x2a: {  	p0 =	seq.s32 s5, $0x0;
	s5 =	sld [smem:$0x3FAD]  }
0x2b: {  	s6 =	sld [smem:$0x3FAE]  }
0x2c: {  	s7 =	sld [smem:$0x3FAF]  }
0x2d: {  	s3 =	simm.s32 $0x108;
	s8 =	sld [smem:$0x3FB0]  }
0x2e: {  	s3 =	simm.s32 @!p0 $0x1082;
	s9 =	sld [smem:$0x3FB1]  }
0x2f: {  	lr =	sadd.s32 s0, s3;
	s0 =	sld [smem:$0x3FA8]  }
0x30: {  	s3 =	sld [smem:$0x3FAB]  }
0x31: {  	[smem:$0x3FB4] =	sst s10  }
0x32: {  	s10 =	sld [smem:$0x3FB2];
	_ =	sdelay $0x3  }
0x33: {  	p0 =	seq.s32 s10, $0x1;
	s10 =	sld [smem:$0x3FB4];
	_ =	sdelay $0x3  }
0x34: {  	[smem:$0x3FB4] =	sst s10  }
0x35: {  	s10 =	sld [smem:$0x3FB3];
	_ =	sdelay $0x3  }
0x36: {  	p1 =	seq.s32 s10, $0x1;
	s10 =	sld [smem:$0x3FB4];
	_ =	sdelay $0x3  }
0x37: {  	[smem:$0x3FB4] =	sst s10  }
0x38: {  	s10 =	sld [smem:$0x3FB5]  }
0x39: {  	_ = 	snop;
	(pc) =	sbr.ind lr, $3  }
0x3a: {  	_ = 	snop  }
0x3b: {  	_ = 	snop  }
0x3c: {  	p2 =	seq.s32 s10, $0x1;
	s10 =	sld [smem:$0x3FB4]  }
0x3d: {  	_ =	shalt  }
0x3e: {  	_ =	shalt  }
0x3f: {  	_ =	shalt  }
0x40: {  	_ =	shalt  }
0x41: {  	_ =	shalt  }
0x42: {  	_ =	shalt  }
0x43: {  	_ =	shalt  }
0x44: {  	_ =	shalt  }
0x45: {  	_ =	shalt  }
0x46: {  	_ =	shalt  }
0x47: {  	_ =	shalt  }
0x48: {  	_ =	shalt  }
0x49: {  	_ =	shalt  }
0x4a: {  	_ =	shalt  }
0x4b: {  	_ =	shalt  }
0x4c: {  	_ =	shalt  }
0x4d: {  	_ =	shalt  }
0x4e: {  	_ =	shalt  }
0x4f: {  	_ =	shalt  }
0x50: {  	_ =	shalt  }
0x51: {  	_ =	shalt  }
0x52: {  	_ =	shalt  }
0x53: {  	_ =	shalt  }
0x54: {  	_ =	shalt  }
0x55: {  	_ =	shalt  }
0x56: {  	_ =	shalt  }
0x57: {  	_ =	shalt  }
0x58: {  	_ =	shalt  }
0x59: {  	_ =	shalt  }
0x5a: {  	_ =	shalt  }
0x5b: {  	_ =	shalt  }
0x5c: {  	_ =	shalt  }
0x5d: {  	_ =	shalt  }
0x5e: {  	_ =	shalt  }
0x5f: {  	_ =	shalt  }
0x60: {  	_ =	shalt  }
0x61: {  	_ =	shalt  }
0x62: {  	_ =	shalt  }
0x63: {  	_ =	shalt  }
0x64: {  	_ =	shalt  }
0x65: {  	_ =	shalt  }
0x66: {  	_ =	shalt  }
0x67: {  	_ =	shalt  }
0x68: {  	_ =	shalt  }
0x69: {  	_ =	shalt  }
0x6a: {  	_ =	shalt  }
0x6b: {  	_ =	shalt  }
0x6c: {  	_ =	shalt  }
0x6d: {  	_ =	shalt  }
0x6e: {  	_ =	shalt  }
0x6f: {  	_ =	shalt  }
0x70: {  	_ =	shalt  }
0x71: {  	_ =	shalt  }
0x72: {  	_ =	shalt  }
0x73: {  	_ =	shalt  }
0x74: {  	_ =	shalt  }
0x75: {  	_ =	shalt  }
0x76: {  	_ =	shalt  }
0x77: {  	_ =	shalt  }
0x78: {  	_ =	shalt  }
0x79: {  	_ =	shalt  }
0x7a: {  	_ =	shalt  }
0x7b: {  	_ =	shalt  }
0x7c: {  	_ =	shalt  }
0x7d: {  	_ =	shalt  }
0x7e: {  	_ =	shalt  }
0x7f: {  	_ =	shalt  }
0x80: {  	_ =	shalt  }
0x81: {  	_ =	shalt  }
0x82: {  	_ =	shalt  }
0x83: {  	_ =	shalt  }
0x84: {  	_ =	shalt  }
0x85: {  	_ =	shalt  }
0x86: {  	_ =	shalt  }
0x87: {  	_ =	shalt  }
.Lfunc_end0:
.L_simem_size_0:
called_computation.1_lowered:
.L_overlay_start_0:
0x88: {  	s2 =	sld [smem:$0x3FD9]  }
0x89: {  	s3 =	sld [smem:$0x3FFE];
	_ =	sdelay $0x1  }
0x8a: {  	s1 =	srdreg.scid  }
0x8b: {  	s0 =	sand.u32 $0x1, s1  }
0x8c: {  	s17 =	sshll.u32 s0, $0xA;
	s2 =	sadd.s32 s3, s2  }
0x8d: {  	s2 =	sadd.s32 s2, s17  }
0x8e: {  	[smem:$0x3FC0] =	sst s2  }
0x8f: {  	_ = 	snop  }
0x90: {  	s2 =	sld [smem:$0x3FD0];
	(tm) =	ssettm $0x1  }
0x91: {  	s18 =	sld [smem:$0x3FFB];
	_ =	sdelay $0x3  }
0x92: {  	_ =	strace s18  }
0x93: {  	s3 =	sld [smem:$0x3FFC];
	_ =	sdelay $0x3  }
0x94: {  	_ =	strace s3  }
0x95: {  	s3 =	sld [smem:$0x3FFD];
	_ =	sdelay $0x3  }
0x96: {  	_ =	strace s3  }
0x97: {  	_ =	strace $0x8FFFFFFF  }
0x98: {  	s19 =	sld [smem:$0x3FDB];
	_ =	sdelay $0x1  }
0x99: {  	s4 =	simm.s32 $_scs_section_size  }
0x9a: {  	s5 =	simm.s32 $_size__tile_overlayer_lowered;
	s6 =	simm.s32 $_tile_overlayer_lowered  }
0x9b: {  	s22 =	simm.s32 $0x1BFF;
	s21 =	sshll.u32 s6, $0x1;
	s3 =	sadd.s32 s4, s19  }
0x9c: {  	s7 =	simm.s32 $0x0;
	s20 =	sshll.u32 s5, $0x1;
	s5 =	sadd.s32 s21, s3  }
0x9d: {  	[timem:s7], [sflag:s22] =	dma.local [hbm:s5], s20  }
0x9e: {  	_ =	swait.ge [sflag:s22], s20  }
0x9f: {  	s4 =	ssub.s32 $0x0, s20;
	[sflag:s22] =	ssyncset.done $0x0  }
0xa0: {  	[sflag:s22] =	ssyncadd.s32 s4;
	_ =	sdelay $0x1  }
0xa1: {  	s23 =	simm.s32 $0x1B8B  }
0xa2: {  	_ =	swait.ge [sflag:s23], $0x1  }
0xa3: {  	[sflag:s23] =	ssyncset.done $0x0  }
0xa4: {  	s25 =	simm.s32 $0x1B8E;
	s24 =	sld [smem:$0x3FFE];
	[sflag:s23] =	ssyncadd.s32 $0xFFFFFFFF  }
0xa5: {  	s26 =	simm.s32 $execute0_lowered;
	[smem:$0x3FD2] =	sst s25  }
0xa6: {  	s5 =	sshll.u32 s26, $0x1;
	_ =	strace $0x80000049;
	[dreg:$0x1] =	wrdreg $0xFFFFFFFF  }
0xa7: {  	s28 =	simm.s32 $_size_execute0_lowered;
	s3 =	sadd.s32 s3, s5;
	[dreg:$0x0] =	wrdreg $0x0  }
0xa8: {  	s5 =	sshll.u32 s28, $0x1;
	[dreg:$0x2] =	wrdreg s3  }
0xa9: {  	[dreg:$0x3] =	wrdreg s5  }
0xaa: {  	[dreg:$0x4] =	wrdreg $0xC0  }
0xab: {  	_ =	task [dreg:s7], $0x5FFFF  }
0xac: {  	[dreg:$0x1] =	wrdreg $0xFFFFFFFF  }
0xad: {  	[dreg:$0x0] =	wrdreg $0x60  }
0xae: {  	[dreg:$0x2] =	wrdreg s24  }
0xaf: {  	[dreg:$0x3] =	wrdreg s2  }
0xb0: {  	[dreg:$0x4] =	wrdreg $0x103000  }
0xb1: {  	[dreg:$0x5] =	wrdreg $0x9  }
0xb2: {  	_ =	task.clear_ibuf [dreg:s7], $0x6FFFF;
	_ =	strace $0x90000049  }
0xb3: {  	s29 =	simm.s32 $0x9;
	_ =	strace $0x8000004B  }
0xb4: {  	_ =	swait.ge [sflag:s29], $0x1  }
0xb5: {  	[sflag:s29] =	ssyncadd.s32 $0xFFFFFFFF  }
0xb6: {  	_ =	strace $0x9000004B  }
0xb7: {  	_ =	sfence  }
0xb8: {  	s30 =	sld [smem:$0x0];
	_ =	sdelay $0x2  }
0xb9: {  	s31 =	sshll.u32 s1, $0xD;
	s1 =	sshrl.u32 s1, $0x2  }
0xba: {  	s3 =	sand.u32 $0x4000, s31;
	s1 =	sadd.s32 s1, s30  }
0xbb: {  	s0 =	sor.u32 s3, s0;
	s1 =	sshll.u32 s1, $0x11  }
0xbc: {  	s0 =	sor.u32 s1, s0  }
0xbd: {  	s0 =	sadd.s32 $0x8F2B, s0  }
0xbe: {  	[sflag:s0] =	ssyncadd.remote.s32 $0x1  }
0xbf: {  	_ =	sfence.sel $0xFFFF  }
0xc0: {  	[dreg:$0x0] =	wrdreg $0xFFFFFFFF;
	(pc) =	sbr.abs _section_cstart, $3  }
0xc1: {  	[dreg:$0x1] =	wrdreg $0xFFFFFFFF  }
0xc2: {  	_ =	task.clear_ibuf [dreg:s7], $0x2FFFF;
	_ =	strace $0x9FFFFFFF  }
0xc3: {  	(tm) =	ssettm $0x7FFFFFFF  }
tec
execute0_lowered:
.L_overlay_start_1:
0x0: {  	(tag) =	ssettag $0x1  }
0x1: {  	s0 =	rddreg [dreg:$0x0]  }
0x2: {  	s2 =	rddreg [dreg:$0x1]  }
0x3: {  	s3 =	rddreg [dreg:$0x2];
	s1 =	srdreg.scid  }
0x4: {  	s5 =	stileid.u32;
	s6 =	simm.s32 $0x0;
	s15 =	simm.s32 $0x6300  }
0x5: {  	s28 =	simm.s32 $0x4;
	s29 =	simm.s32 $0x1200;
	s30 =	simm.s32 $0x1  }
0x6: {  	s31 =	simm.s32 $0x6200;
	s11 =	simm.s32 $0x0;
	s1 =	sand.u32 $0x1, s1  }
0x7: {  	s4 =	smul.u32 $0xA000, s5;
	[smem:$0x7FF] =	sst s6;
	s7 =	sshll.u32 s5, $0x1  }
0x8: {  	s5 =	sadd.s32 $0x1200, s0;
	s17 =	smul.u32 $0xA0000, s1;
	s7 =	sor.u32 s1, s7  }
0x9: {  	_ =	strace $0x8000004A;
	s1 =	ssub.s32 $0x2, s1;
	s9 =	smul.u32 $0x2800, s7  }
0xa: {  	s18 =	sshrl.u32 s1, $0x1;
	s7 =	sadd.s32 s4, s3;
	s6 =	sadd.s32 s4, s17  }
0xb: {  	s1 =	ssub.s32 s1, s18;
	s8 =	sshrl.u32 s6, $0x3;
	s6 =	sadd.s32 $0x32200, s0  }
0xc: {  	s19 =	sshrl.u32 s9, $0x3;
	s16 =	sor.u32 $0x100, s9;
	s17 =	sor.u32 $0x180, s9  }
0xd: {  	s26 =	smax.u32 s1, $0x1;
	s1 =	simm.s32 $0x2;
	s9 =	simm.s32 $0x5  }
0xe: {  	s0 =	sadd.s32 s8, s0;
	s20 =	sadd.s32 s2, s19;
	[dreg:$0xd] =	wrdreg s26  }
0xf: {  	s21 =	sadd.s32 s6, s19;
	s22 =	sor.u32 $0x10, s19;
	[dreg:$0x4] =	wrdreg s20  }
0x10: {  	s23 =	sor.u32 $0x20, s19;
	[dreg:$0x5] =	wrdreg s21;
	s10 =	sadd.s32 s2, s22  }
0x11: {  	s4 =	sor.u32 $0x30, s19;
	s8 =	sadd.s32 s6, s22;
	[dreg:$0x6] =	wrdreg s10  }
0x12: {  	s26 =	simm.s32 $0x180;
	s24 =	sadd.s32 s2, s23;
	[dreg:$0x7] =	wrdreg s8  }
0x13: {  	s25 =	sadd.s32 s2, s4;
	s4 =	sadd.s32 s6, s4;
	[dreg:$0x8] =	wrdreg s24  }
0x14: {  	s0 =	sadd.s32 $0x3C200, s0;
	s21 =	simm.s32 $0x7;
	[dreg:$0xa] =	wrdreg s25  }
0x15: {  	s22 =	simm.s32 $0x100;
	s8 =	sadd.s32 s6, s23;
	[dreg:$0xb] =	wrdreg s4  }
0x16: {  	[dreg:$0xc] =	wrdreg s0;
	s23 =	simm.s32 $0x3;
	s24 =	simm.s32 $0x80  }
0x17: {  	s25 =	simm.s32 $0x200;
	s0 =	simm.s32 $0x2200;
	s4 =	simm.s32 $0x6280  }
0x18: {  	v0 =	vimm.f32 $0.0e+00;
	s10 =	simm.s32 $0x6;
	[dreg:$0x9] =	wrdreg s8;
	s8 =	simm.s32 $0x4200  }
.LBB2_1:
0x19: {  	s13 =	simm.s32 $0x100;
	s12 =	simm.s32 $0x0  }
.LBB2_2:
0x1a: {  	p0 =	sne.s32 s13, $0x27F00;
	[tilespmem:s12+$0x6330] =	vst v0;
	s14 =	smov.u32 s13;
	s13 =	sadd.s32 $0x100, s13  }
.Ltmp0:
0x1b: {  	[tilespmem:s12+$0x6320] =	vst v0;
	(pc) =	sbr.rel @p0 .LBB2_2-.Ltmp0, $3  }
0x1c: {  	[tilespmem:s12+$0x6300] =	vst v0  }
0x1d: {  	[tilespmem:s12+$0x6310] =	vst v0;
	_ =	sdelay $0x1  }
0x1e: {  	s12 =	sshra.s32 s14, $0x2  }
0x1f: {  	[tilespmem:s12+$0x6330] =	vst v0  }
0x20: {  	[tilespmem:s12+$0x6320] =	vst v0  }
0x21: {  	[tilespmem:s12+$0x6300] =	vst v0  }
0x22: {  	[tilespmem:s12+$0x6310] =	vst v0  }
0x23: {  	[spmem:s7] =	stream.linear.scatter [tilespmem:s15], [sflag:$0x7], $0xA000, $0x38;
	[tilespmem:$0x1A300] =	vst v63  }
0x24: {  	_ =	swait.ge [sflag:s21], $0xA000  }
0x25: {  	[sflag:s21] =	ssyncset.done $0x0  }
0x26: {  	[sflag:s21] =	ssyncadd.s32 $0xFFFF6000  }
0x27: {  	[bflag:$0x0] =	sbarrier.arrive $0xFFFF  }
0x28: {  	s12 =	simm.s32 $0x0;
	s13 =	rddreg [dreg:$0x4]  }
0x29: {  	[tilespmem:s12], [sflag:$0x3] =	stream.linear.gather [hbm4b:s13+s12], $0x80, $0x38;
	[tilespmem:$0x1A300] =	vst v63  }
0x2a: {  	s14 =	rddreg [dreg:$0x5]  }
0x2b: {  	[tilespmem:s22], [sflag:$0x3] =	stream.linear.gather [hbm4b:s14+s12], $0x80, $0x38;
	[tilespmem:$0x1A300] =	vst v63  }
0x2c: {  	_ =	swait.ge [sflag:s23], $0x80  }
0x2d: {  	[sflag:s23] =	ssyncset.done $0x0  }
0x2e: {  	[sflag:s23] =	ssyncadd.s32 $0xFFFFFF80  }
0x2f: {  	_ =	swait.ge [sflag:s23], $0x80  }
0x30: {  	[sflag:s23] =	ssyncset.done $0x0  }
0x31: {  	[sflag:s23] =	ssyncadd.s32 $0xFFFFFF80  }
0x32: {  	[tilespmem:s25], [sflag:$0x1] =	stream.indirect.gather [hbm4b:s5+s24], $0x20, s12, s24, $0xb8;
	[tilespmem:$0x1A300] =	vst v63  }
0x33: {  	s15 =	rddreg [dreg:$0x6]  }
0x34: {  	[tilespmem:s24], [sflag:$0x4] =	stream.linear.gather [hbm4b:s15+s12], $0x80, $0x38;
	[tilespmem:$0x1A300] =	vst v63  }
0x35: {  	s18 =	rddreg [dreg:$0x7]  }
0x36: {  	[tilespmem:s26], [sflag:$0x4] =	stream.linear.gather [hbm4b:s18+s12], $0x80, $0x38;
	[tilespmem:$0x1A300] =	vst v63  }
0x37: {  	_ =	swait.ge [sflag:s28], $0x80  }
0x38: {  	[sflag:s28] =	ssyncset.done $0x0  }
0x39: {  	[sflag:s28] =	ssyncadd.s32 $0xFFFFFF80  }
0x3a: {  	_ =	swait.ge [sflag:s28], $0x80  }
0x3b: {  	[sflag:s28] =	ssyncset.done $0x0  }
0x3c: {  	[sflag:s28] =	ssyncadd.s32 $0xFFFFFF80  }
0x3d: {  	[tilespmem:s29], [sflag:$0x2] =	stream.indirect.gather [hbm4b:s5+s24], $0x20, s24, s24, $0xb8;
	[tilespmem:$0x1A300] =	vst v63  }
0x3e: {  	_ =	swait.ge [sflag:s30], $0x1000  }
0x3f: {  	[sflag:s30] =	ssyncset.done $0x0  }
0x40: {  	[sflag:s30] =	ssyncadd.s32 $0xFFFFF000  }
0x41: {  	v1 =	vld [tilespmem:$0x100]  }
0x42: {  	v2 =	vld [tilespmem:$0x110]  }
0x43: {  	v3 =	vld [tilespmem:$0x120]  }
0x44: {  	v4 =	vld [tilespmem:$0x130]  }
0x45: {  	v5 =	vld [tilespmem:$0x140]  }
0x46: {  	[tilespmem:$0x6200] =	vst v1;
	v1 =	vld [tilespmem:$0x150]  }
0x47: {  	[tilespmem:$0x6210] =	vst v2;
	v2 =	vld [tilespmem:$0x160]  }
0x48: {  	[tilespmem:$0x6220] =	vst v3;
	v3 =	vld [tilespmem:$0x170]  }
0x49: {  	[tilespmem:$0x6230] =	vst v4  }
0x4a: {  	[tilespmem:$0x6240] =	vst v5  }
0x4b: {  	[tilespmem:$0x6250] =	vst v1  }
0x4c: {  	[tilespmem:$0x6260] =	vst v2  }
0x4d: {  	s19 =	rddreg [dreg:$0x8];
	[tilespmem:$0x6270] =	vst v3  }
0x4e: {  	[tilespmem:s12], [sflag:$0x3] =	stream.linear.gather [hbm4b:s19+s12], $0x80, $0x38;
	[tilespmem:$0x1A300] =	vst v63  }
0x4f: {  	s13 =	simm.s32 $0x0;
	s20 =	rddreg [dreg:$0x9]  }
0x50: {  	[tilespmem:s22], [sflag:$0x3] =	stream.linear.gather [hbm4b:s20+s12], $0x80, $0x38;
	[tilespmem:$0x1A300] =	vst v63  }
0x51: {  	v1 =	vld [tilespmem:s13+$0x200];
	_ =	sdelay $0x4  }
0x52: {  	s12 =	simm.s32 $0x2280;
	v2 =	vshll.u32 v1, $0x10  }
0x53: {  	v1 =	vand.u32 $0xFFFF0000, v1;
	[tilespmem:s12+$0xFFFFFF80] =	vst v2  }
0x54: {  	[tilespmem:s12+$0xFFFFFF90] =	vst v1  }
0x55: {  	v1 =	vld [tilespmem:s13+$0x210];
	_ =	sdelay $0x4  }
0x56: {  	v2 =	vshll.u32 v1, $0x10  }
0x57: {  	v1 =	vand.u32 $0xFFFF0000, v1;
	[tilespmem:s12+$0xFFFFFFA0] =	vst v2  }
0x58: {  	[tilespmem:s12+$0xFFFFFFB0] =	vst v1  }
0x59: {  	v1 =	vld [tilespmem:s13+$0x220];
	_ =	sdelay $0x4  }
0x5a: {  	v2 =	vshll.u32 v1, $0x10  }
0x5b: {  	v1 =	vand.u32 $0xFFFF0000, v1;
	[tilespmem:s12+$0xFFFFFFC0] =	vst v2  }
0x5c: {  	[tilespmem:s12+$0xFFFFFFD0] =	vst v1  }
0x5d: {  	v1 =	vld [tilespmem:s13+$0x230];
	_ =	sdelay $0x4  }
0x5e: {  	v2 =	vshll.u32 v1, $0x10  }
0x5f: {  	v1 =	vand.u32 $0xFFFF0000, v1;
	[tilespmem:s12+$0xFFFFFFE0] =	vst v2  }
0x60: {  	[tilespmem:s12+$0xFFFFFFF0] =	vst v1  }
0x61: {  	v1 =	vld [tilespmem:s13+$0x240];
	_ =	sdelay $0x4  }
0x62: {  	v2 =	vshll.u32 v1, $0x10  }
0x63: {  	v1 =	vand.u32 $0xFFFF0000, v1;
	[tilespmem:s12+$0x0] =	vst v2  }
0x64: {  	[tilespmem:s12+$0x10] =	vst v1  }
0x65: {  	v1 =	vld [tilespmem:s13+$0x250];
	_ =	sdelay $0x4  }
0x66: {  	v2 =	vshll.u32 v1, $0x10  }
0x67: {  	v1 =	vand.u32 $0xFFFF0000, v1;
	[tilespmem:s12+$0x20] =	vst v2  }
0x68: {  	[tilespmem:s12+$0x30] =	vst v1  }
0x69: {  	v1 =	vld [tilespmem:s13+$0x260];
	_ =	sdelay $0x4  }
0x6a: {  	v2 =	vshll.u32 v1, $0x10  }
0x6b: {  	s14 =	simm.s32 $0x200;
	s15 =	simm.s32 $0x2280;
	v1 =	vand.u32 $0xFFFF0000, v1;
	[tilespmem:s12+$0x40] =	vst v2  }
.LBB2_4:
0x6c: {  	p0 =	sne.s32 s14, $0x3E00  }
0x6d: {  	[tilespmem:s12+$0x50] =	vst v1;
	s15 =	sadd.s32 $0x100, s15;
	s18 =	smov.u32 s14;
	s14 =	sadd.s32 $0x200, s14  }
0x6e: {  	v1 =	vld [tilespmem:s13+$0x270];
	_ =	sdelay $0x4  }
0x6f: {  	v2 =	vshll.u32 v1, $0x10;
	v1 =	vand.u32 $0xFFFF0000, v1  }
0x70: {  	[tilespmem:s12+$0x60] =	vst v2  }
0x71: {  	s13 =	sshra.s32 s18, $0x2;
	[tilespmem:s12+$0x70] =	vst v1;
	s12 =	smov.u32 s15  }
0x72: {  	v1 =	vld [tilespmem:s13+$0x200];
	_ =	sdelay $0x4  }
0x73: {  	v2 =	vshll.u32 v1, $0x10;
	v1 =	vand.u32 $0xFFFF0000, v1  }
0x74: {  	[tilespmem:s15+$0xFFFFFF80] =	vst v2  }
0x75: {  	[tilespmem:s15+$0xFFFFFF90] =	vst v1  }
0x76: {  	v1 =	vld [tilespmem:s13+$0x210];
	_ =	sdelay $0x4  }
0x77: {  	v2 =	vshll.u32 v1, $0x10;
	v1 =	vand.u32 $0xFFFF0000, v1  }
0x78: {  	[tilespmem:s15+$0xFFFFFFA0] =	vst v2  }
0x79: {  	[tilespmem:s15+$0xFFFFFFB0] =	vst v1  }
0x7a: {  	v1 =	vld [tilespmem:s13+$0x220];
	_ =	sdelay $0x4  }
0x7b: {  	v2 =	vshll.u32 v1, $0x10;
	v1 =	vand.u32 $0xFFFF0000, v1  }
0x7c: {  	[tilespmem:s15+$0xFFFFFFC0] =	vst v2  }
0x7d: {  	[tilespmem:s15+$0xFFFFFFD0] =	vst v1  }
0x7e: {  	v1 =	vld [tilespmem:s13+$0x230];
	_ =	sdelay $0x4  }
0x7f: {  	v2 =	vshll.u32 v1, $0x10;
	v1 =	vand.u32 $0xFFFF0000, v1  }
0x80: {  	[tilespmem:s15+$0xFFFFFFE0] =	vst v2  }
0x81: {  	[tilespmem:s15+$0xFFFFFFF0] =	vst v1  }
0x82: {  	v1 =	vld [tilespmem:s13+$0x240];
	_ =	sdelay $0x4  }
0x83: {  	v2 =	vshll.u32 v1, $0x10;
	v1 =	vand.u32 $0xFFFF0000, v1  }
0x84: {  	[tilespmem:s15+$0x0] =	vst v2  }
0x85: {  	[tilespmem:s15+$0x10] =	vst v1  }
0x86: {  	v1 =	vld [tilespmem:s13+$0x250];
	_ =	sdelay $0x4  }
0x87: {  	v2 =	vshll.u32 v1, $0x10;
	v1 =	vand.u32 $0xFFFF0000, v1  }
0x88: {  	[tilespmem:s15+$0x20] =	vst v2  }
0x89: {  	[tilespmem:s15+$0x30] =	vst v1  }
0x8a: {  	v1 =	vld [tilespmem:s13+$0x260];
	_ =	sdelay $0x1  }
.Ltmp1:
0x8b: {  	(pc) =	sbr.rel @p0 .LBB2_4-.Ltmp1, $3  }
0x8c: {  	_ =	sdelay $0x1  }
0x8d: {  	v2 =	vshll.u32 v1, $0x10;
	v1 =	vand.u32 $0xFFFF0000, v1  }
0x8e: {  	[tilespmem:s15+$0x40] =	vst v2  }
0x8f: {  	[tilespmem:s12+$0x50] =	vst v1  }
0x90: {  	v1 =	vld [tilespmem:s13+$0x270];
	_ =	sdelay $0x4  }
0x91: {  	v2 =	vshll.u32 v1, $0x10  }
0x92: {  	v1 =	vand.u32 $0xFFFF0000, v1;
	[tilespmem:s12+$0x60] =	vst v2  }
0x93: {  	[tilespmem:s12+$0x70] =	vst v1  }
0x94: {  	[spmem:s3] =	stream.indirect.scatter.add.f32 [tilespmem:s0], [sflag:$0x5], $0x40, s31, s24, $0xb8;
	[tilespmem:$0x1A300] =	vst v63  }
0x95: {  	_ =	swait.ge [sflag:s23], $0x80  }
0x96: {  	[sflag:s23] =	ssyncset.done $0x0  }
0x97: {  	[sflag:s23] =	ssyncadd.s32 $0xFFFFFF80  }
0x98: {  	_ =	swait.ge [sflag:s23], $0x80  }
0x99: {  	[sflag:s23] =	ssyncset.done $0x0  }
0x9a: {  	s18 =	simm.s32 $0x0;
	[sflag:s23] =	ssyncadd.s32 $0xFFFFFF80  }
0x9b: {  	[tilespmem:s25], [sflag:$0x1] =	stream.indirect.gather [hbm4b:s5+s24], $0x20, s18, s24, $0xb8;
	[tilespmem:$0x1A300] =	vst v63  }
0x9c: {  	_ =	swait.ge [sflag:s1], $0x1000  }
0x9d: {  	[sflag:s1] =	ssyncset.done $0x0  }
0x9e: {  	[sflag:s1] =	ssyncadd.s32 $0xFFFFF000  }
0x9f: {  	v1 =	vld [tilespmem:$0x180]  }
0xa0: {  	v2 =	vld [tilespmem:$0x190]  }
0xa1: {  	v3 =	vld [tilespmem:$0x1A0]  }
0xa2: {  	v4 =	vld [tilespmem:$0x1B0]  }
0xa3: {  	v5 =	vld [tilespmem:$0x1C0]  }
0xa4: {  	[tilespmem:$0x6280] =	vst v1;
	v1 =	vld [tilespmem:$0x1D0]  }
0xa5: {  	[tilespmem:$0x6290] =	vst v2;
	v2 =	vld [tilespmem:$0x1E0]  }
0xa6: {  	[tilespmem:$0x62A0] =	vst v3;
	v3 =	vld [tilespmem:$0x1F0]  }
0xa7: {  	[tilespmem:$0x62B0] =	vst v4  }
0xa8: {  	[tilespmem:$0x62C0] =	vst v5  }
0xa9: {  	[tilespmem:$0x62D0] =	vst v1  }
0xaa: {  	[tilespmem:$0x62E0] =	vst v2  }
0xab: {  	s19 =	rddreg [dreg:$0xa];
	[tilespmem:$0x62F0] =	vst v3  }
0xac: {  	[tilespmem:s24], [sflag:$0x4] =	stream.linear.gather [hbm4b:s19+s18], $0x80, $0x38;
	[tilespmem:$0x1A300] =	vst v63  }
0xad: {  	s13 =	simm.s32 $0x0;
	s20 =	rddreg [dreg:$0xb]  }
0xae: {  	[tilespmem:s26], [sflag:$0x4] =	stream.linear.gather [hbm4b:s20+s18], $0x80, $0x38;
	[tilespmem:$0x1A300] =	vst v63  }
0xaf: {  	v1 =	vld [tilespmem:s13+$0x1200];
	_ =	sdelay $0x4  }
0xb0: {  	s12 =	simm.s32 $0x4280;
	v2 =	vshll.u32 v1, $0x10  }
0xb1: {  	v1 =	vand.u32 $0xFFFF0000, v1;
	[tilespmem:s12+$0xFFFFFF80] =	vst v2  }
0xb2: {  	[tilespmem:s12+$0xFFFFFF90] =	vst v1  }
0xb3: {  	v1 =	vld [tilespmem:s13+$0x1210];
	_ =	sdelay $0x4  }
0xb4: {  	v2 =	vshll.u32 v1, $0x10  }
0xb5: {  	v1 =	vand.u32 $0xFFFF0000, v1;
	[tilespmem:s12+$0xFFFFFFA0] =	vst v2  }
0xb6: {  	[tilespmem:s12+$0xFFFFFFB0] =	vst v1  }
0xb7: {  	v1 =	vld [tilespmem:s13+$0x1220];
	_ =	sdelay $0x4  }
0xb8: {  	v2 =	vshll.u32 v1, $0x10  }
0xb9: {  	v1 =	vand.u32 $0xFFFF0000, v1;
	[tilespmem:s12+$0xFFFFFFC0] =	vst v2  }
0xba: {  	[tilespmem:s12+$0xFFFFFFD0] =	vst v1  }
0xbb: {  	v1 =	vld [tilespmem:s13+$0x1230];
	_ =	sdelay $0x4  }
0xbc: {  	v2 =	vshll.u32 v1, $0x10  }
0xbd: {  	v1 =	vand.u32 $0xFFFF0000, v1;
	[tilespmem:s12+$0xFFFFFFE0] =	vst v2  }
0xbe: {  	[tilespmem:s12+$0xFFFFFFF0] =	vst v1  }
0xbf: {  	v1 =	vld [tilespmem:s13+$0x1240];
	_ =	sdelay $0x4  }
0xc0: {  	v2 =	vshll.u32 v1, $0x10  }
0xc1: {  	v1 =	vand.u32 $0xFFFF0000, v1;
	[tilespmem:s12+$0x0] =	vst v2  }
0xc2: {  	[tilespmem:s12+$0x10] =	vst v1  }
0xc3: {  	v1 =	vld [tilespmem:s13+$0x1250];
	_ =	sdelay $0x4  }
0xc4: {  	v2 =	vshll.u32 v1, $0x10  }
0xc5: {  	v1 =	vand.u32 $0xFFFF0000, v1;
	[tilespmem:s12+$0x20] =	vst v2  }
0xc6: {  	[tilespmem:s12+$0x30] =	vst v1  }
0xc7: {  	v1 =	vld [tilespmem:s13+$0x1260];
	_ =	sdelay $0x4  }
0xc8: {  	v2 =	vshll.u32 v1, $0x10  }
0xc9: {  	s14 =	simm.s32 $0x200;
	s15 =	simm.s32 $0x4280;
	v1 =	vand.u32 $0xFFFF0000, v1;
	[tilespmem:s12+$0x40] =	vst v2  }
.LBB2_6:
0xca: {  	p0 =	sne.s32 s14, $0x3E00  }
0xcb: {  	[tilespmem:s12+$0x50] =	vst v1;
	s15 =	sadd.s32 $0x100, s15;
	s18 =	smov.u32 s14;
	s14 =	sadd.s32 $0x200, s14  }
0xcc: {  	v1 =	vld [tilespmem:s13+$0x1270];
	_ =	sdelay $0x4  }
0xcd: {  	v2 =	vshll.u32 v1, $0x10;
	v1 =	vand.u32 $0xFFFF0000, v1  }
0xce: {  	[tilespmem:s12+$0x60] =	vst v2  }
0xcf: {  	s13 =	sshra.s32 s18, $0x2;
	[tilespmem:s12+$0x70] =	vst v1;
	s12 =	smov.u32 s15  }
0xd0: {  	v1 =	vld [tilespmem:s13+$0x1200];
	_ =	sdelay $0x4  }
0xd1: {  	v2 =	vshll.u32 v1, $0x10;
	v1 =	vand.u32 $0xFFFF0000, v1  }
0xd2: {  	[tilespmem:s15+$0xFFFFFF80] =	vst v2  }
0xd3: {  	[tilespmem:s15+$0xFFFFFF90] =	vst v1  }
0xd4: {  	v1 =	vld [tilespmem:s13+$0x1210];
	_ =	sdelay $0x4  }
0xd5: {  	v2 =	vshll.u32 v1, $0x10;
	v1 =	vand.u32 $0xFFFF0000, v1  }
0xd6: {  	[tilespmem:s15+$0xFFFFFFA0] =	vst v2  }
0xd7: {  	[tilespmem:s15+$0xFFFFFFB0] =	vst v1  }
0xd8: {  	v1 =	vld [tilespmem:s13+$0x1220];
	_ =	sdelay $0x4  }
0xd9: {  	v2 =	vshll.u32 v1, $0x10;
	v1 =	vand.u32 $0xFFFF0000, v1  }
0xda: {  	[tilespmem:s15+$0xFFFFFFC0] =	vst v2  }
0xdb: {  	[tilespmem:s15+$0xFFFFFFD0] =	vst v1  }
0xdc: {  	v1 =	vld [tilespmem:s13+$0x1230];
	_ =	sdelay $0x4  }
0xdd: {  	v2 =	vshll.u32 v1, $0x10;
	v1 =	vand.u32 $0xFFFF0000, v1  }
0xde: {  	[tilespmem:s15+$0xFFFFFFE0] =	vst v2  }
0xdf: {  	[tilespmem:s15+$0xFFFFFFF0] =	vst v1  }
0xe0: {  	v1 =	vld [tilespmem:s13+$0x1240];
	_ =	sdelay $0x4  }
0xe1: {  	v2 =	vshll.u32 v1, $0x10;
	v1 =	vand.u32 $0xFFFF0000, v1  }
0xe2: {  	[tilespmem:s15+$0x0] =	vst v2  }
0xe3: {  	[tilespmem:s15+$0x10] =	vst v1  }
0xe4: {  	v1 =	vld [tilespmem:s13+$0x1250];
	_ =	sdelay $0x4  }
0xe5: {  	v2 =	vshll.u32 v1, $0x10;
	v1 =	vand.u32 $0xFFFF0000, v1  }
0xe6: {  	[tilespmem:s15+$0x20] =	vst v2  }
0xe7: {  	[tilespmem:s15+$0x30] =	vst v1  }
0xe8: {  	v1 =	vld [tilespmem:s13+$0x1260];
	_ =	sdelay $0x1  }
.Ltmp2:
0xe9: {  	(pc) =	sbr.rel @p0 .LBB2_6-.Ltmp2, $3  }
0xea: {  	_ =	sdelay $0x1  }
0xeb: {  	v2 =	vshll.u32 v1, $0x10;
	v1 =	vand.u32 $0xFFFF0000, v1  }
0xec: {  	[tilespmem:s15+$0x40] =	vst v2  }
0xed: {  	[tilespmem:s12+$0x50] =	vst v1  }
0xee: {  	v1 =	vld [tilespmem:s13+$0x1270];
	_ =	sdelay $0x4  }
0xef: {  	v2 =	vshll.u32 v1, $0x10  }
0xf0: {  	v1 =	vand.u32 $0xFFFF0000, v1;
	[tilespmem:s12+$0x60] =	vst v2  }
0xf1: {  	[tilespmem:s12+$0x70] =	vst v1;
	s12 =	simm.s32 $0x1  }
0xf2: {  	[spmem:s3] =	stream.indirect.scatter.add.f32 [tilespmem:s8], [sflag:$0x6], $0x40, s4, s24, $0xb8;
	[tilespmem:$0x1A300] =	vst v63  }
.LBB2_8:
0xf3: {  	_ =	swait.ge [sflag:s28], $0x80  }
0xf4: {  	[sflag:s28] =	ssyncset.done $0x0  }
0xf5: {  	[sflag:s28] =	ssyncadd.s32 $0xFFFFFF80  }
0xf6: {  	_ =	swait.ge [sflag:s28], $0x80  }
0xf7: {  	[sflag:s28] =	ssyncset.done $0x0  }
0xf8: {  	[sflag:s28] =	ssyncadd.s32 $0xFFFFFF80  }
0xf9: {  	[tilespmem:s29], [sflag:$0x2] =	stream.indirect.gather [hbm4b:s5+s24], $0x20, s24, s24, $0xb8;
	[tilespmem:$0x1A300] =	vst v63  }
0xfa: {  	_ =	swait.ge [sflag:s30], $0x1000  }
0xfb: {  	[sflag:s30] =	ssyncset.done $0x0  }
0xfc: {  	[sflag:s30] =	ssyncadd.s32 $0xFFFFF000  }
0xfd: {  	_ =	swait.ge [sflag:s9], $0x2000  }
0xfe: {  	[sflag:s9] =	ssyncset.done $0x0  }
0xff: {  	[sflag:s9] =	ssyncadd.s32 $0xFFFFE000  }
0x100: {  	v1 =	vld [tilespmem:$0x100]  }
0x101: {  	v2 =	vld [tilespmem:$0x110]  }
0x102: {  	v3 =	vld [tilespmem:$0x120]  }
0x103: {  	v4 =	vld [tilespmem:$0x130]  }
0x104: {  	v5 =	vld [tilespmem:$0x140]  }
0x105: {  	[tilespmem:$0x6200] =	vst v1;
	v1 =	vld [tilespmem:$0x150]  }
0x106: {  	[tilespmem:$0x6210] =	vst v2;
	v2 =	vld [tilespmem:$0x160]  }
0x107: {  	[tilespmem:$0x6220] =	vst v3;
	v3 =	vld [tilespmem:$0x170]  }
0x108: {  	[tilespmem:$0x6230] =	vst v4  }
0x109: {  	s13 =	sshll.u32 s12, $0x8;
	[tilespmem:$0x6240] =	vst v5  }
0x10a: {  	s14 =	sadd.s32 s13, s16;
	[tilespmem:$0x6250] =	vst v1  }
0x10b: {  	s14 =	sshrl.u32 s14, $0x3;
	[tilespmem:$0x6260] =	vst v2  }
0x10c: {  	s18 =	simm.s32 $0x0;
	s15 =	sadd.s32 s2, s14;
	[tilespmem:$0x6270] =	vst v3  }
0x10d: {  	[tilespmem:s18], [sflag:$0x3] =	stream.linear.gather [hbm4b:s15+s18], $0x80, $0x38;
	[tilespmem:$0x1A300] =	vst v63  }
0x10e: {  	s14 =	sadd.s32 s6, s14;
	s15 =	simm.s32 $0x0  }
0x10f: {  	[tilespmem:s22], [sflag:$0x3] =	stream.linear.gather [hbm4b:s14+s18], $0x80, $0x38;
	[tilespmem:$0x1A300] =	vst v63  }
0x110: {  	v1 =	vld [tilespmem:s15+$0x200];
	_ =	sdelay $0x4  }
0x111: {  	s14 =	simm.s32 $0x2280;
	v2 =	vshll.u32 v1, $0x10  }
0x112: {  	v1 =	vand.u32 $0xFFFF0000, v1;
	[tilespmem:s14+$0xFFFFFF80] =	vst v2  }
0x113: {  	[tilespmem:s14+$0xFFFFFF90] =	vst v1  }
0x114: {  	v1 =	vld [tilespmem:s15+$0x210];
	_ =	sdelay $0x4  }
0x115: {  	v2 =	vshll.u32 v1, $0x10  }
0x116: {  	v1 =	vand.u32 $0xFFFF0000, v1;
	[tilespmem:s14+$0xFFFFFFA0] =	vst v2  }
0x117: {  	[tilespmem:s14+$0xFFFFFFB0] =	vst v1  }
0x118: {  	v1 =	vld [tilespmem:s15+$0x220];
	_ =	sdelay $0x4  }
0x119: {  	v2 =	vshll.u32 v1, $0x10  }
0x11a: {  	v1 =	vand.u32 $0xFFFF0000, v1;
	[tilespmem:s14+$0xFFFFFFC0] =	vst v2  }
0x11b: {  	[tilespmem:s14+$0xFFFFFFD0] =	vst v1  }
0x11c: {  	v1 =	vld [tilespmem:s15+$0x230];
	_ =	sdelay $0x4  }
0x11d: {  	v2 =	vshll.u32 v1, $0x10  }
0x11e: {  	v1 =	vand.u32 $0xFFFF0000, v1;
	[tilespmem:s14+$0xFFFFFFE0] =	vst v2  }
0x11f: {  	[tilespmem:s14+$0xFFFFFFF0] =	vst v1  }
0x120: {  	v1 =	vld [tilespmem:s15+$0x240];
	_ =	sdelay $0x4  }
0x121: {  	v2 =	vshll.u32 v1, $0x10  }
0x122: {  	v1 =	vand.u32 $0xFFFF0000, v1;
	[tilespmem:s14+$0x0] =	vst v2  }
0x123: {  	[tilespmem:s14+$0x10] =	vst v1  }
0x124: {  	v1 =	vld [tilespmem:s15+$0x250];
	_ =	sdelay $0x4  }
0x125: {  	v2 =	vshll.u32 v1, $0x10  }
0x126: {  	v1 =	vand.u32 $0xFFFF0000, v1;
	[tilespmem:s14+$0x20] =	vst v2  }
0x127: {  	[tilespmem:s14+$0x30] =	vst v1  }
0x128: {  	v1 =	vld [tilespmem:s15+$0x260];
	_ =	sdelay $0x4  }
0x129: {  	v2 =	vshll.u32 v1, $0x10  }
0x12a: {  	s19 =	simm.s32 $0x2280;
	s18 =	simm.s32 $0x200;
	v1 =	vand.u32 $0xFFFF0000, v1;
	[tilespmem:s14+$0x40] =	vst v2  }
.LBB2_9:
0x12b: {  	p0 =	sne.s32 s18, $0x3E00  }
0x12c: {  	[tilespmem:s14+$0x50] =	vst v1;
	s19 =	sadd.s32 $0x100, s19;
	s20 =	smov.u32 s18;
	s18 =	sadd.s32 $0x200, s18  }
0x12d: {  	v1 =	vld [tilespmem:s15+$0x270];
	_ =	sdelay $0x4  }
0x12e: {  	v2 =	vshll.u32 v1, $0x10;
	v1 =	vand.u32 $0xFFFF0000, v1  }
0x12f: {  	[tilespmem:s14+$0x60] =	vst v2  }
0x130: {  	s15 =	sshra.s32 s20, $0x2;
	[tilespmem:s14+$0x70] =	vst v1;
	s14 =	smov.u32 s19  }
0x131: {  	v1 =	vld [tilespmem:s15+$0x200];
	_ =	sdelay $0x4  }
0x132: {  	v2 =	vshll.u32 v1, $0x10;
	v1 =	vand.u32 $0xFFFF0000, v1  }
0x133: {  	[tilespmem:s19+$0xFFFFFF80] =	vst v2  }
0x134: {  	[tilespmem:s19+$0xFFFFFF90] =	vst v1  }
0x135: {  	v1 =	vld [tilespmem:s15+$0x210];
	_ =	sdelay $0x4  }
0x136: {  	v2 =	vshll.u32 v1, $0x10;
	v1 =	vand.u32 $0xFFFF0000, v1  }
0x137: {  	[tilespmem:s19+$0xFFFFFFA0] =	vst v2  }
0x138: {  	[tilespmem:s19+$0xFFFFFFB0] =	vst v1  }
0x139: {  	v1 =	vld [tilespmem:s15+$0x220];
	_ =	sdelay $0x4  }
0x13a: {  	v2 =	vshll.u32 v1, $0x10;
	v1 =	vand.u32 $0xFFFF0000, v1  }
0x13b: {  	[tilespmem:s19+$0xFFFFFFC0] =	vst v2  }
0x13c: {  	[tilespmem:s19+$0xFFFFFFD0] =	vst v1  }
0x13d: {  	v1 =	vld [tilespmem:s15+$0x230];
	_ =	sdelay $0x4  }
0x13e: {  	v2 =	vshll.u32 v1, $0x10;
	v1 =	vand.u32 $0xFFFF0000, v1  }
0x13f: {  	[tilespmem:s19+$0xFFFFFFE0] =	vst v2  }
0x140: {  	[tilespmem:s19+$0xFFFFFFF0] =	vst v1  }
0x141: {  	v1 =	vld [tilespmem:s15+$0x240];
	_ =	sdelay $0x4  }
0x142: {  	v2 =	vshll.u32 v1, $0x10;
	v1 =	vand.u32 $0xFFFF0000, v1  }
0x143: {  	[tilespmem:s19+$0x0] =	vst v2  }
0x144: {  	[tilespmem:s19+$0x10] =	vst v1  }
0x145: {  	v1 =	vld [tilespmem:s15+$0x250];
	_ =	sdelay $0x4  }
0x146: {  	v2 =	vshll.u32 v1, $0x10;
	v1 =	vand.u32 $0xFFFF0000, v1  }
0x147: {  	[tilespmem:s19+$0x20] =	vst v2  }
0x148: {  	[tilespmem:s19+$0x30] =	vst v1  }
0x149: {  	v1 =	vld [tilespmem:s15+$0x260];
	_ =	sdelay $0x1  }
.Ltmp3:
0x14a: {  	(pc) =	sbr.rel @p0 .LBB2_9-.Ltmp3, $3  }
0x14b: {  	_ =	sdelay $0x1  }
0x14c: {  	v2 =	vshll.u32 v1, $0x10;
	v1 =	vand.u32 $0xFFFF0000, v1  }
0x14d: {  	[tilespmem:s19+$0x40] =	vst v2  }
0x14e: {  	[tilespmem:s14+$0x50] =	vst v1  }
0x14f: {  	v1 =	vld [tilespmem:s15+$0x270];
	_ =	sdelay $0x4  }
0x150: {  	v2 =	vshll.u32 v1, $0x10  }
0x151: {  	v1 =	vand.u32 $0xFFFF0000, v1;
	[tilespmem:s14+$0x60] =	vst v2  }
0x152: {  	[tilespmem:s14+$0x70] =	vst v1  }
0x153: {  	[spmem:s3] =	stream.indirect.scatter.add.f32 [tilespmem:s0], [sflag:$0x5], $0x40, s31, s24, $0xb8;
	[tilespmem:$0x1A300] =	vst v63  }
0x154: {  	_ =	swait.ge [sflag:s23], $0x80  }
0x155: {  	[sflag:s23] =	ssyncset.done $0x0  }
0x156: {  	[sflag:s23] =	ssyncadd.s32 $0xFFFFFF80  }
0x157: {  	_ =	swait.ge [sflag:s23], $0x80  }
0x158: {  	[sflag:s23] =	ssyncset.done $0x0  }
0x159: {  	s19 =	simm.s32 $0x0;
	[sflag:s23] =	ssyncadd.s32 $0xFFFFFF80  }
0x15a: {  	[tilespmem:s25], [sflag:$0x1] =	stream.indirect.gather [hbm4b:s5+s24], $0x20, s19, s24, $0xb8;
	[tilespmem:$0x1A300] =	vst v63  }
0x15b: {  	_ =	swait.ge [sflag:s1], $0x1000  }
0x15c: {  	[sflag:s1] =	ssyncset.done $0x0  }
0x15d: {  	[sflag:s1] =	ssyncadd.s32 $0xFFFFF000  }
0x15e: {  	_ =	swait.ge [sflag:s10], $0x2000  }
0x15f: {  	[sflag:s10] =	ssyncset.done $0x0  }
0x160: {  	[sflag:s10] =	ssyncadd.s32 $0xFFFFE000  }
0x161: {  	v1 =	vld [tilespmem:$0x180]  }
0x162: {  	v2 =	vld [tilespmem:$0x190]  }
0x163: {  	v3 =	vld [tilespmem:$0x1A0]  }
0x164: {  	v4 =	vld [tilespmem:$0x1B0]  }
0x165: {  	v5 =	vld [tilespmem:$0x1C0]  }
0x166: {  	[tilespmem:$0x6280] =	vst v1;
	v1 =	vld [tilespmem:$0x1D0]  }
0x167: {  	[tilespmem:$0x6290] =	vst v2;
	v2 =	vld [tilespmem:$0x1E0]  }
0x168: {  	[tilespmem:$0x62A0] =	vst v3;
	v3 =	vld [tilespmem:$0x1F0]  }
0x169: {  	[tilespmem:$0x62B0] =	vst v4  }
0x16a: {  	[tilespmem:$0x62C0] =	vst v5  }
0x16b: {  	s13 =	sadd.s32 s13, s17;
	[tilespmem:$0x62D0] =	vst v1  }
0x16c: {  	s13 =	sshrl.u32 s13, $0x3;
	[tilespmem:$0x62E0] =	vst v2  }
0x16d: {  	s20 =	sadd.s32 s2, s13;
	[tilespmem:$0x62F0] =	vst v3  }
0x16e: {  	[tilespmem:s24], [sflag:$0x4] =	stream.linear.gather [hbm4b:s20+s19], $0x80, $0x38;
	[tilespmem:$0x1A300] =	vst v63  }
0x16f: {  	s13 =	sadd.s32 s6, s13;
	s14 =	simm.s32 $0x0  }
0x170: {  	[tilespmem:s26], [sflag:$0x4] =	stream.linear.gather [hbm4b:s13+s19], $0x80, $0x38;
	[tilespmem:$0x1A300] =	vst v63  }
0x171: {  	v1 =	vld [tilespmem:s14+$0x1200];
	_ =	sdelay $0x4  }
0x172: {  	s13 =	simm.s32 $0x4280;
	v2 =	vshll.u32 v1, $0x10  }
0x173: {  	v1 =	vand.u32 $0xFFFF0000, v1;
	[tilespmem:s13+$0xFFFFFF80] =	vst v2  }
0x174: {  	[tilespmem:s13+$0xFFFFFF90] =	vst v1  }
0x175: {  	v1 =	vld [tilespmem:s14+$0x1210];
	_ =	sdelay $0x4  }
0x176: {  	v2 =	vshll.u32 v1, $0x10  }
0x177: {  	v1 =	vand.u32 $0xFFFF0000, v1;
	[tilespmem:s13+$0xFFFFFFA0] =	vst v2  }
0x178: {  	[tilespmem:s13+$0xFFFFFFB0] =	vst v1  }
0x179: {  	v1 =	vld [tilespmem:s14+$0x1220];
	_ =	sdelay $0x4  }
0x17a: {  	v2 =	vshll.u32 v1, $0x10  }
0x17b: {  	v1 =	vand.u32 $0xFFFF0000, v1;
	[tilespmem:s13+$0xFFFFFFC0] =	vst v2  }
0x17c: {  	[tilespmem:s13+$0xFFFFFFD0] =	vst v1  }
0x17d: {  	v1 =	vld [tilespmem:s14+$0x1230];
	_ =	sdelay $0x4  }
0x17e: {  	v2 =	vshll.u32 v1, $0x10  }
0x17f: {  	v1 =	vand.u32 $0xFFFF0000, v1;
	[tilespmem:s13+$0xFFFFFFE0] =	vst v2  }
0x180: {  	[tilespmem:s13+$0xFFFFFFF0] =	vst v1  }
0x181: {  	v1 =	vld [tilespmem:s14+$0x1240];
	_ =	sdelay $0x4  }
0x182: {  	v2 =	vshll.u32 v1, $0x10  }
0x183: {  	v1 =	vand.u32 $0xFFFF0000, v1;
	[tilespmem:s13+$0x0] =	vst v2  }
0x184: {  	[tilespmem:s13+$0x10] =	vst v1  }
0x185: {  	v1 =	vld [tilespmem:s14+$0x1250];
	_ =	sdelay $0x4  }
0x186: {  	v2 =	vshll.u32 v1, $0x10  }
0x187: {  	v1 =	vand.u32 $0xFFFF0000, v1;
	[tilespmem:s13+$0x20] =	vst v2  }
0x188: {  	[tilespmem:s13+$0x30] =	vst v1  }
0x189: {  	v1 =	vld [tilespmem:s14+$0x1260];
	_ =	sdelay $0x4  }
0x18a: {  	v2 =	vshll.u32 v1, $0x10  }
0x18b: {  	s18 =	simm.s32 $0x4280;
	s15 =	simm.s32 $0x200;
	v1 =	vand.u32 $0xFFFF0000, v1;
	[tilespmem:s13+$0x40] =	vst v2  }
.LBB2_11:
0x18c: {  	p0 =	sne.s32 s15, $0x3E00  }
0x18d: {  	[tilespmem:s13+$0x50] =	vst v1;
	s18 =	sadd.s32 $0x100, s18;
	s19 =	smov.u32 s15;
	s15 =	sadd.s32 $0x200, s15  }
0x18e: {  	v1 =	vld [tilespmem:s14+$0x1270];
	_ =	sdelay $0x4  }
0x18f: {  	v2 =	vshll.u32 v1, $0x10;
	v1 =	vand.u32 $0xFFFF0000, v1  }
0x190: {  	[tilespmem:s13+$0x60] =	vst v2  }
0x191: {  	s14 =	sshra.s32 s19, $0x2;
	[tilespmem:s13+$0x70] =	vst v1;
	s13 =	smov.u32 s18  }
0x192: {  	v1 =	vld [tilespmem:s14+$0x1200];
	_ =	sdelay $0x4  }
0x193: {  	v2 =	vshll.u32 v1, $0x10;
	v1 =	vand.u32 $0xFFFF0000, v1  }
0x194: {  	[tilespmem:s18+$0xFFFFFF80] =	vst v2  }
0x195: {  	[tilespmem:s18+$0xFFFFFF90] =	vst v1  }
0x196: {  	v1 =	vld [tilespmem:s14+$0x1210];
	_ =	sdelay $0x4  }
0x197: {  	v2 =	vshll.u32 v1, $0x10;
	v1 =	vand.u32 $0xFFFF0000, v1  }
0x198: {  	[tilespmem:s18+$0xFFFFFFA0] =	vst v2  }
0x199: {  	[tilespmem:s18+$0xFFFFFFB0] =	vst v1  }
0x19a: {  	v1 =	vld [tilespmem:s14+$0x1220];
	_ =	sdelay $0x4  }
0x19b: {  	v2 =	vshll.u32 v1, $0x10;
	v1 =	vand.u32 $0xFFFF0000, v1  }
0x19c: {  	[tilespmem:s18+$0xFFFFFFC0] =	vst v2  }
0x19d: {  	[tilespmem:s18+$0xFFFFFFD0] =	vst v1  }
0x19e: {  	v1 =	vld [tilespmem:s14+$0x1230];
	_ =	sdelay $0x4  }
0x19f: {  	v2 =	vshll.u32 v1, $0x10;
	v1 =	vand.u32 $0xFFFF0000, v1  }
0x1a0: {  	[tilespmem:s18+$0xFFFFFFE0] =	vst v2  }
0x1a1: {  	[tilespmem:s18+$0xFFFFFFF0] =	vst v1  }
0x1a2: {  	v1 =	vld [tilespmem:s14+$0x1240];
	_ =	sdelay $0x4  }
0x1a3: {  	v2 =	vshll.u32 v1, $0x10;
	v1 =	vand.u32 $0xFFFF0000, v1  }
0x1a4: {  	[tilespmem:s18+$0x0] =	vst v2  }
0x1a5: {  	[tilespmem:s18+$0x10] =	vst v1  }
0x1a6: {  	v1 =	vld [tilespmem:s14+$0x1250];
	_ =	sdelay $0x4  }
0x1a7: {  	v2 =	vshll.u32 v1, $0x10;
	v1 =	vand.u32 $0xFFFF0000, v1  }
0x1a8: {  	[tilespmem:s18+$0x20] =	vst v2  }
0x1a9: {  	[tilespmem:s18+$0x30] =	vst v1  }
0x1aa: {  	v1 =	vld [tilespmem:s14+$0x1260];
	_ =	sdelay $0x1  }
.Ltmp4:
0x1ab: {  	(pc) =	sbr.rel @p0 .LBB2_11-.Ltmp4, $3  }
0x1ac: {  	_ =	sdelay $0x1  }
0x1ad: {  	v2 =	vshll.u32 v1, $0x10;
	v1 =	vand.u32 $0xFFFF0000, v1  }
0x1ae: {  	[tilespmem:s18+$0x40] =	vst v2  }
0x1af: {  	[tilespmem:s13+$0x50] =	vst v1  }
0x1b0: {  	v1 =	vld [tilespmem:s14+$0x1270];
	_ =	sdelay $0x1  }
0x1b1: {  	s12 =	sadd.s32 $0x1, s12  }
0x1b2: {  	p0 =	sne.s32 s12, $0x27  }
.Ltmp5:
0x1b3: {  	_ = 	snop;
	(pc) =	sbr.rel @p0 .LBB2_8-.Ltmp5, $4  }
0x1b4: {  	v2 =	vshll.u32 v1, $0x10  }
0x1b5: {  	v1 =	vand.u32 $0xFFFF0000, v1;
	[tilespmem:s13+$0x60] =	vst v2  }
0x1b6: {  	[tilespmem:s13+$0x70] =	vst v1  }
0x1b7: {  	[spmem:s3] =	stream.indirect.scatter.add.f32 [tilespmem:s8], [sflag:$0x6], $0x40, s4, s24, $0xb8;
	[tilespmem:$0x1A300] =	vst v63  }
0x1b8: {  	_ =	swait.ge [sflag:s28], $0x80  }
0x1b9: {  	[sflag:s28] =	ssyncset.done $0x0  }
0x1ba: {  	[sflag:s28] =	ssyncadd.s32 $0xFFFFFF80  }
0x1bb: {  	_ =	swait.ge [sflag:s28], $0x80  }
0x1bc: {  	[sflag:s28] =	ssyncset.done $0x0  }
0x1bd: {  	[sflag:s28] =	ssyncadd.s32 $0xFFFFFF80  }
0x1be: {  	[tilespmem:s29], [sflag:$0x2] =	stream.indirect.gather [hbm4b:s5+s24], $0x20, s24, s24, $0xb8;
	[tilespmem:$0x1A300] =	vst v63  }
0x1bf: {  	_ =	swait.ge [sflag:s30], $0x1000  }
0x1c0: {  	[sflag:s30] =	ssyncset.done $0x0  }
0x1c1: {  	[sflag:s30] =	ssyncadd.s32 $0xFFFFF000  }
0x1c2: {  	_ =	swait.ge [sflag:s9], $0x2000  }
0x1c3: {  	[sflag:s9] =	ssyncset.done $0x0  }
0x1c4: {  	[sflag:s9] =	ssyncadd.s32 $0xFFFFE000  }
0x1c5: {  	v1 =	vld [tilespmem:$0x100]  }
0x1c6: {  	v2 =	vld [tilespmem:$0x110]  }
0x1c7: {  	v3 =	vld [tilespmem:$0x120]  }
0x1c8: {  	v4 =	vld [tilespmem:$0x130]  }
0x1c9: {  	v5 =	vld [tilespmem:$0x140]  }
0x1ca: {  	[tilespmem:$0x6200] =	vst v1;
	v1 =	vld [tilespmem:$0x150]  }
0x1cb: {  	[tilespmem:$0x6210] =	vst v2;
	v2 =	vld [tilespmem:$0x160]  }
0x1cc: {  	[tilespmem:$0x6220] =	vst v3;
	v3 =	vld [tilespmem:$0x170]  }
0x1cd: {  	[tilespmem:$0x6230] =	vst v4  }
0x1ce: {  	[tilespmem:$0x6240] =	vst v5  }
0x1cf: {  	[tilespmem:$0x6250] =	vst v1  }
0x1d0: {  	[tilespmem:$0x6260] =	vst v2  }
0x1d1: {  	s13 =	simm.s32 $0x0;
	[tilespmem:$0x6270] =	vst v3  }
0x1d2: {  	v1 =	vld [tilespmem:s13+$0x200];
	_ =	sdelay $0x4  }
0x1d3: {  	s12 =	simm.s32 $0x2280;
	v2 =	vshll.u32 v1, $0x10  }
0x1d4: {  	v1 =	vand.u32 $0xFFFF0000, v1;
	[tilespmem:s12+$0xFFFFFF80] =	vst v2  }
0x1d5: {  	[tilespmem:s12+$0xFFFFFF90] =	vst v1  }
0x1d6: {  	v1 =	vld [tilespmem:s13+$0x210];
	_ =	sdelay $0x4  }
0x1d7: {  	v2 =	vshll.u32 v1, $0x10  }
0x1d8: {  	v1 =	vand.u32 $0xFFFF0000, v1;
	[tilespmem:s12+$0xFFFFFFA0] =	vst v2  }
0x1d9: {  	[tilespmem:s12+$0xFFFFFFB0] =	vst v1  }
0x1da: {  	v1 =	vld [tilespmem:s13+$0x220];
	_ =	sdelay $0x4  }
0x1db: {  	v2 =	vshll.u32 v1, $0x10  }
0x1dc: {  	v1 =	vand.u32 $0xFFFF0000, v1;
	[tilespmem:s12+$0xFFFFFFC0] =	vst v2  }
0x1dd: {  	[tilespmem:s12+$0xFFFFFFD0] =	vst v1  }
0x1de: {  	v1 =	vld [tilespmem:s13+$0x230];
	_ =	sdelay $0x4  }
0x1df: {  	v2 =	vshll.u32 v1, $0x10  }
0x1e0: {  	v1 =	vand.u32 $0xFFFF0000, v1;
	[tilespmem:s12+$0xFFFFFFE0] =	vst v2  }
0x1e1: {  	[tilespmem:s12+$0xFFFFFFF0] =	vst v1  }
0x1e2: {  	v1 =	vld [tilespmem:s13+$0x240];
	_ =	sdelay $0x4  }
0x1e3: {  	v2 =	vshll.u32 v1, $0x10  }
0x1e4: {  	v1 =	vand.u32 $0xFFFF0000, v1;
	[tilespmem:s12+$0x0] =	vst v2  }
0x1e5: {  	[tilespmem:s12+$0x10] =	vst v1  }
0x1e6: {  	v1 =	vld [tilespmem:s13+$0x250];
	_ =	sdelay $0x4  }
0x1e7: {  	v2 =	vshll.u32 v1, $0x10  }
0x1e8: {  	v1 =	vand.u32 $0xFFFF0000, v1;
	[tilespmem:s12+$0x20] =	vst v2  }
0x1e9: {  	[tilespmem:s12+$0x30] =	vst v1  }
0x1ea: {  	v1 =	vld [tilespmem:s13+$0x260];
	_ =	sdelay $0x4  }
0x1eb: {  	v2 =	vshll.u32 v1, $0x10  }
0x1ec: {  	s14 =	simm.s32 $0x200;
	s15 =	simm.s32 $0x2280;
	v1 =	vand.u32 $0xFFFF0000, v1;
	[tilespmem:s12+$0x40] =	vst v2  }
.LBB2_14:
0x1ed: {  	p0 =	sne.s32 s14, $0x3E00  }
0x1ee: {  	[tilespmem:s12+$0x50] =	vst v1;
	s15 =	sadd.s32 $0x100, s15;
	s18 =	smov.u32 s14;
	s14 =	sadd.s32 $0x200, s14  }
0x1ef: {  	v1 =	vld [tilespmem:s13+$0x270];
	_ =	sdelay $0x4  }
0x1f0: {  	v2 =	vshll.u32 v1, $0x10;
	v1 =	vand.u32 $0xFFFF0000, v1  }
0x1f1: {  	[tilespmem:s12+$0x60] =	vst v2  }
0x1f2: {  	s13 =	sshra.s32 s18, $0x2;
	[tilespmem:s12+$0x70] =	vst v1;
	s12 =	smov.u32 s15  }
0x1f3: {  	v1 =	vld [tilespmem:s13+$0x200];
	_ =	sdelay $0x4  }
0x1f4: {  	v2 =	vshll.u32 v1, $0x10;
	v1 =	vand.u32 $0xFFFF0000, v1  }
0x1f5: {  	[tilespmem:s15+$0xFFFFFF80] =	vst v2  }
0x1f6: {  	[tilespmem:s15+$0xFFFFFF90] =	vst v1  }
0x1f7: {  	v1 =	vld [tilespmem:s13+$0x210];
	_ =	sdelay $0x4  }
0x1f8: {  	v2 =	vshll.u32 v1, $0x10;
	v1 =	vand.u32 $0xFFFF0000, v1  }
0x1f9: {  	[tilespmem:s15+$0xFFFFFFA0] =	vst v2  }
0x1fa: {  	[tilespmem:s15+$0xFFFFFFB0] =	vst v1  }
0x1fb: {  	v1 =	vld [tilespmem:s13+$0x220];
	_ =	sdelay $0x4  }
0x1fc: {  	v2 =	vshll.u32 v1, $0x10;
	v1 =	vand.u32 $0xFFFF0000, v1  }
0x1fd: {  	[tilespmem:s15+$0xFFFFFFC0] =	vst v2  }
0x1fe: {  	[tilespmem:s15+$0xFFFFFFD0] =	vst v1  }
0x1ff: {  	v1 =	vld [tilespmem:s13+$0x230];
	_ =	sdelay $0x4  }
0x200: {  	v2 =	vshll.u32 v1, $0x10;
	v1 =	vand.u32 $0xFFFF0000, v1  }
0x201: {  	[tilespmem:s15+$0xFFFFFFE0] =	vst v2  }
0x202: {  	[tilespmem:s15+$0xFFFFFFF0] =	vst v1  }
0x203: {  	v1 =	vld [tilespmem:s13+$0x240];
	_ =	sdelay $0x4  }
0x204: {  	v2 =	vshll.u32 v1, $0x10;
	v1 =	vand.u32 $0xFFFF0000, v1  }
0x205: {  	[tilespmem:s15+$0x0] =	vst v2  }
0x206: {  	[tilespmem:s15+$0x10] =	vst v1  }
0x207: {  	v1 =	vld [tilespmem:s13+$0x250];
	_ =	sdelay $0x4  }
0x208: {  	v2 =	vshll.u32 v1, $0x10;
	v1 =	vand.u32 $0xFFFF0000, v1  }
0x209: {  	[tilespmem:s15+$0x20] =	vst v2  }
0x20a: {  	[tilespmem:s15+$0x30] =	vst v1  }
0x20b: {  	v1 =	vld [tilespmem:s13+$0x260];
	_ =	sdelay $0x1  }
.Ltmp6:
0x20c: {  	(pc) =	sbr.rel @p0 .LBB2_14-.Ltmp6, $3  }
0x20d: {  	_ =	sdelay $0x1  }
0x20e: {  	v2 =	vshll.u32 v1, $0x10;
	v1 =	vand.u32 $0xFFFF0000, v1  }
0x20f: {  	[tilespmem:s15+$0x40] =	vst v2  }
0x210: {  	[tilespmem:s12+$0x50] =	vst v1  }
0x211: {  	v1 =	vld [tilespmem:s13+$0x270];
	_ =	sdelay $0x4  }
0x212: {  	v2 =	vshll.u32 v1, $0x10  }
0x213: {  	v1 =	vand.u32 $0xFFFF0000, v1;
	[tilespmem:s12+$0x60] =	vst v2  }
0x214: {  	[tilespmem:s12+$0x70] =	vst v1  }
0x215: {  	[spmem:s3] =	stream.indirect.scatter.add.f32 [tilespmem:s0], [sflag:$0x5], $0x40, s31, s24, $0xb8;
	[tilespmem:$0x1A300] =	vst v63  }
0x216: {  	_ =	swait.ge [sflag:s1], $0x1000  }
0x217: {  	[sflag:s1] =	ssyncset.done $0x0  }
0x218: {  	[sflag:s1] =	ssyncadd.s32 $0xFFFFF000  }
0x219: {  	_ =	swait.ge [sflag:s10], $0x2000  }
0x21a: {  	[sflag:s10] =	ssyncset.done $0x0  }
0x21b: {  	[sflag:s10] =	ssyncadd.s32 $0xFFFFE000  }
0x21c: {  	v1 =	vld [tilespmem:$0x180]  }
0x21d: {  	v2 =	vld [tilespmem:$0x190]  }
0x21e: {  	v3 =	vld [tilespmem:$0x1A0]  }
0x21f: {  	v4 =	vld [tilespmem:$0x1B0]  }
0x220: {  	v5 =	vld [tilespmem:$0x1C0]  }
0x221: {  	[tilespmem:$0x6280] =	vst v1;
	v1 =	vld [tilespmem:$0x1D0]  }
0x222: {  	[tilespmem:$0x6290] =	vst v2;
	v2 =	vld [tilespmem:$0x1E0]  }
0x223: {  	[tilespmem:$0x62A0] =	vst v3;
	v3 =	vld [tilespmem:$0x1F0]  }
0x224: {  	[tilespmem:$0x62B0] =	vst v4  }
0x225: {  	[tilespmem:$0x62C0] =	vst v5  }
0x226: {  	[tilespmem:$0x62D0] =	vst v1  }
0x227: {  	[tilespmem:$0x62E0] =	vst v2  }
0x228: {  	s13 =	simm.s32 $0x0;
	[tilespmem:$0x62F0] =	vst v3  }
0x229: {  	v1 =	vld [tilespmem:s13+$0x1200];
	_ =	sdelay $0x4  }
0x22a: {  	s12 =	simm.s32 $0x4280;
	v2 =	vshll.u32 v1, $0x10  }
0x22b: {  	v1 =	vand.u32 $0xFFFF0000, v1;
	[tilespmem:s12+$0xFFFFFF80] =	vst v2  }
0x22c: {  	[tilespmem:s12+$0xFFFFFF90] =	vst v1  }
0x22d: {  	v1 =	vld [tilespmem:s13+$0x1210];
	_ =	sdelay $0x4  }
0x22e: {  	v2 =	vshll.u32 v1, $0x10  }
0x22f: {  	v1 =	vand.u32 $0xFFFF0000, v1;
	[tilespmem:s12+$0xFFFFFFA0] =	vst v2  }
0x230: {  	[tilespmem:s12+$0xFFFFFFB0] =	vst v1  }
0x231: {  	v1 =	vld [tilespmem:s13+$0x1220];
	_ =	sdelay $0x4  }
0x232: {  	v2 =	vshll.u32 v1, $0x10  }
0x233: {  	v1 =	vand.u32 $0xFFFF0000, v1;
	[tilespmem:s12+$0xFFFFFFC0] =	vst v2  }
0x234: {  	[tilespmem:s12+$0xFFFFFFD0] =	vst v1  }
0x235: {  	v1 =	vld [tilespmem:s13+$0x1230];
	_ =	sdelay $0x4  }
0x236: {  	v2 =	vshll.u32 v1, $0x10  }
0x237: {  	v1 =	vand.u32 $0xFFFF0000, v1;
	[tilespmem:s12+$0xFFFFFFE0] =	vst v2  }
0x238: {  	[tilespmem:s12+$0xFFFFFFF0] =	vst v1  }
0x239: {  	v1 =	vld [tilespmem:s13+$0x1240];
	_ =	sdelay $0x4  }
0x23a: {  	v2 =	vshll.u32 v1, $0x10  }
0x23b: {  	v1 =	vand.u32 $0xFFFF0000, v1;
	[tilespmem:s12+$0x0] =	vst v2  }
0x23c: {  	[tilespmem:s12+$0x10] =	vst v1  }
0x23d: {  	v1 =	vld [tilespmem:s13+$0x1250];
	_ =	sdelay $0x4  }
0x23e: {  	v2 =	vshll.u32 v1, $0x10  }
0x23f: {  	v1 =	vand.u32 $0xFFFF0000, v1;
	[tilespmem:s12+$0x20] =	vst v2  }
0x240: {  	[tilespmem:s12+$0x30] =	vst v1  }
0x241: {  	v1 =	vld [tilespmem:s13+$0x1260];
	_ =	sdelay $0x4  }
0x242: {  	v2 =	vshll.u32 v1, $0x10  }
0x243: {  	s14 =	simm.s32 $0x200;
	s15 =	simm.s32 $0x4280;
	v1 =	vand.u32 $0xFFFF0000, v1;
	[tilespmem:s12+$0x40] =	vst v2  }
.LBB2_16:
0x244: {  	p0 =	sne.s32 s14, $0x3E00  }
0x245: {  	[tilespmem:s12+$0x50] =	vst v1;
	s15 =	sadd.s32 $0x100, s15;
	s18 =	smov.u32 s14;
	s14 =	sadd.s32 $0x200, s14  }
0x246: {  	v1 =	vld [tilespmem:s13+$0x1270];
	_ =	sdelay $0x4  }
0x247: {  	v2 =	vshll.u32 v1, $0x10;
	v1 =	vand.u32 $0xFFFF0000, v1  }
0x248: {  	[tilespmem:s12+$0x60] =	vst v2  }
0x249: {  	s13 =	sshra.s32 s18, $0x2;
	[tilespmem:s12+$0x70] =	vst v1;
	s12 =	smov.u32 s15  }
0x24a: {  	v1 =	vld [tilespmem:s13+$0x1200];
	_ =	sdelay $0x4  }
0x24b: {  	v2 =	vshll.u32 v1, $0x10;
	v1 =	vand.u32 $0xFFFF0000, v1  }
0x24c: {  	[tilespmem:s15+$0xFFFFFF80] =	vst v2  }
0x24d: {  	[tilespmem:s15+$0xFFFFFF90] =	vst v1  }
0x24e: {  	v1 =	vld [tilespmem:s13+$0x1210];
	_ =	sdelay $0x4  }
0x24f: {  	v2 =	vshll.u32 v1, $0x10;
	v1 =	vand.u32 $0xFFFF0000, v1  }
0x250: {  	[tilespmem:s15+$0xFFFFFFA0] =	vst v2  }
0x251: {  	[tilespmem:s15+$0xFFFFFFB0] =	vst v1  }
0x252: {  	v1 =	vld [tilespmem:s13+$0x1220];
	_ =	sdelay $0x4  }
0x253: {  	v2 =	vshll.u32 v1, $0x10;
	v1 =	vand.u32 $0xFFFF0000, v1  }
0x254: {  	[tilespmem:s15+$0xFFFFFFC0] =	vst v2  }
0x255: {  	[tilespmem:s15+$0xFFFFFFD0] =	vst v1  }
0x256: {  	v1 =	vld [tilespmem:s13+$0x1230];
	_ =	sdelay $0x4  }
0x257: {  	v2 =	vshll.u32 v1, $0x10;
	v1 =	vand.u32 $0xFFFF0000, v1  }
0x258: {  	[tilespmem:s15+$0xFFFFFFE0] =	vst v2  }
0x259: {  	[tilespmem:s15+$0xFFFFFFF0] =	vst v1  }
0x25a: {  	v1 =	vld [tilespmem:s13+$0x1240];
	_ =	sdelay $0x4  }
0x25b: {  	v2 =	vshll.u32 v1, $0x10;
	v1 =	vand.u32 $0xFFFF0000, v1  }
0x25c: {  	[tilespmem:s15+$0x0] =	vst v2  }
0x25d: {  	[tilespmem:s15+$0x10] =	vst v1  }
0x25e: {  	v1 =	vld [tilespmem:s13+$0x1250];
	_ =	sdelay $0x4  }
0x25f: {  	v2 =	vshll.u32 v1, $0x10;
	v1 =	vand.u32 $0xFFFF0000, v1  }
0x260: {  	[tilespmem:s15+$0x20] =	vst v2  }
0x261: {  	[tilespmem:s15+$0x30] =	vst v1  }
0x262: {  	v1 =	vld [tilespmem:s13+$0x1260];
	_ =	sdelay $0x1  }
.Ltmp7:
0x263: {  	(pc) =	sbr.rel @p0 .LBB2_16-.Ltmp7, $3  }
0x264: {  	_ =	sdelay $0x1  }
0x265: {  	v2 =	vshll.u32 v1, $0x10;
	v1 =	vand.u32 $0xFFFF0000, v1  }
0x266: {  	[tilespmem:s15+$0x40] =	vst v2  }
0x267: {  	[tilespmem:s12+$0x50] =	vst v1  }
0x268: {  	v1 =	vld [tilespmem:s13+$0x1270];
	_ =	sdelay $0x4  }
0x269: {  	v2 =	vshll.u32 v1, $0x10  }
0x26a: {  	v1 =	vand.u32 $0xFFFF0000, v1;
	[tilespmem:s12+$0x60] =	vst v2  }
0x26b: {  	[tilespmem:s12+$0x70] =	vst v1  }
0x26c: {  	[spmem:s3] =	stream.indirect.scatter.add.f32 [tilespmem:s8], [sflag:$0x6], $0x40, s4, s24, $0xb8;
	[tilespmem:$0x1A300] =	vst v63  }
0x26d: {  	_ =	swait.ge [sflag:s9], $0x2000  }
0x26e: {  	[sflag:s9] =	ssyncset.done $0x0  }
0x26f: {  	[sflag:s9] =	ssyncadd.s32 $0xFFFFE000  }
0x270: {  	_ =	swait.ge [sflag:s10], $0x2000  }
0x271: {  	[sflag:s10] =	ssyncset.done $0x0  }
0x272: {  	[sflag:s10] =	ssyncadd.s32 $0xFFFFE000  }
0x273: {  	s15 =	simm.s32 $0x6300;
	[bflag:$0x0] =	sbarrier.arrive $0xFFFF  }
0x274: {  	[tilespmem:s15], [sflag:$0x7] =	stream.linear.gather [spmem:s7], $0xA000, $0x38;
	[tilespmem:$0x1A300] =	vst v63  }
0x275: {  	_ =	swait.ge [sflag:s21], $0xA000  }
0x276: {  	[sflag:s21] =	ssyncset.done $0x0  }
0x277: {  	s18 =	simm.s32 $0x0;
	s19 =	rddreg [dreg:$0xc];
	[sflag:s21] =	ssyncadd.s32 $0xFFFF6000  }
0x278: {  	[hbm4b:s19+s18] =	stream.linear.scatter [tilespmem:s15], [sflag:$0x7], $0xA000, $0x38;
	[tilespmem:$0x1A300] =	vst v63  }
0x279: {  	_ =	swait.ge [sflag:s21], $0xA000  }
0x27a: {  	s11 =	sadd.s32 $0x1, s11;
	s20 =	rddreg [dreg:$0xd]  }
0x27b: {  	p0 =	sne.s32 s11, s20  }
.Ltmp8:
0x27c: {  	_ = 	snop;
	(pc) =	sbr.rel @p0 .LBB2_1-.Ltmp8, $3  }
0x27d: {  	_ =	sdelay $0x1  }
0x27e: {  	[sflag:s21] =	ssyncset.done $0x0  }
0x27f: {  	[sflag:s21] =	ssyncadd.s32 $0xFFFF6000  }
0x280: {  	_ =	sfence.sel $0x180000  }
0x281: {  	[bflag:$0x0] =	sbarrier.arrive $0xFFFF  }
0x282: {  	_ =	strace $0x9000004A  }
0x283: {  	s0 =	stileid.u32;
	[bflag:$0x2] =	sbarrier.arrive $0xFFFF  }
0x284: {  	p0 =	sne.s32 s0, $0x0;
	s0 =	rddreg [dreg:$0x3]  }
0x285: {  	s0 =	sadd.s32 @!p0 $0x100000, s0  }
0x286: {  	[sflag:s0] =	ssyncadd.tile.s32 @!p0 $0x1;
	_ =	shalt  }
.Lfunc_end2:
_tile_overlayer_lowered:
.L_overlay_start_2:
0x287: {  	(tag) =	ssettag $0x2  }
0x288: {  	s0 =	rddreg [dreg:$0x0];
	s2 =	stileid.u32  }
0x289: {  	s1 =	rddreg [dreg:$0x1];
	p0 =	sne.s32 s2, $0x0  }
0x28a: {  	s3 =	rddreg [dreg:$0x2];
	[bflag:$0x3] =	sbarrier.arrive $0xFFFF;
	s2 =	simm.s32 @!p0 $0x1C07  }
0x28b: {  	[timem:s3], [sflag:s2] =	dma.local @!p0 [hbm:s0], s1  }
0x28c: {  	s0 =	simm.s32 @!p0 $0x7  }
0x28d: {  	_ =	swait.ge @!p0 [sflag:s0], s1  }
0x28e: {  	s1 =	ssub.s32 @!p0 $0x0, s1;
	[sflag:s0] =	ssyncset.done @!p0 $0x0  }
0x28f: {  	[sflag:s0] =	ssyncadd.s32 @!p0 s1  }
0x290: {  	[bflag:$0x3] =	sbarrier.arrive $0xFFFF  }
0x291: {  	_ =	shalt  }

// kernel: kernel.7.cloned.1.call-start
scs
__scs_entry_jumppad:
0x0: {  	(pc) =	sbr.rel $0x88, $3  }
0x1: {  	(tag) =	ssettag $0x0;
	lr =	simm.s32 $0x1  }
0x2: {  	[smem:$0x3F99] =	sst lr;
	_ =	strace $0xD0000000  }
0x3: {  	_ = 	snop  }
0x4: {  	_ = 	snop  }
0x5: {  	_ = 	snop  }
0x6: {  	_ = 	snop  }
0x7: {  	_ = 	snop  }
__scs_overlays_trampoline_lowered:
0x8: {  	[smem:$0x3FA8] =	sst s0  }
0x9: {  	[smem:$0x3FA9] =	sst s1  }
0xa: {  	[smem:$0x3FAA] =	sst s2  }
0xb: {  	[smem:$0x3FAB] =	sst s3  }
0xc: {  	[smem:$0x3FAC] =	sst s4  }
0xd: {  	[smem:$0x3FAD] =	sst s5  }
0xe: {  	[smem:$0x3FAE] =	sst s6  }
0xf: {  	[smem:$0x3FAF] =	sst s7  }
0x10: {  	[smem:$0x3FB0] =	sst s8  }
0x11: {  	[smem:$0x3FB1] =	sst s9;
	s0 =	simm.s32 @!p0 $0x0  }
0x12: {  	s1 =	sld [smem:$0x3F97];
	s0 =	simm.s32 @p0 $0x1  }
0x13: {  	[smem:$0x3FB2] =	sst s0;
	s0 =	simm.s32 @!p1 $0x0  }
0x14: {  	s2 =	sld [smem:$0x3F96];
	s0 =	simm.s32 @p1 $0x1  }
0x15: {  	[smem:$0x3FB3] =	sst s0;
	s0 =	simm.s32 @!p2 $0x0  }
0x16: {  	s3 =	sld [smem:$0x3FDB];
	s0 =	simm.s32 @p2 $0x1  }
0x17: {  	s4 =	simm.s32 $0x1BF5;
	[smem:$0x3FB5] =	sst s0  }
0x18: {  	s0 =	sld [smem:$0x3F98];
	_ =	swait.ge [sflag:s4], $0x0  }
0x19: {  	s7 =	sld [smem:$0x3F99]  }
0x1a: {  	s8 =	sadd.s32 $0xFFFFE003, lr  }
0x1b: {  	s9 =	sadd.s32 $0xFFFFFEF7, lr;
	s5 =	simm.s32 $0xFFFFFFFF;
	p2 =	slt.u32 s8, $0xFFFFF086  }
0x1c: {  	p1 =	slt.u32 s9, $0xF7A;
	s5 =	simm.s32 @!p2 $0x0  }
0x1d: {  	s5 =	simm.s32 @p1 $0x1;
	p0 =	seq.s32 s7, s2  }
0x1e: {  	s7 =	smul.u32 @!p0 $0xF7A, s2;
	p2 =	seq.s32 @!p0 s5, $0x0  }
0x1f: {  	s9 =	smul.u32 $0xF7A, s1;
	s8 =	simm.s32 @!p0 $0x1BF5;
	p2 =	por !p2, p0  }
0x20: {  	[sflag:s8] =	ssyncset.s32 @!p0 $0xFFFFF086;
	s6 =	sadd.s32 @!p0 s3, s7;
	s7 =	simm.s32 @!p0 $0x108  }
0x21: {  	s3 =	sadd.s32 s3, s9;
	s6 =	sadd.s32 @!p0 $0x88, s6;
	s7 =	simm.s32 @p2 $0x1082  }
0x22: {  	[simem:s7], [sflag:s8] =	dma.local @!p0 [hbm:s6], $0xF7A  }
0x23: {  	s9 =	sor.u32 $0xD0000000, s2;
	s6 =	simm.s32 $0x108;
	_ =	swait.ge @!p0 [sflag:s8], $0x0  }
0x24: {  	s3 =	sadd.s32 $0x88, s3;
	s6 =	simm.s32 @!p1 $0x1082;
	[sflag:s4] =	ssyncset.s32 $0xFFFFF086  }
0x25: {  	[simem:s6], [sflag:s4] =	dma.local [hbm:s3], $0xF7A  }
0x26: {  	[smem:$0x3F99] =	sst s1;
	(tag) =	ssettag s2;
	_ =	strace s9  }
0x27: {  	s1 =	sld [smem:$0x3FA9]  }
0x28: {  	s2 =	sld [smem:$0x3FAA]  }
0x29: {  	s4 =	sld [smem:$0x3FAC]  }
0x2a: {  	p0 =	seq.s32 s5, $0x0;
	s5 =	sld [smem:$0x3FAD]  }
0x2b: {  	s6 =	sld [smem:$0x3FAE]  }
0x2c: {  	s7 =	sld [smem:$0x3FAF]  }
0x2d: {  	s3 =	simm.s32 $0x108;
	s8 =	sld [smem:$0x3FB0]  }
0x2e: {  	s3 =	simm.s32 @!p0 $0x1082;
	s9 =	sld [smem:$0x3FB1]  }
0x2f: {  	lr =	sadd.s32 s0, s3;
	s0 =	sld [smem:$0x3FA8]  }
0x30: {  	s3 =	sld [smem:$0x3FAB]  }
0x31: {  	[smem:$0x3FB4] =	sst s10  }
0x32: {  	s10 =	sld [smem:$0x3FB2];
	_ =	sdelay $0x3  }
0x33: {  	p0 =	seq.s32 s10, $0x1;
	s10 =	sld [smem:$0x3FB4];
	_ =	sdelay $0x3  }
0x34: {  	[smem:$0x3FB4] =	sst s10  }
0x35: {  	s10 =	sld [smem:$0x3FB3];
	_ =	sdelay $0x3  }
0x36: {  	p1 =	seq.s32 s10, $0x1;
	s10 =	sld [smem:$0x3FB4];
	_ =	sdelay $0x3  }
0x37: {  	[smem:$0x3FB4] =	sst s10  }
0x38: {  	s10 =	sld [smem:$0x3FB5]  }
0x39: {  	_ = 	snop;
	(pc) =	sbr.ind lr, $3  }
0x3a: {  	_ = 	snop  }
0x3b: {  	_ = 	snop  }
0x3c: {  	p2 =	seq.s32 s10, $0x1;
	s10 =	sld [smem:$0x3FB4]  }
0x3d: {  	_ =	shalt  }
0x3e: {  	_ =	shalt  }
0x3f: {  	_ =	shalt  }
0x40: {  	_ =	shalt  }
0x41: {  	_ =	shalt  }
0x42: {  	_ =	shalt  }
0x43: {  	_ =	shalt  }
0x44: {  	_ =	shalt  }
0x45: {  	_ =	shalt  }
0x46: {  	_ =	shalt  }
0x47: {  	_ =	shalt  }
0x48: {  	_ =	shalt  }
0x49: {  	_ =	shalt  }
0x4a: {  	_ =	shalt  }
0x4b: {  	_ =	shalt  }
0x4c: {  	_ =	shalt  }
0x4d: {  	_ =	shalt  }
0x4e: {  	_ =	shalt  }
0x4f: {  	_ =	shalt  }
0x50: {  	_ =	shalt  }
0x51: {  	_ =	shalt  }
0x52: {  	_ =	shalt  }
0x53: {  	_ =	shalt  }
0x54: {  	_ =	shalt  }
0x55: {  	_ =	shalt  }
0x56: {  	_ =	shalt  }
0x57: {  	_ =	shalt  }
0x58: {  	_ =	shalt  }
0x59: {  	_ =	shalt  }
0x5a: {  	_ =	shalt  }
0x5b: {  	_ =	shalt  }
0x5c: {  	_ =	shalt  }
0x5d: {  	_ =	shalt  }
0x5e: {  	_ =	shalt  }
0x5f: {  	_ =	shalt  }
0x60: {  	_ =	shalt  }
0x61: {  	_ =	shalt  }
0x62: {  	_ =	shalt  }
0x63: {  	_ =	shalt  }
0x64: {  	_ =	shalt  }
0x65: {  	_ =	shalt  }
0x66: {  	_ =	shalt  }
0x67: {  	_ =	shalt  }
0x68: {  	_ =	shalt  }
0x69: {  	_ =	shalt  }
0x6a: {  	_ =	shalt  }
0x6b: {  	_ =	shalt  }
0x6c: {  	_ =	shalt  }
0x6d: {  	_ =	shalt  }
0x6e: {  	_ =	shalt  }
0x6f: {  	_ =	shalt  }
0x70: {  	_ =	shalt  }
0x71: {  	_ =	shalt  }
0x72: {  	_ =	shalt  }
0x73: {  	_ =	shalt  }
0x74: {  	_ =	shalt  }
0x75: {  	_ =	shalt  }
0x76: {  	_ =	shalt  }
0x77: {  	_ =	shalt  }
0x78: {  	_ =	shalt  }
0x79: {  	_ =	shalt  }
0x7a: {  	_ =	shalt  }
0x7b: {  	_ =	shalt  }
0x7c: {  	_ =	shalt  }
0x7d: {  	_ =	shalt  }
0x7e: {  	_ =	shalt  }
0x7f: {  	_ =	shalt  }
0x80: {  	_ =	shalt  }
0x81: {  	_ =	shalt  }
0x82: {  	_ =	shalt  }
0x83: {  	_ =	shalt  }
0x84: {  	_ =	shalt  }
0x85: {  	_ =	shalt  }
0x86: {  	_ =	shalt  }
0x87: {  	_ =	shalt  }
.Lfunc_end0:
.L_simem_size_0:
called_computation_lowered:
.L_overlay_start_0:
0x88: {  	s2 =	sld [smem:$0x3FD9]  }
0x89: {  	s3 =	sld [smem:$0x3FFE];
	_ =	sdelay $0x1  }
0x8a: {  	s1 =	srdreg.scid  }
0x8b: {  	s0 =	sand.u32 $0x1, s1  }
0x8c: {  	s17 =	sshll.u32 s0, $0xA;
	s2 =	sadd.s32 s3, s2  }
0x8d: {  	s2 =	sadd.s32 s2, s17  }
0x8e: {  	[smem:$0x3FC0] =	sst s2  }
0x8f: {  	_ = 	snop  }
0x90: {  	s2 =	sld [smem:$0x3FD0];
	(tm) =	ssettm $0x1  }
0x91: {  	s18 =	sld [smem:$0x3FFB];
	_ =	sdelay $0x3  }
0x92: {  	_ =	strace s18  }
0x93: {  	s3 =	sld [smem:$0x3FFC];
	_ =	sdelay $0x3  }
0x94: {  	_ =	strace s3  }
0x95: {  	s3 =	sld [smem:$0x3FFD];
	_ =	sdelay $0x3  }
0x96: {  	_ =	strace s3  }
0x97: {  	_ =	strace $0x8FFFFFFF  }
0x98: {  	s19 =	sld [smem:$0x3FDB];
	_ =	sdelay $0x1  }
0x99: {  	s4 =	simm.s32 $_scs_section_size  }
0x9a: {  	s5 =	simm.s32 $_size__tile_overlayer_lowered;
	s6 =	simm.s32 $_tile_overlayer_lowered  }
0x9b: {  	s22 =	simm.s32 $0x1BFF;
	s21 =	sshll.u32 s6, $0x1;
	s3 =	sadd.s32 s4, s19  }
0x9c: {  	s7 =	simm.s32 $0x0;
	s20 =	sshll.u32 s5, $0x1;
	s5 =	sadd.s32 s21, s3  }
0x9d: {  	[timem:s7], [sflag:s22] =	dma.local [hbm:s5], s20  }
0x9e: {  	_ =	swait.ge [sflag:s22], s20  }
0x9f: {  	s4 =	ssub.s32 $0x0, s20;
	[sflag:s22] =	ssyncset.done $0x0  }
0xa0: {  	[sflag:s22] =	ssyncadd.s32 s4;
	_ =	sdelay $0x1  }
0xa1: {  	s23 =	simm.s32 $0x1B8B  }
0xa2: {  	_ =	swait.ge [sflag:s23], $0x1  }
0xa3: {  	[sflag:s23] =	ssyncset.done $0x0  }
0xa4: {  	s25 =	simm.s32 $0x1B8E;
	s24 =	sld [smem:$0x3FFE];
	[sflag:s23] =	ssyncadd.s32 $0xFFFFFFFF  }
0xa5: {  	s26 =	simm.s32 $execute0_lowered;
	[smem:$0x3FD2] =	sst s25  }
0xa6: {  	s5 =	sshll.u32 s26, $0x1;
	_ =	strace $0x80000046;
	[dreg:$0x1] =	wrdreg $0xFFFFFFFF  }
0xa7: {  	s28 =	simm.s32 $_size_execute0_lowered;
	s3 =	sadd.s32 s3, s5;
	[dreg:$0x0] =	wrdreg $0x0  }
0xa8: {  	s5 =	sshll.u32 s28, $0x1;
	[dreg:$0x2] =	wrdreg s3  }
0xa9: {  	[dreg:$0x3] =	wrdreg s5  }
0xaa: {  	[dreg:$0x4] =	wrdreg $0xC0  }
0xab: {  	_ =	task [dreg:s7], $0x5FFFF  }
0xac: {  	[dreg:$0x1] =	wrdreg $0xFFFFFFFF  }
0xad: {  	[dreg:$0x0] =	wrdreg $0x60  }
0xae: {  	[dreg:$0x2] =	wrdreg s24  }
0xaf: {  	[dreg:$0x3] =	wrdreg s2  }
0xb0: {  	[dreg:$0x4] =	wrdreg $0x103000  }
0xb1: {  	[dreg:$0x5] =	wrdreg $0x1CB800  }
0xb2: {  	[dreg:$0x6] =	wrdreg $0x9  }
0xb3: {  	_ =	task.clear_ibuf [dreg:s7], $0x7FFFF;
	_ =	strace $0x90000046  }
0xb4: {  	s29 =	simm.s32 $0x9;
	_ =	strace $0x80000048  }
0xb5: {  	_ =	swait.ge [sflag:s29], $0x1  }
0xb6: {  	[sflag:s29] =	ssyncadd.s32 $0xFFFFFFFF  }
0xb7: {  	_ =	strace $0x90000048  }
0xb8: {  	_ =	sfence  }
0xb9: {  	s30 =	sld [smem:$0x0];
	_ =	sdelay $0x2  }
0xba: {  	s31 =	sshll.u32 s1, $0xD;
	s1 =	sshrl.u32 s1, $0x2  }
0xbb: {  	s3 =	sand.u32 $0x4000, s31;
	s1 =	sadd.s32 s1, s30  }
0xbc: {  	s0 =	sor.u32 s3, s0;
	s1 =	sshll.u32 s1, $0x11  }
0xbd: {  	s0 =	sor.u32 s1, s0  }
0xbe: {  	s0 =	sadd.s32 $0x8F2B, s0  }
0xbf: {  	[sflag:s0] =	ssyncadd.remote.s32 $0x1  }
0xc0: {  	_ =	sfence.sel $0xFFFF  }
0xc1: {  	[dreg:$0x0] =	wrdreg $0xFFFFFFFF;
	(pc) =	sbr.abs _section_cstart, $3  }
0xc2: {  	[dreg:$0x1] =	wrdreg $0xFFFFFFFF  }
0xc3: {  	_ =	task.clear_ibuf [dreg:s7], $0x2FFFF;
	_ =	strace $0x9FFFFFFF  }
0xc4: {  	(tm) =	ssettm $0x7FFFFFFF  }
0xc5: {  	_ =	shalt  }
tec
execute0_lowered:
.L_overlay_start_1:
0x0: {  	(tag) =	ssettag $0x1  }
0x1: {  	s0 =	rddreg [dreg:$0x0]  }
0x2: {  	s1 =	rddreg [dreg:$0x1]  }
0x3: {  	s3 =	rddreg [dreg:$0x2];
	s2 =	srdreg.scid  }
0x4: {  	s10 =	stileid.u32;
	s12 =	rddreg [dreg:$0x3]  }
0x5: {  	s6 =	simm.s32 $0x0;
	s28 =	simm.s32 $0x3;
	s29 =	simm.s32 $0x80  }
0x6: {  	s30 =	simm.s32 $0x200;
	s31 =	simm.s32 $0x180;
	s13 =	simm.s32 $0x2200  }
0x7: {  	s2 =	sand.u32 $0x1, s2;
	s4 =	smul.u32 $0xA000, s10;
	[smem:$0x7FF] =	sst s6  }
0x8: {  	s8 =	smul.u32 $0x280, s10;
	s6 =	sadd.s32 $0x28400, s0;
	s7 =	sadd.s32 $0x32200, s0  }
0x9: {  	s10 =	sshll.u32 s10, $0x1;
	s5 =	smul.u32 $0xA0000, s2;
	_ =	strace $0x80000047  }
0xa: {  	s9 =	smul.u32 $0x2800, s2;
	s10 =	sor.u32 s2, s10;
	s2 =	ssub.s32 $0x2, s2  }
0xb: {  	s11 =	smul.u32 $0x2800, s10;
	s14 =	sshrl.u32 s2, $0x1;
	s10 =	sadd.s32 s4, s3  }
0xc: {  	s21 =	sadd.s32 s8, s12;
	s23 =	sadd.s32 $0x1A300, s8;
	s12 =	simm.s32 $0x6200  }
0xd: {  	s5 =	sadd.s32 s4, s5;
	s9 =	sadd.s32 s8, s9;
	[dreg:$0x5] =	wrdreg s10  }
0xe: {  	s2 =	ssub.s32 s2, s14;
	s14 =	simm.s32 $0x2;
	[dreg:$0x6] =	wrdreg s21  }
0xf: {  	[dreg:$0x7] =	wrdreg s23;
	s5 =	sshrl.u32 s5, $0x3;
	s9 =	sshrl.u32 s9, $0x3  }
0x10: {  	s15 =	sshrl.u32 s11, $0x3;
	s26 =	smax.u32 s2, $0x1;
	s2 =	simm.s32 $0x4  }
0x11: {  	s5 =	sadd.s32 s5, s0;
	s0 =	sadd.s32 s9, s0;
	s16 =	sor.u32 $0x10, s15  }
0x12: {  	s17 =	sadd.s32 s1, s15;
	s18 =	sadd.s32 s7, s15;
	[dreg:$0x12] =	wrdreg s26  }
0x13: {  	s20 =	sor.u32 $0x20, s15;
	s4 =	sor.u32 $0x30, s15;
	[dreg:$0x8] =	wrdreg s17  }
0x14: {  	s26 =	simm.s32 $0x100;
	[dreg:$0x9] =	wrdreg s18;
	s19 =	sadd.s32 s1, s16  }
0x15: {  	s15 =	simm.s32 $0x6280;
	s8 =	sadd.s32 s7, s16;
	[dreg:$0xa] =	wrdreg s19  }
0x16: {  	s22 =	sadd.s32 s1, s20;
	s24 =	sadd.s32 s1, s4;
	[dreg:$0xb] =	wrdreg s8  }
0x17: {  	s4 =	sadd.s32 s7, s4;
	s25 =	sadd.s32 $0x3CC00, s5;
	[dreg:$0xc] =	wrdreg s22  }
0x18: {  	s0 =	sadd.s32 $0x3C200, s0;
	s5 =	simm.s32 $0x1;
	[dreg:$0xe] =	wrdreg s24  }
0x19: {  	s16 =	simm.s32 $0x4200;
	s17 =	simm.s32 $0x5;
	[dreg:$0xf] =	wrdreg s4  }
0x1a: {  	s18 =	simm.s32 $0x6;
	s8 =	sadd.s32 s7, s20;
	[dreg:$0x10] =	wrdreg s25  }
0x1b: {  	s19 =	sor.u32 $0x100, s11;
	s20 =	sor.u32 $0x180, s11;
	[dreg:$0x11] =	wrdreg s0  }
0x1c: {  	s24 =	simm.s32 $0x6300;
	s25 =	simm.s32 $0x7;
	s0 =	simm.s32 $0x1200  }
0x1d: {  	v0 =	vimm.f32 $0.0e+00;
	v1 =	vimm.f32 $1.000000000e+00;
	v2 =	vlaneseq.u32;
	s11 =	simm.s32 $0x1A300;
	s22 =	simm.s32 $0x0;
	[dreg:$0xd] =	wrdreg s8  }
.LBB2_1:
0x1e: {  	s8 =	simm.s32 $0x100;
	s4 =	simm.s32 $0x0  }
.LBB2_2:
0x1f: {  	p0 =	sne.s32 s8, $0x27F00;
	[tilespmem:s4+$0x6330] =	vst v0;
	s9 =	smov.u32 s8;
	s8 =	sadd.s32 $0x100, s8  }
.Ltmp0:
0x20: {  	[tilespmem:s4+$0x6320] =	vst v0;
	(pc) =	sbr.rel @p0 .LBB2_2-.Ltmp0, $3  }
0x21: {  	[tilespmem:s4+$0x6300] =	vst v0  }
0x22: {  	[tilespmem:s4+$0x6310] =	vst v0;
	_ =	sdelay $0x1  }
0x23: {  	s4 =	sshra.s32 s9, $0x2  }
0x24: {  	[tilespmem:s4+$0x6330] =	vst v0  }
0x25: {  	[tilespmem:s4+$0x6320] =	vst v0  }
0x26: {  	[tilespmem:s4+$0x6300] =	vst v0  }
0x27: {  	[tilespmem:s4+$0x6310] =	vst v0  }
0x28: {  	[spmem:s10] =	stream.linear.scatter [tilespmem:s24], [sflag:$0x7], $0xA000, $0x38;
	[tilespmem:$0x1CE00] =	vst v63  }
0x29: {  	_ =	swait.ge [sflag:s25], $0xA000  }
0x2a: {  	[sflag:s25] =	ssyncset.done $0x0  }
0x2b: {  	s4 =	simm.s32 $0x40;
	s8 =	simm.s32 $0x0;
	[sflag:s25] =	ssyncadd.s32 $0xFFFF6000  }
.LBB2_4:
0x2c: {  	p0 =	sne.s32 s4, $0x9FC0;
	[tilespmem:s8+$0x1A300] =	vst v0;
	s8 =	smov.u32 s4;
	s4 =	sadd.s32 $0x40, s4  }
.Ltmp1:
0x2d: {  	(pc) =	sbr.rel @p0 .LBB2_4-.Ltmp1, $2  }
0x2e: {  	_ =	sdelay $0x2  }
0x2f: {  	s8 =	sshra.s32 s8, $0x2  }
0x30: {  	[tilespmem:s8+$0x1A300] =	vst v0  }
0x31: {  	[spmem:s21] =	stream.linear.scatter [tilespmem:s23], [sflag:$0x7], $0x280, $0x38;
	[tilespmem:$0x1CE00] =	vst v63  }
0x32: {  	_ =	swait.ge [sflag:s25], $0x280  }
0x33: {  	[sflag:s25] =	ssyncset.done $0x0  }
0x34: {  	[sflag:s25] =	ssyncadd.s32 $0xFFFFFD80  }
0x35: {  	[bflag:$0x0] =	sbarrier.arrive $0xFFFF  }
0x36: {  	s4 =	simm.s32 $0x0;
	s24 =	rddreg [dreg:$0x8]  }
0x37: {  	[tilespmem:s4], [sflag:$0x3] =	stream.linear.gather [hbm4b:s24+s4], $0x80, $0x38;
	[tilespmem:$0x1CE00] =	vst v63  }
0x38: {  	s9 =	rddreg [dreg:$0x9]  }
0x39: {  	[tilespmem:s26], [sflag:$0x3] =	stream.linear.gather [hbm4b:s9+s4], $0x80, $0x38;
	[tilespmem:$0x1CE00] =	vst v63  }
0x3a: {  	_ =	swait.ge [sflag:s28], $0x80  }
0x3b: {  	[sflag:s28] =	ssyncset.done $0x0  }
0x3c: {  	[sflag:s28] =	ssyncadd.s32 $0xFFFFFF80  }
0x3d: {  	_ =	swait.ge [sflag:s28], $0x80  }
0x3e: {  	[sflag:s28] =	ssyncset.done $0x0  }
0x3f: {  	[sflag:s28] =	ssyncadd.s32 $0xFFFFFF80  }
0x40: {  	[tilespmem:s30], [sflag:$0x1] =	stream.indirect.gather [hbm4b:s6+s29], $0x20, s4, s29, $0xb8;
	[tilespmem:$0x1CE00] =	vst v63  }
0x41: {  	s10 =	rddreg [dreg:$0xa]  }
0x42: {  	[tilespmem:s29], [sflag:$0x4] =	stream.linear.gather [hbm4b:s10+s4], $0x80, $0x38;
	[tilespmem:$0x1CE00] =	vst v63  }
0x43: {  	s21 =	rddreg [dreg:$0xb]  }
0x44: {  	[tilespmem:s31], [sflag:$0x4] =	stream.linear.gather [hbm4b:s21+s4], $0x80, $0x38;
	[tilespmem:$0x1CE00] =	vst v63  }
0x45: {  	_ =	swait.ge [sflag:s2], $0x80  }
0x46: {  	[sflag:s2] =	ssyncset.done $0x0  }
0x47: {  	[sflag:s2] =	ssyncadd.s32 $0xFFFFFF80  }
0x48: {  	_ =	swait.ge [sflag:s2], $0x80  }
0x49: {  	[sflag:s2] =	ssyncset.done $0x0  }
0x4a: {  	[sflag:s2] =	ssyncadd.s32 $0xFFFFFF80  }
0x4b: {  	[tilespmem:s0], [sflag:$0x2] =	stream.indirect.gather [hbm4b:s6+s29], $0x20, s29, s29, $0xb8;
	[tilespmem:$0x1CE00] =	vst v63  }
0x4c: {  	_ =	swait.ge [sflag:s5], $0x1000  }
0x4d: {  	[sflag:s5] =	ssyncset.done $0x0  }
0x4e: {  	[sflag:s5] =	ssyncadd.s32 $0xFFFFF000  }
0x4f: {  	v3 =	vld [tilespmem:$0x100];
	_ =	sdelay $0x6  }
0x50: {  	[tilespmem:$0x6200] =	vst v3  }
0x51: {  	[tilespmem:v3+s11+$0x0] =	vst.idx.add.f32.msk $0xffff, v1  }
0x52: {  	v3 =	vld [tilespmem:$0x110];
	_ =	sdelay $0x6  }
0x53: {  	[tilespmem:$0x6210] =	vst v3  }
0x54: {  	[tilespmem:v3+s11+$0x0] =	vst.idx.add.f32.msk $0xffff, v1  }
0x55: {  	v3 =	vld [tilespmem:$0x120];
	_ =	sdelay $0x6  }
0x56: {  	[tilespmem:$0x6220] =	vst v3  }
0x57: {  	[tilespmem:v3+s11+$0x0] =	vst.idx.add.f32.msk $0xffff, v1  }
0x58: {  	v3 =	vld [tilespmem:$0x130];
	_ =	sdelay $0x6  }
0x59: {  	[tilespmem:$0x6230] =	vst v3  }
0x5a: {  	[tilespmem:v3+s11+$0x0] =	vst.idx.add.f32.msk $0xffff, v1  }
0x5b: {  	v3 =	vld [tilespmem:$0x140];
	_ =	sdelay $0x6  }
0x5c: {  	[tilespmem:$0x6240] =	vst v3  }
0x5d: {  	[tilespmem:v3+s11+$0x0] =	vst.idx.add.f32.msk $0xffff, v1  }
0x5e: {  	v3 =	vld [tilespmem:$0x150];
	_ =	sdelay $0x6  }
0x5f: {  	[tilespmem:$0x6250] =	vst v3  }
0x60: {  	[tilespmem:v3+s11+$0x0] =	vst.idx.add.f32.msk $0xffff, v1  }
0x61: {  	v3 =	vld [tilespmem:$0x160];
	_ =	sdelay $0x6  }
0x62: {  	[tilespmem:$0x6260] =	vst v3  }
0x63: {  	[tilespmem:v3+s11+$0x0] =	vst.idx.add.f32.msk $0xffff, v1  }
0x64: {  	v3 =	vld [tilespmem:$0x170];
	_ =	sdelay $0x6  }
0x65: {  	[tilespmem:$0x6270] =	vst v3  }
0x66: {  	s23 =	rddreg [dreg:$0xc];
	[tilespmem:v3+s11+$0x0] =	vst.idx.add.f32.msk $0xffff, v1  }
0x67: {  	[tilespmem:s4], [sflag:$0x3] =	stream.linear.gather [hbm4b:s23+s4], $0x80, $0x38;
	[tilespmem:$0x1CE00] =	vst v63  }
0x68: {  	s8 =	simm.s32 $0x0;
	s24 =	rddreg [dreg:$0xd]  }
0x69: {  	[tilespmem:s26], [sflag:$0x3] =	stream.linear.gather [hbm4b:s24+s4], $0x80, $0x38;
	[tilespmem:$0x1CE00] =	vst v63  }
0x6a: {  	v3 =	vld [tilespmem:s8+$0x200];
	_ =	sdelay $0x4  }
0x6b: {  	s23 =	simm.s32 $0x2280;
	v4 =	vshll.u32 v3, $0x10  }
0x6c: {  	v3 =	vand.u32 $0xFFFF0000, v3;
	[tilespmem:s23+$0xFFFFFF80] =	vst v4  }
0x6d: {  	[tilespmem:s23+$0xFFFFFF90] =	vst v3  }
0x6e: {  	v3 =	vld [tilespmem:s8+$0x210];
	_ =	sdelay $0x4  }
0x6f: {  	v4 =	vshll.u32 v3, $0x10  }
0x70: {  	v3 =	vand.u32 $0xFFFF0000, v3;
	[tilespmem:s23+$0xFFFFFFA0] =	vst v4  }
0x71: {  	[tilespmem:s23+$0xFFFFFFB0] =	vst v3  }
0x72: {  	v3 =	vld [tilespmem:s8+$0x220];
	_ =	sdelay $0x4  }
0x73: {  	v4 =	vshll.u32 v3, $0x10  }
0x74: {  	v3 =	vand.u32 $0xFFFF0000, v3;
	[tilespmem:s23+$0xFFFFFFC0] =	vst v4  }
0x75: {  	[tilespmem:s23+$0xFFFFFFD0] =	vst v3  }
0x76: {  	v3 =	vld [tilespmem:s8+$0x230];
	_ =	sdelay $0x4  }
0x77: {  	v4 =	vshll.u32 v3, $0x10  }
0x78: {  	v3 =	vand.u32 $0xFFFF0000, v3;
	[tilespmem:s23+$0xFFFFFFE0] =	vst v4  }
0x79: {  	[tilespmem:s23+$0xFFFFFFF0] =	vst v3  }
0x7a: {  	v3 =	vld [tilespmem:s8+$0x240];
	_ =	sdelay $0x4  }
0x7b: {  	v4 =	vshll.u32 v3, $0x10  }
0x7c: {  	v3 =	vand.u32 $0xFFFF0000, v3;
	[tilespmem:s23+$0x0] =	vst v4  }
0x7d: {  	[tilespmem:s23+$0x10] =	vst v3  }
0x7e: {  	v3 =	vld [tilespmem:s8+$0x250];
	_ =	sdelay $0x4  }
0x7f: {  	v4 =	vshll.u32 v3, $0x10  }
0x80: {  	v3 =	vand.u32 $0xFFFF0000, v3;
	[tilespmem:s23+$0x20] =	vst v4  }
0x81: {  	[tilespmem:s23+$0x30] =	vst v3  }
0x82: {  	v3 =	vld [tilespmem:s8+$0x260];
	_ =	sdelay $0x4  }
0x83: {  	v4 =	vshll.u32 v3, $0x10  }
0x84: {  	s9 =	simm.s32 $0x200;
	s4 =	simm.s32 $0x2280;
	v3 =	vand.u32 $0xFFFF0000, v3;
	[tilespmem:s23+$0x40] =	vst v4  }
.LBB2_6:
0x85: {  	p0 =	sne.s32 s9, $0x3E00  }
0x86: {  	[tilespmem:s23+$0x50] =	vst v3;
	s4 =	sadd.s32 $0x100, s4;
	s21 =	smov.u32 s9;
	s9 =	sadd.s32 $0x200, s9  }
0x87: {  	v3 =	vld [tilespmem:s8+$0x270];
	_ =	sdelay $0x4  }
0x88: {  	v4 =	vshll.u32 v3, $0x10;
	v3 =	vand.u32 $0xFFFF0000, v3  }
0x89: {  	[tilespmem:s23+$0x60] =	vst v4  }
0x8a: {  	s8 =	sshra.s32 s21, $0x2;
	[tilespmem:s23+$0x70] =	vst v3;
	s23 =	smov.u32 s4  }
0x8b: {  	v3 =	vld [tilespmem:s8+$0x200];
	_ =	sdelay $0x4  }
0x8c: {  	v4 =	vshll.u32 v3, $0x10;
	v3 =	vand.u32 $0xFFFF0000, v3  }
0x8d: {  	[tilespmem:s4+$0xFFFFFF80] =	vst v4  }
0x8e: {  	[tilespmem:s4+$0xFFFFFF90] =	vst v3  }
0x8f: {  	v3 =	vld [tilespmem:s8+$0x210];
	_ =	sdelay $0x4  }
0x90: {  	v4 =	vshll.u32 v3, $0x10;
	v3 =	vand.u32 $0xFFFF0000, v3  }
0x91: {  	[tilespmem:s4+$0xFFFFFFA0] =	vst v4  }
0x92: {  	[tilespmem:s4+$0xFFFFFFB0] =	vst v3  }
0x93: {  	v3 =	vld [tilespmem:s8+$0x220];
	_ =	sdelay $0x4  }
0x94: {  	v4 =	vshll.u32 v3, $0x10;
	v3 =	vand.u32 $0xFFFF0000, v3  }
0x95: {  	[tilespmem:s4+$0xFFFFFFC0] =	vst v4  }
0x96: {  	[tilespmem:s4+$0xFFFFFFD0] =	vst v3  }
0x97: {  	v3 =	vld [tilespmem:s8+$0x230];
	_ =	sdelay $0x4  }
0x98: {  	v4 =	vshll.u32 v3, $0x10;
	v3 =	vand.u32 $0xFFFF0000, v3  }
0x99: {  	[tilespmem:s4+$0xFFFFFFE0] =	vst v4  }
0x9a: {  	[tilespmem:s4+$0xFFFFFFF0] =	vst v3  }
0x9b: {  	v3 =	vld [tilespmem:s8+$0x240];
	_ =	sdelay $0x4  }
0x9c: {  	v4 =	vshll.u32 v3, $0x10;
	v3 =	vand.u32 $0xFFFF0000, v3  }
0x9d: {  	[tilespmem:s4+$0x0] =	vst v4  }
0x9e: {  	[tilespmem:s4+$0x10] =	vst v3  }
0x9f: {  	v3 =	vld [tilespmem:s8+$0x250];
	_ =	sdelay $0x4  }
0xa0: {  	v4 =	vshll.u32 v3, $0x10;
	v3 =	vand.u32 $0xFFFF0000, v3  }
0xa1: {  	[tilespmem:s4+$0x20] =	vst v4  }
0xa2: {  	[tilespmem:s4+$0x30] =	vst v3  }
0xa3: {  	v3 =	vld [tilespmem:s8+$0x260];
	_ =	sdelay $0x1  }
.Ltmp2:
0xa4: {  	(pc) =	sbr.rel @p0 .LBB2_6-.Ltmp2, $3  }
0xa5: {  	_ =	sdelay $0x1  }
0xa6: {  	v4 =	vshll.u32 v3, $0x10;
	v3 =	vand.u32 $0xFFFF0000, v3  }
0xa7: {  	[tilespmem:s4+$0x40] =	vst v4  }
0xa8: {  	[tilespmem:s23+$0x50] =	vst v3  }
0xa9: {  	v3 =	vld [tilespmem:s8+$0x270];
	_ =	sdelay $0x4  }
0xaa: {  	v4 =	vshll.u32 v3, $0x10  }
0xab: {  	v3 =	vand.u32 $0xFFFF0000, v3;
	[tilespmem:s23+$0x60] =	vst v4  }
0xac: {  	[tilespmem:s23+$0x70] =	vst v3  }
0xad: {  	[spmem:s3] =	stream.indirect.scatter.add.f32 [tilespmem:s13], [sflag:$0x5], $0x40, s12, s29, $0xb8;
	[tilespmem:$0x1CE00] =	vst v63  }
0xae: {  	_ =	swait.ge [sflag:s28], $0x80  }
0xaf: {  	[sflag:s28] =	ssyncset.done $0x0  }
0xb0: {  	[sflag:s28] =	ssyncadd.s32 $0xFFFFFF80  }
0xb1: {  	_ =	swait.ge [sflag:s28], $0x80  }
0xb2: {  	[sflag:s28] =	ssyncset.done $0x0  }
0xb3: {  	s4 =	simm.s32 $0x0;
	[sflag:s28] =	ssyncadd.s32 $0xFFFFFF80  }
0xb4: {  	[tilespmem:s30], [sflag:$0x1] =	stream.indirect.gather [hbm4b:s6+s29], $0x20, s4, s29, $0xb8;
	[tilespmem:$0x1CE00] =	vst v63  }
0xb5: {  	_ =	swait.ge [sflag:s14], $0x1000  }
0xb6: {  	[sflag:s14] =	ssyncset.done $0x0  }
0xb7: {  	[sflag:s14] =	ssyncadd.s32 $0xFFFFF000  }
0xb8: {  	v3 =	vld [tilespmem:$0x180];
	_ =	sdelay $0x6  }
0xb9: {  	[tilespmem:$0x6280] =	vst v3  }
0xba: {  	[tilespmem:v3+s11+$0x0] =	vst.idx.add.f32.msk $0xffff, v1  }
0xbb: {  	v3 =	vld [tilespmem:$0x190];
	_ =	sdelay $0x6  }
0xbc: {  	[tilespmem:$0x6290] =	vst v3  }
0xbd: {  	[tilespmem:v3+s11+$0x0] =	vst.idx.add.f32.msk $0xffff, v1  }
0xbe: {  	v3 =	vld [tilespmem:$0x1A0];
	_ =	sdelay $0x6  }
0xbf: {  	[tilespmem:$0x62A0] =	vst v3  }
0xc0: {  	[tilespmem:v3+s11+$0x0] =	vst.idx.add.f32.msk $0xffff, v1  }
0xc1: {  	v3 =	vld [tilespmem:$0x1B0];
	_ =	sdelay $0x6  }
0xc2: {  	[tilespmem:$0x62B0] =	vst v3  }
0xc3: {  	[tilespmem:v3+s11+$0x0] =	vst.idx.add.f32.msk $0xffff, v1  }
0xc4: {  	v3 =	vld [tilespmem:$0x1C0];
	_ =	sdelay $0x6  }
0xc5: {  	[tilespmem:$0x62C0] =	vst v3  }
0xc6: {  	[tilespmem:v3+s11+$0x0] =	vst.idx.add.f32.msk $0xffff, v1  }
0xc7: {  	v3 =	vld [tilespmem:$0x1D0];
	_ =	sdelay $0x6  }
0xc8: {  	[tilespmem:$0x62D0] =	vst v3  }
0xc9: {  	[tilespmem:v3+s11+$0x0] =	vst.idx.add.f32.msk $0xffff, v1  }
0xca: {  	v3 =	vld [tilespmem:$0x1E0];
	_ =	sdelay $0x6  }
0xcb: {  	[tilespmem:$0x62E0] =	vst v3  }
0xcc: {  	[tilespmem:v3+s11+$0x0] =	vst.idx.add.f32.msk $0xffff, v1  }
0xcd: {  	v3 =	vld [tilespmem:$0x1F0];
	_ =	sdelay $0x6  }
0xce: {  	[tilespmem:$0x62F0] =	vst v3  }
0xcf: {  	s23 =	rddreg [dreg:$0xe];
	[tilespmem:v3+s11+$0x0] =	vst.idx.add.f32.msk $0xffff, v1  }
0xd0: {  	[tilespmem:s29], [sflag:$0x4] =	stream.linear.gather [hbm4b:s23+s4], $0x80, $0x38;
	[tilespmem:$0x1CE00] =	vst v63  }
0xd1: {  	s8 =	simm.s32 $0x0;
	s24 =	rddreg [dreg:$0xf]  }
0xd2: {  	[tilespmem:s31], [sflag:$0x4] =	stream.linear.gather [hbm4b:s24+s4], $0x80, $0x38;
	[tilespmem:$0x1CE00] =	vst v63  }
0xd3: {  	v3 =	vld [tilespmem:s8+$0x1200];
	_ =	sdelay $0x4  }
0xd4: {  	s23 =	simm.s32 $0x4280;
	v4 =	vshll.u32 v3, $0x10  }
0xd5: {  	v3 =	vand.u32 $0xFFFF0000, v3;
	[tilespmem:s23+$0xFFFFFF80] =	vst v4  }
0xd6: {  	[tilespmem:s23+$0xFFFFFF90] =	vst v3  }
0xd7: {  	v3 =	vld [tilespmem:s8+$0x1210];
	_ =	sdelay $0x4  }
0xd8: {  	v4 =	vshll.u32 v3, $0x10  }
0xd9: {  	v3 =	vand.u32 $0xFFFF0000, v3;
	[tilespmem:s23+$0xFFFFFFA0] =	vst v4  }
0xda: {  	[tilespmem:s23+$0xFFFFFFB0] =	vst v3  }
0xdb: {  	v3 =	vld [tilespmem:s8+$0x1220];
	_ =	sdelay $0x4  }
0xdc: {  	v4 =	vshll.u32 v3, $0x10  }
0xdd: {  	v3 =	vand.u32 $0xFFFF0000, v3;
	[tilespmem:s23+$0xFFFFFFC0] =	vst v4  }
0xde: {  	[tilespmem:s23+$0xFFFFFFD0] =	vst v3  }
0xdf: {  	v3 =	vld [tilespmem:s8+$0x1230];
	_ =	sdelay $0x4  }
0xe0: {  	v4 =	vshll.u32 v3, $0x10  }
0xe1: {  	v3 =	vand.u32 $0xFFFF0000, v3;
	[tilespmem:s23+$0xFFFFFFE0] =	vst v4  }
0xe2: {  	[tilespmem:s23+$0xFFFFFFF0] =	vst v3  }
0xe3: {  	v3 =	vld [tilespmem:s8+$0x1240];
	_ =	sdelay $0x4  }
0xe4: {  	v4 =	vshll.u32 v3, $0x10  }
0xe5: {  	v3 =	vand.u32 $0xFFFF0000, v3;
	[tilespmem:s23+$0x0] =	vst v4  }
0xe6: {  	[tilespmem:s23+$0x10] =	vst v3  }
0xe7: {  	v3 =	vld [tilespmem:s8+$0x1250];
	_ =	sdelay $0x4  }
0xe8: {  	v4 =	vshll.u32 v3, $0x10  }
0xe9: {  	v3 =	vand.u32 $0xFFFF0000, v3;
	[tilespmem:s23+$0x20] =	vst v4  }
0xea: {  	[tilespmem:s23+$0x30] =	vst v3  }
0xeb: {  	v3 =	vld [tilespmem:s8+$0x1260];
	_ =	sdelay $0x4  }
0xec: {  	v4 =	vshll.u32 v3, $0x10  }
0xed: {  	s9 =	simm.s32 $0x200;
	s4 =	simm.s32 $0x4280;
	v3 =	vand.u32 $0xFFFF0000, v3;
	[tilespmem:s23+$0x40] =	vst v4  }
.LBB2_8:
0xee: {  	p0 =	sne.s32 s9, $0x3E00  }
0xef: {  	[tilespmem:s23+$0x50] =	vst v3;
	s4 =	sadd.s32 $0x100, s4;
	s21 =	smov.u32 s9;
	s9 =	sadd.s32 $0x200, s9  }
0xf0: {  	v3 =	vld [tilespmem:s8+$0x1270];
	_ =	sdelay $0x4  }
0xf1: {  	v4 =	vshll.u32 v3, $0x10;
	v3 =	vand.u32 $0xFFFF0000, v3  }
0xf2: {  	[tilespmem:s23+$0x60] =	vst v4  }
0xf3: {  	s8 =	sshra.s32 s21, $0x2;
	[tilespmem:s23+$0x70] =	vst v3;
	s23 =	smov.u32 s4  }
0xf4: {  	v3 =	vld [tilespmem:s8+$0x1200];
	_ =	sdelay $0x4  }
0xf5: {  	v4 =	vshll.u32 v3, $0x10;
	v3 =	vand.u32 $0xFFFF0000, v3  }
0xf6: {  	[tilespmem:s4+$0xFFFFFF80] =	vst v4  }
0xf7: {  	[tilespmem:s4+$0xFFFFFF90] =	vst v3  }
0xf8: {  	v3 =	vld [tilespmem:s8+$0x1210];
	_ =	sdelay $0x4  }
0xf9: {  	v4 =	vshll.u32 v3, $0x10;
	v3 =	vand.u32 $0xFFFF0000, v3  }
0xfa: {  	[tilespmem:s4+$0xFFFFFFA0] =	vst v4  }
0xfb: {  	[tilespmem:s4+$0xFFFFFFB0] =	vst v3  }
0xfc: {  	v3 =	vld [tilespmem:s8+$0x1220];
	_ =	sdelay $0x4  }
0xfd: {  	v4 =	vshll.u32 v3, $0x10;
	v3 =	vand.u32 $0xFFFF0000, v3  }
0xfe: {  	[tilespmem:s4+$0xFFFFFFC0] =	vst v4  }
0xff: {  	[tilespmem:s4+$0xFFFFFFD0] =	vst v3  }
0x100: {  	v3 =	vld [tilespmem:s8+$0x1230];
	_ =	sdelay $0x4  }
0x101: {  	v4 =	vshll.u32 v3, $0x10;
	v3 =	vand.u32 $0xFFFF0000, v3  }
0x102: {  	[tilespmem:s4+$0xFFFFFFE0] =	vst v4  }
0x103: {  	[tilespmem:s4+$0xFFFFFFF0] =	vst v3  }
0x104: {  	v3 =	vld [tilespmem:s8+$0x1240];
	_ =	sdelay $0x4  }
0x105: {  	v4 =	vshll.u32 v3, $0x10;
	v3 =	vand.u32 $0xFFFF0000, v3  }
0x106: {  	[tilespmem:s4+$0x0] =	vst v4  }
0x107: {  	[tilespmem:s4+$0x10] =	vst v3  }
0x108: {  	v3 =	vld [tilespmem:s8+$0x1250];
	_ =	sdelay $0x4  }
0x109: {  	v4 =	vshll.u32 v3, $0x10;
	v3 =	vand.u32 $0xFFFF0000, v3  }
0x10a: {  	[tilespmem:s4+$0x20] =	vst v4  }
0x10b: {  	[tilespmem:s4+$0x30] =	vst v3  }
0x10c: {  	v3 =	vld [tilespmem:s8+$0x1260];
	_ =	sdelay $0x1  }
.Ltmp3:
0x10d: {  	(pc) =	sbr.rel @p0 .LBB2_8-.Ltmp3, $3  }
0x10e: {  	_ =	sdelay $0x1  }
0x10f: {  	v4 =	vshll.u32 v3, $0x10;
	v3 =	vand.u32 $0xFFFF0000, v3  }
0x110: {  	[tilespmem:s4+$0x40] =	vst v4  }
0x111: {  	[tilespmem:s23+$0x50] =	vst v3  }
0x112: {  	v3 =	vld [tilespmem:s8+$0x1270];
	_ =	sdelay $0x4  }
0x113: {  	v4 =	vshll.u32 v3, $0x10  }
0x114: {  	v3 =	vand.u32 $0xFFFF0000, v3;
	[tilespmem:s23+$0x60] =	vst v4  }
0x115: {  	[tilespmem:s23+$0x70] =	vst v3;
	s23 =	simm.s32 $0x1  }
0x116: {  	[spmem:s3] =	stream.indirect.scatter.add.f32 [tilespmem:s16], [sflag:$0x6], $0x40, s15, s29, $0xb8;
	[tilespmem:$0x1CE00] =	vst v63  }
.LBB2_10:
0x117: {  	_ =	swait.ge [sflag:s2], $0x80  }
0x118: {  	[sflag:s2] =	ssyncset.done $0x0  }
0x119: {  	[sflag:s2] =	ssyncadd.s32 $0xFFFFFF80  }
0x11a: {  	_ =	swait.ge [sflag:s2], $0x80  }
0x11b: {  	[sflag:s2] =	ssyncset.done $0x0  }
0x11c: {  	[sflag:s2] =	ssyncadd.s32 $0xFFFFFF80  }
0x11d: {  	[tilespmem:s0], [sflag:$0x2] =	stream.indirect.gather [hbm4b:s6+s29], $0x20, s29, s29, $0xb8;
	[tilespmem:$0x1CE00] =	vst v63  }
0x11e: {  	_ =	swait.ge [sflag:s5], $0x1000  }
0x11f: {  	[sflag:s5] =	ssyncset.done $0x0  }
0x120: {  	[sflag:s5] =	ssyncadd.s32 $0xFFFFF000  }
0x121: {  	_ =	swait.ge [sflag:s17], $0x2000  }
0x122: {  	[sflag:s17] =	ssyncset.done $0x0  }
0x123: {  	[sflag:s17] =	ssyncadd.s32 $0xFFFFE000  }
0x124: {  	v3 =	vld [tilespmem:$0x100];
	_ =	sdelay $0x6  }
0x125: {  	[tilespmem:$0x6200] =	vst v3  }
0x126: {  	[tilespmem:v3+s11+$0x0] =	vst.idx.add.f32.msk $0xffff, v1  }
0x127: {  	v3 =	vld [tilespmem:$0x110];
	_ =	sdelay $0x6  }
0x128: {  	[tilespmem:$0x6210] =	vst v3  }
0x129: {  	[tilespmem:v3+s11+$0x0] =	vst.idx.add.f32.msk $0xffff, v1  }
0x12a: {  	v3 =	vld [tilespmem:$0x120];
	_ =	sdelay $0x6  }
0x12b: {  	[tilespmem:$0x6220] =	vst v3  }
0x12c: {  	[tilespmem:v3+s11+$0x0] =	vst.idx.add.f32.msk $0xffff, v1  }
0x12d: {  	v3 =	vld [tilespmem:$0x130];
	_ =	sdelay $0x6  }
0x12e: {  	[tilespmem:$0x6230] =	vst v3  }
0x12f: {  	[tilespmem:v3+s11+$0x0] =	vst.idx.add.f32.msk $0xffff, v1  }
0x130: {  	v3 =	vld [tilespmem:$0x140];
	_ =	sdelay $0x6  }
0x131: {  	[tilespmem:$0x6240] =	vst v3  }
0x132: {  	[tilespmem:v3+s11+$0x0] =	vst.idx.add.f32.msk $0xffff, v1  }
0x133: {  	v3 =	vld [tilespmem:$0x150];
	_ =	sdelay $0x6  }
0x134: {  	[tilespmem:$0x6250] =	vst v3  }
0x135: {  	[tilespmem:v3+s11+$0x0] =	vst.idx.add.f32.msk $0xffff, v1  }
0x136: {  	v3 =	vld [tilespmem:$0x160];
	_ =	sdelay $0x6  }
0x137: {  	[tilespmem:$0x6260] =	vst v3  }
0x138: {  	[tilespmem:v3+s11+$0x0] =	vst.idx.add.f32.msk $0xffff, v1  }
0x139: {  	v3 =	vld [tilespmem:$0x170];
	_ =	sdelay $0x4  }
0x13a: {  	s24 =	sshll.u32 s23, $0x8  }
0x13b: {  	s4 =	sadd.s32 s24, s19  }
0x13c: {  	s4 =	sshrl.u32 s4, $0x3;
	[tilespmem:$0x6270] =	vst v3  }
0x13d: {  	s9 =	simm.s32 $0x0;
	s8 =	sadd.s32 s1, s4;
	[tilespmem:v3+s11+$0x0] =	vst.idx.add.f32.msk $0xffff, v1  }
0x13e: {  	[tilespmem:s9], [sflag:$0x3] =	stream.linear.gather [hbm4b:s8+s9], $0x80, $0x38;
	[tilespmem:$0x1CE00] =	vst v63  }
0x13f: {  	s4 =	sadd.s32 s7, s4  }
0x140: {  	[tilespmem:s26], [sflag:$0x3] =	stream.linear.gather [hbm4b:s4+s9], $0x80, $0x38;
	[tilespmem:$0x1CE00] =	vst v63  }
0x141: {  	s9 =	simm.s32 $0x0  }
0x142: {  	v3 =	vld [tilespmem:s9+$0x200];
	_ =	sdelay $0x4  }
0x143: {  	s8 =	simm.s32 $0x2280;
	v4 =	vshll.u32 v3, $0x10  }
0x144: {  	v3 =	vand.u32 $0xFFFF0000, v3;
	[tilespmem:s8+$0xFFFFFF80] =	vst v4  }
0x145: {  	[tilespmem:s8+$0xFFFFFF90] =	vst v3  }
0x146: {  	v3 =	vld [tilespmem:s9+$0x210];
	_ =	sdelay $0x4  }
0x147: {  	v4 =	vshll.u32 v3, $0x10  }
0x148: {  	v3 =	vand.u32 $0xFFFF0000, v3;
	[tilespmem:s8+$0xFFFFFFA0] =	vst v4  }
0x149: {  	[tilespmem:s8+$0xFFFFFFB0] =	vst v3  }
0x14a: {  	v3 =	vld [tilespmem:s9+$0x220];
	_ =	sdelay $0x4  }
0x14b: {  	v4 =	vshll.u32 v3, $0x10  }
0x14c: {  	v3 =	vand.u32 $0xFFFF0000, v3;
	[tilespmem:s8+$0xFFFFFFC0] =	vst v4  }
0x14d: {  	[tilespmem:s8+$0xFFFFFFD0] =	vst v3  }
0x14e: {  	v3 =	vld [tilespmem:s9+$0x230];
	_ =	sdelay $0x4  }
0x14f: {  	v4 =	vshll.u32 v3, $0x10  }
0x150: {  	v3 =	vand.u32 $0xFFFF0000, v3;
	[tilespmem:s8+$0xFFFFFFE0] =	vst v4  }
0x151: {  	[tilespmem:s8+$0xFFFFFFF0] =	vst v3  }
0x152: {  	v3 =	vld [tilespmem:s9+$0x240];
	_ =	sdelay $0x4  }
0x153: {  	v4 =	vshll.u32 v3, $0x10  }
0x154: {  	v3 =	vand.u32 $0xFFFF0000, v3;
	[tilespmem:s8+$0x0] =	vst v4  }
0x155: {  	[tilespmem:s8+$0x10] =	vst v3  }
0x156: {  	v3 =	vld [tilespmem:s9+$0x250];
	_ =	sdelay $0x4  }
0x157: {  	v4 =	vshll.u32 v3, $0x10  }
0x158: {  	v3 =	vand.u32 $0xFFFF0000, v3;
	[tilespmem:s8+$0x20] =	vst v4  }
0x159: {  	[tilespmem:s8+$0x30] =	vst v3  }
0x15a: {  	v3 =	vld [tilespmem:s9+$0x260];
	_ =	sdelay $0x4  }
0x15b: {  	v4 =	vshll.u32 v3, $0x10  }
0x15c: {  	s21 =	simm.s32 $0x2280;
	s4 =	simm.s32 $0x200;
	v3 =	vand.u32 $0xFFFF0000, v3;
	[tilespmem:s8+$0x40] =	vst v4  }
.LBB2_11:
0x15d: {  	p0 =	sne.s32 s4, $0x3E00  }
0x15e: {  	[tilespmem:s8+$0x50] =	vst v3;
	s21 =	sadd.s32 $0x100, s21;
	s10 =	smov.u32 s4;
	s4 =	sadd.s32 $0x200, s4  }
0x15f: {  	v3 =	vld [tilespmem:s9+$0x270];
	_ =	sdelay $0x4  }
0x160: {  	v4 =	vshll.u32 v3, $0x10;
	v3 =	vand.u32 $0xFFFF0000, v3  }
0x161: {  	[tilespmem:s8+$0x60] =	vst v4  }
0x162: {  	s9 =	sshra.s32 s10, $0x2;
	[tilespmem:s8+$0x70] =	vst v3;
	s8 =	smov.u32 s21  }
0x163: {  	v3 =	vld [tilespmem:s9+$0x200];
	_ =	sdelay $0x4  }
0x164: {  	v4 =	vshll.u32 v3, $0x10;
	v3 =	vand.u32 $0xFFFF0000, v3  }
0x165: {  	[tilespmem:s21+$0xFFFFFF80] =	vst v4  }
0x166: {  	[tilespmem:s21+$0xFFFFFF90] =	vst v3  }
0x167: {  	v3 =	vld [tilespmem:s9+$0x210];
	_ =	sdelay $0x4  }
0x168: {  	v4 =	vshll.u32 v3, $0x10;
	v3 =	vand.u32 $0xFFFF0000, v3  }
0x169: {  	[tilespmem:s21+$0xFFFFFFA0] =	vst v4  }
0x16a: {  	[tilespmem:s21+$0xFFFFFFB0] =	vst v3  }
0x16b: {  	v3 =	vld [tilespmem:s9+$0x220];
	_ =	sdelay $0x4  }
0x16c: {  	v4 =	vshll.u32 v3, $0x10;
	v3 =	vand.u32 $0xFFFF0000, v3  }
0x16d: {  	[tilespmem:s21+$0xFFFFFFC0] =	vst v4  }
0x16e: {  	[tilespmem:s21+$0xFFFFFFD0] =	vst v3  }
0x16f: {  	v3 =	vld [tilespmem:s9+$0x230];
	_ =	sdelay $0x4  }
0x170: {  	v4 =	vshll.u32 v3, $0x10;
	v3 =	vand.u32 $0xFFFF0000, v3  }
0x171: {  	[tilespmem:s21+$0xFFFFFFE0] =	vst v4  }
0x172: {  	[tilespmem:s21+$0xFFFFFFF0] =	vst v3  }
0x173: {  	v3 =	vld [tilespmem:s9+$0x240];
	_ =	sdelay $0x4  }
0x174: {  	v4 =	vshll.u32 v3, $0x10;
	v3 =	vand.u32 $0xFFFF0000, v3  }
0x175: {  	[tilespmem:s21+$0x0] =	vst v4  }
0x176: {  	[tilespmem:s21+$0x10] =	vst v3  }
0x177: {  	v3 =	vld [tilespmem:s9+$0x250];
	_ =	sdelay $0x4  }
0x178: {  	v4 =	vshll.u32 v3, $0x10;
	v3 =	vand.u32 $0xFFFF0000, v3  }
0x179: {  	[tilespmem:s21+$0x20] =	vst v4  }
0x17a: {  	[tilespmem:s21+$0x30] =	vst v3  }
0x17b: {  	v3 =	vld [tilespmem:s9+$0x260];
	_ =	sdelay $0x1  }
.Ltmp4:
0x17c: {  	(pc) =	sbr.rel @p0 .LBB2_11-.Ltmp4, $3  }
0x17d: {  	_ =	sdelay $0x1  }
0x17e: {  	v4 =	vshll.u32 v3, $0x10;
	v3 =	vand.u32 $0xFFFF0000, v3  }
0x17f: {  	[tilespmem:s21+$0x40] =	vst v4  }
0x180: {  	[tilespmem:s8+$0x50] =	vst v3  }
0x181: {  	v3 =	vld [tilespmem:s9+$0x270];
	_ =	sdelay $0x4  }
0x182: {  	v4 =	vshll.u32 v3, $0x10  }
0x183: {  	v3 =	vand.u32 $0xFFFF0000, v3;
	[tilespmem:s8+$0x60] =	vst v4  }
0x184: {  	[tilespmem:s8+$0x70] =	vst v3  }
0x185: {  	[spmem:s3] =	stream.indirect.scatter.add.f32 [tilespmem:s13], [sflag:$0x5], $0x40, s12, s29, $0xb8;
	[tilespmem:$0x1CE00] =	vst v63  }
0x186: {  	_ =	swait.ge [sflag:s28], $0x80  }
0x187: {  	[sflag:s28] =	ssyncset.done $0x0  }
0x188: {  	[sflag:s28] =	ssyncadd.s32 $0xFFFFFF80  }
0x189: {  	_ =	swait.ge [sflag:s28], $0x80  }
0x18a: {  	[sflag:s28] =	ssyncset.done $0x0  }
0x18b: {  	s4 =	simm.s32 $0x0;
	[sflag:s28] =	ssyncadd.s32 $0xFFFFFF80  }
0x18c: {  	[tilespmem:s30], [sflag:$0x1] =	stream.indirect.gather [hbm4b:s6+s29], $0x20, s4, s29, $0xb8;
	[tilespmem:$0x1CE00] =	vst v63  }
0x18d: {  	_ =	swait.ge [sflag:s14], $0x1000  }
0x18e: {  	[sflag:s14] =	ssyncset.done $0x0  }
0x18f: {  	[sflag:s14] =	ssyncadd.s32 $0xFFFFF000  }
0x190: {  	_ =	swait.ge [sflag:s18], $0x2000  }
0x191: {  	[sflag:s18] =	ssyncset.done $0x0  }
0x192: {  	[sflag:s18] =	ssyncadd.s32 $0xFFFFE000  }
0x193: {  	v3 =	vld [tilespmem:$0x180];
	_ =	sdelay $0x6  }
0x194: {  	[tilespmem:$0x6280] =	vst v3  }
0x195: {  	[tilespmem:v3+s11+$0x0] =	vst.idx.add.f32.msk $0xffff, v1  }
0x196: {  	v3 =	vld [tilespmem:$0x190];
	_ =	sdelay $0x6  }
0x197: {  	[tilespmem:$0x6290] =	vst v3  }
0x198: {  	[tilespmem:v3+s11+$0x0] =	vst.idx.add.f32.msk $0xffff, v1  }
0x199: {  	v3 =	vld [tilespmem:$0x1A0];
	_ =	sdelay $0x6  }
0x19a: {  	[tilespmem:$0x62A0] =	vst v3  }
0x19b: {  	[tilespmem:v3+s11+$0x0] =	vst.idx.add.f32.msk $0xffff, v1  }
0x19c: {  	v3 =	vld [tilespmem:$0x1B0];
	_ =	sdelay $0x6  }
0x19d: {  	[tilespmem:$0x62B0] =	vst v3  }
0x19e: {  	[tilespmem:v3+s11+$0x0] =	vst.idx.add.f32.msk $0xffff, v1  }
0x19f: {  	v3 =	vld [tilespmem:$0x1C0];
	_ =	sdelay $0x6  }
0x1a0: {  	[tilespmem:$0x62C0] =	vst v3  }
0x1a1: {  	[tilespmem:v3+s11+$0x0] =	vst.idx.add.f32.msk $0xffff, v1  }
0x1a2: {  	v3 =	vld [tilespmem:$0x1D0];
	_ =	sdelay $0x6  }
0x1a3: {  	[tilespmem:$0x62D0] =	vst v3  }
0x1a4: {  	[tilespmem:v3+s11+$0x0] =	vst.idx.add.f32.msk $0xffff, v1  }
0x1a5: {  	v3 =	vld [tilespmem:$0x1E0];
	_ =	sdelay $0x6  }
0x1a6: {  	[tilespmem:$0x62E0] =	vst v3  }
0x1a7: {  	[tilespmem:v3+s11+$0x0] =	vst.idx.add.f32.msk $0xffff, v1  }
0x1a8: {  	v3 =	vld [tilespmem:$0x1F0];
	_ =	sdelay $0x5  }
0x1a9: {  	s21 =	sadd.s32 s24, s20  }
0x1aa: {  	s8 =	sshrl.u32 s21, $0x3;
	[tilespmem:$0x62F0] =	vst v3  }
0x1ab: {  	s24 =	sadd.s32 s1, s8;
	[tilespmem:v3+s11+$0x0] =	vst.idx.add.f32.msk $0xffff, v1  }
0x1ac: {  	[tilespmem:s29], [sflag:$0x4] =	stream.linear.gather [hbm4b:s24+s4], $0x80, $0x38;
	[tilespmem:$0x1CE00] =	vst v63  }
0x1ad: {  	s9 =	simm.s32 $0x0;
	s8 =	sadd.s32 s7, s8  }
0x1ae: {  	[tilespmem:s31], [sflag:$0x4] =	stream.linear.gather [hbm4b:s8+s4], $0x80, $0x38;
	[tilespmem:$0x1CE00] =	vst v63  }
0x1af: {  	v3 =	vld [tilespmem:s9+$0x1200];
	_ =	sdelay $0x4  }
0x1b0: {  	s8 =	simm.s32 $0x4280;
	v4 =	vshll.u32 v3, $0x10  }
0x1b1: {  	v3 =	vand.u32 $0xFFFF0000, v3;
	[tilespmem:s8+$0xFFFFFF80] =	vst v4  }
0x1b2: {  	[tilespmem:s8+$0xFFFFFF90] =	vst v3  }
0x1b3: {  	v3 =	vld [tilespmem:s9+$0x1210];
	_ =	sdelay $0x4  }
0x1b4: {  	v4 =	vshll.u32 v3, $0x10  }
0x1b5: {  	v3 =	vand.u32 $0xFFFF0000, v3;
	[tilespmem:s8+$0xFFFFFFA0] =	vst v4  }
0x1b6: {  	[tilespmem:s8+$0xFFFFFFB0] =	vst v3  }
0x1b7: {  	v3 =	vld [tilespmem:s9+$0x1220];
	_ =	sdelay $0x4  }
0x1b8: {  	v4 =	vshll.u32 v3, $0x10  }
0x1b9: {  	v3 =	vand.u32 $0xFFFF0000, v3;
	[tilespmem:s8+$0xFFFFFFC0] =	vst v4  }
0x1ba: {  	[tilespmem:s8+$0xFFFFFFD0] =	vst v3  }
0x1bb: {  	v3 =	vld [tilespmem:s9+$0x1230];
	_ =	sdelay $0x4  }
0x1bc: {  	v4 =	vshll.u32 v3, $0x10  }
0x1bd: {  	v3 =	vand.u32 $0xFFFF0000, v3;
	[tilespmem:s8+$0xFFFFFFE0] =	vst v4  }
0x1be: {  	[tilespmem:s8+$0xFFFFFFF0] =	vst v3  }
0x1bf: {  	v3 =	vld [tilespmem:s9+$0x1240];
	_ =	sdelay $0x4  }
0x1c0: {  	v4 =	vshll.u32 v3, $0x10  }
0x1c1: {  	v3 =	vand.u32 $0xFFFF0000, v3;
	[tilespmem:s8+$0x0] =	vst v4  }
0x1c2: {  	[tilespmem:s8+$0x10] =	vst v3  }
0x1c3: {  	v3 =	vld [tilespmem:s9+$0x1250];
	_ =	sdelay $0x4  }
0x1c4: {  	v4 =	vshll.u32 v3, $0x10  }
0x1c5: {  	v3 =	vand.u32 $0xFFFF0000, v3;
	[tilespmem:s8+$0x20] =	vst v4  }
0x1c6: {  	[tilespmem:s8+$0x30] =	vst v3  }
0x1c7: {  	v3 =	vld [tilespmem:s9+$0x1260];
	_ =	sdelay $0x4  }
0x1c8: {  	v4 =	vshll.u32 v3, $0x10  }
0x1c9: {  	s21 =	simm.s32 $0x4280;
	s4 =	simm.s32 $0x200;
	v3 =	vand.u32 $0xFFFF0000, v3;
	[tilespmem:s8+$0x40] =	vst v4  }
.LBB2_13:
0x1ca: {  	p0 =	sne.s32 s4, $0x3E00  }
0x1cb: {  	[tilespmem:s8+$0x50] =	vst v3;
	s21 =	sadd.s32 $0x100, s21;
	s10 =	smov.u32 s4;
	s4 =	sadd.s32 $0x200, s4  }
0x1cc: {  	v3 =	vld [tilespmem:s9+$0x1270];
	_ =	sdelay $0x4  }
0x1cd: {  	v4 =	vshll.u32 v3, $0x10;
	v3 =	vand.u32 $0xFFFF0000, v3  }
0x1ce: {  	[tilespmem:s8+$0x60] =	vst v4  }
0x1cf: {  	s9 =	sshra.s32 s10, $0x2;
	[tilespmem:s8+$0x70] =	vst v3;
	s8 =	smov.u32 s21  }
0x1d0: {  	v3 =	vld [tilespmem:s9+$0x1200];
	_ =	sdelay $0x4  }
0x1d1: {  	v4 =	vshll.u32 v3, $0x10;
	v3 =	vand.u32 $0xFFFF0000, v3  }
0x1d2: {  	[tilespmem:s21+$0xFFFFFF80] =	vst v4  }
0x1d3: {  	[tilespmem:s21+$0xFFFFFF90] =	vst v3  }
0x1d4: {  	v3 =	vld [tilespmem:s9+$0x1210];
	_ =	sdelay $0x4  }
0x1d5: {  	v4 =	vshll.u32 v3, $0x10;
	v3 =	vand.u32 $0xFFFF0000, v3  }
0x1d6: {  	[tilespmem:s21+$0xFFFFFFA0] =	vst v4  }
0x1d7: {  	[tilespmem:s21+$0xFFFFFFB0] =	vst v3  }
0x1d8: {  	v3 =	vld [tilespmem:s9+$0x1220];
	_ =	sdelay $0x4  }
0x1d9: {  	v4 =	vshll.u32 v3, $0x10;
	v3 =	vand.u32 $0xFFFF0000, v3  }
0x1da: {  	[tilespmem:s21+$0xFFFFFFC0] =	vst v4  }
0x1db: {  	[tilespmem:s21+$0xFFFFFFD0] =	vst v3  }
0x1dc: {  	v3 =	vld [tilespmem:s9+$0x1230];
	_ =	sdelay $0x4  }
0x1dd: {  	v4 =	vshll.u32 v3, $0x10;
	v3 =	vand.u32 $0xFFFF0000, v3  }
0x1de: {  	[tilespmem:s21+$0xFFFFFFE0] =	vst v4  }
0x1df: {  	[tilespmem:s21+$0xFFFFFFF0] =	vst v3  }
0x1e0: {  	v3 =	vld [tilespmem:s9+$0x1240];
	_ =	sdelay $0x4  }
0x1e1: {  	v4 =	vshll.u32 v3, $0x10;
	v3 =	vand.u32 $0xFFFF0000, v3  }
0x1e2: {  	[tilespmem:s21+$0x0] =	vst v4  }
0x1e3: {  	[tilespmem:s21+$0x10] =	vst v3  }
0x1e4: {  	v3 =	vld [tilespmem:s9+$0x1250];
	_ =	sdelay $0x4  }
0x1e5: {  	v4 =	vshll.u32 v3, $0x10;
	v3 =	vand.u32 $0xFFFF0000, v3  }
0x1e6: {  	[tilespmem:s21+$0x20] =	vst v4  }
0x1e7: {  	[tilespmem:s21+$0x30] =	vst v3  }
0x1e8: {  	v3 =	vld [tilespmem:s9+$0x1260];
	_ =	sdelay $0x1  }
.Ltmp5:
0x1e9: {  	(pc) =	sbr.rel @p0 .LBB2_13-.Ltmp5, $3  }
0x1ea: {  	_ =	sdelay $0x1  }
0x1eb: {  	v4 =	vshll.u32 v3, $0x10;
	v3 =	vand.u32 $0xFFFF0000, v3  }
0x1ec: {  	[tilespmem:s21+$0x40] =	vst v4  }
0x1ed: {  	[tilespmem:s8+$0x50] =	vst v3  }
0x1ee: {  	v3 =	vld [tilespmem:s9+$0x1270];
	_ =	sdelay $0x1  }
0x1ef: {  	s23 =	sadd.s32 $0x1, s23  }
0x1f0: {  	p0 =	sne.s32 s23, $0x27  }
.Ltmp6:
0x1f1: {  	_ = 	snop;
	(pc) =	sbr.rel @p0 .LBB2_10-.Ltmp6, $4  }
0x1f2: {  	v4 =	vshll.u32 v3, $0x10  }
0x1f3: {  	v3 =	vand.u32 $0xFFFF0000, v3;
	[tilespmem:s8+$0x60] =	vst v4  }
0x1f4: {  	[tilespmem:s8+$0x70] =	vst v3  }
0x1f5: {  	[spmem:s3] =	stream.indirect.scatter.add.f32 [tilespmem:s16], [sflag:$0x6], $0x40, s15, s29, $0xb8;
	[tilespmem:$0x1CE00] =	vst v63  }
0x1f6: {  	_ =	swait.ge [sflag:s2], $0x80  }
0x1f7: {  	[sflag:s2] =	ssyncset.done $0x0  }
0x1f8: {  	[sflag:s2] =	ssyncadd.s32 $0xFFFFFF80  }
0x1f9: {  	_ =	swait.ge [sflag:s2], $0x80  }
0x1fa: {  	[sflag:s2] =	ssyncset.done $0x0  }
0x1fb: {  	[sflag:s2] =	ssyncadd.s32 $0xFFFFFF80  }
0x1fc: {  	[tilespmem:s0], [sflag:$0x2] =	stream.indirect.gather [hbm4b:s6+s29], $0x20, s29, s29, $0xb8;
	[tilespmem:$0x1CE00] =	vst v63  }
0x1fd: {  	_ =	swait.ge [sflag:s5], $0x1000  }
0x1fe: {  	[sflag:s5] =	ssyncset.done $0x0  }
0x1ff: {  	[sflag:s5] =	ssyncadd.s32 $0xFFFFF000  }
0x200: {  	_ =	swait.ge [sflag:s17], $0x2000  }
0x201: {  	[sflag:s17] =	ssyncset.done $0x0  }
0x202: {  	[sflag:s17] =	ssyncadd.s32 $0xFFFFE000  }
0x203: {  	v3 =	vld [tilespmem:$0x100];
	_ =	sdelay $0x6  }
0x204: {  	[tilespmem:$0x6200] =	vst v3  }
0x205: {  	[tilespmem:v3+s11+$0x0] =	vst.idx.add.f32.msk $0xffff, v1  }
0x206: {  	v3 =	vld [tilespmem:$0x110];
	_ =	sdelay $0x6  }
0x207: {  	[tilespmem:$0x6210] =	vst v3  }
0x208: {  	[tilespmem:v3+s11+$0x0] =	vst.idx.add.f32.msk $0xffff, v1  }
0x209: {  	v3 =	vld [tilespmem:$0x120];
	_ =	sdelay $0x6  }
0x20a: {  	[tilespmem:$0x6220] =	vst v3  }
0x20b: {  	[tilespmem:v3+s11+$0x0] =	vst.idx.add.f32.msk $0xffff, v1  }
0x20c: {  	v3 =	vld [tilespmem:$0x130];
	_ =	sdelay $0x6  }
0x20d: {  	[tilespmem:$0x6230] =	vst v3  }
0x20e: {  	[tilespmem:v3+s11+$0x0] =	vst.idx.add.f32.msk $0xffff, v1  }
0x20f: {  	v3 =	vld [tilespmem:$0x140];
	_ =	sdelay $0x6  }
0x210: {  	[tilespmem:$0x6240] =	vst v3  }
0x211: {  	[tilespmem:v3+s11+$0x0] =	vst.idx.add.f32.msk $0xffff, v1  }
0x212: {  	v3 =	vld [tilespmem:$0x150];
	_ =	sdelay $0x6  }
0x213: {  	[tilespmem:$0x6250] =	vst v3  }
0x214: {  	[tilespmem:v3+s11+$0x0] =	vst.idx.add.f32.msk $0xffff, v1  }
0x215: {  	v3 =	vld [tilespmem:$0x160];
	_ =	sdelay $0x6  }
0x216: {  	[tilespmem:$0x6260] =	vst v3  }
0x217: {  	[tilespmem:v3+s11+$0x0] =	vst.idx.add.f32.msk $0xffff, v1  }
0x218: {  	v3 =	vld [tilespmem:$0x170];
	_ =	sdelay $0x6  }
0x219: {  	[tilespmem:$0x6270] =	vst v3  }
0x21a: {  	s9 =	simm.s32 $0x0;
	[tilespmem:v3+s11+$0x0] =	vst.idx.add.f32.msk $0xffff, v1  }
0x21b: {  	v3 =	vld [tilespmem:s9+$0x200];
	_ =	sdelay $0x4  }
0x21c: {  	s8 =	simm.s32 $0x2280;
	v4 =	vshll.u32 v3, $0x10  }
0x21d: {  	v3 =	vand.u32 $0xFFFF0000, v3;
	[tilespmem:s8+$0xFFFFFF80] =	vst v4  }
0x21e: {  	[tilespmem:s8+$0xFFFFFF90] =	vst v3  }
0x21f: {  	v3 =	vld [tilespmem:s9+$0x210];
	_ =	sdelay $0x4  }
0x220: {  	v4 =	vshll.u32 v3, $0x10  }
0x221: {  	v3 =	vand.u32 $0xFFFF0000, v3;
	[tilespmem:s8+$0xFFFFFFA0] =	vst v4  }
0x222: {  	[tilespmem:s8+$0xFFFFFFB0] =	vst v3  }
0x223: {  	v3 =	vld [tilespmem:s9+$0x220];
	_ =	sdelay $0x4  }
0x224: {  	v4 =	vshll.u32 v3, $0x10  }
0x225: {  	v3 =	vand.u32 $0xFFFF0000, v3;
	[tilespmem:s8+$0xFFFFFFC0] =	vst v4  }
0x226: {  	[tilespmem:s8+$0xFFFFFFD0] =	vst v3  }
0x227: {  	v3 =	vld [tilespmem:s9+$0x230];
	_ =	sdelay $0x4  }
0x228: {  	v4 =	vshll.u32 v3, $0x10  }
0x229: {  	v3 =	vand.u32 $0xFFFF0000, v3;
	[tilespmem:s8+$0xFFFFFFE0] =	vst v4  }
0x22a: {  	[tilespmem:s8+$0xFFFFFFF0] =	vst v3  }
0x22b: {  	v3 =	vld [tilespmem:s9+$0x240];
	_ =	sdelay $0x4  }
0x22c: {  	v4 =	vshll.u32 v3, $0x10  }
0x22d: {  	v3 =	vand.u32 $0xFFFF0000, v3;
	[tilespmem:s8+$0x0] =	vst v4  }
0x22e: {  	[tilespmem:s8+$0x10] =	vst v3  }
0x22f: {  	v3 =	vld [tilespmem:s9+$0x250];
	_ =	sdelay $0x4  }
0x230: {  	v4 =	vshll.u32 v3, $0x10  }
0x231: {  	v3 =	vand.u32 $0xFFFF0000, v3;
	[tilespmem:s8+$0x20] =	vst v4  }
0x232: {  	[tilespmem:s8+$0x30] =	vst v3  }
0x233: {  	v3 =	vld [tilespmem:s9+$0x260];
	_ =	sdelay $0x4  }
0x234: {  	v4 =	vshll.u32 v3, $0x10  }
0x235: {  	s4 =	simm.s32 $0x200;
	s21 =	simm.s32 $0x2280;
	v3 =	vand.u32 $0xFFFF0000, v3;
	[tilespmem:s8+$0x40] =	vst v4  }
.LBB2_16:
0x236: {  	p0 =	sne.s32 s4, $0x3E00  }
0x237: {  	[tilespmem:s8+$0x50] =	vst v3;
	s21 =	sadd.s32 $0x100, s21;
	s10 =	smov.u32 s4;
	s4 =	sadd.s32 $0x200, s4  }
0x238: {  	v3 =	vld [tilespmem:s9+$0x270];
	_ =	sdelay $0x4  }
0x239: {  	v4 =	vshll.u32 v3, $0x10;
	v3 =	vand.u32 $0xFFFF0000, v3  }
0x23a: {  	[tilespmem:s8+$0x60] =	vst v4  }
0x23b: {  	s9 =	sshra.s32 s10, $0x2;
	[tilespmem:s8+$0x70] =	vst v3;
	s8 =	smov.u32 s21  }
0x23c: {  	v3 =	vld [tilespmem:s9+$0x200];
	_ =	sdelay $0x4  }
0x23d: {  	v4 =	vshll.u32 v3, $0x10;
	v3 =	vand.u32 $0xFFFF0000, v3  }
0x23e: {  	[tilespmem:s21+$0xFFFFFF80] =	vst v4  }
0x23f: {  	[tilespmem:s21+$0xFFFFFF90] =	vst v3  }
0x240: {  	v3 =	vld [tilespmem:s9+$0x210];
	_ =	sdelay $0x4  }
0x241: {  	v4 =	vshll.u32 v3, $0x10;
	v3 =	vand.u32 $0xFFFF0000, v3  }
0x242: {  	[tilespmem:s21+$0xFFFFFFA0] =	vst v4  }
0x243: {  	[tilespmem:s21+$0xFFFFFFB0] =	vst v3  }
0x244: {  	v3 =	vld [tilespmem:s9+$0x220];
	_ =	sdelay $0x4  }
0x245: {  	v4 =	vshll.u32 v3, $0x10;
	v3 =	vand.u32 $0xFFFF0000, v3  }
0x246: {  	[tilespmem:s21+$0xFFFFFFC0] =	vst v4  }
0x247: {  	[tilespmem:s21+$0xFFFFFFD0] =	vst v3  }
0x248: {  	v3 =	vld [tilespmem:s9+$0x230];
	_ =	sdelay $0x4  }
0x249: {  	v4 =	vshll.u32 v3, $0x10;
	v3 =	vand.u32 $0xFFFF0000, v3  }
0x24a: {  	[tilespmem:s21+$0xFFFFFFE0] =	vst v4  }
0x24b: {  	[tilespmem:s21+$0xFFFFFFF0] =	vst v3  }
0x24c: {  	v3 =	vld [tilespmem:s9+$0x240];
	_ =	sdelay $0x4  }
0x24d: {  	v4 =	vshll.u32 v3, $0x10;
	v3 =	vand.u32 $0xFFFF0000, v3  }
0x24e: {  	[tilespmem:s21+$0x0] =	vst v4  }
0x24f: {  	[tilespmem:s21+$0x10] =	vst v3  }
0x250: {  	v3 =	vld [tilespmem:s9+$0x250];
	_ =	sdelay $0x4  }
0x251: {  	v4 =	vshll.u32 v3, $0x10;
	v3 =	vand.u32 $0xFFFF0000, v3  }
0x252: {  	[tilespmem:s21+$0x20] =	vst v4  }
0x253: {  	[tilespmem:s21+$0x30] =	vst v3  }
0x254: {  	v3 =	vld [tilespmem:s9+$0x260];
	_ =	sdelay $0x1  }
.Ltmp7:
0x255: {  	(pc) =	sbr.rel @p0 .LBB2_16-.Ltmp7, $3  }
0x256: {  	_ =	sdelay $0x1  }
0x257: {  	v4 =	vshll.u32 v3, $0x10;
	v3 =	vand.u32 $0xFFFF0000, v3  }
0x258: {  	[tilespmem:s21+$0x40] =	vst v4  }
0x259: {  	[tilespmem:s8+$0x50] =	vst v3  }
0x25a: {  	v3 =	vld [tilespmem:s9+$0x270];
	_ =	sdelay $0x4  }
0x25b: {  	v4 =	vshll.u32 v3, $0x10  }
0x25c: {  	v3 =	vand.u32 $0xFFFF0000, v3;
	[tilespmem:s8+$0x60] =	vst v4  }
0x25d: {  	[tilespmem:s8+$0x70] =	vst v3  }
0x25e: {  	[spmem:s3] =	stream.indirect.scatter.add.f32 [tilespmem:s13], [sflag:$0x5], $0x40, s12, s29, $0xb8;
	[tilespmem:$0x1CE00] =	vst v63  }
0x25f: {  	_ =	swait.ge [sflag:s14], $0x1000  }
0x260: {  	[sflag:s14] =	ssyncset.done $0x0  }
0x261: {  	[sflag:s14] =	ssyncadd.s32 $0xFFFFF000  }
0x262: {  	_ =	swait.ge [sflag:s18], $0x2000  }
0x263: {  	[sflag:s18] =	ssyncset.done $0x0  }
0x264: {  	[sflag:s18] =	ssyncadd.s32 $0xFFFFE000  }
0x265: {  	v3 =	vld [tilespmem:$0x180];
	_ =	sdelay $0x6  }
0x266: {  	[tilespmem:$0x6280] =	vst v3  }
0x267: {  	[tilespmem:v3+s11+$0x0] =	vst.idx.add.f32.msk $0xffff, v1  }
0x268: {  	v3 =	vld [tilespmem:$0x190];
	_ =	sdelay $0x6  }
0x269: {  	[tilespmem:$0x6290] =	vst v3  }
0x26a: {  	[tilespmem:v3+s11+$0x0] =	vst.idx.add.f32.msk $0xffff, v1  }
0x26b: {  	v3 =	vld [tilespmem:$0x1A0];
	_ =	sdelay $0x6  }
0x26c: {  	[tilespmem:$0x62A0] =	vst v3  }
0x26d: {  	[tilespmem:v3+s11+$0x0] =	vst.idx.add.f32.msk $0xffff, v1  }
0x26e: {  	v3 =	vld [tilespmem:$0x1B0];
	_ =	sdelay $0x6  }
0x26f: {  	[tilespmem:$0x62B0] =	vst v3  }
0x270: {  	[tilespmem:v3+s11+$0x0] =	vst.idx.add.f32.msk $0xffff, v1  }
0x271: {  	v3 =	vld [tilespmem:$0x1C0];
	_ =	sdelay $0x6  }
0x272: {  	[tilespmem:$0x62C0] =	vst v3  }
0x273: {  	[tilespmem:v3+s11+$0x0] =	vst.idx.add.f32.msk $0xffff, v1  }
0x274: {  	v3 =	vld [tilespmem:$0x1D0];
	_ =	sdelay $0x6  }
0x275: {  	[tilespmem:$0x62D0] =	vst v3  }
0x276: {  	[tilespmem:v3+s11+$0x0] =	vst.idx.add.f32.msk $0xffff, v1  }
0x277: {  	v3 =	vld [tilespmem:$0x1E0];
	_ =	sdelay $0x6  }
0x278: {  	[tilespmem:$0x62E0] =	vst v3  }
0x279: {  	[tilespmem:v3+s11+$0x0] =	vst.idx.add.f32.msk $0xffff, v1  }
0x27a: {  	v3 =	vld [tilespmem:$0x1F0];
	_ =	sdelay $0x6  }
0x27b: {  	[tilespmem:$0x62F0] =	vst v3  }
0x27c: {  	s9 =	simm.s32 $0x0;
	[tilespmem:v3+s11+$0x0] =	vst.idx.add.f32.msk $0xffff, v1  }
0x27d: {  	v3 =	vld [tilespmem:s9+$0x1200];
	_ =	sdelay $0x4  }
0x27e: {  	s8 =	simm.s32 $0x4280;
	v4 =	vshll.u32 v3, $0x10  }
0x27f: {  	v3 =	vand.u32 $0xFFFF0000, v3;
	[tilespmem:s8+$0xFFFFFF80] =	vst v4  }
0x280: {  	[tilespmem:s8+$0xFFFFFF90] =	vst v3  }
0x281: {  	v3 =	vld [tilespmem:s9+$0x1210];
	_ =	sdelay $0x4  }
0x282: {  	v4 =	vshll.u32 v3, $0x10  }
0x283: {  	v3 =	vand.u32 $0xFFFF0000, v3;
	[tilespmem:s8+$0xFFFFFFA0] =	vst v4  }
0x284: {  	[tilespmem:s8+$0xFFFFFFB0] =	vst v3  }
0x285: {  	v3 =	vld [tilespmem:s9+$0x1220];
	_ =	sdelay $0x4  }
0x286: {  	v4 =	vshll.u32 v3, $0x10  }
0x287: {  	v3 =	vand.u32 $0xFFFF0000, v3;
	[tilespmem:s8+$0xFFFFFFC0] =	vst v4  }
0x288: {  	[tilespmem:s8+$0xFFFFFFD0] =	vst v3  }
0x289: {  	v3 =	vld [tilespmem:s9+$0x1230];
	_ =	sdelay $0x4  }
0x28a: {  	v4 =	vshll.u32 v3, $0x10  }
0x28b: {  	v3 =	vand.u32 $0xFFFF0000, v3;
	[tilespmem:s8+$0xFFFFFFE0] =	vst v4  }
0x28c: {  	[tilespmem:s8+$0xFFFFFFF0] =	vst v3  }
0x28d: {  	v3 =	vld [tilespmem:s9+$0x1240];
	_ =	sdelay $0x4  }
0x28e: {  	v4 =	vshll.u32 v3, $0x10  }
0x28f: {  	v3 =	vand.u32 $0xFFFF0000, v3;
	[tilespmem:s8+$0x0] =	vst v4  }
0x290: {  	[tilespmem:s8+$0x10] =	vst v3  }
0x291: {  	v3 =	vld [tilespmem:s9+$0x1250];
	_ =	sdelay $0x4  }
0x292: {  	v4 =	vshll.u32 v3, $0x10  }
0x293: {  	v3 =	vand.u32 $0xFFFF0000, v3;
	[tilespmem:s8+$0x20] =	vst v4  }
0x294: {  	[tilespmem:s8+$0x30] =	vst v3  }
0x295: {  	v3 =	vld [tilespmem:s9+$0x1260];
	_ =	sdelay $0x4  }
0x296: {  	s4 =	simm.s32 $0x200;
	v4 =	vshll.u32 v3, $0x10  }
0x297: {  	s21 =	simm.s32 $0x4280;
	s24 =	simm.s32 $0x6300;
	s23 =	rddreg [dreg:$0x7];
	v3 =	vand.u32 $0xFFFF0000, v3;
	[tilespmem:s8+$0x40] =	vst v4  }
.LBB2_18:
0x298: {  	p0 =	sne.s32 s4, $0x3E00  }
0x299: {  	[tilespmem:s8+$0x50] =	vst v3;
	s21 =	sadd.s32 $0x100, s21;
	s10 =	smov.u32 s4;
	s4 =	sadd.s32 $0x200, s4  }
0x29a: {  	v3 =	vld [tilespmem:s9+$0x1270];
	_ =	sdelay $0x4  }
0x29b: {  	v4 =	vshll.u32 v3, $0x10;
	v3 =	vand.u32 $0xFFFF0000, v3  }
0x29c: {  	[tilespmem:s8+$0x60] =	vst v4  }
0x29d: {  	s9 =	sshra.s32 s10, $0x2;
	[tilespmem:s8+$0x70] =	vst v3;
	s8 =	smov.u32 s21  }
0x29e: {  	v3 =	vld [tilespmem:s9+$0x1200];
	_ =	sdelay $0x4  }
0x29f: {  	v4 =	vshll.u32 v3, $0x10;
	v3 =	vand.u32 $0xFFFF0000, v3  }
0x2a0: {  	[tilespmem:s21+$0xFFFFFF80] =	vst v4  }
0x2a1: {  	[tilespmem:s21+$0xFFFFFF90] =	vst v3  }
0x2a2: {  	v3 =	vld [tilespmem:s9+$0x1210];
	_ =	sdelay $0x4  }
0x2a3: {  	v4 =	vshll.u32 v3, $0x10;
	v3 =	vand.u32 $0xFFFF0000, v3  }
0x2a4: {  	[tilespmem:s21+$0xFFFFFFA0] =	vst v4  }
0x2a5: {  	[tilespmem:s21+$0xFFFFFFB0] =	vst v3  }
0x2a6: {  	v3 =	vld [tilespmem:s9+$0x1220];
	_ =	sdelay $0x4  }
0x2a7: {  	v4 =	vshll.u32 v3, $0x10;
	v3 =	vand.u32 $0xFFFF0000, v3  }
0x2a8: {  	[tilespmem:s21+$0xFFFFFFC0] =	vst v4  }
0x2a9: {  	[tilespmem:s21+$0xFFFFFFD0] =	vst v3  }
0x2aa: {  	v3 =	vld [tilespmem:s9+$0x1230];
	_ =	sdelay $0x4  }
0x2ab: {  	v4 =	vshll.u32 v3, $0x10;
	v3 =	vand.u32 $0xFFFF0000, v3  }
0x2ac: {  	[tilespmem:s21+$0xFFFFFFE0] =	vst v4  }
0x2ad: {  	[tilespmem:s21+$0xFFFFFFF0] =	vst v3  }
0x2ae: {  	v3 =	vld [tilespmem:s9+$0x1240];
	_ =	sdelay $0x4  }
0x2af: {  	v4 =	vshll.u32 v3, $0x10;
	v3 =	vand.u32 $0xFFFF0000, v3  }
0x2b0: {  	[tilespmem:s21+$0x0] =	vst v4  }
0x2b1: {  	[tilespmem:s21+$0x10] =	vst v3  }
0x2b2: {  	v3 =	vld [tilespmem:s9+$0x1250];
	_ =	sdelay $0x4  }
0x2b3: {  	v4 =	vshll.u32 v3, $0x10;
	v3 =	vand.u32 $0xFFFF0000, v3  }
0x2b4: {  	[tilespmem:s21+$0x20] =	vst v4  }
0x2b5: {  	[tilespmem:s21+$0x30] =	vst v3  }
0x2b6: {  	v3 =	vld [tilespmem:s9+$0x1260];
	_ =	sdelay $0x1  }
.Ltmp8:
0x2b7: {  	(pc) =	sbr.rel @p0 .LBB2_18-.Ltmp8, $3  }
0x2b8: {  	_ =	sdelay $0x1  }
0x2b9: {  	v4 =	vshll.u32 v3, $0x10;
	v3 =	vand.u32 $0xFFFF0000, v3  }
0x2ba: {  	[tilespmem:s21+$0x40] =	vst v4  }
0x2bb: {  	[tilespmem:s8+$0x50] =	vst v3  }
0x2bc: {  	v3 =	vld [tilespmem:s9+$0x1270];
	_ =	sdelay $0x4  }
0x2bd: {  	v4 =	vshll.u32 v3, $0x10  }
0x2be: {  	v3 =	vand.u32 $0xFFFF0000, v3;
	[tilespmem:s8+$0x60] =	vst v4  }
0x2bf: {  	[tilespmem:s8+$0x70] =	vst v3  }
0x2c0: {  	[spmem:s3] =	stream.indirect.scatter.add.f32 [tilespmem:s16], [sflag:$0x6], $0x40, s15, s29, $0xb8;
	[tilespmem:$0x1CE00] =	vst v63  }
0x2c1: {  	_ =	swait.ge [sflag:s17], $0x2000  }
0x2c2: {  	[sflag:s17] =	ssyncset.done $0x0  }
0x2c3: {  	[sflag:s17] =	ssyncadd.s32 $0xFFFFE000  }
0x2c4: {  	_ =	swait.ge [sflag:s18], $0x2000  }
0x2c5: {  	[sflag:s18] =	ssyncset.done $0x0  }
0x2c6: {  	[sflag:s18] =	ssyncadd.s32 $0xFFFFE000  }
0x2c7: {  	v3 =	vor.u32 $0x10, v2;
	[tilespmem:$0x1CB00] =	vst v2  }
0x2c8: {  	[tilespmem:$0x1CB10] =	vst v3;
	v3 =	vor.u32 $0x20, v2  }
0x2c9: {  	[tilespmem:$0x1CB20] =	vst v3;
	v3 =	vor.u32 $0x30, v2  }
0x2ca: {  	[tilespmem:$0x1CB30] =	vst v3;
	v3 =	vor.u32 $0x40, v2  }
0x2cb: {  	[tilespmem:$0x1CB40] =	vst v3;
	v3 =	vor.u32 $0x50, v2  }
0x2cc: {  	[tilespmem:$0x1CB50] =	vst v3;
	v3 =	vor.u32 $0x60, v2  }
0x2cd: {  	[tilespmem:$0x1CB60] =	vst v3;
	v3 =	vor.u32 $0x70, v2  }
0x2ce: {  	s8 =	simm.s32 $0x1CB00;
	s4 =	rddreg [dreg:$0x3];
	[tilespmem:$0x1CB70] =	vst v3  }
0x2cf: {  	[spmem:s4] =	stream.indirect.scatter.add.f32 [tilespmem:s11], [sflag:$0x7], $0x10, s8, s29, $0xb8;
	[tilespmem:$0x1CE00] =	vst v63  }
0x2d0: {  	_ =	swait.ge [sflag:s25], $0x800  }
0x2d1: {  	[sflag:s25] =	ssyncset.done $0x0  }
0x2d2: {  	v3 =	vor.u32 $0x80, v2;
	[sflag:s25] =	ssyncadd.s32 $0xFFFFF800  }
0x2d3: {  	[tilespmem:$0x1CB00] =	vst v3;
	v3 =	vor.u32 $0x90, v2  }
0x2d4: {  	[tilespmem:$0x1CB10] =	vst v3;
	v3 =	vor.u32 $0xA0, v2  }
0x2d5: {  	[tilespmem:$0x1CB20] =	vst v3;
	v3 =	vor.u32 $0xB0, v2  }
0x2d6: {  	[tilespmem:$0x1CB30] =	vst v3;
	v3 =	vor.u32 $0xC0, v2  }
0x2d7: {  	[tilespmem:$0x1CB40] =	vst v3;
	v3 =	vor.u32 $0xD0, v2  }
0x2d8: {  	[tilespmem:$0x1CB50] =	vst v3;
	v3 =	vor.u32 $0xE0, v2  }
0x2d9: {  	[tilespmem:$0x1CB60] =	vst v3;
	v3 =	vor.u32 $0xF0, v2  }
0x2da: {  	s21 =	simm.s32 $0x1AB00;
	[tilespmem:$0x1CB70] =	vst v3  }
0x2db: {  	[spmem:s4] =	stream.indirect.scatter.add.f32 [tilespmem:s21], [sflag:$0x7], $0x10, s8, s29, $0xb8;
	[tilespmem:$0x1CE00] =	vst v63  }
0x2dc: {  	_ =	swait.ge [sflag:s25], $0x800  }
0x2dd: {  	[sflag:s25] =	ssyncset.done $0x0  }
0x2de: {  	v3 =	vor.u32 $0x100, v2;
	[sflag:s25] =	ssyncadd.s32 $0xFFFFF800  }
0x2df: {  	[tilespmem:$0x1CB00] =	vst v3;
	v3 =	vor.u32 $0x110, v2  }
0x2e0: {  	[tilespmem:$0x1CB10] =	vst v3;
	v3 =	vor.u32 $0x120, v2  }
0x2e1: {  	[tilespmem:$0x1CB20] =	vst v3;
	v3 =	vor.u32 $0x130, v2  }
0x2e2: {  	[tilespmem:$0x1CB30] =	vst v3;
	v3 =	vor.u32 $0x140, v2  }
0x2e3: {  	[tilespmem:$0x1CB40] =	vst v3;
	v3 =	vor.u32 $0x150, v2  }
0x2e4: {  	[tilespmem:$0x1CB50] =	vst v3;
	v3 =	vor.u32 $0x160, v2  }
0x2e5: {  	[tilespmem:$0x1CB60] =	vst v3;
	v3 =	vor.u32 $0x170, v2  }
0x2e6: {  	s10 =	simm.s32 $0x1B300;
	[tilespmem:$0x1CB70] =	vst v3  }
0x2e7: {  	[spmem:s4] =	stream.indirect.scatter.add.f32 [tilespmem:s10], [sflag:$0x7], $0x10, s8, s29, $0xb8;
	[tilespmem:$0x1CE00] =	vst v63  }
0x2e8: {  	_ =	swait.ge [sflag:s25], $0x800  }
0x2e9: {  	[sflag:s25] =	ssyncset.done $0x0  }
0x2ea: {  	v3 =	vor.u32 $0x180, v2;
	[sflag:s25] =	ssyncadd.s32 $0xFFFFF800  }
0x2eb: {  	[tilespmem:$0x1CB00] =	vst v3;
	v3 =	vor.u32 $0x190, v2  }
0x2ec: {  	[tilespmem:$0x1CB10] =	vst v3;
	v3 =	vor.u32 $0x1A0, v2  }
0x2ed: {  	[tilespmem:$0x1CB20] =	vst v3;
	v3 =	vor.u32 $0x1B0, v2  }
0x2ee: {  	[tilespmem:$0x1CB30] =	vst v3;
	v3 =	vor.u32 $0x1C0, v2  }
0x2ef: {  	[tilespmem:$0x1CB40] =	vst v3;
	v3 =	vor.u32 $0x1D0, v2  }
0x2f0: {  	[tilespmem:$0x1CB50] =	vst v3;
	v3 =	vor.u32 $0x1E0, v2  }
0x2f1: {  	[tilespmem:$0x1CB60] =	vst v3;
	v3 =	vor.u32 $0x1F0, v2  }
0x2f2: {  	s21 =	simm.s32 $0x1BB00;
	[tilespmem:$0x1CB70] =	vst v3  }
0x2f3: {  	[spmem:s4] =	stream.indirect.scatter.add.f32 [tilespmem:s21], [sflag:$0x7], $0x10, s8, s29, $0xb8;
	[tilespmem:$0x1CE00] =	vst v63  }
0x2f4: {  	_ =	swait.ge [sflag:s25], $0x800  }
0x2f5: {  	[sflag:s25] =	ssyncset.done $0x0  }
0x2f6: {  	v3 =	vor.u32 $0x200, v2;
	[sflag:s25] =	ssyncadd.s32 $0xFFFFF800  }
0x2f7: {  	[tilespmem:$0x1CB00] =	vst v3;
	v3 =	vor.u32 $0x210, v2  }
0x2f8: {  	[tilespmem:$0x1CB10] =	vst v3;
	v3 =	vor.u32 $0x220, v2  }
0x2f9: {  	[tilespmem:$0x1CB20] =	vst v3;
	v3 =	vor.u32 $0x230, v2  }
0x2fa: {  	[tilespmem:$0x1CB30] =	vst v3;
	v3 =	vor.u32 $0x240, v2  }
0x2fb: {  	[tilespmem:$0x1CB40] =	vst v3;
	v3 =	vor.u32 $0x250, v2  }
0x2fc: {  	[tilespmem:$0x1CB50] =	vst v3;
	v3 =	vor.u32 $0x260, v2  }
0x2fd: {  	[tilespmem:$0x1CB60] =	vst v3;
	v3 =	vor.u32 $0x270, v2  }
0x2fe: {  	s10 =	simm.s32 $0x1C300;
	[tilespmem:$0x1CB70] =	vst v3  }
0x2ff: {  	[spmem:s4] =	stream.indirect.scatter.add.f32 [tilespmem:s10], [sflag:$0x7], $0x10, s8, s29, $0xb8;
	[tilespmem:$0x1CE00] =	vst v63  }
0x300: {  	_ =	swait.ge [sflag:s25], $0x800  }
0x301: {  	[sflag:s25] =	ssyncset.done $0x0  }
0x302: {  	[sflag:s25] =	ssyncadd.s32 $0xFFFFF800  }
0x303: {  	[bflag:$0x0] =	sbarrier.arrive $0xFFFF  }
0x304: {  	s10 =	rddreg [dreg:$0x5]  }
0x305: {  	[tilespmem:s24], [sflag:$0x7] =	stream.linear.gather [spmem:s10], $0xA000, $0x38;
	[tilespmem:$0x1CE00] =	vst v63  }
0x306: {  	_ =	swait.ge [sflag:s25], $0xA000  }
0x307: {  	[sflag:s25] =	ssyncset.done $0x0  }
0x308: {  	s4 =	simm.s32 $0x0;
	s21 =	rddreg [dreg:$0x10];
	[sflag:s25] =	ssyncadd.s32 $0xFFFF6000  }
0x309: {  	[hbm4b:s21+s4] =	stream.linear.scatter [tilespmem:s24], [sflag:$0x7], $0xA000, $0x38;
	[tilespmem:$0x1CE00] =	vst v63  }
0x30a: {  	_ =	swait.ge [sflag:s25], $0xA000  }
0x30b: {  	[sflag:s25] =	ssyncset.done $0x0  }
0x30c: {  	s21 =	rddreg [dreg:$0x6];
	[sflag:s25] =	ssyncadd.s32 $0xFFFF6000  }
0x30d: {  	[tilespmem:s23], [sflag:$0x7] =	stream.linear.gather [spmem:s21], $0x280, $0x38;
	[tilespmem:$0x1CE00] =	vst v63  }
0x30e: {  	_ =	swait.ge [sflag:s25], $0x280  }
0x30f: {  	[sflag:s25] =	ssyncset.done $0x0  }
0x310: {  	s9 =	rddreg [dreg:$0x11];
	[sflag:s25] =	ssyncadd.s32 $0xFFFFFD80  }
0x311: {  	[hbm4b:s9+s4] =	stream.linear.scatter [tilespmem:s23], [sflag:$0x7], $0x280, $0x38;
	[tilespmem:$0x1CE00] =	vst v63  }
0x312: {  	_ =	swait.ge [sflag:s25], $0x280  }
0x313: {  	s22 =	sadd.s32 $0x1, s22;
	s9 =	rddreg [dreg:$0x12]  }
0x314: {  	p0 =	sne.s32 s22, s9  }
.Ltmp9:
0x315: {  	_ = 	snop;
	(pc) =	sbr.rel @p0 .LBB2_1-.Ltmp9, $3  }
0x316: {  	_ =	sdelay $0x1  }
0x317: {  	[sflag:s25] =	ssyncset.done $0x0  }
0x318: {  	[sflag:s25] =	ssyncadd.s32 $0xFFFFFD80  }
0x319: {  	_ =	sfence.sel $0x180000  }
0x31a: {  	[bflag:$0x0] =	sbarrier.arrive $0xFFFF  }
0x31b: {  	_ =	strace $0x90000047  }
0x31c: {  	s0 =	stileid.u32;
	[bflag:$0x2] =	sbarrier.arrive $0xFFFF  }
0x31d: {  	p0 =	sne.s32 s0, $0x0;
	s0 =	rddreg [dreg:$0x4]  }
0x31e: {  	s0 =	sadd.s32 @!p0 $0x100000, s0  }
0x31f: {  	[sflag:s0] =	ssyncadd.tile.s32 @!p0 $0x1;
	_ =	shalt  }
.Lfunc_end2:
_tile_overlayer_lowered:
.L_overlay_start_2:
0x320: {  	(tag) =	ssettag $0x2  }
0x321: {  	s0 =	rddreg [dreg:$0x0];
	s2 =	stileid.u32  }
0x322: {  	s1 =	rddreg [dreg:$0x1];
	p0 =	sne.s32 s2, $0x0  }
0x323: {  	s3 =	rddreg [dreg:$0x2];
	[bflag:$0x3] =	sbarrier.arrive $0xFFFF;
	s2 =	simm.s32 @!p0 $0x1C07  }
0x324: {  	[timem:s3], [sflag:s2] =	dma.local @!p0 [hbm:s0], s1  }
0x325: {  	s0 =	simm.s32 @!p0 $0x7  }
0x326: {  	_ =	swait.ge @!p0 [sflag:s0], s1  }
0x327: {  	s1 =	ssub.s32 @!p0 $0x0, s1;
	[sflag:s0] =	ssyncset.done @!p0 $0x0  }
0x328: {  	[sflag:s0] =	ssyncadd.s32 @!p0 s1  }
0x329: {  	[bflag:$0x3] =	sbarrier.arrive $0xFFFF  }
0x32a: {  	_ =	shalt  }

</sc_bundles>
